<compile_context>
chip_gen: v7x
topology: tpu7x:2x2x1
jax: 0.10.2.dev20260603
libtpu: 0.0.44.dev20260713+nightly
codegen_flags: <defaults>
</compile_context>

<pallas_src>
import functools

import jax
import jax.numpy as jnp
from jax import lax
from jax.experimental import pallas as pl
from jax.experimental.pallas import tpu as pltpu
from jax.experimental.pallas import tpu_sc as plsc

N = 10000
E = 160000
D = 256
H = 128
SLOPE = 0.01

NS = 16
K = 120
NBUF = 3
CPT = 84
EPT = K * CPT
EPAD = NS * EPT
NACC = N + 16
NIT2 = CPT // (2 * NBUF)
K1 = 64
RPT = 624
REM0 = NS * RPT
REM = N - REM0

ROW_BLK = 1000


def _lrelu(v):
    return jnp.where(v >= 0, v, SLOPE * v)



def _head_body(pref_ref, feat_ref, mw_ref, mb_ref, cw_ref, xn_ref, h_ref):
    i = pl.program_id(0)
    temp = (
        jnp.dot(feat_ref[...], mw_ref[...], preferred_element_type=jnp.float32)
        + mb_ref[...]
    )
    x = jnp.where(i < 2, pref_ref[...], temp)
    n = jnp.sqrt(jnp.sum(x * x, axis=1, keepdims=True))
    xn = x / jnp.maximum(n, 1e-12)
    xn_ref[...] = xn
    h_ref[...] = jnp.dot(xn, cw_ref[...], preferred_element_type=jnp.float32)


def _head(preference, features, mlp_w, mlp_b, conv_w):
    kdim = features.shape[1]
    return pl.pallas_call(
        _head_body,
        grid=(N // ROW_BLK,),
        in_specs=[
            pl.BlockSpec((ROW_BLK, D), lambda i: (jnp.minimum(i, 1), 0)),
            pl.BlockSpec((ROW_BLK, kdim),
                         lambda i: (jnp.maximum(i - 2, 0), 0)),
            pl.BlockSpec((kdim, D), lambda i: (0, 0)),
            pl.BlockSpec((1, D), lambda i: (0, 0)),
            pl.BlockSpec((D, D), lambda i: (0, 0)),
        ],
        out_specs=[
            pl.BlockSpec((ROW_BLK, D), lambda i: (i, 0)),
            pl.BlockSpec((ROW_BLK, D), lambda i: (i, 0)),
        ],
        out_shape=[
            jax.ShapeDtypeStruct((N, D), jnp.float32),
            jax.ShapeDtypeStruct((N, D), jnp.float32),
        ],
    )(preference, features, mlp_w, mlp_b.reshape(1, D), conv_w)


def _layer_body(a0_ref, a1_ref, x_ref, id_ref, lw_ref, lb_ref, gw_ref,
                gb_ref, cw_ref, xo_ref, ho_ref):
    h0 = _lrelu(a0_ref[0])
    h1 = _lrelu(a1_ref[0])
    xh = _lrelu(
        jnp.dot(x_ref[...], lw_ref[...], preferred_element_type=jnp.float32)
        + lb_ref[...]
    ) + id_ref[...]
    xo = _lrelu(
        jnp.dot(h0, gw_ref[0:H, :], preferred_element_type=jnp.float32)
        + jnp.dot(h1, gw_ref[H:D, :], preferred_element_type=jnp.float32)
        + jnp.dot(xh, gw_ref[D:2 * D, :], preferred_element_type=jnp.float32)
        + gb_ref[...]
    )
    xo_ref[...] = xo
    if ho_ref is not None:
        ho_ref[...] = jnp.dot(
            xo, cw_ref[...], preferred_element_type=jnp.float32
        )


def _layer(agg, x, id_emb, lin_w, lin_b, g_w, g_b, conv_w=None):
    has_conv = conv_w is not None
    if has_conv:
        body = _layer_body
    else:
        body = lambda a, a2, b, c, d, e, f, g, xo: _layer_body(
            a, a2, b, c, d, e, f, g, None, xo, None)
    in_specs = [
        pl.BlockSpec((1, ROW_BLK, H), lambda i: (0, i, 0)),
        pl.BlockSpec((1, ROW_BLK, H), lambda i: (1, i, 0)),
        pl.BlockSpec((ROW_BLK, D), lambda i: (i, 0)),
        pl.BlockSpec((ROW_BLK, D), lambda i: (i, 0)),
        pl.BlockSpec((D, D), lambda i: (0, 0)),
        pl.BlockSpec((1, D), lambda i: (0, 0)),
        pl.BlockSpec((2 * D, D), lambda i: (0, 0)),
        pl.BlockSpec((1, D), lambda i: (0, 0)),
    ]
    args = [agg, agg, x, id_emb, lin_w, lin_b.reshape(1, D), g_w,
            g_b.reshape(1, D)]
    out_specs = [pl.BlockSpec((ROW_BLK, D), lambda i: (i, 0))]
    out_shape = [jax.ShapeDtypeStruct((N, D), jnp.float32)]
    if has_conv:
        in_specs.append(pl.BlockSpec((D, D), lambda i: (0, 0)))
        args.append(conv_w)
        out_specs.append(pl.BlockSpec((ROW_BLK, D), lambda i: (i, 0)))
        out_shape.append(jax.ShapeDtypeStruct((N, D), jnp.float32))
        res = pl.pallas_call(
            body, grid=(N // ROW_BLK,), in_specs=in_specs,
            out_specs=out_specs, out_shape=out_shape)(*args)
        return res[0], res[1]
    res = pl.pallas_call(
        body, grid=(N // ROW_BLK,), in_specs=in_specs,
        out_specs=out_specs[0], out_shape=out_shape[0])(*args)
    return res, None



@functools.cache
def _make_sc_aggregate():
    mesh = plsc.VectorSubcoreMesh(core_axis_name="c", subcore_axis_name="s")

    @functools.partial(
        pl.kernel,
        out_type=jax.ShapeDtypeStruct((2, N, H), jnp.float32),
        mesh=mesh,
        scratch_types=[
            [pltpu.VMEM((K,), jnp.int32) for _ in range(NBUF)],
            [[pltpu.VMEM((K,), jnp.int32) for _ in range(NBUF)]
             for _ in range(2)],
            [pltpu.VMEM((K, H), jnp.float32) for _ in range(NBUF)],
            [pltpu.SemaphoreType.DMA for _ in range(NBUF)],
            [pltpu.SemaphoreType.DMA for _ in range(NBUF)],
            [pltpu.SemaphoreType.DMA for _ in range(NBUF)],
            pltpu.VMEM_SHARED((NACC, H), jnp.float32),
        ],
    )
    def _sc_aggregate(table, src2, dst, zrows, out,
                      src_v, dst_v, rows, isem, gsem, ssem, acc):
        c = lax.axis_index("c")
        s = lax.axis_index("s")
        row0 = s * RPT
        sbase = c * EPAD + s * EPT
        dbase = s * EPT

        pltpu.sync_copy(zrows, acc.at[pl.ds(row0, RPT)])

        @pl.when(s == 0)
        def _():
            pltpu.sync_copy(zrows.at[pl.ds(0, REM)], acc.at[pl.ds(REM0, REM)])

        plsc.subcore_barrier()

        def idx_load(j, b, bank):
            return (
                pltpu.make_async_copy(
                    src2.at[pl.ds(sbase + j * K, K)], src_v[b], isem[b]),
                pltpu.make_async_copy(
                    dst.at[pl.ds(dbase + j * K, K)], dst_v[bank][b], isem[b]),
            )

        def gather(b):
            return (
                pltpu.make_async_copy(
                    table.at[src_v[b].at[pl.ds(0, K1)]],
                    rows[b].at[pl.ds(0, K1)], gsem[b]),
                pltpu.make_async_copy(
                    table.at[src_v[b].at[pl.ds(K1, K - K1)]],
                    rows[b].at[pl.ds(K1, K - K1)], gsem[b]),
            )

        def scatter(b, bank):
            return pltpu.make_async_copy(
                rows[b], acc.at[dst_v[bank][b]], ssem[b])

        for b in range(NBUF):
            for d in idx_load(b, b, 0):
                d.start()

        def group(i, g):
            j0 = (2 * i + g) * NBUF
            for b in range(NBUF):
                if g == 1:
                    scatter(b, 0).wait()
                else:
                    @pl.when(i > 0)
                    def _():
                        scatter(b, 1).wait()
                for d in idx_load(j0 + b, b, g):
                    d.wait()
                for d in gather(b):
                    d.start()
            for b in range(NBUF):
                for d in gather(b):
                    d.wait()
                if g == 0:
                    for d in idx_load(j0 + NBUF + b, b, 1):
                        d.start()
                else:
                    @pl.when(i < NIT2 - 1)
                    def _():
                        for d in idx_load(j0 + NBUF + b, b, 0):
                            d.start()
                pltpu.async_copy(rows[b], acc.at[dst_v[g][b]], ssem[b],
                                 add=True)

        def body(i, carry):
            group(i, 0)
            group(i, 1)
            return carry

        lax.fori_loop(0, NIT2, body, 0)
        for b in range(NBUF):
            scatter(b, 1).wait()

        plsc.subcore_barrier()
        pltpu.sync_copy(acc.at[pl.ds(row0, RPT)],
                        out.at[c, pl.ds(row0, RPT)])

        @pl.when(s == 0)
        def _():
            pltpu.sync_copy(acc.at[pl.ds(REM0, REM)],
                            out.at[c, pl.ds(REM0, REM)])

    return _sc_aggregate


def _aggregate(h, src2, dst, zrows):
    return _make_sc_aggregate()(h.reshape(2 * N, H), src2, dst, zrows)



def kernel(features, id_embedding, edge_index, preference, mlp_w, mlp_b,
           conv1_w, lin1_w, lin1_b, g1_w, g1_b, conv2_w, lin2_w, lin2_b,
           g2_w, g2_b, conv3_w, lin3_w, lin3_b, g3_w, g3_b):
    src = edge_index[0]
    dst = edge_index[1]
    npad = EPAD - E
    src_p = jnp.concatenate([src, jnp.zeros((npad,), jnp.int32)])
    dst_p = jnp.concatenate([dst, jnp.full((npad,), N, jnp.int32)])
    src2 = jnp.concatenate([2 * src_p, 2 * src_p + 1])
    dst2 = dst_p
    zrows = jnp.zeros((RPT, H), jnp.float32)

    x, h = _head(preference, features, mlp_w, mlp_b, conv1_w)

    agg = _aggregate(h, src2, dst2, zrows)
    x, h = _layer(agg, x, id_embedding, lin1_w, lin1_b, g1_w, g1_b, conv2_w)

    agg = _aggregate(h, src2, dst2, zrows)
    x, h = _layer(agg, x, id_embedding, lin2_w, lin2_b, g2_w, g2_b, conv3_w)

    agg = _aggregate(h, src2, dst2, zrows)
    x, _ = _layer(agg, x, id_embedding, lin3_w, lin3_b, g3_w, g3_b)
    return x

# --- scband reference (transcript-rebuilt; emitter-appended) ---
"""Pipeline reference for scband-gcn-10746008175457 (READ-ONLY COPY).

The authoritative reference and input builder live on the scoring server;
editing this copy changes nothing except your own understanding.
"""

import jax, jax.numpy as jnp
import numpy as np

NUM_USER = 2000
NUM_ITEM = 8000
N = NUM_USER + NUM_ITEM
DIM_FEAT = 512
DIM_LATENT = 256
DIM_ID = 256
E = 160000
SLOPE = 0.01


def _lrelu(x):
    return jax.nn.leaky_relu(x, negative_slope=SLOPE)


def _normalize(x):
    n = jnp.sqrt(jnp.sum(x * x, axis=1, keepdims=True))
    return x / jnp.maximum(n, 1e-12)


def _conv(x, w, src, dst):
    h = jnp.matmul(x, w)
    return jax.ops.segment_sum(h[src], dst, num_segments=N)


def setup_inputs(seed: int = 0):
    key = jax.random.key(seed)
    ks = jax.random.split(key, 24)

    def xavier(k, shape):
        std = float(np.sqrt(2.0 / (shape[0] + shape[1])))
        return jax.random.normal(k, shape, dtype=jnp.float32) * std

    inp = {}
    inp["features"] = jax.random.normal(ks[0], (NUM_ITEM, DIM_FEAT), dtype=jnp.float32)
    inp["id_embedding"] = jax.random.normal(ks[1], (N, DIM_ID), dtype=jnp.float32)
    inp["edge_index"] = jax.random.randint(ks[2], (2, E), 0, N, dtype=jnp.int32)
    inp["preference"] = xavier(ks[3], (NUM_USER, DIM_LATENT))
    inp["mlp_w"] = xavier(ks[4], (DIM_FEAT, DIM_LATENT))
    inp["mlp_b"] = jnp.zeros((DIM_LATENT,), dtype=jnp.float32)
    inp["conv1_w"] = xavier(ks[5], (DIM_LATENT, DIM_LATENT))
    inp["lin1_w"] = xavier(ks[6], (DIM_LATENT, DIM_ID))
    inp["lin1_b"] = jnp.zeros((DIM_ID,), dtype=jnp.float32)
    inp["g1_w"] = xavier(ks[7], (DIM_LATENT + DIM_ID, DIM_ID))
    inp["g1_b"] = jnp.zeros((DIM_ID,), dtype=jnp.float32)
    inp["conv2_w"] = xavier(ks[8], (DIM_ID, DIM_ID))
    inp["lin2_w"] = xavier(ks[9], (DIM_ID, DIM_ID))
    inp["lin2_b"] = jnp.zeros((DIM_ID,), dtype=jnp.float32)
    inp["g2_w"] = xavier(ks[10], (2 * DIM_ID, DIM_ID))
    inp["g2_b"] = jnp.zeros((DIM_ID,), dtype=jnp.float32)
    inp["conv3_w"] = xavier(ks[11], (DIM_ID, DIM_ID))
    inp["lin3_w"] = xavier(ks[12], (DIM_ID, DIM_ID))
    inp["lin3_b"] = jnp.zeros((DIM_ID,), dtype=jnp.float32)
    inp["g3_w"] = xavier(ks[13], (2 * DIM_ID, DIM_ID))
    inp["g3_b"] = jnp.zeros((DIM_ID,), dtype=jnp.float32)
    return inp


def reference(features, id_embedding, edge_index, preference, mlp_w, mlp_b, conv1_w, lin1_w, lin1_b, g1_w, g1_b, conv2_w, lin2_w, lin2_b, g2_w, g2_b, conv3_w, lin3_w, lin3_b, g3_w, g3_b):
    src = edge_index[0]
    dst = edge_index[1]
    temp = jnp.matmul(features, mlp_w) + mlp_b
    x = jnp.concatenate([preference, temp], axis=0)
    x = _normalize(x)
    h = _lrelu(_conv(x, conv1_w, src, dst))
    x_hat = _lrelu(jnp.matmul(x, lin1_w) + lin1_b) + id_embedding
    x = _lrelu(jnp.matmul(jnp.concatenate([h, x_hat], axis=1), g1_w) + g1_b)
    h = _lrelu(_conv(x, conv2_w, src, dst))
    x_hat = _lrelu(jnp.matmul(x, lin2_w) + lin2_b) + id_embedding
    x = _lrelu(jnp.matmul(jnp.concatenate([h, x_hat], axis=1), g2_w) + g2_b)
    h = _lrelu(_conv(x, conv3_w, src, dst))
    x_hat = _lrelu(jnp.matmul(x, lin3_w) + lin3_b) + id_embedding
    x = _lrelu(jnp.matmul(jnp.concatenate([h, x_hat], axis=1), g3_w) + g3_b)
    return x

if __name__ == "__main__":
    import jax
    _d = setup_inputs()
    print(jax.jit(kernel)(*tuple(_d.values())))

</pallas_src>

<mosaic_0001>
#map = affine_map<(d0, d1) -> (0, 0)>
#map1 = affine_map<(d0, d1) -> (0)>
#map2 = affine_map<(d0, d1) -> (0, 0, 0)>
module attributes {stable_mosaic.version = 14 : i64} {
  func.func @_sc_aggregate(%arg0: i32, %arg1: i32, %arg2: memref<20000x128xf32, #tpu.memory_space<hbm>>, %arg3: memref<322560xi32, #tpu.memory_space<hbm>>, %arg4: memref<161280xi32, #tpu.memory_space<hbm>>, %arg5: memref<624x128xf32, #tpu.memory_space<hbm>>, %arg6: memref<2x10000x128xf32, #tpu.memory_space<hbm>>, %arg7: memref<120xi32, #tpu.memory_space<vmem>>, %arg8: memref<120xi32, #tpu.memory_space<vmem>>, %arg9: memref<120xi32, #tpu.memory_space<vmem>>, %arg10: memref<120xi32, #tpu.memory_space<vmem>>, %arg11: memref<120xi32, #tpu.memory_space<vmem>>, %arg12: memref<120xi32, #tpu.memory_space<vmem>>, %arg13: memref<120xi32, #tpu.memory_space<vmem>>, %arg14: memref<120xi32, #tpu.memory_space<vmem>>, %arg15: memref<120xi32, #tpu.memory_space<vmem>>, %arg16: memref<120x128xf32, #tpu.memory_space<vmem>>, %arg17: memref<120x128xf32, #tpu.memory_space<vmem>>, %arg18: memref<120x128xf32, #tpu.memory_space<vmem>>, %arg19: memref<!tpu.dma_semaphore, #tpu.memory_space<semaphore_mem>>, %arg20: memref<!tpu.dma_semaphore, #tpu.memory_space<semaphore_mem>>, %arg21: memref<!tpu.dma_semaphore, #tpu.memory_space<semaphore_mem>>, %arg22: memref<!tpu.dma_semaphore, #tpu.memory_space<semaphore_mem>>, %arg23: memref<!tpu.dma_semaphore, #tpu.memory_space<semaphore_mem>>, %arg24: memref<!tpu.dma_semaphore, #tpu.memory_space<semaphore_mem>>, %arg25: memref<!tpu.dma_semaphore, #tpu.memory_space<semaphore_mem>>, %arg26: memref<!tpu.dma_semaphore, #tpu.memory_space<semaphore_mem>>, %arg27: memref<!tpu.dma_semaphore, #tpu.memory_space<semaphore_mem>>, %arg28: memref<10016x128xf32, #tpu.memory_space<vmem_shared>>) attributes {dimension_semantics = [#tpu.dimension_semantics<core_parallel>, #tpu.dimension_semantics<subcore_parallel>], iteration_bounds = array<i64: 2, 16>, scalar_prefetch = 0 : i64, scratch_operands = 22 : i64, tpu.core_type = #tpu.core_type<sc_vector_subcore>, window_params = [{transform_indices = #map}, {transform_indices = #map1}, {transform_indices = #map1}, {transform_indices = #map}, {transform_indices = #map2}]} {
    %mul3A = arith.constant 624 : i32
    %mul3A_0 = arith.muli %arg1, %mul3A : i32
    %mul3A_1 = arith.constant 161280 : i32
    %mul3A_2 = arith.muli %arg0, %mul3A_1 : i32
    %mul3A_3 = arith.constant 10080 : i32
    %mul3A_4 = arith.muli %arg1, %mul3A_3 : i32
    %add3A = arith.addi %mul3A_2, %mul3A_4 : i32
    %mul3A_5 = arith.constant 10080 : i32
    %mul3A_6 = arith.muli %arg1, %mul3A_5 : i32
    "tpu.region"() ({
      %run_scoped3A = tpu.sem_alloc : memref<!tpu.dma_semaphore, #tpu.memory_space<semaphore_mem>>
      %dma_start3A_51 = arith.constant 0 : i32
      %dma_start3A_52 = tpu.memref_slice %arg28[%mul3A_0, %dma_start3A_51] : memref<10016x128xf32, #tpu.memory_space<vmem_shared>> -> memref<624x128xf32, #tpu.memory_space<vmem_shared>>
      tpu.enqueue_dma source(%arg5 : memref<624x128xf32, #tpu.memory_space<hbm>>) target(%dma_start3A_52 : memref<624x128xf32, #tpu.memory_space<vmem_shared>>) target_semaphore(%run_scoped3A : memref<!tpu.dma_semaphore, #tpu.memory_space<semaphore_mem>>)
      %dma_wait3A_53 = arith.constant 0 : i32
      %dma_wait3A_54 = tpu.memref_slice %arg28[%mul3A_0, %dma_wait3A_53] : memref<10016x128xf32, #tpu.memory_space<vmem_shared>> -> memref<624x128xf32, #tpu.memory_space<vmem_shared>>
      tpu.wait_dma2 semaphore(%run_scoped3A : memref<!tpu.dma_semaphore, #tpu.memory_space<semaphore_mem>>) src(%arg5 : memref<624x128xf32, #tpu.memory_space<hbm>>) dst(%dma_wait3A_54 : memref<624x128xf32, #tpu.memory_space<vmem_shared>>)
      tpu.yield
    }) : () -> ()
    %eq3A = arith.constant 0 : i32
    %eq3A_7 = arith.cmpi eq, %arg1, %eq3A : i32
    %convert_element_type3A = arith.extui %eq3A_7 : i1 to i32
    %cond3A = arith.constant 0 : i32
    %cond3A_8 = arith.cmpi ne, %convert_element_type3A, %cond3A : i32
    scf.if %cond3A_8 {
      "tpu.region"() ({
        %run_scoped3A = tpu.sem_alloc : memref<!tpu.dma_semaphore, #tpu.memory_space<semaphore_mem>>
        %dma_start3A_51 = arith.constant 9984 : i32
        %dma_start3A_52 = arith.constant 0 : i32
        %dma_start3A_53 = tpu.memref_slice %arg28[%dma_start3A_51, %dma_start3A_52] : memref<10016x128xf32, #tpu.memory_space<vmem_shared>> -> memref<16x128xf32, #tpu.memory_space<vmem_shared>>
        %dma_start3A_54 = arith.constant 0 : i32
        %dma_start3A_55 = arith.constant 0 : i32
        %dma_start3A_56 = tpu.memref_slice %arg5[%dma_start3A_54, %dma_start3A_55] : memref<624x128xf32, #tpu.memory_space<hbm>> -> memref<16x128xf32, #tpu.memory_space<hbm>>
        tpu.enqueue_dma source(%dma_start3A_56 : memref<16x128xf32, #tpu.memory_space<hbm>>) target(%dma_start3A_53 : memref<16x128xf32, #tpu.memory_space<vmem_shared>>) target_semaphore(%run_scoped3A : memref<!tpu.dma_semaphore, #tpu.memory_space<semaphore_mem>>)
        %dma_wait3A_57 = arith.constant 9984 : i32
        %dma_wait3A_58 = arith.constant 0 : i32
        %dma_wait3A_59 = tpu.memref_slice %arg28[%dma_wait3A_57, %dma_wait3A_58] : memref<10016x128xf32, #tpu.memory_space<vmem_shared>> -> memref<16x128xf32, #tpu.memory_space<vmem_shared>>
        %dma_wait3A_60 = arith.constant 0 : i32
        %dma_wait3A_61 = arith.constant 0 : i32
        %dma_wait3A_62 = tpu.memref_slice %arg5[%dma_wait3A_60, %dma_wait3A_61] : memref<624x128xf32, #tpu.memory_space<hbm>> -> memref<16x128xf32, #tpu.memory_space<hbm>>
        tpu.wait_dma2 semaphore(%run_scoped3A : memref<!tpu.dma_semaphore, #tpu.memory_space<semaphore_mem>>) src(%dma_wait3A_62 : memref<16x128xf32, #tpu.memory_space<hbm>>) dst(%dma_wait3A_59 : memref<16x128xf32, #tpu.memory_space<vmem_shared>>)
        tpu.yield
      }) : () -> ()
    } else {
    }
    %barrier3A = arith.constant 0 : index
    tpu.barrier barrier_id(%barrier3A)
    %add3A_9 = arith.constant 0 : i32
    %add3A_10 = arith.addi %add3A, %add3A_9 : i32
    %add3A_11 = arith.constant 0 : i32
    %add3A_12 = arith.addi %mul3A_6, %add3A_11 : i32
    %dma_start3A = tpu.memref_slice %arg3[%add3A_10] : memref<322560xi32, #tpu.memory_space<hbm>> -> memref<120xi32, #tpu.memory_space<hbm>>
    %dma_start3A_13 = tpu.memref_slice %arg3[%add3A_10] : memref<322560xi32, #tpu.memory_space<hbm>> -> memref<120xi32, #tpu.memory_space<hbm>>
    tpu.enqueue_dma source(%dma_start3A_13 : memref<120xi32, #tpu.memory_space<hbm>>) target(%arg7 : memref<120xi32, #tpu.memory_space<vmem>>) target_semaphore(%arg19 : memref<!tpu.dma_semaphore, #tpu.memory_space<semaphore_mem>>)
    %dma_start3A_14 = tpu.memref_slice %arg4[%add3A_12] : memref<161280xi32, #tpu.memory_space<hbm>> -> memref<120xi32, #tpu.memory_space<hbm>>
    %dma_start3A_15 = tpu.memref_slice %arg4[%add3A_12] : memref<161280xi32, #tpu.memory_space<hbm>> -> memref<120xi32, #tpu.memory_space<hbm>>
    tpu.enqueue_dma source(%dma_start3A_15 : memref<120xi32, #tpu.memory_space<hbm>>) target(%arg10 : memref<120xi32, #tpu.memory_space<vmem>>) target_semaphore(%arg19 : memref<!tpu.dma_semaphore, #tpu.memory_space<semaphore_mem>>)
    %add3A_16 = arith.constant 120 : i32
    %add3A_17 = arith.addi %add3A, %add3A_16 : i32
    %add3A_18 = arith.constant 120 : i32
    %add3A_19 = arith.addi %mul3A_6, %add3A_18 : i32
    %dma_start3A_20 = tpu.memref_slice %arg3[%add3A_17] : memref<322560xi32, #tpu.memory_space<hbm>> -> memref<120xi32, #tpu.memory_space<hbm>>
    %dma_start3A_21 = tpu.memref_slice %arg3[%add3A_17] : memref<322560xi32, #tpu.memory_space<hbm>> -> memref<120xi32, #tpu.memory_space<hbm>>
    tpu.enqueue_dma source(%dma_start3A_21 : memref<120xi32, #tpu.memory_space<hbm>>) target(%arg8 : memref<120xi32, #tpu.memory_space<vmem>>) target_semaphore(%arg20 : memref<!tpu.dma_semaphore, #tpu.memory_space<semaphore_mem>>)
    %dma_start3A_22 = tpu.memref_slice %arg4[%add3A_19] : memref<161280xi32, #tpu.memory_space<hbm>> -> memref<120xi32, #tpu.memory_space<hbm>>
    %dma_start3A_23 = tpu.memref_slice %arg4[%add3A_19] : memref<161280xi32, #tpu.memory_space<hbm>> -> memref<120xi32, #tpu.memory_space<hbm>>
    tpu.enqueue_dma source(%dma_start3A_23 : memref<120xi32, #tpu.memory_space<hbm>>) target(%arg11 : memref<120xi32, #tpu.memory_space<vmem>>) target_semaphore(%arg20 : memref<!tpu.dma_semaphore, #tpu.memory_space<semaphore_mem>>)
    %add3A_24 = arith.constant 240 : i32
    %add3A_25 = arith.addi %add3A, %add3A_24 : i32
    %add3A_26 = arith.constant 240 : i32
    %add3A_27 = arith.addi %mul3A_6, %add3A_26 : i32
    %dma_start3A_28 = tpu.memref_slice %arg3[%add3A_25] : memref<322560xi32, #tpu.memory_space<hbm>> -> memref<120xi32, #tpu.memory_space<hbm>>
    %dma_start3A_29 = tpu.memref_slice %arg3[%add3A_25] : memref<322560xi32, #tpu.memory_space<hbm>> -> memref<120xi32, #tpu.memory_space<hbm>>
    tpu.enqueue_dma source(%dma_start3A_29 : memref<120xi32, #tpu.memory_space<hbm>>) target(%arg9 : memref<120xi32, #tpu.memory_space<vmem>>) target_semaphore(%arg21 : memref<!tpu.dma_semaphore, #tpu.memory_space<semaphore_mem>>)
    %dma_start3A_30 = tpu.memref_slice %arg4[%add3A_27] : memref<161280xi32, #tpu.memory_space<hbm>> -> memref<120xi32, #tpu.memory_space<hbm>>
    %dma_start3A_31 = tpu.memref_slice %arg4[%add3A_27] : memref<161280xi32, #tpu.memory_space<hbm>> -> memref<120xi32, #tpu.memory_space<hbm>>
    tpu.enqueue_dma source(%dma_start3A_31 : memref<120xi32, #tpu.memory_space<hbm>>) target(%arg12 : memref<120xi32, #tpu.memory_space<vmem>>) target_semaphore(%arg21 : memref<!tpu.dma_semaphore, #tpu.memory_space<semaphore_mem>>)
    %scan3A = arith.constant 0 : i32
    %scan3A_32 = arith.constant 0 : i32
    %scan3A_33 = arith.constant 14 : i32
    %scan3A_34 = arith.addi %scan3A_32, %scan3A_33 : i32
    %scan3A_35 = arith.constant 1 : i32
    scf.for %scan3A_51 = %scan3A_32 to %scan3A_34 step %scan3A_35  : i32 {
      %mul3A_52 = arith.constant 2 : i32
      %mul3A_53 = arith.muli %mul3A_52, %scan3A_51 : i32
      %add3A_54 = arith.constant 0 : i32
      %add3A_55 = arith.addi %mul3A_53, %add3A_54 : i32
      %mul3A_56 = arith.constant 3 : i32
      %mul3A_57 = arith.muli %add3A_55, %mul3A_56 : i32
      %gt3A = arith.constant 0 : i32
      %gt3A_58 = arith.cmpi sgt, %scan3A_51, %gt3A : i32
      %convert_element_type3A_59 = arith.extui %gt3A_58 : i1 to i32
      %cond3A_60 = arith.constant 0 : i32
      %cond3A_61 = arith.cmpi ne, %convert_element_type3A_59, %cond3A_60 : i32
      scf.if %cond3A_61 {
        %dma_wait3A_425 = arith.constant 0 : i32
        %dma_wait3A_426 = arith.constant 0 : i32
        %dma_wait3A_427 = tpu.memref_slice %arg28[%dma_wait3A_425, %dma_wait3A_426] : memref<10016x128xf32, #tpu.memory_space<vmem_shared>> -> memref<10016x128xf32, #tpu.memory_space<vmem_shared>>
        tpu.wait_indirect_dma semaphore(%arg25 : memref<!tpu.dma_semaphore, #tpu.memory_space<semaphore_mem>>) src(%arg16 : memref<120x128xf32, #tpu.memory_space<vmem>>) dst(%dma_wait3A_427 : memref<10016x128xf32, #tpu.memory_space<vmem_shared>>)
      } else {
      }
      %add3A_62 = arith.constant 0 : i32
      %add3A_63 = arith.addi %mul3A_57, %add3A_62 : i32
      %mul3A_64 = arith.constant 120 : i32
      %mul3A_65 = arith.muli %add3A_63, %mul3A_64 : i32
      %add3A_66 = arith.addi %add3A, %mul3A_65 : i32
      %mul3A_67 = arith.constant 120 : i32
      %mul3A_68 = arith.muli %add3A_63, %mul3A_67 : i32
      %add3A_69 = arith.addi %mul3A_6, %mul3A_68 : i32
      %dma_wait3A_70 = tpu.memref_slice %arg3[%add3A_66] : memref<322560xi32, #tpu.memory_space<hbm>> -> memref<120xi32, #tpu.memory_space<hbm>>
      %dma_wait3A_71 = tpu.memref_slice %arg3[%add3A_66] : memref<322560xi32, #tpu.memory_space<hbm>> -> memref<120xi32, #tpu.memory_space<hbm>>
      tpu.wait_dma2 semaphore(%arg19 : memref<!tpu.dma_semaphore, #tpu.memory_space<semaphore_mem>>) src(%dma_wait3A_71 : memref<120xi32, #tpu.memory_space<hbm>>) dst(%arg7 : memref<120xi32, #tpu.memory_space<vmem>>)
      %dma_wait3A_72 = tpu.memref_slice %arg4[%add3A_69] : memref<161280xi32, #tpu.memory_space<hbm>> -> memref<120xi32, #tpu.memory_space<hbm>>
      %dma_wait3A_73 = tpu.memref_slice %arg4[%add3A_69] : memref<161280xi32, #tpu.memory_space<hbm>> -> memref<120xi32, #tpu.memory_space<hbm>>
      tpu.wait_dma2 semaphore(%arg19 : memref<!tpu.dma_semaphore, #tpu.memory_space<semaphore_mem>>) src(%dma_wait3A_73 : memref<120xi32, #tpu.memory_space<hbm>>) dst(%arg10 : memref<120xi32, #tpu.memory_space<vmem>>)
      %dma_start3A_74 = arith.constant 0 : i32
      %dma_start3A_75 = arith.constant 0 : i32
      %dma_start3A_76 = tpu.memref_slice %arg16[%dma_start3A_74, %dma_start3A_75] : memref<120x128xf32, #tpu.memory_space<vmem>> -> memref<64x128xf32, #tpu.memory_space<vmem>>
      %dma_start3A_77 = arith.constant 0 : i32
      %dma_start3A_78 = tpu.memref_slice %arg7[%dma_start3A_77] : memref<120xi32, #tpu.memory_space<vmem>> -> memref<64xi32, #tpu.memory_space<vmem>>
      %dma_start3A_79 = arith.constant 0 : i32
      %dma_start3A_80 = arith.constant 0 : i32
      %dma_start3A_81 = tpu.memref_slice %arg2[%dma_start3A_79, %dma_start3A_80] : memref<20000x128xf32, #tpu.memory_space<hbm>> -> memref<20000x128xf32, #tpu.memory_space<hbm>>
      tpu.enqueue_indirect_dma source(%dma_start3A_81 : memref<20000x128xf32, #tpu.memory_space<hbm>>) target(%dma_start3A_76 : memref<64x128xf32, #tpu.memory_space<vmem>>) offsets(%dma_start3A_78 : memref<64xi32, #tpu.memory_space<vmem>>) semaphore(%arg22 : memref<!tpu.dma_semaphore, #tpu.memory_space<semaphore_mem>>)
      %dma_start3A_82 = arith.constant 64 : i32
      %dma_start3A_83 = arith.constant 0 : i32
      %dma_start3A_84 = tpu.memref_slice %arg16[%dma_start3A_82, %dma_start3A_83] : memref<120x128xf32, #tpu.memory_space<vmem>> -> memref<56x128xf32, #tpu.memory_space<vmem>>
      %dma_start3A_85 = arith.constant 64 : i32
      %dma_start3A_86 = tpu.memref_slice %arg7[%dma_start3A_85] : memref<120xi32, #tpu.memory_space<vmem>> -> memref<56xi32, #tpu.memory_space<vmem>>
      %dma_start3A_87 = arith.constant 0 : i32
      %dma_start3A_88 = arith.constant 0 : i32
      %dma_start3A_89 = tpu.memref_slice %arg2[%dma_start3A_87, %dma_start3A_88] : memref<20000x128xf32, #tpu.memory_space<hbm>> -> memref<20000x128xf32, #tpu.memory_space<hbm>>
      tpu.enqueue_indirect_dma source(%dma_start3A_89 : memref<20000x128xf32, #tpu.memory_space<hbm>>) target(%dma_start3A_84 : memref<56x128xf32, #tpu.memory_space<vmem>>) offsets(%dma_start3A_86 : memref<56xi32, #tpu.memory_space<vmem>>) semaphore(%arg22 : memref<!tpu.dma_semaphore, #tpu.memory_space<semaphore_mem>>)
      %gt3A_90 = arith.constant 0 : i32
      %gt3A_91 = arith.cmpi sgt, %scan3A_51, %gt3A_90 : i32
      %convert_element_type3A_92 = arith.extui %gt3A_91 : i1 to i32
      %cond3A_93 = arith.constant 0 : i32
      %cond3A_94 = arith.cmpi ne, %convert_element_type3A_92, %cond3A_93 : i32
      scf.if %cond3A_94 {
        %dma_wait3A_425 = arith.constant 0 : i32
        %dma_wait3A_426 = arith.constant 0 : i32
        %dma_wait3A_427 = tpu.memref_slice %arg28[%dma_wait3A_425, %dma_wait3A_426] : memref<10016x128xf32, #tpu.memory_space<vmem_shared>> -> memref<10016x128xf32, #tpu.memory_space<vmem_shared>>
        tpu.wait_indirect_dma semaphore(%arg26 : memref<!tpu.dma_semaphore, #tpu.memory_space<semaphore_mem>>) src(%arg17 : memref<120x128xf32, #tpu.memory_space<vmem>>) dst(%dma_wait3A_427 : memref<10016x128xf32, #tpu.memory_space<vmem_shared>>)
      } else {
      }
      %add3A_95 = arith.constant 1 : i32
      %add3A_96 = arith.addi %mul3A_57, %add3A_95 : i32
      %mul3A_97 = arith.constant 120 : i32
      %mul3A_98 = arith.muli %add3A_96, %mul3A_97 : i32
      %add3A_99 = arith.addi %add3A, %mul3A_98 : i32
      %mul3A_100 = arith.constant 120 : i32
      %mul3A_101 = arith.muli %add3A_96, %mul3A_100 : i32
      %add3A_102 = arith.addi %mul3A_6, %mul3A_101 : i32
      %dma_wait3A_103 = tpu.memref_slice %arg3[%add3A_99] : memref<322560xi32, #tpu.memory_space<hbm>> -> memref<120xi32, #tpu.memory_space<hbm>>
      %dma_wait3A_104 = tpu.memref_slice %arg3[%add3A_99] : memref<322560xi32, #tpu.memory_space<hbm>> -> memref<120xi32, #tpu.memory_space<hbm>>
      tpu.wait_dma2 semaphore(%arg20 : memref<!tpu.dma_semaphore, #tpu.memory_space<semaphore_mem>>) src(%dma_wait3A_104 : memref<120xi32, #tpu.memory_space<hbm>>) dst(%arg8 : memref<120xi32, #tpu.memory_space<vmem>>)
      %dma_wait3A_105 = tpu.memref_slice %arg4[%add3A_102] : memref<161280xi32, #tpu.memory_space<hbm>> -> memref<120xi32, #tpu.memory_space<hbm>>
      %dma_wait3A_106 = tpu.memref_slice %arg4[%add3A_102] : memref<161280xi32, #tpu.memory_space<hbm>> -> memref<120xi32, #tpu.memory_space<hbm>>
      tpu.wait_dma2 semaphore(%arg20 : memref<!tpu.dma_semaphore, #tpu.memory_space<semaphore_mem>>) src(%dma_wait3A_106 : memref<120xi32, #tpu.memory_space<hbm>>) dst(%arg11 : memref<120xi32, #tpu.memory_space<vmem>>)
      %dma_start3A_107 = arith.constant 0 : i32
      %dma_start3A_108 = arith.constant 0 : i32
      %dma_start3A_109 = tpu.memref_slice %arg17[%dma_start3A_107, %dma_start3A_108] : memref<120x128xf32, #tpu.memory_space<vmem>> -> memref<64x128xf32, #tpu.memory_space<vmem>>
      %dma_start3A_110 = arith.constant 0 : i32
      %dma_start3A_111 = tpu.memref_slice %arg8[%dma_start3A_110] : memref<120xi32, #tpu.memory_space<vmem>> -> memref<64xi32, #tpu.memory_space<vmem>>
      %dma_start3A_112 = arith.constant 0 : i32
      %dma_start3A_113 = arith.constant 0 : i32
      %dma_start3A_114 = tpu.memref_slice %arg2[%dma_start3A_112, %dma_start3A_113] : memref<20000x128xf32, #tpu.memory_space<hbm>> -> memref<20000x128xf32, #tpu.memory_space<hbm>>
      tpu.enqueue_indirect_dma source(%dma_start3A_114 : memref<20000x128xf32, #tpu.memory_space<hbm>>) target(%dma_start3A_109 : memref<64x128xf32, #tpu.memory_space<vmem>>) offsets(%dma_start3A_111 : memref<64xi32, #tpu.memory_space<vmem>>) semaphore(%arg23 : memref<!tpu.dma_semaphore, #tpu.memory_space<semaphore_mem>>)
      %dma_start3A_115 = arith.constant 64 : i32
      %dma_start3A_116 = arith.constant 0 : i32
      %dma_start3A_117 = tpu.memref_slice %arg17[%dma_start3A_115, %dma_start3A_116] : memref<120x128xf32, #tpu.memory_space<vmem>> -> memref<56x128xf32, #tpu.memory_space<vmem>>
      %dma_start3A_118 = arith.constant 64 : i32
      %dma_start3A_119 = tpu.memref_slice %arg8[%dma_start3A_118] : memref<120xi32, #tpu.memory_space<vmem>> -> memref<56xi32, #tpu.memory_space<vmem>>
      %dma_start3A_120 = arith.constant 0 : i32
      %dma_start3A_121 = arith.constant 0 : i32
      %dma_start3A_122 = tpu.memref_slice %arg2[%dma_start3A_120, %dma_start3A_121] : memref<20000x128xf32, #tpu.memory_space<hbm>> -> memref<20000x128xf32, #tpu.memory_space<hbm>>
      tpu.enqueue_indirect_dma source(%dma_start3A_122 : memref<20000x128xf32, #tpu.memory_space<hbm>>) target(%dma_start3A_117 : memref<56x128xf32, #tpu.memory_space<vmem>>) offsets(%dma_start3A_119 : memref<56xi32, #tpu.memory_space<vmem>>) semaphore(%arg23 : memref<!tpu.dma_semaphore, #tpu.memory_space<semaphore_mem>>)
      %gt3A_123 = arith.constant 0 : i32
      %gt3A_124 = arith.cmpi sgt, %scan3A_51, %gt3A_123 : i32
      %convert_element_type3A_125 = arith.extui %gt3A_124 : i1 to i32
      %cond3A_126 = arith.constant 0 : i32
      %cond3A_127 = arith.cmpi ne, %convert_element_type3A_125, %cond3A_126 : i32
      scf.if %cond3A_127 {
        %dma_wait3A_425 = arith.constant 0 : i32
        %dma_wait3A_426 = arith.constant 0 : i32
        %dma_wait3A_427 = tpu.memref_slice %arg28[%dma_wait3A_425, %dma_wait3A_426] : memref<10016x128xf32, #tpu.memory_space<vmem_shared>> -> memref<10016x128xf32, #tpu.memory_space<vmem_shared>>
        tpu.wait_indirect_dma semaphore(%arg27 : memref<!tpu.dma_semaphore, #tpu.memory_space<semaphore_mem>>) src(%arg18 : memref<120x128xf32, #tpu.memory_space<vmem>>) dst(%dma_wait3A_427 : memref<10016x128xf32, #tpu.memory_space<vmem_shared>>)
      } else {
      }
      %add3A_128 = arith.constant 2 : i32
      %add3A_129 = arith.addi %mul3A_57, %add3A_128 : i32
      %mul3A_130 = arith.constant 120 : i32
      %mul3A_131 = arith.muli %add3A_129, %mul3A_130 : i32
      %add3A_132 = arith.addi %add3A, %mul3A_131 : i32
      %mul3A_133 = arith.constant 120 : i32
      %mul3A_134 = arith.muli %add3A_129, %mul3A_133 : i32
      %add3A_135 = arith.addi %mul3A_6, %mul3A_134 : i32
      %dma_wait3A_136 = tpu.memref_slice %arg3[%add3A_132] : memref<322560xi32, #tpu.memory_space<hbm>> -> memref<120xi32, #tpu.memory_space<hbm>>
      %dma_wait3A_137 = tpu.memref_slice %arg3[%add3A_132] : memref<322560xi32, #tpu.memory_space<hbm>> -> memref<120xi32, #tpu.memory_space<hbm>>
      tpu.wait_dma2 semaphore(%arg21 : memref<!tpu.dma_semaphore, #tpu.memory_space<semaphore_mem>>) src(%dma_wait3A_137 : memref<120xi32, #tpu.memory_space<hbm>>) dst(%arg9 : memref<120xi32, #tpu.memory_space<vmem>>)
      %dma_wait3A_138 = tpu.memref_slice %arg4[%add3A_135] : memref<161280xi32, #tpu.memory_space<hbm>> -> memref<120xi32, #tpu.memory_space<hbm>>
      %dma_wait3A_139 = tpu.memref_slice %arg4[%add3A_135] : memref<161280xi32, #tpu.memory_space<hbm>> -> memref<120xi32, #tpu.memory_space<hbm>>
      tpu.wait_dma2 semaphore(%arg21 : memref<!tpu.dma_semaphore, #tpu.memory_space<semaphore_mem>>) src(%dma_wait3A_139 : memref<120xi32, #tpu.memory_space<hbm>>) dst(%arg12 : memref<120xi32, #tpu.memory_space<vmem>>)
      %dma_start3A_140 = arith.constant 0 : i32
      %dma_start3A_141 = arith.constant 0 : i32
      %dma_start3A_142 = tpu.memref_slice %arg18[%dma_start3A_140, %dma_start3A_141] : memref<120x128xf32, #tpu.memory_space<vmem>> -> memref<64x128xf32, #tpu.memory_space<vmem>>
      %dma_start3A_143 = arith.constant 0 : i32
      %dma_start3A_144 = tpu.memref_slice %arg9[%dma_start3A_143] : memref<120xi32, #tpu.memory_space<vmem>> -> memref<64xi32, #tpu.memory_space<vmem>>
      %dma_start3A_145 = arith.constant 0 : i32
      %dma_start3A_146 = arith.constant 0 : i32
      %dma_start3A_147 = tpu.memref_slice %arg2[%dma_start3A_145, %dma_start3A_146] : memref<20000x128xf32, #tpu.memory_space<hbm>> -> memref<20000x128xf32, #tpu.memory_space<hbm>>
      tpu.enqueue_indirect_dma source(%dma_start3A_147 : memref<20000x128xf32, #tpu.memory_space<hbm>>) target(%dma_start3A_142 : memref<64x128xf32, #tpu.memory_space<vmem>>) offsets(%dma_start3A_144 : memref<64xi32, #tpu.memory_space<vmem>>) semaphore(%arg24 : memref<!tpu.dma_semaphore, #tpu.memory_space<semaphore_mem>>)
      %dma_start3A_148 = arith.constant 64 : i32
      %dma_start3A_149 = arith.constant 0 : i32
      %dma_start3A_150 = tpu.memref_slice %arg18[%dma_start3A_148, %dma_start3A_149] : memref<120x128xf32, #tpu.memory_space<vmem>> -> memref<56x128xf32, #tpu.memory_space<vmem>>
      %dma_start3A_151 = arith.constant 64 : i32
      %dma_start3A_152 = tpu.memref_slice %arg9[%dma_start3A_151] : memref<120xi32, #tpu.memory_space<vmem>> -> memref<56xi32, #tpu.memory_space<vmem>>
      %dma_start3A_153 = arith.constant 0 : i32
      %dma_start3A_154 = arith.constant 0 : i32
      %dma_start3A_155 = tpu.memref_slice %arg2[%dma_start3A_153, %dma_start3A_154] : memref<20000x128xf32, #tpu.memory_space<hbm>> -> memref<20000x128xf32, #tpu.memory_space<hbm>>
      tpu.enqueue_indirect_dma source(%dma_start3A_155 : memref<20000x128xf32, #tpu.memory_space<hbm>>) target(%dma_start3A_150 : memref<56x128xf32, #tpu.memory_space<vmem>>) offsets(%dma_start3A_152 : memref<56xi32, #tpu.memory_space<vmem>>) semaphore(%arg24 : memref<!tpu.dma_semaphore, #tpu.memory_space<semaphore_mem>>)
      %dma_wait3A_156 = arith.constant 0 : i32
      %dma_wait3A_157 = arith.constant 0 : i32
      %dma_wait3A_158 = tpu.memref_slice %arg16[%dma_wait3A_156, %dma_wait3A_157] : memref<120x128xf32, #tpu.memory_space<vmem>> -> memref<64x128xf32, #tpu.memory_space<vmem>>
      %dma_wait3A_159 = arith.constant 0 : i32
      %dma_wait3A_160 = tpu.memref_slice %arg7[%dma_wait3A_159] : memref<120xi32, #tpu.memory_space<vmem>> -> memref<64xi32, #tpu.memory_space<vmem>>
      %dma_wait3A_161 = arith.constant 0 : i32
      %dma_wait3A_162 = arith.constant 0 : i32
      %dma_wait3A_163 = tpu.memref_slice %arg2[%dma_wait3A_161, %dma_wait3A_162] : memref<20000x128xf32, #tpu.memory_space<hbm>> -> memref<20000x128xf32, #tpu.memory_space<hbm>>
      tpu.wait_indirect_dma semaphore(%arg22 : memref<!tpu.dma_semaphore, #tpu.memory_space<semaphore_mem>>) src(%dma_wait3A_163 : memref<20000x128xf32, #tpu.memory_space<hbm>>) dst(%dma_wait3A_158 : memref<64x128xf32, #tpu.memory_space<vmem>>)
      %dma_wait3A_164 = arith.constant 64 : i32
      %dma_wait3A_165 = arith.constant 0 : i32
      %dma_wait3A_166 = tpu.memref_slice %arg16[%dma_wait3A_164, %dma_wait3A_165] : memref<120x128xf32, #tpu.memory_space<vmem>> -> memref<56x128xf32, #tpu.memory_space<vmem>>
      %dma_wait3A_167 = arith.constant 64 : i32
      %dma_wait3A_168 = tpu.memref_slice %arg7[%dma_wait3A_167] : memref<120xi32, #tpu.memory_space<vmem>> -> memref<56xi32, #tpu.memory_space<vmem>>
      %dma_wait3A_169 = arith.constant 0 : i32
      %dma_wait3A_170 = arith.constant 0 : i32
      %dma_wait3A_171 = tpu.memref_slice %arg2[%dma_wait3A_169, %dma_wait3A_170] : memref<20000x128xf32, #tpu.memory_space<hbm>> -> memref<20000x128xf32, #tpu.memory_space<hbm>>
      tpu.wait_indirect_dma semaphore(%arg22 : memref<!tpu.dma_semaphore, #tpu.memory_space<semaphore_mem>>) src(%dma_wait3A_171 : memref<20000x128xf32, #tpu.memory_space<hbm>>) dst(%dma_wait3A_166 : memref<56x128xf32, #tpu.memory_space<vmem>>)
      %add3A_172 = arith.constant 3 : i32
      %add3A_173 = arith.addi %mul3A_57, %add3A_172 : i32
      %add3A_174 = arith.constant 0 : i32
      %add3A_175 = arith.addi %add3A_173, %add3A_174 : i32
      %mul3A_176 = arith.constant 120 : i32
      %mul3A_177 = arith.muli %add3A_175, %mul3A_176 : i32
      %add3A_178 = arith.addi %add3A, %mul3A_177 : i32
      %mul3A_179 = arith.constant 120 : i32
      %mul3A_180 = arith.muli %add3A_175, %mul3A_179 : i32
      %add3A_181 = arith.addi %mul3A_6, %mul3A_180 : i32
      %dma_start3A_182 = tpu.memref_slice %arg3[%add3A_178] : memref<322560xi32, #tpu.memory_space<hbm>> -> memref<120xi32, #tpu.memory_space<hbm>>
      %dma_start3A_183 = tpu.memref_slice %arg3[%add3A_178] : memref<322560xi32, #tpu.memory_space<hbm>> -> memref<120xi32, #tpu.memory_space<hbm>>
      tpu.enqueue_dma source(%dma_start3A_183 : memref<120xi32, #tpu.memory_space<hbm>>) target(%arg7 : memref<120xi32, #tpu.memory_space<vmem>>) target_semaphore(%arg19 : memref<!tpu.dma_semaphore, #tpu.memory_space<semaphore_mem>>)
      %dma_start3A_184 = tpu.memref_slice %arg4[%add3A_181] : memref<161280xi32, #tpu.memory_space<hbm>> -> memref<120xi32, #tpu.memory_space<hbm>>
      %dma_start3A_185 = tpu.memref_slice %arg4[%add3A_181] : memref<161280xi32, #tpu.memory_space<hbm>> -> memref<120xi32, #tpu.memory_space<hbm>>
      tpu.enqueue_dma source(%dma_start3A_185 : memref<120xi32, #tpu.memory_space<hbm>>) target(%arg13 : memref<120xi32, #tpu.memory_space<vmem>>) target_semaphore(%arg19 : memref<!tpu.dma_semaphore, #tpu.memory_space<semaphore_mem>>)
      %dma_start3A_186 = arith.constant 0 : i32
      %dma_start3A_187 = arith.constant 0 : i32
      %dma_start3A_188 = tpu.memref_slice %arg28[%dma_start3A_186, %dma_start3A_187] : memref<10016x128xf32, #tpu.memory_space<vmem_shared>> -> memref<10016x128xf32, #tpu.memory_space<vmem_shared>>
      tpu.enqueue_indirect_dma source(%arg16 : memref<120x128xf32, #tpu.memory_space<vmem>>) target(%dma_start3A_188 : memref<10016x128xf32, #tpu.memory_space<vmem_shared>>) offsets(%arg10 : memref<120xi32, #tpu.memory_space<vmem>>) semaphore(%arg25 : memref<!tpu.dma_semaphore, #tpu.memory_space<semaphore_mem>>) {add = true}
      %dma_wait3A_189 = arith.constant 0 : i32
      %dma_wait3A_190 = arith.constant 0 : i32
      %dma_wait3A_191 = tpu.memref_slice %arg17[%dma_wait3A_189, %dma_wait3A_190] : memref<120x128xf32, #tpu.memory_space<vmem>> -> memref<64x128xf32, #tpu.memory_space<vmem>>
      %dma_wait3A_192 = arith.constant 0 : i32
      %dma_wait3A_193 = tpu.memref_slice %arg8[%dma_wait3A_192] : memref<120xi32, #tpu.memory_space<vmem>> -> memref<64xi32, #tpu.memory_space<vmem>>
      %dma_wait3A_194 = arith.constant 0 : i32
      %dma_wait3A_195 = arith.constant 0 : i32
      %dma_wait3A_196 = tpu.memref_slice %arg2[%dma_wait3A_194, %dma_wait3A_195] : memref<20000x128xf32, #tpu.memory_space<hbm>> -> memref<20000x128xf32, #tpu.memory_space<hbm>>
      tpu.wait_indirect_dma semaphore(%arg23 : memref<!tpu.dma_semaphore, #tpu.memory_space<semaphore_mem>>) src(%dma_wait3A_196 : memref<20000x128xf32, #tpu.memory_space<hbm>>) dst(%dma_wait3A_191 : memref<64x128xf32, #tpu.memory_space<vmem>>)
      %dma_wait3A_197 = arith.constant 64 : i32
      %dma_wait3A_198 = arith.constant 0 : i32
      %dma_wait3A_199 = tpu.memref_slice %arg17[%dma_wait3A_197, %dma_wait3A_198] : memref<120x128xf32, #tpu.memory_space<vmem>> -> memref<56x128xf32, #tpu.memory_space<vmem>>
      %dma_wait3A_200 = arith.constant 64 : i32
      %dma_wait3A_201 = tpu.memref_slice %arg8[%dma_wait3A_200] : memref<120xi32, #tpu.memory_space<vmem>> -> memref<56xi32, #tpu.memory_space<vmem>>
      %dma_wait3A_202 = arith.constant 0 : i32
      %dma_wait3A_203 = arith.constant 0 : i32
      %dma_wait3A_204 = tpu.memref_slice %arg2[%dma_wait3A_202, %dma_wait3A_203] : memref<20000x128xf32, #tpu.memory_space<hbm>> -> memref<20000x128xf32, #tpu.memory_space<hbm>>
      tpu.wait_indirect_dma semaphore(%arg23 : memref<!tpu.dma_semaphore, #tpu.memory_space<semaphore_mem>>) src(%dma_wait3A_204 : memref<20000x128xf32, #tpu.memory_space<hbm>>) dst(%dma_wait3A_199 : memref<56x128xf32, #tpu.memory_space<vmem>>)
      %add3A_205 = arith.constant 3 : i32
      %add3A_206 = arith.addi %mul3A_57, %add3A_205 : i32
      %add3A_207 = arith.constant 1 : i32
      %add3A_208 = arith.addi %add3A_206, %add3A_207 : i32
      %mul3A_209 = arith.constant 120 : i32
      %mul3A_210 = arith.muli %add3A_208, %mul3A_209 : i32
      %add3A_211 = arith.addi %add3A, %mul3A_210 : i32
      %mul3A_212 = arith.constant 120 : i32
      %mul3A_213 = arith.muli %add3A_208, %mul3A_212 : i32
      %add3A_214 = arith.addi %mul3A_6, %mul3A_213 : i32
      %dma_start3A_215 = tpu.memref_slice %arg3[%add3A_211] : memref<322560xi32, #tpu.memory_space<hbm>> -> memref<120xi32, #tpu.memory_space<hbm>>
      %dma_start3A_216 = tpu.memref_slice %arg3[%add3A_211] : memref<322560xi32, #tpu.memory_space<hbm>> -> memref<120xi32, #tpu.memory_space<hbm>>
      tpu.enqueue_dma source(%dma_start3A_216 : memref<120xi32, #tpu.memory_space<hbm>>) target(%arg8 : memref<120xi32, #tpu.memory_space<vmem>>) target_semaphore(%arg20 : memref<!tpu.dma_semaphore, #tpu.memory_space<semaphore_mem>>)
      %dma_start3A_217 = tpu.memref_slice %arg4[%add3A_214] : memref<161280xi32, #tpu.memory_space<hbm>> -> memref<120xi32, #tpu.memory_space<hbm>>
      %dma_start3A_218 = tpu.memref_slice %arg4[%add3A_214] : memref<161280xi32, #tpu.memory_space<hbm>> -> memref<120xi32, #tpu.memory_space<hbm>>
      tpu.enqueue_dma source(%dma_start3A_218 : memref<120xi32, #tpu.memory_space<hbm>>) target(%arg14 : memref<120xi32, #tpu.memory_space<vmem>>) target_semaphore(%arg20 : memref<!tpu.dma_semaphore, #tpu.memory_space<semaphore_mem>>)
      %dma_start3A_219 = arith.constant 0 : i32
      %dma_start3A_220 = arith.constant 0 : i32
      %dma_start3A_221 = tpu.memref_slice %arg28[%dma_start3A_219, %dma_start3A_220] : memref<10016x128xf32, #tpu.memory_space<vmem_shared>> -> memref<10016x128xf32, #tpu.memory_space<vmem_shared>>
      tpu.enqueue_indirect_dma source(%arg17 : memref<120x128xf32, #tpu.memory_space<vmem>>) target(%dma_start3A_221 : memref<10016x128xf32, #tpu.memory_space<vmem_shared>>) offsets(%arg11 : memref<120xi32, #tpu.memory_space<vmem>>) semaphore(%arg26 : memref<!tpu.dma_semaphore, #tpu.memory_space<semaphore_mem>>) {add = true}
      %dma_wait3A_222 = arith.constant 0 : i32
      %dma_wait3A_223 = arith.constant 0 : i32
      %dma_wait3A_224 = tpu.memref_slice %arg18[%dma_wait3A_222, %dma_wait3A_223] : memref<120x128xf32, #tpu.memory_space<vmem>> -> memref<64x128xf32, #tpu.memory_space<vmem>>
      %dma_wait3A_225 = arith.constant 0 : i32
      %dma_wait3A_226 = tpu.memref_slice %arg9[%dma_wait3A_225] : memref<120xi32, #tpu.memory_space<vmem>> -> memref<64xi32, #tpu.memory_space<vmem>>
      %dma_wait3A_227 = arith.constant 0 : i32
      %dma_wait3A_228 = arith.constant 0 : i32
      %dma_wait3A_229 = tpu.memref_slice %arg2[%dma_wait3A_227, %dma_wait3A_228] : memref<20000x128xf32, #tpu.memory_space<hbm>> -> memref<20000x128xf32, #tpu.memory_space<hbm>>
      tpu.wait_indirect_dma semaphore(%arg24 : memref<!tpu.dma_semaphore, #tpu.memory_space<semaphore_mem>>) src(%dma_wait3A_229 : memref<20000x128xf32, #tpu.memory_space<hbm>>) dst(%dma_wait3A_224 : memref<64x128xf32, #tpu.memory_space<vmem>>)
      %dma_wait3A_230 = arith.constant 64 : i32
      %dma_wait3A_231 = arith.constant 0 : i32
      %dma_wait3A_232 = tpu.memref_slice %arg18[%dma_wait3A_230, %dma_wait3A_231] : memref<120x128xf32, #tpu.memory_space<vmem>> -> memref<56x128xf32, #tpu.memory_space<vmem>>
      %dma_wait3A_233 = arith.constant 64 : i32
      %dma_wait3A_234 = tpu.memref_slice %arg9[%dma_wait3A_233] : memref<120xi32, #tpu.memory_space<vmem>> -> memref<56xi32, #tpu.memory_space<vmem>>
      %dma_wait3A_235 = arith.constant 0 : i32
      %dma_wait3A_236 = arith.constant 0 : i32
      %dma_wait3A_237 = tpu.memref_slice %arg2[%dma_wait3A_235, %dma_wait3A_236] : memref<20000x128xf32, #tpu.memory_space<hbm>> -> memref<20000x128xf32, #tpu.memory_space<hbm>>
      tpu.wait_indirect_dma semaphore(%arg24 : memref<!tpu.dma_semaphore, #tpu.memory_space<semaphore_mem>>) src(%dma_wait3A_237 : memref<20000x128xf32, #tpu.memory_space<hbm>>) dst(%dma_wait3A_232 : memref<56x128xf32, #tpu.memory_space<vmem>>)
      %add3A_238 = arith.constant 3 : i32
      %add3A_239 = arith.addi %mul3A_57, %add3A_238 : i32
      %add3A_240 = arith.constant 2 : i32
      %add3A_241 = arith.addi %add3A_239, %add3A_240 : i32
      %mul3A_242 = arith.constant 120 : i32
      %mul3A_243 = arith.muli %add3A_241, %mul3A_242 : i32
      %add3A_244 = arith.addi %add3A, %mul3A_243 : i32
      %mul3A_245 = arith.constant 120 : i32
      %mul3A_246 = arith.muli %add3A_241, %mul3A_245 : i32
      %add3A_247 = arith.addi %mul3A_6, %mul3A_246 : i32
      %dma_start3A_248 = tpu.memref_slice %arg3[%add3A_244] : memref<322560xi32, #tpu.memory_space<hbm>> -> memref<120xi32, #tpu.memory_space<hbm>>
      %dma_start3A_249 = tpu.memref_slice %arg3[%add3A_244] : memref<322560xi32, #tpu.memory_space<hbm>> -> memref<120xi32, #tpu.memory_space<hbm>>
      tpu.enqueue_dma source(%dma_start3A_249 : memref<120xi32, #tpu.memory_space<hbm>>) target(%arg9 : memref<120xi32, #tpu.memory_space<vmem>>) target_semaphore(%arg21 : memref<!tpu.dma_semaphore, #tpu.memory_space<semaphore_mem>>)
      %dma_start3A_250 = tpu.memref_slice %arg4[%add3A_247] : memref<161280xi32, #tpu.memory_space<hbm>> -> memref<120xi32, #tpu.memory_space<hbm>>
      %dma_start3A_251 = tpu.memref_slice %arg4[%add3A_247] : memref<161280xi32, #tpu.memory_space<hbm>> -> memref<120xi32, #tpu.memory_space<hbm>>
      tpu.enqueue_dma source(%dma_start3A_251 : memref<120xi32, #tpu.memory_space<hbm>>) target(%arg15 : memref<120xi32, #tpu.memory_space<vmem>>) target_semaphore(%arg21 : memref<!tpu.dma_semaphore, #tpu.memory_space<semaphore_mem>>)
      %dma_start3A_252 = arith.constant 0 : i32
      %dma_start3A_253 = arith.constant 0 : i32
      %dma_start3A_254 = tpu.memref_slice %arg28[%dma_start3A_252, %dma_start3A_253] : memref<10016x128xf32, #tpu.memory_space<vmem_shared>> -> memref<10016x128xf32, #tpu.memory_space<vmem_shared>>
      tpu.enqueue_indirect_dma source(%arg18 : memref<120x128xf32, #tpu.memory_space<vmem>>) target(%dma_start3A_254 : memref<10016x128xf32, #tpu.memory_space<vmem_shared>>) offsets(%arg12 : memref<120xi32, #tpu.memory_space<vmem>>) semaphore(%arg27 : memref<!tpu.dma_semaphore, #tpu.memory_space<semaphore_mem>>) {add = true}
      %mul3A_255 = arith.constant 2 : i32
      %mul3A_256 = arith.muli %mul3A_255, %scan3A_51 : i32
      %add3A_257 = arith.constant 1 : i32
      %add3A_258 = arith.addi %mul3A_256, %add3A_257 : i32
      %mul3A_259 = arith.constant 3 : i32
      %mul3A_260 = arith.muli %add3A_258, %mul3A_259 : i32
      %dma_wait3A_261 = arith.constant 0 : i32
      %dma_wait3A_262 = arith.constant 0 : i32
      %dma_wait3A_263 = tpu.memref_slice %arg28[%dma_wait3A_261, %dma_wait3A_262] : memref<10016x128xf32, #tpu.memory_space<vmem_shared>> -> memref<10016x128xf32, #tpu.memory_space<vmem_shared>>
      tpu.wait_indirect_dma semaphore(%arg25 : memref<!tpu.dma_semaphore, #tpu.memory_space<semaphore_mem>>) src(%arg16 : memref<120x128xf32, #tpu.memory_space<vmem>>) dst(%dma_wait3A_263 : memref<10016x128xf32, #tpu.memory_space<vmem_shared>>)
      %add3A_264 = arith.constant 0 : i32
      %add3A_265 = arith.addi %mul3A_260, %add3A_264 : i32
      %mul3A_266 = arith.constant 120 : i32
      %mul3A_267 = arith.muli %add3A_265, %mul3A_266 : i32
      %add3A_268 = arith.addi %add3A, %mul3A_267 : i32
      %mul3A_269 = arith.constant 120 : i32
      %mul3A_270 = arith.muli %add3A_265, %mul3A_269 : i32
      %add3A_271 = arith.addi %mul3A_6, %mul3A_270 : i32
      %dma_wait3A_272 = tpu.memref_slice %arg3[%add3A_268] : memref<322560xi32, #tpu.memory_space<hbm>> -> memref<120xi32, #tpu.memory_space<hbm>>
      %dma_wait3A_273 = tpu.memref_slice %arg3[%add3A_268] : memref<322560xi32, #tpu.memory_space<hbm>> -> memref<120xi32, #tpu.memory_space<hbm>>
      tpu.wait_dma2 semaphore(%arg19 : memref<!tpu.dma_semaphore, #tpu.memory_space<semaphore_mem>>) src(%dma_wait3A_273 : memref<120xi32, #tpu.memory_space<hbm>>) dst(%arg7 : memref<120xi32, #tpu.memory_space<vmem>>)
      %dma_wait3A_274 = tpu.memref_slice %arg4[%add3A_271] : memref<161280xi32, #tpu.memory_space<hbm>> -> memref<120xi32, #tpu.memory_space<hbm>>
      %dma_wait3A_275 = tpu.memref_slice %arg4[%add3A_271] : memref<161280xi32, #tpu.memory_space<hbm>> -> memref<120xi32, #tpu.memory_space<hbm>>
      tpu.wait_dma2 semaphore(%arg19 : memref<!tpu.dma_semaphore, #tpu.memory_space<semaphore_mem>>) src(%dma_wait3A_275 : memref<120xi32, #tpu.memory_space<hbm>>) dst(%arg13 : memref<120xi32, #tpu.memory_space<vmem>>)
      %dma_start3A_276 = arith.constant 0 : i32
      %dma_start3A_277 = arith.constant 0 : i32
      %dma_start3A_278 = tpu.memref_slice %arg16[%dma_start3A_276, %dma_start3A_277] : memref<120x128xf32, #tpu.memory_space<vmem>> -> memref<64x128xf32, #tpu.memory_space<vmem>>
      %dma_start3A_279 = arith.constant 0 : i32
      %dma_start3A_280 = tpu.memref_slice %arg7[%dma_start3A_279] : memref<120xi32, #tpu.memory_space<vmem>> -> memref<64xi32, #tpu.memory_space<vmem>>
      %dma_start3A_281 = arith.constant 0 : i32
      %dma_start3A_282 = arith.constant 0 : i32
      %dma_start3A_283 = tpu.memref_slice %arg2[%dma_start3A_281, %dma_start3A_282] : memref<20000x128xf32, #tpu.memory_space<hbm>> -> memref<20000x128xf32, #tpu.memory_space<hbm>>
      tpu.enqueue_indirect_dma source(%dma_start3A_283 : memref<20000x128xf32, #tpu.memory_space<hbm>>) target(%dma_start3A_278 : memref<64x128xf32, #tpu.memory_space<vmem>>) offsets(%dma_start3A_280 : memref<64xi32, #tpu.memory_space<vmem>>) semaphore(%arg22 : memref<!tpu.dma_semaphore, #tpu.memory_space<semaphore_mem>>)
      %dma_start3A_284 = arith.constant 64 : i32
      %dma_start3A_285 = arith.constant 0 : i32
      %dma_start3A_286 = tpu.memref_slice %arg16[%dma_start3A_284, %dma_start3A_285] : memref<120x128xf32, #tpu.memory_space<vmem>> -> memref<56x128xf32, #tpu.memory_space<vmem>>
      %dma_start3A_287 = arith.constant 64 : i32
      %dma_start3A_288 = tpu.memref_slice %arg7[%dma_start3A_287] : memref<120xi32, #tpu.memory_space<vmem>> -> memref<56xi32, #tpu.memory_space<vmem>>
      %dma_start3A_289 = arith.constant 0 : i32
      %dma_start3A_290 = arith.constant 0 : i32
      %dma_start3A_291 = tpu.memref_slice %arg2[%dma_start3A_289, %dma_start3A_290] : memref<20000x128xf32, #tpu.memory_space<hbm>> -> memref<20000x128xf32, #tpu.memory_space<hbm>>
      tpu.enqueue_indirect_dma source(%dma_start3A_291 : memref<20000x128xf32, #tpu.memory_space<hbm>>) target(%dma_start3A_286 : memref<56x128xf32, #tpu.memory_space<vmem>>) offsets(%dma_start3A_288 : memref<56xi32, #tpu.memory_space<vmem>>) semaphore(%arg22 : memref<!tpu.dma_semaphore, #tpu.memory_space<semaphore_mem>>)
      %dma_wait3A_292 = arith.constant 0 : i32
      %dma_wait3A_293 = arith.constant 0 : i32
      %dma_wait3A_294 = tpu.memref_slice %arg28[%dma_wait3A_292, %dma_wait3A_293] : memref<10016x128xf32, #tpu.memory_space<vmem_shared>> -> memref<10016x128xf32, #tpu.memory_space<vmem_shared>>
      tpu.wait_indirect_dma semaphore(%arg26 : memref<!tpu.dma_semaphore, #tpu.memory_space<semaphore_mem>>) src(%arg17 : memref<120x128xf32, #tpu.memory_space<vmem>>) dst(%dma_wait3A_294 : memref<10016x128xf32, #tpu.memory_space<vmem_shared>>)
      %add3A_295 = arith.constant 1 : i32
      %add3A_296 = arith.addi %mul3A_260, %add3A_295 : i32
      %mul3A_297 = arith.constant 120 : i32
      %mul3A_298 = arith.muli %add3A_296, %mul3A_297 : i32
      %add3A_299 = arith.addi %add3A, %mul3A_298 : i32
      %mul3A_300 = arith.constant 120 : i32
      %mul3A_301 = arith.muli %add3A_296, %mul3A_300 : i32
      %add3A_302 = arith.addi %mul3A_6, %mul3A_301 : i32
      %dma_wait3A_303 = tpu.memref_slice %arg3[%add3A_299] : memref<322560xi32, #tpu.memory_space<hbm>> -> memref<120xi32, #tpu.memory_space<hbm>>
      %dma_wait3A_304 = tpu.memref_slice %arg3[%add3A_299] : memref<322560xi32, #tpu.memory_space<hbm>> -> memref<120xi32, #tpu.memory_space<hbm>>
      tpu.wait_dma2 semaphore(%arg20 : memref<!tpu.dma_semaphore, #tpu.memory_space<semaphore_mem>>) src(%dma_wait3A_304 : memref<120xi32, #tpu.memory_space<hbm>>) dst(%arg8 : memref<120xi32, #tpu.memory_space<vmem>>)
      %dma_wait3A_305 = tpu.memref_slice %arg4[%add3A_302] : memref<161280xi32, #tpu.memory_space<hbm>> -> memref<120xi32, #tpu.memory_space<hbm>>
      %dma_wait3A_306 = tpu.memref_slice %arg4[%add3A_302] : memref<161280xi32, #tpu.memory_space<hbm>> -> memref<120xi32, #tpu.memory_space<hbm>>
      tpu.wait_dma2 semaphore(%arg20 : memref<!tpu.dma_semaphore, #tpu.memory_space<semaphore_mem>>) src(%dma_wait3A_306 : memref<120xi32, #tpu.memory_space<hbm>>) dst(%arg14 : memref<120xi32, #tpu.memory_space<vmem>>)
      %dma_start3A_307 = arith.constant 0 : i32
      %dma_start3A_308 = arith.constant 0 : i32
      %dma_start3A_309 = tpu.memref_slice %arg17[%dma_start3A_307, %dma_start3A_308] : memref<120x128xf32, #tpu.memory_space<vmem>> -> memref<64x128xf32, #tpu.memory_space<vmem>>
      %dma_start3A_310 = arith.constant 0 : i32
      %dma_start3A_311 = tpu.memref_slice %arg8[%dma_start3A_310] : memref<120xi32, #tpu.memory_space<vmem>> -> memref<64xi32, #tpu.memory_space<vmem>>
      %dma_start3A_312 = arith.constant 0 : i32
      %dma_start3A_313 = arith.constant 0 : i32
      %dma_start3A_314 = tpu.memref_slice %arg2[%dma_start3A_312, %dma_start3A_313] : memref<20000x128xf32, #tpu.memory_space<hbm>> -> memref<20000x128xf32, #tpu.memory_space<hbm>>
      tpu.enqueue_indirect_dma source(%dma_start3A_314 : memref<20000x128xf32, #tpu.memory_space<hbm>>) target(%dma_start3A_309 : memref<64x128xf32, #tpu.memory_space<vmem>>) offsets(%dma_start3A_311 : memref<64xi32, #tpu.memory_space<vmem>>) semaphore(%arg23 : memref<!tpu.dma_semaphore, #tpu.memory_space<semaphore_mem>>)
      %dma_start3A_315 = arith.constant 64 : i32
      %dma_start3A_316 = arith.constant 0 : i32
      %dma_start3A_317 = tpu.memref_slice %arg17[%dma_start3A_315, %dma_start3A_316] : memref<120x128xf32, #tpu.memory_space<vmem>> -> memref<56x128xf32, #tpu.memory_space<vmem>>
      %dma_start3A_318 = arith.constant 64 : i32
      %dma_start3A_319 = tpu.memref_slice %arg8[%dma_start3A_318] : memref<120xi32, #tpu.memory_space<vmem>> -> memref<56xi32, #tpu.memory_space<vmem>>
      %dma_start3A_320 = arith.constant 0 : i32
      %dma_start3A_321 = arith.constant 0 : i32
      %dma_start3A_322 = tpu.memref_slice %arg2[%dma_start3A_320, %dma_start3A_321] : memref<20000x128xf32, #tpu.memory_space<hbm>> -> memref<20000x128xf32, #tpu.memory_space<hbm>>
      tpu.enqueue_indirect_dma source(%dma_start3A_322 : memref<20000x128xf32, #tpu.memory_space<hbm>>) target(%dma_start3A_317 : memref<56x128xf32, #tpu.memory_space<vmem>>) offsets(%dma_start3A_319 : memref<56xi32, #tpu.memory_space<vmem>>) semaphore(%arg23 : memref<!tpu.dma_semaphore, #tpu.memory_space<semaphore_mem>>)
      %dma_wait3A_323 = arith.constant 0 : i32
      %dma_wait3A_324 = arith.constant 0 : i32
      %dma_wait3A_325 = tpu.memref_slice %arg28[%dma_wait3A_323, %dma_wait3A_324] : memref<10016x128xf32, #tpu.memory_space<vmem_shared>> -> memref<10016x128xf32, #tpu.memory_space<vmem_shared>>
      tpu.wait_indirect_dma semaphore(%arg27 : memref<!tpu.dma_semaphore, #tpu.memory_space<semaphore_mem>>) src(%arg18 : memref<120x128xf32, #tpu.memory_space<vmem>>) dst(%dma_wait3A_325 : memref<10016x128xf32, #tpu.memory_space<vmem_shared>>)
      %add3A_326 = arith.constant 2 : i32
      %add3A_327 = arith.addi %mul3A_260, %add3A_326 : i32
      %mul3A_328 = arith.constant 120 : i32
      %mul3A_329 = arith.muli %add3A_327, %mul3A_328 : i32
      %add3A_330 = arith.addi %add3A, %mul3A_329 : i32
      %mul3A_331 = arith.constant 120 : i32
      %mul3A_332 = arith.muli %add3A_327, %mul3A_331 : i32
      %add3A_333 = arith.addi %mul3A_6, %mul3A_332 : i32
      %dma_wait3A_334 = tpu.memref_slice %arg3[%add3A_330] : memref<322560xi32, #tpu.memory_space<hbm>> -> memref<120xi32, #tpu.memory_space<hbm>>
      %dma_wait3A_335 = tpu.memref_slice %arg3[%add3A_330] : memref<322560xi32, #tpu.memory_space<hbm>> -> memref<120xi32, #tpu.memory_space<hbm>>
      tpu.wait_dma2 semaphore(%arg21 : memref<!tpu.dma_semaphore, #tpu.memory_space<semaphore_mem>>) src(%dma_wait3A_335 : memref<120xi32, #tpu.memory_space<hbm>>) dst(%arg9 : memref<120xi32, #tpu.memory_space<vmem>>)
      %dma_wait3A_336 = tpu.memref_slice %arg4[%add3A_333] : memref<161280xi32, #tpu.memory_space<hbm>> -> memref<120xi32, #tpu.memory_space<hbm>>
      %dma_wait3A_337 = tpu.memref_slice %arg4[%add3A_333] : memref<161280xi32, #tpu.memory_space<hbm>> -> memref<120xi32, #tpu.memory_space<hbm>>
      tpu.wait_dma2 semaphore(%arg21 : memref<!tpu.dma_semaphore, #tpu.memory_space<semaphore_mem>>) src(%dma_wait3A_337 : memref<120xi32, #tpu.memory_space<hbm>>) dst(%arg15 : memref<120xi32, #tpu.memory_space<vmem>>)
      %dma_start3A_338 = arith.constant 0 : i32
      %dma_start3A_339 = arith.constant 0 : i32
      %dma_start3A_340 = tpu.memref_slice %arg18[%dma_start3A_338, %dma_start3A_339] : memref<120x128xf32, #tpu.memory_space<vmem>> -> memref<64x128xf32, #tpu.memory_space<vmem>>
      %dma_start3A_341 = arith.constant 0 : i32
      %dma_start3A_342 = tpu.memref_slice %arg9[%dma_start3A_341] : memref<120xi32, #tpu.memory_space<vmem>> -> memref<64xi32, #tpu.memory_space<vmem>>
      %dma_start3A_343 = arith.constant 0 : i32
      %dma_start3A_344 = arith.constant 0 : i32
      %dma_start3A_345 = tpu.memref_slice %arg2[%dma_start3A_343, %dma_start3A_344] : memref<20000x128xf32, #tpu.memory_space<hbm>> -> memref<20000x128xf32, #tpu.memory_space<hbm>>
      tpu.enqueue_indirect_dma source(%dma_start3A_345 : memref<20000x128xf32, #tpu.memory_space<hbm>>) target(%dma_start3A_340 : memref<64x128xf32, #tpu.memory_space<vmem>>) offsets(%dma_start3A_342 : memref<64xi32, #tpu.memory_space<vmem>>) semaphore(%arg24 : memref<!tpu.dma_semaphore, #tpu.memory_space<semaphore_mem>>)
      %dma_start3A_346 = arith.constant 64 : i32
      %dma_start3A_347 = arith.constant 0 : i32
      %dma_start3A_348 = tpu.memref_slice %arg18[%dma_start3A_346, %dma_start3A_347] : memref<120x128xf32, #tpu.memory_space<vmem>> -> memref<56x128xf32, #tpu.memory_space<vmem>>
      %dma_start3A_349 = arith.constant 64 : i32
      %dma_start3A_350 = tpu.memref_slice %arg9[%dma_start3A_349] : memref<120xi32, #tpu.memory_space<vmem>> -> memref<56xi32, #tpu.memory_space<vmem>>
      %dma_start3A_351 = arith.constant 0 : i32
      %dma_start3A_352 = arith.constant 0 : i32
      %dma_start3A_353 = tpu.memref_slice %arg2[%dma_start3A_351, %dma_start3A_352] : memref<20000x128xf32, #tpu.memory_space<hbm>> -> memref<20000x128xf32, #tpu.memory_space<hbm>>
      tpu.enqueue_indirect_dma source(%dma_start3A_353 : memref<20000x128xf32, #tpu.memory_space<hbm>>) target(%dma_start3A_348 : memref<56x128xf32, #tpu.memory_space<vmem>>) offsets(%dma_start3A_350 : memref<56xi32, #tpu.memory_space<vmem>>) semaphore(%arg24 : memref<!tpu.dma_semaphore, #tpu.memory_space<semaphore_mem>>)
      %dma_wait3A_354 = arith.constant 0 : i32
      %dma_wait3A_355 = arith.constant 0 : i32
      %dma_wait3A_356 = tpu.memref_slice %arg16[%dma_wait3A_354, %dma_wait3A_355] : memref<120x128xf32, #tpu.memory_space<vmem>> -> memref<64x128xf32, #tpu.memory_space<vmem>>
      %dma_wait3A_357 = arith.constant 0 : i32
      %dma_wait3A_358 = tpu.memref_slice %arg7[%dma_wait3A_357] : memref<120xi32, #tpu.memory_space<vmem>> -> memref<64xi32, #tpu.memory_space<vmem>>
      %dma_wait3A_359 = arith.constant 0 : i32
      %dma_wait3A_360 = arith.constant 0 : i32
      %dma_wait3A_361 = tpu.memref_slice %arg2[%dma_wait3A_359, %dma_wait3A_360] : memref<20000x128xf32, #tpu.memory_space<hbm>> -> memref<20000x128xf32, #tpu.memory_space<hbm>>
      tpu.wait_indirect_dma semaphore(%arg22 : memref<!tpu.dma_semaphore, #tpu.memory_space<semaphore_mem>>) src(%dma_wait3A_361 : memref<20000x128xf32, #tpu.memory_space<hbm>>) dst(%dma_wait3A_356 : memref<64x128xf32, #tpu.memory_space<vmem>>)
      %dma_wait3A_362 = arith.constant 64 : i32
      %dma_wait3A_363 = arith.constant 0 : i32
      %dma_wait3A_364 = tpu.memref_slice %arg16[%dma_wait3A_362, %dma_wait3A_363] : memref<120x128xf32, #tpu.memory_space<vmem>> -> memref<56x128xf32, #tpu.memory_space<vmem>>
      %dma_wait3A_365 = arith.constant 64 : i32
      %dma_wait3A_366 = tpu.memref_slice %arg7[%dma_wait3A_365] : memref<120xi32, #tpu.memory_space<vmem>> -> memref<56xi32, #tpu.memory_space<vmem>>
      %dma_wait3A_367 = arith.constant 0 : i32
      %dma_wait3A_368 = arith.constant 0 : i32
      %dma_wait3A_369 = tpu.memref_slice %arg2[%dma_wait3A_367, %dma_wait3A_368] : memref<20000x128xf32, #tpu.memory_space<hbm>> -> memref<20000x128xf32, #tpu.memory_space<hbm>>
      tpu.wait_indirect_dma semaphore(%arg22 : memref<!tpu.dma_semaphore, #tpu.memory_space<semaphore_mem>>) src(%dma_wait3A_369 : memref<20000x128xf32, #tpu.memory_space<hbm>>) dst(%dma_wait3A_364 : memref<56x128xf32, #tpu.memory_space<vmem>>)
      %lt3A = arith.constant 13 : i32
      %lt3A_370 = arith.cmpi slt, %scan3A_51, %lt3A : i32
      %convert_element_type3A_371 = arith.extui %lt3A_370 : i1 to i32
      %cond3A_372 = arith.constant 0 : i32
      %cond3A_373 = arith.cmpi ne, %convert_element_type3A_371, %cond3A_372 : i32
      scf.if %cond3A_373 {
        %add3A_425 = arith.constant 3 : i32
        %add3A_426 = arith.addi %mul3A_260, %add3A_425 : i32
        %add3A_427 = arith.constant 0 : i32
        %add3A_428 = arith.addi %add3A_426, %add3A_427 : i32
        %mul3A_429 = arith.constant 120 : i32
        %mul3A_430 = arith.muli %add3A_428, %mul3A_429 : i32
        %add3A_431 = arith.addi %add3A, %mul3A_430 : i32
        %mul3A_432 = arith.constant 120 : i32
        %mul3A_433 = arith.muli %add3A_428, %mul3A_432 : i32
        %add3A_434 = arith.addi %mul3A_6, %mul3A_433 : i32
        %dma_start3A_435 = tpu.memref_slice %arg3[%add3A_431] : memref<322560xi32, #tpu.memory_space<hbm>> -> memref<120xi32, #tpu.memory_space<hbm>>
        %dma_start3A_436 = tpu.memref_slice %arg3[%add3A_431] : memref<322560xi32, #tpu.memory_space<hbm>> -> memref<120xi32, #tpu.memory_space<hbm>>
        tpu.enqueue_dma source(%dma_start3A_436 : memref<120xi32, #tpu.memory_space<hbm>>) target(%arg7 : memref<120xi32, #tpu.memory_space<vmem>>) target_semaphore(%arg19 : memref<!tpu.dma_semaphore, #tpu.memory_space<semaphore_mem>>)
        %dma_start3A_437 = tpu.memref_slice %arg4[%add3A_434] : memref<161280xi32, #tpu.memory_space<hbm>> -> memref<120xi32, #tpu.memory_space<hbm>>
        %dma_start3A_438 = tpu.memref_slice %arg4[%add3A_434] : memref<161280xi32, #tpu.memory_space<hbm>> -> memref<120xi32, #tpu.memory_space<hbm>>
        tpu.enqueue_dma source(%dma_start3A_438 : memref<120xi32, #tpu.memory_space<hbm>>) target(%arg10 : memref<120xi32, #tpu.memory_space<vmem>>) target_semaphore(%arg19 : memref<!tpu.dma_semaphore, #tpu.memory_space<semaphore_mem>>)
      } else {
      }
      %dma_start3A_374 = arith.constant 0 : i32
      %dma_start3A_375 = arith.constant 0 : i32
      %dma_start3A_376 = tpu.memref_slice %arg28[%dma_start3A_374, %dma_start3A_375] : memref<10016x128xf32, #tpu.memory_space<vmem_shared>> -> memref<10016x128xf32, #tpu.memory_space<vmem_shared>>
      tpu.enqueue_indirect_dma source(%arg16 : memref<120x128xf32, #tpu.memory_space<vmem>>) target(%dma_start3A_376 : memref<10016x128xf32, #tpu.memory_space<vmem_shared>>) offsets(%arg13 : memref<120xi32, #tpu.memory_space<vmem>>) semaphore(%arg25 : memref<!tpu.dma_semaphore, #tpu.memory_space<semaphore_mem>>) {add = true}
      %dma_wait3A_377 = arith.constant 0 : i32
      %dma_wait3A_378 = arith.constant 0 : i32
      %dma_wait3A_379 = tpu.memref_slice %arg17[%dma_wait3A_377, %dma_wait3A_378] : memref<120x128xf32, #tpu.memory_space<vmem>> -> memref<64x128xf32, #tpu.memory_space<vmem>>
      %dma_wait3A_380 = arith.constant 0 : i32
      %dma_wait3A_381 = tpu.memref_slice %arg8[%dma_wait3A_380] : memref<120xi32, #tpu.memory_space<vmem>> -> memref<64xi32, #tpu.memory_space<vmem>>
      %dma_wait3A_382 = arith.constant 0 : i32
      %dma_wait3A_383 = arith.constant 0 : i32
      %dma_wait3A_384 = tpu.memref_slice %arg2[%dma_wait3A_382, %dma_wait3A_383] : memref<20000x128xf32, #tpu.memory_space<hbm>> -> memref<20000x128xf32, #tpu.memory_space<hbm>>
      tpu.wait_indirect_dma semaphore(%arg23 : memref<!tpu.dma_semaphore, #tpu.memory_space<semaphore_mem>>) src(%dma_wait3A_384 : memref<20000x128xf32, #tpu.memory_space<hbm>>) dst(%dma_wait3A_379 : memref<64x128xf32, #tpu.memory_space<vmem>>)
      %dma_wait3A_385 = arith.constant 64 : i32
      %dma_wait3A_386 = arith.constant 0 : i32
      %dma_wait3A_387 = tpu.memref_slice %arg17[%dma_wait3A_385, %dma_wait3A_386] : memref<120x128xf32, #tpu.memory_space<vmem>> -> memref<56x128xf32, #tpu.memory_space<vmem>>
      %dma_wait3A_388 = arith.constant 64 : i32
      %dma_wait3A_389 = tpu.memref_slice %arg8[%dma_wait3A_388] : memref<120xi32, #tpu.memory_space<vmem>> -> memref<56xi32, #tpu.memory_space<vmem>>
      %dma_wait3A_390 = arith.constant 0 : i32
      %dma_wait3A_391 = arith.constant 0 : i32
      %dma_wait3A_392 = tpu.memref_slice %arg2[%dma_wait3A_390, %dma_wait3A_391] : memref<20000x128xf32, #tpu.memory_space<hbm>> -> memref<20000x128xf32, #tpu.memory_space<hbm>>
      tpu.wait_indirect_dma semaphore(%arg23 : memref<!tpu.dma_semaphore, #tpu.memory_space<semaphore_mem>>) src(%dma_wait3A_392 : memref<20000x128xf32, #tpu.memory_space<hbm>>) dst(%dma_wait3A_387 : memref<56x128xf32, #tpu.memory_space<vmem>>)
      %lt3A_393 = arith.constant 13 : i32
      %lt3A_394 = arith.cmpi slt, %scan3A_51, %lt3A_393 : i32
      %convert_element_type3A_395 = arith.extui %lt3A_394 : i1 to i32
      %cond3A_396 = arith.constant 0 : i32
      %cond3A_397 = arith.cmpi ne, %convert_element_type3A_395, %cond3A_396 : i32
      scf.if %cond3A_397 {
        %add3A_425 = arith.constant 3 : i32
        %add3A_426 = arith.addi %mul3A_260, %add3A_425 : i32
        %add3A_427 = arith.constant 1 : i32
        %add3A_428 = arith.addi %add3A_426, %add3A_427 : i32
        %mul3A_429 = arith.constant 120 : i32
        %mul3A_430 = arith.muli %add3A_428, %mul3A_429 : i32
        %add3A_431 = arith.addi %add3A, %mul3A_430 : i32
        %mul3A_432 = arith.constant 120 : i32
        %mul3A_433 = arith.muli %add3A_428, %mul3A_432 : i32
        %add3A_434 = arith.addi %mul3A_6, %mul3A_433 : i32
        %dma_start3A_435 = tpu.memref_slice %arg3[%add3A_431] : memref<322560xi32, #tpu.memory_space<hbm>> -> memref<120xi32, #tpu.memory_space<hbm>>
        %dma_start3A_436 = tpu.memref_slice %arg3[%add3A_431] : memref<322560xi32, #tpu.memory_space<hbm>> -> memref<120xi32, #tpu.memory_space<hbm>>
        tpu.enqueue_dma source(%dma_start3A_436 : memref<120xi32, #tpu.memory_space<hbm>>) target(%arg8 : memref<120xi32, #tpu.memory_space<vmem>>) target_semaphore(%arg20 : memref<!tpu.dma_semaphore, #tpu.memory_space<semaphore_mem>>)
        %dma_start3A_437 = tpu.memref_slice %arg4[%add3A_434] : memref<161280xi32, #tpu.memory_space<hbm>> -> memref<120xi32, #tpu.memory_space<hbm>>
        %dma_start3A_438 = tpu.memref_slice %arg4[%add3A_434] : memref<161280xi32, #tpu.memory_space<hbm>> -> memref<120xi32, #tpu.memory_space<hbm>>
        tpu.enqueue_dma source(%dma_start3A_438 : memref<120xi32, #tpu.memory_space<hbm>>) target(%arg11 : memref<120xi32, #tpu.memory_space<vmem>>) target_semaphore(%arg20 : memref<!tpu.dma_semaphore, #tpu.memory_space<semaphore_mem>>)
      } else {
      }
      %dma_start3A_398 = arith.constant 0 : i32
      %dma_start3A_399 = arith.constant 0 : i32
      %dma_start3A_400 = tpu.memref_slice %arg28[%dma_start3A_398, %dma_start3A_399] : memref<10016x128xf32, #tpu.memory_space<vmem_shared>> -> memref<10016x128xf32, #tpu.memory_space<vmem_shared>>
      tpu.enqueue_indirect_dma source(%arg17 : memref<120x128xf32, #tpu.memory_space<vmem>>) target(%dma_start3A_400 : memref<10016x128xf32, #tpu.memory_space<vmem_shared>>) offsets(%arg14 : memref<120xi32, #tpu.memory_space<vmem>>) semaphore(%arg26 : memref<!tpu.dma_semaphore, #tpu.memory_space<semaphore_mem>>) {add = true}
      %dma_wait3A_401 = arith.constant 0 : i32
      %dma_wait3A_402 = arith.constant 0 : i32
      %dma_wait3A_403 = tpu.memref_slice %arg18[%dma_wait3A_401, %dma_wait3A_402] : memref<120x128xf32, #tpu.memory_space<vmem>> -> memref<64x128xf32, #tpu.memory_space<vmem>>
      %dma_wait3A_404 = arith.constant 0 : i32
      %dma_wait3A_405 = tpu.memref_slice %arg9[%dma_wait3A_404] : memref<120xi32, #tpu.memory_space<vmem>> -> memref<64xi32, #tpu.memory_space<vmem>>
      %dma_wait3A_406 = arith.constant 0 : i32
      %dma_wait3A_407 = arith.constant 0 : i32
      %dma_wait3A_408 = tpu.memref_slice %arg2[%dma_wait3A_406, %dma_wait3A_407] : memref<20000x128xf32, #tpu.memory_space<hbm>> -> memref<20000x128xf32, #tpu.memory_space<hbm>>
      tpu.wait_indirect_dma semaphore(%arg24 : memref<!tpu.dma_semaphore, #tpu.memory_space<semaphore_mem>>) src(%dma_wait3A_408 : memref<20000x128xf32, #tpu.memory_space<hbm>>) dst(%dma_wait3A_403 : memref<64x128xf32, #tpu.memory_space<vmem>>)
      %dma_wait3A_409 = arith.constant 64 : i32
      %dma_wait3A_410 = arith.constant 0 : i32
      %dma_wait3A_411 = tpu.memref_slice %arg18[%dma_wait3A_409, %dma_wait3A_410] : memref<120x128xf32, #tpu.memory_space<vmem>> -> memref<56x128xf32, #tpu.memory_space<vmem>>
      %dma_wait3A_412 = arith.constant 64 : i32
      %dma_wait3A_413 = tpu.memref_slice %arg9[%dma_wait3A_412] : memref<120xi32, #tpu.memory_space<vmem>> -> memref<56xi32, #tpu.memory_space<vmem>>
      %dma_wait3A_414 = arith.constant 0 : i32
      %dma_wait3A_415 = arith.constant 0 : i32
      %dma_wait3A_416 = tpu.memref_slice %arg2[%dma_wait3A_414, %dma_wait3A_415] : memref<20000x128xf32, #tpu.memory_space<hbm>> -> memref<20000x128xf32, #tpu.memory_space<hbm>>
      tpu.wait_indirect_dma semaphore(%arg24 : memref<!tpu.dma_semaphore, #tpu.memory_space<semaphore_mem>>) src(%dma_wait3A_416 : memref<20000x128xf32, #tpu.memory_space<hbm>>) dst(%dma_wait3A_411 : memref<56x128xf32, #tpu.memory_space<vmem>>)
      %lt3A_417 = arith.constant 13 : i32
      %lt3A_418 = arith.cmpi slt, %scan3A_51, %lt3A_417 : i32
      %convert_element_type3A_419 = arith.extui %lt3A_418 : i1 to i32
      %cond3A_420 = arith.constant 0 : i32
      %cond3A_421 = arith.cmpi ne, %convert_element_type3A_419, %cond3A_420 : i32
      scf.if %cond3A_421 {
        %add3A_425 = arith.constant 3 : i32
        %add3A_426 = arith.addi %mul3A_260, %add3A_425 : i32
        %add3A_427 = arith.constant 2 : i32
        %add3A_428 = arith.addi %add3A_426, %add3A_427 : i32
        %mul3A_429 = arith.constant 120 : i32
        %mul3A_430 = arith.muli %add3A_428, %mul3A_429 : i32
        %add3A_431 = arith.addi %add3A, %mul3A_430 : i32
        %mul3A_432 = arith.constant 120 : i32
        %mul3A_433 = arith.muli %add3A_428, %mul3A_432 : i32
        %add3A_434 = arith.addi %mul3A_6, %mul3A_433 : i32
        %dma_start3A_435 = tpu.memref_slice %arg3[%add3A_431] : memref<322560xi32, #tpu.memory_space<hbm>> -> memref<120xi32, #tpu.memory_space<hbm>>
        %dma_start3A_436 = tpu.memref_slice %arg3[%add3A_431] : memref<322560xi32, #tpu.memory_space<hbm>> -> memref<120xi32, #tpu.memory_space<hbm>>
        tpu.enqueue_dma source(%dma_start3A_436 : memref<120xi32, #tpu.memory_space<hbm>>) target(%arg9 : memref<120xi32, #tpu.memory_space<vmem>>) target_semaphore(%arg21 : memref<!tpu.dma_semaphore, #tpu.memory_space<semaphore_mem>>)
        %dma_start3A_437 = tpu.memref_slice %arg4[%add3A_434] : memref<161280xi32, #tpu.memory_space<hbm>> -> memref<120xi32, #tpu.memory_space<hbm>>
        %dma_start3A_438 = tpu.memref_slice %arg4[%add3A_434] : memref<161280xi32, #tpu.memory_space<hbm>> -> memref<120xi32, #tpu.memory_space<hbm>>
        tpu.enqueue_dma source(%dma_start3A_438 : memref<120xi32, #tpu.memory_space<hbm>>) target(%arg12 : memref<120xi32, #tpu.memory_space<vmem>>) target_semaphore(%arg21 : memref<!tpu.dma_semaphore, #tpu.memory_space<semaphore_mem>>)
      } else {
      }
      %dma_start3A_422 = arith.constant 0 : i32
      %dma_start3A_423 = arith.constant 0 : i32
      %dma_start3A_424 = tpu.memref_slice %arg28[%dma_start3A_422, %dma_start3A_423] : memref<10016x128xf32, #tpu.memory_space<vmem_shared>> -> memref<10016x128xf32, #tpu.memory_space<vmem_shared>>
      tpu.enqueue_indirect_dma source(%arg18 : memref<120x128xf32, #tpu.memory_space<vmem>>) target(%dma_start3A_424 : memref<10016x128xf32, #tpu.memory_space<vmem_shared>>) offsets(%arg15 : memref<120xi32, #tpu.memory_space<vmem>>) semaphore(%arg27 : memref<!tpu.dma_semaphore, #tpu.memory_space<semaphore_mem>>) {add = true}
    }
    %scan3A_36 = arith.constant 14 : i32
    %dma_wait3A = arith.constant 0 : i32
    %dma_wait3A_37 = arith.constant 0 : i32
    %dma_wait3A_38 = tpu.memref_slice %arg28[%dma_wait3A, %dma_wait3A_37] : memref<10016x128xf32, #tpu.memory_space<vmem_shared>> -> memref<10016x128xf32, #tpu.memory_space<vmem_shared>>
    tpu.wait_indirect_dma semaphore(%arg25 : memref<!tpu.dma_semaphore, #tpu.memory_space<semaphore_mem>>) src(%arg16 : memref<120x128xf32, #tpu.memory_space<vmem>>) dst(%dma_wait3A_38 : memref<10016x128xf32, #tpu.memory_space<vmem_shared>>)
    %dma_wait3A_39 = arith.constant 0 : i32
    %dma_wait3A_40 = arith.constant 0 : i32
    %dma_wait3A_41 = tpu.memref_slice %arg28[%dma_wait3A_39, %dma_wait3A_40] : memref<10016x128xf32, #tpu.memory_space<vmem_shared>> -> memref<10016x128xf32, #tpu.memory_space<vmem_shared>>
    tpu.wait_indirect_dma semaphore(%arg26 : memref<!tpu.dma_semaphore, #tpu.memory_space<semaphore_mem>>) src(%arg17 : memref<120x128xf32, #tpu.memory_space<vmem>>) dst(%dma_wait3A_41 : memref<10016x128xf32, #tpu.memory_space<vmem_shared>>)
    %dma_wait3A_42 = arith.constant 0 : i32
    %dma_wait3A_43 = arith.constant 0 : i32
    %dma_wait3A_44 = tpu.memref_slice %arg28[%dma_wait3A_42, %dma_wait3A_43] : memref<10016x128xf32, #tpu.memory_space<vmem_shared>> -> memref<10016x128xf32, #tpu.memory_space<vmem_shared>>
    tpu.wait_indirect_dma semaphore(%arg27 : memref<!tpu.dma_semaphore, #tpu.memory_space<semaphore_mem>>) src(%arg18 : memref<120x128xf32, #tpu.memory_space<vmem>>) dst(%dma_wait3A_44 : memref<10016x128xf32, #tpu.memory_space<vmem_shared>>)
    %barrier3A_45 = arith.constant 0 : index
    tpu.barrier barrier_id(%barrier3A_45)
    "tpu.region"() ({
      %run_scoped3A = tpu.sem_alloc : memref<!tpu.dma_semaphore, #tpu.memory_space<semaphore_mem>>
      %dma_start3A_51 = arith.constant 0 : i32
      %dma_start3A_52 = tpu.memref_slice %arg6[%arg0, %mul3A_0, %dma_start3A_51] : memref<2x10000x128xf32, #tpu.memory_space<hbm>> -> memref<1x624x128xf32, #tpu.memory_space<hbm>>
      %dma_start3A_53 = tpu.memref_squeeze %dma_start3A_52 : memref<1x624x128xf32, #tpu.memory_space<hbm>> -> memref<624x128xf32, #tpu.memory_space<hbm>>
      %dma_start3A_54 = arith.constant 0 : i32
      %dma_start3A_55 = tpu.memref_slice %arg28[%mul3A_0, %dma_start3A_54] : memref<10016x128xf32, #tpu.memory_space<vmem_shared>> -> memref<624x128xf32, #tpu.memory_space<vmem_shared>>
      tpu.enqueue_dma source(%dma_start3A_55 : memref<624x128xf32, #tpu.memory_space<vmem_shared>>) target(%dma_start3A_53 : memref<624x128xf32, #tpu.memory_space<hbm>>) target_semaphore(%run_scoped3A : memref<!tpu.dma_semaphore, #tpu.memory_space<semaphore_mem>>)
      %dma_wait3A_56 = arith.constant 0 : i32
      %dma_wait3A_57 = tpu.memref_slice %arg6[%arg0, %mul3A_0, %dma_wait3A_56] : memref<2x10000x128xf32, #tpu.memory_space<hbm>> -> memref<1x624x128xf32, #tpu.memory_space<hbm>>
      %dma_wait3A_58 = tpu.memref_squeeze %dma_wait3A_57 : memref<1x624x128xf32, #tpu.memory_space<hbm>> -> memref<624x128xf32, #tpu.memory_space<hbm>>
      %dma_wait3A_59 = arith.constant 0 : i32
      %dma_wait3A_60 = tpu.memref_slice %arg28[%mul3A_0, %dma_wait3A_59] : memref<10016x128xf32, #tpu.memory_space<vmem_shared>> -> memref<624x128xf32, #tpu.memory_space<vmem_shared>>
      tpu.wait_dma2 semaphore(%run_scoped3A : memref<!tpu.dma_semaphore, #tpu.memory_space<semaphore_mem>>) src(%dma_wait3A_60 : memref<624x128xf32, #tpu.memory_space<vmem_shared>>) dst(%dma_wait3A_58 : memref<624x128xf32, #tpu.memory_space<hbm>>)
      tpu.yield
    }) : () -> ()
    %eq3A_46 = arith.constant 0 : i32
    %eq3A_47 = arith.cmpi eq, %arg1, %eq3A_46 : i32
    %convert_element_type3A_48 = arith.extui %eq3A_47 : i1 to i32
    %cond3A_49 = arith.constant 0 : i32
    %cond3A_50 = arith.cmpi ne, %convert_element_type3A_48, %cond3A_49 : i32
    scf.if %cond3A_50 {
      "tpu.region"() ({
        %run_scoped3A = tpu.sem_alloc : memref<!tpu.dma_semaphore, #tpu.memory_space<semaphore_mem>>
        %dma_start3A_51 = arith.constant 9984 : i32
        %dma_start3A_52 = arith.constant 0 : i32
        %dma_start3A_53 = tpu.memref_slice %arg6[%arg0, %dma_start3A_51, %dma_start3A_52] : memref<2x10000x128xf32, #tpu.memory_space<hbm>> -> memref<1x16x128xf32, #tpu.memory_space<hbm>>
        %dma_start3A_54 = tpu.memref_squeeze %dma_start3A_53 : memref<1x16x128xf32, #tpu.memory_space<hbm>> -> memref<16x128xf32, #tpu.memory_space<hbm>>
        %dma_start3A_55 = arith.constant 9984 : i32
        %dma_start3A_56 = arith.constant 0 : i32
        %dma_start3A_57 = tpu.memref_slice %arg28[%dma_start3A_55, %dma_start3A_56] : memref<10016x128xf32, #tpu.memory_space<vmem_shared>> -> memref<16x128xf32, #tpu.memory_space<vmem_shared>>
        tpu.enqueue_dma source(%dma_start3A_57 : memref<16x128xf32, #tpu.memory_space<vmem_shared>>) target(%dma_start3A_54 : memref<16x128xf32, #tpu.memory_space<hbm>>) target_semaphore(%run_scoped3A : memref<!tpu.dma_semaphore, #tpu.memory_space<semaphore_mem>>)
        %dma_wait3A_58 = arith.constant 9984 : i32
        %dma_wait3A_59 = arith.constant 0 : i32
        %dma_wait3A_60 = tpu.memref_slice %arg6[%arg0, %dma_wait3A_58, %dma_wait3A_59] : memref<2x10000x128xf32, #tpu.memory_space<hbm>> -> memref<1x16x128xf32, #tpu.memory_space<hbm>>
        %dma_wait3A_61 = tpu.memref_squeeze %dma_wait3A_60 : memref<1x16x128xf32, #tpu.memory_space<hbm>> -> memref<16x128xf32, #tpu.memory_space<hbm>>
        %dma_wait3A_62 = arith.constant 9984 : i32
        %dma_wait3A_63 = arith.constant 0 : i32
        %dma_wait3A_64 = tpu.memref_slice %arg28[%dma_wait3A_62, %dma_wait3A_63] : memref<10016x128xf32, #tpu.memory_space<vmem_shared>> -> memref<16x128xf32, #tpu.memory_space<vmem_shared>>
        tpu.wait_dma2 semaphore(%run_scoped3A : memref<!tpu.dma_semaphore, #tpu.memory_space<semaphore_mem>>) src(%dma_wait3A_64 : memref<16x128xf32, #tpu.memory_space<vmem_shared>>) dst(%dma_wait3A_61 : memref<16x128xf32, #tpu.memory_space<hbm>>)
        tpu.yield
      }) : () -> ()
    } else {
    }
    return
  }
}

#map = affine_map<(d0, d1) -> (0, 0)>
#map1 = affine_map<(d0, d1) -> (0)>
#map2 = affine_map<(d0, d1) -> (0, 0, 0)>
module attributes {stable_mosaic.version = 14 : i64} {
  func.func @_sc_aggregate(%arg0: i32, %arg1: i32, %arg2: memref<20000x128xf32, #tpu.memory_space<hbm>>, %arg3: memref<322560xi32, #tpu.memory_space<hbm>>, %arg4: memref<161280xi32, #tpu.memory_space<hbm>>, %arg5: memref<624x128xf32, #tpu.memory_space<hbm>>, %arg6: memref<2x10000x128xf32, #tpu.memory_space<hbm>>, %arg7: memref<120xi32, #tpu.memory_space<vmem>>, %arg8: memref<120xi32, #tpu.memory_space<vmem>>, %arg9: memref<120xi32, #tpu.memory_space<vmem>>, %arg10: memref<120xi32, #tpu.memory_space<vmem>>, %arg11: memref<120xi32, #tpu.memory_space<vmem>>, %arg12: memref<120xi32, #tpu.memory_space<vmem>>, %arg13: memref<120xi32, #tpu.memory_space<vmem>>, %arg14: memref<120xi32, #tpu.memory_space<vmem>>, %arg15: memref<120xi32, #tpu.memory_space<vmem>>, %arg16: memref<120x128xf32, #tpu.memory_space<vmem>>, %arg17: memref<120x128xf32, #tpu.memory_space<vmem>>, %arg18: memref<120x128xf32, #tpu.memory_space<vmem>>, %arg19: memref<!tpu.dma_semaphore, #tpu.memory_space<semaphore_mem>>, %arg20: memref<!tpu.dma_semaphore, #tpu.memory_space<semaphore_mem>>, %arg21: memref<!tpu.dma_semaphore, #tpu.memory_space<semaphore_mem>>, %arg22: memref<!tpu.dma_semaphore, #tpu.memory_space<semaphore_mem>>, %arg23: memref<!tpu.dma_semaphore, #tpu.memory_space<semaphore_mem>>, %arg24: memref<!tpu.dma_semaphore, #tpu.memory_space<semaphore_mem>>, %arg25: memref<!tpu.dma_semaphore, #tpu.memory_space<semaphore_mem>>, %arg26: memref<!tpu.dma_semaphore, #tpu.memory_space<semaphore_mem>>, %arg27: memref<!tpu.dma_semaphore, #tpu.memory_space<semaphore_mem>>, %arg28: memref<10016x128xf32, #tpu.memory_space<vmem_shared>>) attributes {dimension_semantics = [#tpu.dimension_semantics<core_parallel>, #tpu.dimension_semantics<subcore_parallel>], iteration_bounds = array<i64: 2, 16>, scalar_prefetch = 0 : i64, scratch_operands = 22 : i64, tpu.core_type = #tpu.core_type<sc_vector_subcore>, window_params = [{transform_indices = #map}, {transform_indices = #map1}, {transform_indices = #map1}, {transform_indices = #map}, {transform_indices = #map2}]} {
    %mul3A = arith.constant 624 : i32
    %mul3A_0 = arith.muli %arg1, %mul3A : i32
    %mul3A_1 = arith.constant 161280 : i32
    %mul3A_2 = arith.muli %arg0, %mul3A_1 : i32
    %mul3A_3 = arith.constant 10080 : i32
    %mul3A_4 = arith.muli %arg1, %mul3A_3 : i32
    %add3A = arith.addi %mul3A_2, %mul3A_4 : i32
    %mul3A_5 = arith.constant 10080 : i32
    %mul3A_6 = arith.muli %arg1, %mul3A_5 : i32
    "tpu.region"() ({
      %run_scoped3A = tpu.sem_alloc : memref<!tpu.dma_semaphore, #tpu.memory_space<semaphore_mem>>
      %dma_start3A_51 = arith.constant 0 : i32
      %dma_start3A_52 = tpu.memref_slice %arg28[%mul3A_0, %dma_start3A_51] : memref<10016x128xf32, #tpu.memory_space<vmem_shared>> -> memref<624x128xf32, #tpu.memory_space<vmem_shared>>
      tpu.enqueue_dma source(%arg5 : memref<624x128xf32, #tpu.memory_space<hbm>>) target(%dma_start3A_52 : memref<624x128xf32, #tpu.memory_space<vmem_shared>>) target_semaphore(%run_scoped3A : memref<!tpu.dma_semaphore, #tpu.memory_space<semaphore_mem>>)
      %dma_wait3A_53 = arith.constant 0 : i32
      %dma_wait3A_54 = tpu.memref_slice %arg28[%mul3A_0, %dma_wait3A_53] : memref<10016x128xf32, #tpu.memory_space<vmem_shared>> -> memref<624x128xf32, #tpu.memory_space<vmem_shared>>
      tpu.wait_dma2 semaphore(%run_scoped3A : memref<!tpu.dma_semaphore, #tpu.memory_space<semaphore_mem>>) src(%arg5 : memref<624x128xf32, #tpu.memory_space<hbm>>) dst(%dma_wait3A_54 : memref<624x128xf32, #tpu.memory_space<vmem_shared>>)
      tpu.yield
    }) : () -> ()
    %eq3A = arith.constant 0 : i32
    %eq3A_7 = arith.cmpi eq, %arg1, %eq3A : i32
    %convert_element_type3A = arith.extui %eq3A_7 : i1 to i32
    %cond3A = arith.constant 0 : i32
    %cond3A_8 = arith.cmpi ne, %convert_element_type3A, %cond3A : i32
    scf.if %cond3A_8 {
      "tpu.region"() ({
        %run_scoped3A = tpu.sem_alloc : memref<!tpu.dma_semaphore, #tpu.memory_space<semaphore_mem>>
        %dma_start3A_51 = arith.constant 9984 : i32
        %dma_start3A_52 = arith.constant 0 : i32
        %dma_start3A_53 = tpu.memref_slice %arg28[%dma_start3A_51, %dma_start3A_52] : memref<10016x128xf32, #tpu.memory_space<vmem_shared>> -> memref<16x128xf32, #tpu.memory_space<vmem_shared>>
        %dma_start3A_54 = arith.constant 0 : i32
        %dma_start3A_55 = arith.constant 0 : i32
        %dma_start3A_56 = tpu.memref_slice %arg5[%dma_start3A_54, %dma_start3A_55] : memref<624x128xf32, #tpu.memory_space<hbm>> -> memref<16x128xf32, #tpu.memory_space<hbm>>
        tpu.enqueue_dma source(%dma_start3A_56 : memref<16x128xf32, #tpu.memory_space<hbm>>) target(%dma_start3A_53 : memref<16x128xf32, #tpu.memory_space<vmem_shared>>) target_semaphore(%run_scoped3A : memref<!tpu.dma_semaphore, #tpu.memory_space<semaphore_mem>>)
        %dma_wait3A_57 = arith.constant 9984 : i32
        %dma_wait3A_58 = arith.constant 0 : i32
        %dma_wait3A_59 = tpu.memref_slice %arg28[%dma_wait3A_57, %dma_wait3A_58] : memref<10016x128xf32, #tpu.memory_space<vmem_shared>> -> memref<16x128xf32, #tpu.memory_space<vmem_shared>>
        %dma_wait3A_60 = arith.constant 0 : i32
        %dma_wait3A_61 = arith.constant 0 : i32
        %dma_wait3A_62 = tpu.memref_slice %arg5[%dma_wait3A_60, %dma_wait3A_61] : memref<624x128xf32, #tpu.memory_space<hbm>> -> memref<16x128xf32, #tpu.memory_space<hbm>>
        tpu.wait_dma2 semaphore(%run_scoped3A : memref<!tpu.dma_semaphore, #tpu.memory_space<semaphore_mem>>) src(%dma_wait3A_62 : memref<16x128xf32, #tpu.memory_space<hbm>>) dst(%dma_wait3A_59 : memref<16x128xf32, #tpu.memory_space<vmem_shared>>)
        tpu.yield
      }) : () -> ()
    } else {
    }
    %barrier3A = arith.constant 0 : index
    tpu.barrier barrier_id(%barrier3A)
    %add3A_9 = arith.constant 0 : i32
    %add3A_10 = arith.addi %add3A, %add3A_9 : i32
    %add3A_11 = arith.constant 0 : i32
    %add3A_12 = arith.addi %mul3A_6, %add3A_11 : i32
    %dma_start3A = tpu.memref_slice %arg3[%add3A_10] : memref<322560xi32, #tpu.memory_space<hbm>> -> memref<120xi32, #tpu.memory_space<hbm>>
    %dma_start3A_13 = tpu.memref_slice %arg3[%add3A_10] : memref<322560xi32, #tpu.memory_space<hbm>> -> memref<120xi32, #tpu.memory_space<hbm>>
    tpu.enqueue_dma source(%dma_start3A_13 : memref<120xi32, #tpu.memory_space<hbm>>) target(%arg7 : memref<120xi32, #tpu.memory_space<vmem>>) target_semaphore(%arg19 : memref<!tpu.dma_semaphore, #tpu.memory_space<semaphore_mem>>)
    %dma_start3A_14 = tpu.memref_slice %arg4[%add3A_12] : memref<161280xi32, #tpu.memory_space<hbm>> -> memref<120xi32, #tpu.memory_space<hbm>>
    %dma_start3A_15 = tpu.memref_slice %arg4[%add3A_12] : memref<161280xi32, #tpu.memory_space<hbm>> -> memref<120xi32, #tpu.memory_space<hbm>>
    tpu.enqueue_dma source(%dma_start3A_15 : memref<120xi32, #tpu.memory_space<hbm>>) target(%arg10 : memref<120xi32, #tpu.memory_space<vmem>>) target_semaphore(%arg19 : memref<!tpu.dma_semaphore, #tpu.memory_space<semaphore_mem>>)
    %add3A_16 = arith.constant 120 : i32
    %add3A_17 = arith.addi %add3A, %add3A_16 : i32
    %add3A_18 = arith.constant 120 : i32
    %add3A_19 = arith.addi %mul3A_6, %add3A_18 : i32
    %dma_start3A_20 = tpu.memref_slice %arg3[%add3A_17] : memref<322560xi32, #tpu.memory_space<hbm>> -> memref<120xi32, #tpu.memory_space<hbm>>
    %dma_start3A_21 = tpu.memref_slice %arg3[%add3A_17] : memref<322560xi32, #tpu.memory_space<hbm>> -> memref<120xi32, #tpu.memory_space<hbm>>
    tpu.enqueue_dma source(%dma_start3A_21 : memref<120xi32, #tpu.memory_space<hbm>>) target(%arg8 : memref<120xi32, #tpu.memory_space<vmem>>) target_semaphore(%arg20 : memref<!tpu.dma_semaphore, #tpu.memory_space<semaphore_mem>>)
    %dma_start3A_22 = tpu.memref_slice %arg4[%add3A_19] : memref<161280xi32, #tpu.memory_space<hbm>> -> memref<120xi32, #tpu.memory_space<hbm>>
    %dma_start3A_23 = tpu.memref_slice %arg4[%add3A_19] : memref<161280xi32, #tpu.memory_space<hbm>> -> memref<120xi32, #tpu.memory_space<hbm>>
    tpu.enqueue_dma source(%dma_start3A_23 : memref<120xi32, #tpu.memory_space<hbm>>) target(%arg11 : memref<120xi32, #tpu.memory_space<vmem>>) target_semaphore(%arg20 : memref<!tpu.dma_semaphore, #tpu.memory_space<semaphore_mem>>)
    %add3A_24 = arith.constant 240 : i32
    %add3A_25 = arith.addi %add3A, %add3A_24 : i32
    %add3A_26 = arith.constant 240 : i32
    %add3A_27 = arith.addi %mul3A_6, %add3A_26 : i32
    %dma_start3A_28 = tpu.memref_slice %arg3[%add3A_25] : memref<322560xi32, #tpu.memory_space<hbm>> -> memref<120xi32, #tpu.memory_space<hbm>>
    %dma_start3A_29 = tpu.memref_slice %arg3[%add3A_25] : memref<322560xi32, #tpu.memory_space<hbm>> -> memref<120xi32, #tpu.memory_space<hbm>>
    tpu.enqueue_dma source(%dma_start3A_29 : memref<120xi32, #tpu.memory_space<hbm>>) target(%arg9 : memref<120xi32, #tpu.memory_space<vmem>>) target_semaphore(%arg21 : memref<!tpu.dma_semaphore, #tpu.memory_space<semaphore_mem>>)
    %dma_start3A_30 = tpu.memref_slice %arg4[%add3A_27] : memref<161280xi32, #tpu.memory_space<hbm>> -> memref<120xi32, #tpu.memory_space<hbm>>
    %dma_start3A_31 = tpu.memref_slice %arg4[%add3A_27] : memref<161280xi32, #tpu.memory_space<hbm>> -> memref<120xi32, #tpu.memory_space<hbm>>
    tpu.enqueue_dma source(%dma_start3A_31 : memref<120xi32, #tpu.memory_space<hbm>>) target(%arg12 : memref<120xi32, #tpu.memory_space<vmem>>) target_semaphore(%arg21 : memref<!tpu.dma_semaphore, #tpu.memory_space<semaphore_mem>>)
    %scan3A = arith.constant 0 : i32
    %scan3A_32 = arith.constant 0 : i32
    %scan3A_33 = arith.constant 14 : i32
    %scan3A_34 = arith.addi %scan3A_32, %scan3A_33 : i32
    %scan3A_35 = arith.constant 1 : i32
    scf.for %scan3A_51 = %scan3A_32 to %scan3A_34 step %scan3A_35  : i32 {
      %mul3A_52 = arith.constant 2 : i32
      %mul3A_53 = arith.muli %mul3A_52, %scan3A_51 : i32
      %add3A_54 = arith.constant 0 : i32
      %add3A_55 = arith.addi %mul3A_53, %add3A_54 : i32
      %mul3A_56 = arith.constant 3 : i32
      %mul3A_57 = arith.muli %add3A_55, %mul3A_56 : i32
      %gt3A = arith.constant 0 : i32
      %gt3A_58 = arith.cmpi sgt, %scan3A_51, %gt3A : i32
      %convert_element_type3A_59 = arith.extui %gt3A_58 : i1 to i32
      %cond3A_60 = arith.constant 0 : i32
      %cond3A_61 = arith.cmpi ne, %convert_element_type3A_59, %cond3A_60 : i32
      scf.if %cond3A_61 {
        %dma_wait3A_425 = arith.constant 0 : i32
        %dma_wait3A_426 = arith.constant 0 : i32
        %dma_wait3A_427 = tpu.memref_slice %arg28[%dma_wait3A_425, %dma_wait3A_426] : memref<10016x128xf32, #tpu.memory_space<vmem_shared>> -> memref<10016x128xf32, #tpu.memory_space<vmem_shared>>
        tpu.wait_indirect_dma semaphore(%arg25 : memref<!tpu.dma_semaphore, #tpu.memory_space<semaphore_mem>>) src(%arg16 : memref<120x128xf32, #tpu.memory_space<vmem>>) dst(%dma_wait3A_427 : memref<10016x128xf32, #tpu.memory_space<vmem_shared>>)
      } else {
      }
      %add3A_62 = arith.constant 0 : i32
      %add3A_63 = arith.addi %mul3A_57, %add3A_62 : i32
      %mul3A_64 = arith.constant 120 : i32
      %mul3A_65 = arith.muli %add3A_63, %mul3A_64 : i32
      %add3A_66 = arith.addi %add3A, %mul3A_65 : i32
      %mul3A_67 = arith.constant 120 : i32
      %mul3A_68 = arith.muli %add3A_63, %mul3A_67 : i32
      %add3A_69 = arith.addi %mul3A_6, %mul3A_68 : i32
      %dma_wait3A_70 = tpu.memref_slice %arg3[%add3A_66] : memref<322560xi32, #tpu.memory_space<hbm>> -> memref<120xi32, #tpu.memory_space<hbm>>
      %dma_wait3A_71 = tpu.memref_slice %arg3[%add3A_66] : memref<322560xi32, #tpu.memory_space<hbm>> -> memref<120xi32, #tpu.memory_space<hbm>>
      tpu.wait_dma2 semaphore(%arg19 : memref<!tpu.dma_semaphore, #tpu.memory_space<semaphore_mem>>) src(%dma_wait3A_71 : memref<120xi32, #tpu.memory_space<hbm>>) dst(%arg7 : memref<120xi32, #tpu.memory_space<vmem>>)
      %dma_wait3A_72 = tpu.memref_slice %arg4[%add3A_69] : memref<161280xi32, #tpu.memory_space<hbm>> -> memref<120xi32, #tpu.memory_space<hbm>>
      %dma_wait3A_73 = tpu.memref_slice %arg4[%add3A_69] : memref<161280xi32, #tpu.memory_space<hbm>> -> memref<120xi32, #tpu.memory_space<hbm>>
      tpu.wait_dma2 semaphore(%arg19 : memref<!tpu.dma_semaphore, #tpu.memory_space<semaphore_mem>>) src(%dma_wait3A_73 : memref<120xi32, #tpu.memory_space<hbm>>) dst(%arg10 : memref<120xi32, #tpu.memory_space<vmem>>)
      %dma_start3A_74 = arith.constant 0 : i32
      %dma_start3A_75 = arith.constant 0 : i32
      %dma_start3A_76 = tpu.memref_slice %arg16[%dma_start3A_74, %dma_start3A_75] : memref<120x128xf32, #tpu.memory_space<vmem>> -> memref<64x128xf32, #tpu.memory_space<vmem>>
      %dma_start3A_77 = arith.constant 0 : i32
      %dma_start3A_78 = tpu.memref_slice %arg7[%dma_start3A_77] : memref<120xi32, #tpu.memory_space<vmem>> -> memref<64xi32, #tpu.memory_space<vmem>>
      %dma_start3A_79 = arith.constant 0 : i32
      %dma_start3A_80 = arith.constant 0 : i32
      %dma_start3A_81 = tpu.memref_slice %arg2[%dma_start3A_79, %dma_start3A_80] : memref<20000x128xf32, #tpu.memory_space<hbm>> -> memref<20000x128xf32, #tpu.memory_space<hbm>>
      tpu.enqueue_indirect_dma source(%dma_start3A_81 : memref<20000x128xf32, #tpu.memory_space<hbm>>) target(%dma_start3A_76 : memref<64x128xf32, #tpu.memory_space<vmem>>) offsets(%dma_start3A_78 : memref<64xi32, #tpu.memory_space<vmem>>) semaphore(%arg22 : memref<!tpu.dma_semaphore, #tpu.memory_space<semaphore_mem>>)
      %dma_start3A_82 = arith.constant 64 : i32
      %dma_start3A_83 = arith.constant 0 : i32
      %dma_start3A_84 = tpu.memref_slice %arg16[%dma_start3A_82, %dma_start3A_83] : memref<120x128xf32, #tpu.memory_space<vmem>> -> memref<56x128xf32, #tpu.memory_space<vmem>>
      %dma_start3A_85 = arith.constant 64 : i32
      %dma_start3A_86 = tpu.memref_slice %arg7[%dma_start3A_85] : memref<120xi32, #tpu.memory_space<vmem>> -> memref<56xi32, #tpu.memory_space<vmem>>
      %dma_start3A_87 = arith.constant 0 : i32
      %dma_start3A_88 = arith.constant 0 : i32
      %dma_start3A_89 = tpu.memref_slice %arg2[%dma_start3A_87, %dma_start3A_88] : memref<20000x128xf32, #tpu.memory_space<hbm>> -> memref<20000x128xf32, #tpu.memory_space<hbm>>
      tpu.enqueue_indirect_dma source(%dma_start3A_89 : memref<20000x128xf32, #tpu.memory_space<hbm>>) target(%dma_start3A_84 : memref<56x128xf32, #tpu.memory_space<vmem>>) offsets(%dma_start3A_86 : memref<56xi32, #tpu.memory_space<vmem>>) semaphore(%arg22 : memref<!tpu.dma_semaphore, #tpu.memory_space<semaphore_mem>>)
      %gt3A_90 = arith.constant 0 : i32
      %gt3A_91 = arith.cmpi sgt, %scan3A_51, %gt3A_90 : i32
      %convert_element_type3A_92 = arith.extui %gt3A_91 : i1 to i32
      %cond3A_93 = arith.constant 0 : i32
      %cond3A_94 = arith.cmpi ne, %convert_element_type3A_92, %cond3A_93 : i32
      scf.if %cond3A_94 {
        %dma_wait3A_425 = arith.constant 0 : i32
        %dma_wait3A_426 = arith.constant 0 : i32
        %dma_wait3A_427 = tpu.memref_slice %arg28[%dma_wait3A_425, %dma_wait3A_426] : memref<10016x128xf32, #tpu.memory_space<vmem_shared>> -> memref<10016x128xf32, #tpu.memory_space<vmem_shared>>
        tpu.wait_indirect_dma semaphore(%arg26 : memref<!tpu.dma_semaphore, #tpu.memory_space<semaphore_mem>>) src(%arg17 : memref<120x128xf32, #tpu.memory_space<vmem>>) dst(%dma_wait3A_427 : memref<10016x128xf32, #tpu.memory_space<vmem_shared>>)
      } else {
      }
      %add3A_95 = arith.constant 1 : i32
      %add3A_96 = arith.addi %mul3A_57, %add3A_95 : i32
      %mul3A_97 = arith.constant 120 : i32
      %mul3A_98 = arith.muli %add3A_96, %mul3A_97 : i32
      %add3A_99 = arith.addi %add3A, %mul3A_98 : i32
      %mul3A_100 = arith.constant 120 : i32
      %mul3A_101 = arith.muli %add3A_96, %mul3A_100 : i32
      %add3A_102 = arith.addi %mul3A_6, %mul3A_101 : i32
      %dma_wait3A_103 = tpu.memref_slice %arg3[%add3A_99] : memref<322560xi32, #tpu.memory_space<hbm>> -> memref<120xi32, #tpu.memory_space<hbm>>
      %dma_wait3A_104 = tpu.memref_slice %arg3[%add3A_99] : memref<322560xi32, #tpu.memory_space<hbm>> -> memref<120xi32, #tpu.memory_space<hbm>>
      tpu.wait_dma2 semaphore(%arg20 : memref<!tpu.dma_semaphore, #tpu.memory_space<semaphore_mem>>) src(%dma_wait3A_104 : memref<120xi32, #tpu.memory_space<hbm>>) dst(%arg8 : memref<120xi32, #tpu.memory_space<vmem>>)
      %dma_wait3A_105 = tpu.memref_slice %arg4[%add3A_102] : memref<161280xi32, #tpu.memory_space<hbm>> -> memref<120xi32, #tpu.memory_space<hbm>>
      %dma_wait3A_106 = tpu.memref_slice %arg4[%add3A_102] : memref<161280xi32, #tpu.memory_space<hbm>> -> memref<120xi32, #tpu.memory_space<hbm>>
      tpu.wait_dma2 semaphore(%arg20 : memref<!tpu.dma_semaphore, #tpu.memory_space<semaphore_mem>>) src(%dma_wait3A_106 : memref<120xi32, #tpu.memory_space<hbm>>) dst(%arg11 : memref<120xi32, #tpu.memory_space<vmem>>)
      %dma_start3A_107 = arith.constant 0 : i32
      %dma_start3A_108 = arith.constant 0 : i32
      %dma_start3A_109 = tpu.memref_slice %arg17[%dma_start3A_107, %dma_start3A_108] : memref<120x128xf32, #tpu.memory_space<vmem>> -> memref<64x128xf32, #tpu.memory_space<vmem>>
      %dma_start3A_110 = arith.constant 0 : i32
      %dma_start3A_111 = tpu.memref_slice %arg8[%dma_start3A_110] : memref<120xi32, #tpu.memory_space<vmem>> -> memref<64xi32, #tpu.memory_space<vmem>>
      %dma_start3A_112 = arith.constant 0 : i32
      %dma_start3A_113 = arith.constant 0 : i32
      %dma_start3A_114 = tpu.memref_slice %arg2[%dma_start3A_112, %dma_start3A_113] : memref<20000x128xf32, #tpu.memory_space<hbm>> -> memref<20000x128xf32, #tpu.memory_space<hbm>>
      tpu.enqueue_indirect_dma source(%dma_start3A_114 : memref<20000x128xf32, #tpu.memory_space<hbm>>) target(%dma_start3A_109 : memref<64x128xf32, #tpu.memory_space<vmem>>) offsets(%dma_start3A_111 : memref<64xi32, #tpu.memory_space<vmem>>) semaphore(%arg23 : memref<!tpu.dma_semaphore, #tpu.memory_space<semaphore_mem>>)
      %dma_start3A_115 = arith.constant 64 : i32
      %dma_start3A_116 = arith.constant 0 : i32
      %dma_start3A_117 = tpu.memref_slice %arg17[%dma_start3A_115, %dma_start3A_116] : memref<120x128xf32, #tpu.memory_space<vmem>> -> memref<56x128xf32, #tpu.memory_space<vmem>>
      %dma_start3A_118 = arith.constant 64 : i32
      %dma_start3A_119 = tpu.memref_slice %arg8[%dma_start3A_118] : memref<120xi32, #tpu.memory_space<vmem>> -> memref<56xi32, #tpu.memory_space<vmem>>
      %dma_start3A_120 = arith.constant 0 : i32
      %dma_start3A_121 = arith.constant 0 : i32
      %dma_start3A_122 = tpu.memref_slice %arg2[%dma_start3A_120, %dma_start3A_121] : memref<20000x128xf32, #tpu.memory_space<hbm>> -> memref<20000x128xf32, #tpu.memory_space<hbm>>
      tpu.enqueue_indirect_dma source(%dma_start3A_122 : memref<20000x128xf32, #tpu.memory_space<hbm>>) target(%dma_start3A_117 : memref<56x128xf32, #tpu.memory_space<vmem>>) offsets(%dma_start3A_119 : memref<56xi32, #tpu.memory_space<vmem>>) semaphore(%arg23 : memref<!tpu.dma_semaphore, #tpu.memory_space<semaphore_mem>>)
      %gt3A_123 = arith.constant 0 : i32
      %gt3A_124 = arith.cmpi sgt, %scan3A_51, %gt3A_123 : i32
      %convert_element_type3A_125 = arith.extui %gt3A_124 : i1 to i32
      %cond3A_126 = arith.constant 0 : i32
      %cond3A_127 = arith.cmpi ne, %convert_element_type3A_125, %cond3A_126 : i32
      scf.if %cond3A_127 {
        %dma_wait3A_425 = arith.constant 0 : i32
        %dma_wait3A_426 = arith.constant 0 : i32
        %dma_wait3A_427 = tpu.memref_slice %arg28[%dma_wait3A_425, %dma_wait3A_426] : memref<10016x128xf32, #tpu.memory_space<vmem_shared>> -> memref<10016x128xf32, #tpu.memory_space<vmem_shared>>
        tpu.wait_indirect_dma semaphore(%arg27 : memref<!tpu.dma_semaphore, #tpu.memory_space<semaphore_mem>>) src(%arg18 : memref<120x128xf32, #tpu.memory_space<vmem>>) dst(%dma_wait3A_427 : memref<10016x128xf32, #tpu.memory_space<vmem_shared>>)
      } else {
      }
      %add3A_128 = arith.constant 2 : i32
      %add3A_129 = arith.addi %mul3A_57, %add3A_128 : i32
      %mul3A_130 = arith.constant 120 : i32
      %mul3A_131 = arith.muli %add3A_129, %mul3A_130 : i32
      %add3A_132 = arith.addi %add3A, %mul3A_131 : i32
      %mul3A_133 = arith.constant 120 : i32
      %mul3A_134 = arith.muli %add3A_129, %mul3A_133 : i32
      %add3A_135 = arith.addi %mul3A_6, %mul3A_134 : i32
      %dma_wait3A_136 = tpu.memref_slice %arg3[%add3A_132] : memref<322560xi32, #tpu.memory_space<hbm>> -> memref<120xi32, #tpu.memory_space<hbm>>
      %dma_wait3A_137 = tpu.memref_slice %arg3[%add3A_132] : memref<322560xi32, #tpu.memory_space<hbm>> -> memref<120xi32, #tpu.memory_space<hbm>>
      tpu.wait_dma2 semaphore(%arg21 : memref<!tpu.dma_semaphore, #tpu.memory_space<semaphore_mem>>) src(%dma_wait3A_137 : memref<120xi32, #tpu.memory_space<hbm>>) dst(%arg9 : memref<120xi32, #tpu.memory_space<vmem>>)
      %dma_wait3A_138 = tpu.memref_slice %arg4[%add3A_135] : memref<161280xi32, #tpu.memory_space<hbm>> -> memref<120xi32, #tpu.memory_space<hbm>>
      %dma_wait3A_139 = tpu.memref_slice %arg4[%add3A_135] : memref<161280xi32, #tpu.memory_space<hbm>> -> memref<120xi32, #tpu.memory_space<hbm>>
      tpu.wait_dma2 semaphore(%arg21 : memref<!tpu.dma_semaphore, #tpu.memory_space<semaphore_mem>>) src(%dma_wait3A_139 : memref<120xi32, #tpu.memory_space<hbm>>) dst(%arg12 : memref<120xi32, #tpu.memory_space<vmem>>)
      %dma_start3A_140 = arith.constant 0 : i32
      %dma_start3A_141 = arith.constant 0 : i32
      %dma_start3A_142 = tpu.memref_slice %arg18[%dma_start3A_140, %dma_start3A_141] : memref<120x128xf32, #tpu.memory_space<vmem>> -> memref<64x128xf32, #tpu.memory_space<vmem>>
      %dma_start3A_143 = arith.constant 0 : i32
      %dma_start3A_144 = tpu.memref_slice %arg9[%dma_start3A_143] : memref<120xi32, #tpu.memory_space<vmem>> -> memref<64xi32, #tpu.memory_space<vmem>>
      %dma_start3A_145 = arith.constant 0 : i32
      %dma_start3A_146 = arith.constant 0 : i32
      %dma_start3A_147 = tpu.memref_slice %arg2[%dma_start3A_145, %dma_start3A_146] : memref<20000x128xf32, #tpu.memory_space<hbm>> -> memref<20000x128xf32, #tpu.memory_space<hbm>>
      tpu.enqueue_indirect_dma source(%dma_start3A_147 : memref<20000x128xf32, #tpu.memory_space<hbm>>) target(%dma_start3A_142 : memref<64x128xf32, #tpu.memory_space<vmem>>) offsets(%dma_start3A_144 : memref<64xi32, #tpu.memory_space<vmem>>) semaphore(%arg24 : memref<!tpu.dma_semaphore, #tpu.memory_space<semaphore_mem>>)
      %dma_start3A_148 = arith.constant 64 : i32
      %dma_start3A_149 = arith.constant 0 : i32
      %dma_start3A_150 = tpu.memref_slice %arg18[%dma_start3A_148, %dma_start3A_149] : memref<120x128xf32, #tpu.memory_space<vmem>> -> memref<56x128xf32, #tpu.memory_space<vmem>>
      %dma_start3A_151 = arith.constant 64 : i32
      %dma_start3A_152 = tpu.memref_slice %arg9[%dma_start3A_151] : memref<120xi32, #tpu.memory_space<vmem>> -> memref<56xi32, #tpu.memory_space<vmem>>
      %dma_start3A_153 = arith.constant 0 : i32
      %dma_start3A_154 = arith.constant 0 : i32
      %dma_start3A_155 = tpu.memref_slice %arg2[%dma_start3A_153, %dma_start3A_154] : memref<20000x128xf32, #tpu.memory_space<hbm>> -> memref<20000x128xf32, #tpu.memory_space<hbm>>
      tpu.enqueue_indirect_dma source(%dma_start3A_155 : memref<20000x128xf32, #tpu.memory_space<hbm>>) target(%dma_start3A_150 : memref<56x128xf32, #tpu.memory_space<vmem>>) offsets(%dma_start3A_152 : memref<56xi32, #tpu.memory_space<vmem>>) semaphore(%arg24 : memref<!tpu.dma_semaphore, #tpu.memory_space<semaphore_mem>>)
      %dma_wait3A_156 = arith.constant 0 : i32
      %dma_wait3A_157 = arith.constant 0 : i32
      %dma_wait3A_158 = tpu.memref_slice %arg16[%dma_wait3A_156, %dma_wait3A_157] : memref<120x128xf32, #tpu.memory_space<vmem>> -> memref<64x128xf32, #tpu.memory_space<vmem>>
      %dma_wait3A_159 = arith.constant 0 : i32
      %dma_wait3A_160 = tpu.memref_slice %arg7[%dma_wait3A_159] : memref<120xi32, #tpu.memory_space<vmem>> -> memref<64xi32, #tpu.memory_space<vmem>>
      %dma_wait3A_161 = arith.constant 0 : i32
      %dma_wait3A_162 = arith.constant 0 : i32
      %dma_wait3A_163 = tpu.memref_slice %arg2[%dma_wait3A_161, %dma_wait3A_162] : memref<20000x128xf32, #tpu.memory_space<hbm>> -> memref<20000x128xf32, #tpu.memory_space<hbm>>
      tpu.wait_indirect_dma semaphore(%arg22 : memref<!tpu.dma_semaphore, #tpu.memory_space<semaphore_mem>>) src(%dma_wait3A_163 : memref<20000x128xf32, #tpu.memory_space<hbm>>) dst(%dma_wait3A_158 : memref<64x128xf32, #tpu.memory_space<vmem>>)
      %dma_wait3A_164 = arith.constant 64 : i32
      %dma_wait3A_165 = arith.constant 0 : i32
      %dma_wait3A_166 = tpu.memref_slice %arg16[%dma_wait3A_164, %dma_wait3A_165] : memref<120x128xf32, #tpu.memory_space<vmem>> -> memref<56x128xf32, #tpu.memory_space<vmem>>
      %dma_wait3A_167 = arith.constant 64 : i32
      %dma_wait3A_168 = tpu.memref_slice %arg7[%dma_wait3A_167] : memref<120xi32, #tpu.memory_space<vmem>> -> memref<56xi32, #tpu.memory_space<vmem>>
      %dma_wait3A_169 = arith.constant 0 : i32
      %dma_wait3A_170 = arith.constant 0 : i32
      %dma_wait3A_171 = tpu.memref_slice %arg2[%dma_wait3A_169, %dma_wait3A_170] : memref<20000x128xf32, #tpu.memory_space<hbm>> -> memref<20000x128xf32, #tpu.memory_space<hbm>>
      tpu.wait_indirect_dma semaphore(%arg22 : memref<!tpu.dma_semaphore, #tpu.memory_space<semaphore_mem>>) src(%dma_wait3A_171 : memref<20000x128xf32, #tpu.memory_space<hbm>>) dst(%dma_wait3A_166 : memref<56x128xf32, #tpu.memory_space<vmem>>)
      %add3A_172 = arith.constant 3 : i32
      %add3A_173 = arith.addi %mul3A_57, %add3A_172 : i32
      %add3A_174 = arith.constant 0 : i32
      %add3A_175 = arith.addi %add3A_173, %add3A_174 : i32
      %mul3A_176 = arith.constant 120 : i32
      %mul3A_177 = arith.muli %add3A_175, %mul3A_176 : i32
      %add3A_178 = arith.addi %add3A, %mul3A_177 : i32
      %mul3A_179 = arith.constant 120 : i32
      %mul3A_180 = arith.muli %add3A_175, %mul3A_179 : i32
      %add3A_181 = arith.addi %mul3A_6, %mul3A_180 : i32
      %dma_start3A_182 = tpu.memref_slice %arg3[%add3A_178] : memref<322560xi32, #tpu.memory_space<hbm>> -> memref<120xi32, #tpu.memory_space<hbm>>
      %dma_start3A_183 = tpu.memref_slice %arg3[%add3A_178] : memref<322560xi32, #tpu.memory_space<hbm>> -> memref<120xi32, #tpu.memory_space<hbm>>
      tpu.enqueue_dma source(%dma_start3A_183 : memref<120xi32, #tpu.memory_space<hbm>>) target(%arg7 : memref<120xi32, #tpu.memory_space<vmem>>) target_semaphore(%arg19 : memref<!tpu.dma_semaphore, #tpu.memory_space<semaphore_mem>>)
      %dma_start3A_184 = tpu.memref_slice %arg4[%add3A_181] : memref<161280xi32, #tpu.memory_space<hbm>> -> memref<120xi32, #tpu.memory_space<hbm>>
      %dma_start3A_185 = tpu.memref_slice %arg4[%add3A_181] : memref<161280xi32, #tpu.memory_space<hbm>> -> memref<120xi32, #tpu.memory_space<hbm>>
      tpu.enqueue_dma source(%dma_start3A_185 : memref<120xi32, #tpu.memory_space<hbm>>) target(%arg13 : memref<120xi32, #tpu.memory_space<vmem>>) target_semaphore(%arg19 : memref<!tpu.dma_semaphore, #tpu.memory_space<semaphore_mem>>)
      %dma_start3A_186 = arith.constant 0 : i32
      %dma_start3A_187 = arith.constant 0 : i32
      %dma_start3A_188 = tpu.memref_slice %arg28[%dma_start3A_186, %dma_start3A_187] : memref<10016x128xf32, #tpu.memory_space<vmem_shared>> -> memref<10016x128xf32, #tpu.memory_space<vmem_shared>>
      tpu.enqueue_indirect_dma source(%arg16 : memref<120x128xf32, #tpu.memory_space<vmem>>) target(%dma_start3A_188 : memref<10016x128xf32, #tpu.memory_space<vmem_shared>>) offsets(%arg10 : memref<120xi32, #tpu.memory_space<vmem>>) semaphore(%arg25 : memref<!tpu.dma_semaphore, #tpu.memory_space<semaphore_mem>>) {add = true}
      %dma_wait3A_189 = arith.constant 0 : i32
      %dma_wait3A_190 = arith.constant 0 : i32
      %dma_wait3A_191 = tpu.memref_slice %arg17[%dma_wait3A_189, %dma_wait3A_190] : memref<120x128xf32, #tpu.memory_space<vmem>> -> memref<64x128xf32, #tpu.memory_space<vmem>>
      %dma_wait3A_192 = arith.constant 0 : i32
      %dma_wait3A_193 = tpu.memref_slice %arg8[%dma_wait3A_192] : memref<120xi32, #tpu.memory_space<vmem>> -> memref<64xi32, #tpu.memory_space<vmem>>
      %dma_wait3A_194 = arith.constant 0 : i32
      %dma_wait3A_195 = arith.constant 0 : i32
      %dma_wait3A_196 = tpu.memref_slice %arg2[%dma_wait3A_194, %dma_wait3A_195] : memref<20000x128xf32, #tpu.memory_space<hbm>> -> memref<20000x128xf32, #tpu.memory_space<hbm>>
      tpu.wait_indirect_dma semaphore(%arg23 : memref<!tpu.dma_semaphore, #tpu.memory_space<semaphore_mem>>) src(%dma_wait3A_196 : memref<20000x128xf32, #tpu.memory_space<hbm>>) dst(%dma_wait3A_191 : memref<64x128xf32, #tpu.memory_space<vmem>>)
      %dma_wait3A_197 = arith.constant 64 : i32
      %dma_wait3A_198 = arith.constant 0 : i32
      %dma_wait3A_199 = tpu.memref_slice %arg17[%dma_wait3A_197, %dma_wait3A_198] : memref<120x128xf32, #tpu.memory_space<vmem>> -> memref<56x128xf32, #tpu.memory_space<vmem>>
      %dma_wait3A_200 = arith.constant 64 : i32
      %dma_wait3A_201 = tpu.memref_slice %arg8[%dma_wait3A_200] : memref<120xi32, #tpu.memory_space<vmem>> -> memref<56xi32, #tpu.memory_space<vmem>>
      %dma_wait3A_202 = arith.constant 0 : i32
      %dma_wait3A_203 = arith.constant 0 : i32
      %dma_wait3A_204 = tpu.memref_slice %arg2[%dma_wait3A_202, %dma_wait3A_203] : memref<20000x128xf32, #tpu.memory_space<hbm>> -> memref<20000x128xf32, #tpu.memory_space<hbm>>
      tpu.wait_indirect_dma semaphore(%arg23 : memref<!tpu.dma_semaphore, #tpu.memory_space<semaphore_mem>>) src(%dma_wait3A_204 : memref<20000x128xf32, #tpu.memory_space<hbm>>) dst(%dma_wait3A_199 : memref<56x128xf32, #tpu.memory_space<vmem>>)
      %add3A_205 = arith.constant 3 : i32
      %add3A_206 = arith.addi %mul3A_57, %add3A_205 : i32
      %add3A_207 = arith.constant 1 : i32
      %add3A_208 = arith.addi %add3A_206, %add3A_207 : i32
      %mul3A_209 = arith.constant 120 : i32
      %mul3A_210 = arith.muli %add3A_208, %mul3A_209 : i32
      %add3A_211 = arith.addi %add3A, %mul3A_210 : i32
      %mul3A_212 = arith.constant 120 : i32
      %mul3A_213 = arith.muli %add3A_208, %mul3A_212 : i32
      %add3A_214 = arith.addi %mul3A_6, %mul3A_213 : i32
      %dma_start3A_215 = tpu.memref_slice %arg3[%add3A_211] : memref<322560xi32, #tpu.memory_space<hbm>> -> memref<120xi32, #tpu.memory_space<hbm>>
      %dma_start3A_216 = tpu.memref_slice %arg3[%add3A_211] : memref<322560xi32, #tpu.memory_space<hbm>> -> memref<120xi32, #tpu.memory_space<hbm>>
      tpu.enqueue_dma source(%dma_start3A_216 : memref<120xi32, #tpu.memory_space<hbm>>) target(%arg8 : memref<120xi32, #tpu.memory_space<vmem>>) target_semaphore(%arg20 : memref<!tpu.dma_semaphore, #tpu.memory_space<semaphore_mem>>)
      %dma_start3A_217 = tpu.memref_slice %arg4[%add3A_214] : memref<161280xi32, #tpu.memory_space<hbm>> -> memref<120xi32, #tpu.memory_space<hbm>>
      %dma_start3A_218 = tpu.memref_slice %arg4[%add3A_214] : memref<161280xi32, #tpu.memory_space<hbm>> -> memref<120xi32, #tpu.memory_space<hbm>>
      tpu.enqueue_dma source(%dma_start3A_218 : memref<120xi32, #tpu.memory_space<hbm>>) target(%arg14 : memref<120xi32, #tpu.memory_space<vmem>>) target_semaphore(%arg20 : memref<!tpu.dma_semaphore, #tpu.memory_space<semaphore_mem>>)
      %dma_start3A_219 = arith.constant 0 : i32
      %dma_start3A_220 = arith.constant 0 : i32
      %dma_start3A_221 = tpu.memref_slice %arg28[%dma_start3A_219, %dma_start3A_220] : memref<10016x128xf32, #tpu.memory_space<vmem_shared>> -> memref<10016x128xf32, #tpu.memory_space<vmem_shared>>
      tpu.enqueue_indirect_dma source(%arg17 : memref<120x128xf32, #tpu.memory_space<vmem>>) target(%dma_start3A_221 : memref<10016x128xf32, #tpu.memory_space<vmem_shared>>) offsets(%arg11 : memref<120xi32, #tpu.memory_space<vmem>>) semaphore(%arg26 : memref<!tpu.dma_semaphore, #tpu.memory_space<semaphore_mem>>) {add = true}
      %dma_wait3A_222 = arith.constant 0 : i32
      %dma_wait3A_223 = arith.constant 0 : i32
      %dma_wait3A_224 = tpu.memref_slice %arg18[%dma_wait3A_222, %dma_wait3A_223] : memref<120x128xf32, #tpu.memory_space<vmem>> -> memref<64x128xf32, #tpu.memory_space<vmem>>
      %dma_wait3A_225 = arith.constant 0 : i32
      %dma_wait3A_226 = tpu.memref_slice %arg9[%dma_wait3A_225] : memref<120xi32, #tpu.memory_space<vmem>> -> memref<64xi32, #tpu.memory_space<vmem>>
      %dma_wait3A_227 = arith.constant 0 : i32
      %dma_wait3A_228 = arith.constant 0 : i32
      %dma_wait3A_229 = tpu.memref_slice %arg2[%dma_wait3A_227, %dma_wait3A_228] : memref<20000x128xf32, #tpu.memory_space<hbm>> -> memref<20000x128xf32, #tpu.memory_space<hbm>>
      tpu.wait_indirect_dma semaphore(%arg24 : memref<!tpu.dma_semaphore, #tpu.memory_space<semaphore_mem>>) src(%dma_wait3A_229 : memref<20000x128xf32, #tpu.memory_space<hbm>>) dst(%dma_wait3A_224 : memref<64x128xf32, #tpu.memory_space<vmem>>)
      %dma_wait3A_230 = arith.constant 64 : i32
      %dma_wait3A_231 = arith.constant 0 : i32
      %dma_wait3A_232 = tpu.memref_slice %arg18[%dma_wait3A_230, %dma_wait3A_231] : memref<120x128xf32, #tpu.memory_space<vmem>> -> memref<56x128xf32, #tpu.memory_space<vmem>>
      %dma_wait3A_233 = arith.constant 64 : i32
      %dma_wait3A_234 = tpu.memref_slice %arg9[%dma_wait3A_233] : memref<120xi32, #tpu.memory_space<vmem>> -> memref<56xi32, #tpu.memory_space<vmem>>
      %dma_wait3A_235 = arith.constant 0 : i32
      %dma_wait3A_236 = arith.constant 0 : i32
      %dma_wait3A_237 = tpu.memref_slice %arg2[%dma_wait3A_235, %dma_wait3A_236] : memref<20000x128xf32, #tpu.memory_space<hbm>> -> memref<20000x128xf32, #tpu.memory_space<hbm>>
      tpu.wait_indirect_dma semaphore(%arg24 : memref<!tpu.dma_semaphore, #tpu.memory_space<semaphore_mem>>) src(%dma_wait3A_237 : memref<20000x128xf32, #tpu.memory_space<hbm>>) dst(%dma_wait3A_232 : memref<56x128xf32, #tpu.memory_space<vmem>>)
      %add3A_238 = arith.constant 3 : i32
      %add3A_239 = arith.addi %mul3A_57, %add3A_238 : i32
      %add3A_240 = arith.constant 2 : i32
      %add3A_241 = arith.addi %add3A_239, %add3A_240 : i32
      %mul3A_242 = arith.constant 120 : i32
      %mul3A_243 = arith.muli %add3A_241, %mul3A_242 : i32
      %add3A_244 = arith.addi %add3A, %mul3A_243 : i32
      %mul3A_245 = arith.constant 120 : i32
      %mul3A_246 = arith.muli %add3A_241, %mul3A_245 : i32
      %add3A_247 = arith.addi %mul3A_6, %mul3A_246 : i32
      %dma_start3A_248 = tpu.memref_slice %arg3[%add3A_244] : memref<322560xi32, #tpu.memory_space<hbm>> -> memref<120xi32, #tpu.memory_space<hbm>>
      %dma_start3A_249 = tpu.memref_slice %arg3[%add3A_244] : memref<322560xi32, #tpu.memory_space<hbm>> -> memref<120xi32, #tpu.memory_space<hbm>>
      tpu.enqueue_dma source(%dma_start3A_249 : memref<120xi32, #tpu.memory_space<hbm>>) target(%arg9 : memref<120xi32, #tpu.memory_space<vmem>>) target_semaphore(%arg21 : memref<!tpu.dma_semaphore, #tpu.memory_space<semaphore_mem>>)
      %dma_start3A_250 = tpu.memref_slice %arg4[%add3A_247] : memref<161280xi32, #tpu.memory_space<hbm>> -> memref<120xi32, #tpu.memory_space<hbm>>
      %dma_start3A_251 = tpu.memref_slice %arg4[%add3A_247] : memref<161280xi32, #tpu.memory_space<hbm>> -> memref<120xi32, #tpu.memory_space<hbm>>
      tpu.enqueue_dma source(%dma_start3A_251 : memref<120xi32, #tpu.memory_space<hbm>>) target(%arg15 : memref<120xi32, #tpu.memory_space<vmem>>) target_semaphore(%arg21 : memref<!tpu.dma_semaphore, #tpu.memory_space<semaphore_mem>>)
      %dma_start3A_252 = arith.constant 0 : i32
      %dma_start3A_253 = arith.constant 0 : i32
      %dma_start3A_254 = tpu.memref_slice %arg28[%dma_start3A_252, %dma_start3A_253] : memref<10016x128xf32, #tpu.memory_space<vmem_shared>> -> memref<10016x128xf32, #tpu.memory_space<vmem_shared>>
      tpu.enqueue_indirect_dma source(%arg18 : memref<120x128xf32, #tpu.memory_space<vmem>>) target(%dma_start3A_254 : memref<10016x128xf32, #tpu.memory_space<vmem_shared>>) offsets(%arg12 : memref<120xi32, #tpu.memory_space<vmem>>) semaphore(%arg27 : memref<!tpu.dma_semaphore, #tpu.memory_space<semaphore_mem>>) {add = true}
      %mul3A_255 = arith.constant 2 : i32
      %mul3A_256 = arith.muli %mul3A_255, %scan3A_51 : i32
      %add3A_257 = arith.constant 1 : i32
      %add3A_258 = arith.addi %mul3A_256, %add3A_257 : i32
      %mul3A_259 = arith.constant 3 : i32
      %mul3A_260 = arith.muli %add3A_258, %mul3A_259 : i32
      %dma_wait3A_261 = arith.constant 0 : i32
      %dma_wait3A_262 = arith.constant 0 : i32
      %dma_wait3A_263 = tpu.memref_slice %arg28[%dma_wait3A_261, %dma_wait3A_262] : memref<10016x128xf32, #tpu.memory_space<vmem_shared>> -> memref<10016x128xf32, #tpu.memory_space<vmem_shared>>
      tpu.wait_indirect_dma semaphore(%arg25 : memref<!tpu.dma_semaphore, #tpu.memory_space<semaphore_mem>>) src(%arg16 : memref<120x128xf32, #tpu.memory_space<vmem>>) dst(%dma_wait3A_263 : memref<10016x128xf32, #tpu.memory_space<vmem_shared>>)
      %add3A_264 = arith.constant 0 : i32
      %add3A_265 = arith.addi %mul3A_260, %add3A_264 : i32
      %mul3A_266 = arith.constant 120 : i32
      %mul3A_267 = arith.muli %add3A_265, %mul3A_266 : i32
      %add3A_268 = arith.addi %add3A, %mul3A_267 : i32
      %mul3A_269 = arith.constant 120 : i32
      %mul3A_270 = arith.muli %add3A_265, %mul3A_269 : i32
      %add3A_271 = arith.addi %mul3A_6, %mul3A_270 : i32
      %dma_wait3A_272 = tpu.memref_slice %arg3[%add3A_268] : memref<322560xi32, #tpu.memory_space<hbm>> -> memref<120xi32, #tpu.memory_space<hbm>>
      %dma_wait3A_273 = tpu.memref_slice %arg3[%add3A_268] : memref<322560xi32, #tpu.memory_space<hbm>> -> memref<120xi32, #tpu.memory_space<hbm>>
      tpu.wait_dma2 semaphore(%arg19 : memref<!tpu.dma_semaphore, #tpu.memory_space<semaphore_mem>>) src(%dma_wait3A_273 : memref<120xi32, #tpu.memory_space<hbm>>) dst(%arg7 : memref<120xi32, #tpu.memory_space<vmem>>)
      %dma_wait3A_274 = tpu.memref_slice %arg4[%add3A_271] : memref<161280xi32, #tpu.memory_space<hbm>> -> memref<120xi32, #tpu.memory_space<hbm>>
      %dma_wait3A_275 = tpu.memref_slice %arg4[%add3A_271] : memref<161280xi32, #tpu.memory_space<hbm>> -> memref<120xi32, #tpu.memory_space<hbm>>
      tpu.wait_dma2 semaphore(%arg19 : memref<!tpu.dma_semaphore, #tpu.memory_space<semaphore_mem>>) src(%dma_wait3A_275 : memref<120xi32, #tpu.memory_space<hbm>>) dst(%arg13 : memref<120xi32, #tpu.memory_space<vmem>>)
      %dma_start3A_276 = arith.constant 0 : i32
      %dma_start3A_277 = arith.constant 0 : i32
      %dma_start3A_278 = tpu.memref_slice %arg16[%dma_start3A_276, %dma_start3A_277] : memref<120x128xf32, #tpu.memory_space<vmem>> -> memref<64x128xf32, #tpu.memory_space<vmem>>
      %dma_start3A_279 = arith.constant 0 : i32
      %dma_start3A_280 = tpu.memref_slice %arg7[%dma_start3A_279] : memref<120xi32, #tpu.memory_space<vmem>> -> memref<64xi32, #tpu.memory_space<vmem>>
      %dma_start3A_281 = arith.constant 0 : i32
      %dma_start3A_282 = arith.constant 0 : i32
      %dma_start3A_283 = tpu.memref_slice %arg2[%dma_start3A_281, %dma_start3A_282] : memref<20000x128xf32, #tpu.memory_space<hbm>> -> memref<20000x128xf32, #tpu.memory_space<hbm>>
      tpu.enqueue_indirect_dma source(%dma_start3A_283 : memref<20000x128xf32, #tpu.memory_space<hbm>>) target(%dma_start3A_278 : memref<64x128xf32, #tpu.memory_space<vmem>>) offsets(%dma_start3A_280 : memref<64xi32, #tpu.memory_space<vmem>>) semaphore(%arg22 : memref<!tpu.dma_semaphore, #tpu.memory_space<semaphore_mem>>)
      %dma_start3A_284 = arith.constant 64 : i32
      %dma_start3A_285 = arith.constant 0 : i32
      %dma_start3A_286 = tpu.memref_slice %arg16[%dma_start3A_284, %dma_start3A_285] : memref<120x128xf32, #tpu.memory_space<vmem>> -> memref<56x128xf32, #tpu.memory_space<vmem>>
      %dma_start3A_287 = arith.constant 64 : i32
      %dma_start3A_288 = tpu.memref_slice %arg7[%dma_start3A_287] : memref<120xi32, #tpu.memory_space<vmem>> -> memref<56xi32, #tpu.memory_space<vmem>>
      %dma_start3A_289 = arith.constant 0 : i32
      %dma_start3A_290 = arith.constant 0 : i32
      %dma_start3A_291 = tpu.memref_slice %arg2[%dma_start3A_289, %dma_start3A_290] : memref<20000x128xf32, #tpu.memory_space<hbm>> -> memref<20000x128xf32, #tpu.memory_space<hbm>>
      tpu.enqueue_indirect_dma source(%dma_start3A_291 : memref<20000x128xf32, #tpu.memory_space<hbm>>) target(%dma_start3A_286 : memref<56x128xf32, #tpu.memory_space<vmem>>) offsets(%dma_start3A_288 : memref<56xi32, #tpu.memory_space<vmem>>) semaphore(%arg22 : memref<!tpu.dma_semaphore, #tpu.memory_space<semaphore_mem>>)
      %dma_wait3A_292 = arith.constant 0 : i32
      %dma_wait3A_293 = arith.constant 0 : i32
      %dma_wait3A_294 = tpu.memref_slice %arg28[%dma_wait3A_292, %dma_wait3A_293] : memref<10016x128xf32, #tpu.memory_space<vmem_shared>> -> memref<10016x128xf32, #tpu.memory_space<vmem_shared>>
      tpu.wait_indirect_dma semaphore(%arg26 : memref<!tpu.dma_semaphore, #tpu.memory_space<semaphore_mem>>) src(%arg17 : memref<120x128xf32, #tpu.memory_space<vmem>>) dst(%dma_wait3A_294 : memref<10016x128xf32, #tpu.memory_space<vmem_shared>>)
      %add3A_295 = arith.constant 1 : i32
      %add3A_296 = arith.addi %mul3A_260, %add3A_295 : i32
      %mul3A_297 = arith.constant 120 : i32
      %mul3A_298 = arith.muli %add3A_296, %mul3A_297 : i32
      %add3A_299 = arith.addi %add3A, %mul3A_298 : i32
      %mul3A_300 = arith.constant 120 : i32
      %mul3A_301 = arith.muli %add3A_296, %mul3A_300 : i32
      %add3A_302 = arith.addi %mul3A_6, %mul3A_301 : i32
      %dma_wait3A_303 = tpu.memref_slice %arg3[%add3A_299] : memref<322560xi32, #tpu.memory_space<hbm>> -> memref<120xi32, #tpu.memory_space<hbm>>
      %dma_wait3A_304 = tpu.memref_slice %arg3[%add3A_299] : memref<322560xi32, #tpu.memory_space<hbm>> -> memref<120xi32, #tpu.memory_space<hbm>>
      tpu.wait_dma2 semaphore(%arg20 : memref<!tpu.dma_semaphore, #tpu.memory_space<semaphore_mem>>) src(%dma_wait3A_304 : memref<120xi32, #tpu.memory_space<hbm>>) dst(%arg8 : memref<120xi32, #tpu.memory_space<vmem>>)
      %dma_wait3A_305 = tpu.memref_slice %arg4[%add3A_302] : memref<161280xi32, #tpu.memory_space<hbm>> -> memref<120xi32, #tpu.memory_space<hbm>>
      %dma_wait3A_306 = tpu.memref_slice %arg4[%add3A_302] : memref<161280xi32, #tpu.memory_space<hbm>> -> memref<120xi32, #tpu.memory_space<hbm>>
      tpu.wait_dma2 semaphore(%arg20 : memref<!tpu.dma_semaphore, #tpu.memory_space<semaphore_mem>>) src(%dma_wait3A_306 : memref<120xi32, #tpu.memory_space<hbm>>) dst(%arg14 : memref<120xi32, #tpu.memory_space<vmem>>)
      %dma_start3A_307 = arith.constant 0 : i32
      %dma_start3A_308 = arith.constant 0 : i32
      %dma_start3A_309 = tpu.memref_slice %arg17[%dma_start3A_307, %dma_start3A_308] : memref<120x128xf32, #tpu.memory_space<vmem>> -> memref<64x128xf32, #tpu.memory_space<vmem>>
      %dma_start3A_310 = arith.constant 0 : i32
      %dma_start3A_311 = tpu.memref_slice %arg8[%dma_start3A_310] : memref<120xi32, #tpu.memory_space<vmem>> -> memref<64xi32, #tpu.memory_space<vmem>>
      %dma_start3A_312 = arith.constant 0 : i32
      %dma_start3A_313 = arith.constant 0 : i32
      %dma_start3A_314 = tpu.memref_slice %arg2[%dma_start3A_312, %dma_start3A_313] : memref<20000x128xf32, #tpu.memory_space<hbm>> -> memref<20000x128xf32, #tpu.memory_space<hbm>>
      tpu.enqueue_indirect_dma source(%dma_start3A_314 : memref<20000x128xf32, #tpu.memory_space<hbm>>) target(%dma_start3A_309 : memref<64x128xf32, #tpu.memory_space<vmem>>) offsets(%dma_start3A_311 : memref<64xi32, #tpu.memory_space<vmem>>) semaphore(%arg23 : memref<!tpu.dma_semaphore, #tpu.memory_space<semaphore_mem>>)
      %dma_start3A_315 = arith.constant 64 : i32
      %dma_start3A_316 = arith.constant 0 : i32
      %dma_start3A_317 = tpu.memref_slice %arg17[%dma_start3A_315, %dma_start3A_316] : memref<120x128xf32, #tpu.memory_space<vmem>> -> memref<56x128xf32, #tpu.memory_space<vmem>>
      %dma_start3A_318 = arith.constant 64 : i32
      %dma_start3A_319 = tpu.memref_slice %arg8[%dma_start3A_318] : memref<120xi32, #tpu.memory_space<vmem>> -> memref<56xi32, #tpu.memory_space<vmem>>
      %dma_start3A_320 = arith.constant 0 : i32
      %dma_start3A_321 = arith.constant 0 : i32
      %dma_start3A_322 = tpu.memref_slice %arg2[%dma_start3A_320, %dma_start3A_321] : memref<20000x128xf32, #tpu.memory_space<hbm>> -> memref<20000x128xf32, #tpu.memory_space<hbm>>
      tpu.enqueue_indirect_dma source(%dma_start3A_322 : memref<20000x128xf32, #tpu.memory_space<hbm>>) target(%dma_start3A_317 : memref<56x128xf32, #tpu.memory_space<vmem>>) offsets(%dma_start3A_319 : memref<56xi32, #tpu.memory_space<vmem>>) semaphore(%arg23 : memref<!tpu.dma_semaphore, #tpu.memory_space<semaphore_mem>>)
      %dma_wait3A_323 = arith.constant 0 : i32
      %dma_wait3A_324 = arith.constant 0 : i32
      %dma_wait3A_325 = tpu.memref_slice %arg28[%dma_wait3A_323, %dma_wait3A_324] : memref<10016x128xf32, #tpu.memory_space<vmem_shared>> -> memref<10016x128xf32, #tpu.memory_space<vmem_shared>>
      tpu.wait_indirect_dma semaphore(%arg27 : memref<!tpu.dma_semaphore, #tpu.memory_space<semaphore_mem>>) src(%arg18 : memref<120x128xf32, #tpu.memory_space<vmem>>) dst(%dma_wait3A_325 : memref<10016x128xf32, #tpu.memory_space<vmem_shared>>)
      %add3A_326 = arith.constant 2 : i32
      %add3A_327 = arith.addi %mul3A_260, %add3A_326 : i32
      %mul3A_328 = arith.constant 120 : i32
      %mul3A_329 = arith.muli %add3A_327, %mul3A_328 : i32
      %add3A_330 = arith.addi %add3A, %mul3A_329 : i32
      %mul3A_331 = arith.constant 120 : i32
      %mul3A_332 = arith.muli %add3A_327, %mul3A_331 : i32
      %add3A_333 = arith.addi %mul3A_6, %mul3A_332 : i32
      %dma_wait3A_334 = tpu.memref_slice %arg3[%add3A_330] : memref<322560xi32, #tpu.memory_space<hbm>> -> memref<120xi32, #tpu.memory_space<hbm>>
      %dma_wait3A_335 = tpu.memref_slice %arg3[%add3A_330] : memref<322560xi32, #tpu.memory_space<hbm>> -> memref<120xi32, #tpu.memory_space<hbm>>
      tpu.wait_dma2 semaphore(%arg21 : memref<!tpu.dma_semaphore, #tpu.memory_space<semaphore_mem>>) src(%dma_wait3A_335 : memref<120xi32, #tpu.memory_space<hbm>>) dst(%arg9 : memref<120xi32, #tpu.memory_space<vmem>>)
      %dma_wait3A_336 = tpu.memref_slice %arg4[%add3A_333] : memref<161280xi32, #tpu.memory_space<hbm>> -> memref<120xi32, #tpu.memory_space<hbm>>
      %dma_wait3A_337 = tpu.memref_slice %arg4[%add3A_333] : memref<161280xi32, #tpu.memory_space<hbm>> -> memref<120xi32, #tpu.memory_space<hbm>>
      tpu.wait_dma2 semaphore(%arg21 : memref<!tpu.dma_semaphore, #tpu.memory_space<semaphore_mem>>) src(%dma_wait3A_337 : memref<120xi32, #tpu.memory_space<hbm>>) dst(%arg15 : memref<120xi32, #tpu.memory_space<vmem>>)
      %dma_start3A_338 = arith.constant 0 : i32
      %dma_start3A_339 = arith.constant 0 : i32
      %dma_start3A_340 = tpu.memref_slice %arg18[%dma_start3A_338, %dma_start3A_339] : memref<120x128xf32, #tpu.memory_space<vmem>> -> memref<64x128xf32, #tpu.memory_space<vmem>>
      %dma_start3A_341 = arith.constant 0 : i32
      %dma_start3A_342 = tpu.memref_slice %arg9[%dma_start3A_341] : memref<120xi32, #tpu.memory_space<vmem>> -> memref<64xi32, #tpu.memory_space<vmem>>
      %dma_start3A_343 = arith.constant 0 : i32
      %dma_start3A_344 = arith.constant 0 : i32
      %dma_start3A_345 = tpu.memref_slice %arg2[%dma_start3A_343, %dma_start3A_344] : memref<20000x128xf32, #tpu.memory_space<hbm>> -> memref<20000x128xf32, #tpu.memory_space<hbm>>
      tpu.enqueue_indirect_dma source(%dma_start3A_345 : memref<20000x128xf32, #tpu.memory_space<hbm>>) target(%dma_start3A_340 : memref<64x128xf32, #tpu.memory_space<vmem>>) offsets(%dma_start3A_342 : memref<64xi32, #tpu.memory_space<vmem>>) semaphore(%arg24 : memref<!tpu.dma_semaphore, #tpu.memory_space<semaphore_mem>>)
      %dma_start3A_346 = arith.constant 64 : i32
      %dma_start3A_347 = arith.constant 0 : i32
      %dma_start3A_348 = tpu.memref_slice %arg18[%dma_start3A_346, %dma_start3A_347] : memref<120x128xf32, #tpu.memory_space<vmem>> -> memref<56x128xf32, #tpu.memory_space<vmem>>
      %dma_start3A_349 = arith.constant 64 : i32
      %dma_start3A_350 = tpu.memref_slice %arg9[%dma_start3A_349] : memref<120xi32, #tpu.memory_space<vmem>> -> memref<56xi32, #tpu.memory_space<vmem>>
      %dma_start3A_351 = arith.constant 0 : i32
      %dma_start3A_352 = arith.constant 0 : i32
      %dma_start3A_353 = tpu.memref_slice %arg2[%dma_start3A_351, %dma_start3A_352] : memref<20000x128xf32, #tpu.memory_space<hbm>> -> memref<20000x128xf32, #tpu.memory_space<hbm>>
      tpu.enqueue_indirect_dma source(%dma_start3A_353 : memref<20000x128xf32, #tpu.memory_space<hbm>>) target(%dma_start3A_348 : memref<56x128xf32, #tpu.memory_space<vmem>>) offsets(%dma_start3A_350 : memref<56xi32, #tpu.memory_space<vmem>>) semaphore(%arg24 : memref<!tpu.dma_semaphore, #tpu.memory_space<semaphore_mem>>)
      %dma_wait3A_354 = arith.constant 0 : i32
      %dma_wait3A_355 = arith.constant 0 : i32
      %dma_wait3A_356 = tpu.memref_slice %arg16[%dma_wait3A_354, %dma_wait3A_355] : memref<120x128xf32, #tpu.memory_space<vmem>> -> memref<64x128xf32, #tpu.memory_space<vmem>>
      %dma_wait3A_357 = arith.constant 0 : i32
      %dma_wait3A_358 = tpu.memref_slice %arg7[%dma_wait3A_357] : memref<120xi32, #tpu.memory_space<vmem>> -> memref<64xi32, #tpu.memory_space<vmem>>
      %dma_wait3A_359 = arith.constant 0 : i32
      %dma_wait3A_360 = arith.constant 0 : i32
      %dma_wait3A_361 = tpu.memref_slice %arg2[%dma_wait3A_359, %dma_wait3A_360] : memref<20000x128xf32, #tpu.memory_space<hbm>> -> memref<20000x128xf32, #tpu.memory_space<hbm>>
      tpu.wait_indirect_dma semaphore(%arg22 : memref<!tpu.dma_semaphore, #tpu.memory_space<semaphore_mem>>) src(%dma_wait3A_361 : memref<20000x128xf32, #tpu.memory_space<hbm>>) dst(%dma_wait3A_356 : memref<64x128xf32, #tpu.memory_space<vmem>>)
      %dma_wait3A_362 = arith.constant 64 : i32
      %dma_wait3A_363 = arith.constant 0 : i32
      %dma_wait3A_364 = tpu.memref_slice %arg16[%dma_wait3A_362, %dma_wait3A_363] : memref<120x128xf32, #tpu.memory_space<vmem>> -> memref<56x128xf32, #tpu.memory_space<vmem>>
      %dma_wait3A_365 = arith.constant 64 : i32
      %dma_wait3A_366 = tpu.memref_slice %arg7[%dma_wait3A_365] : memref<120xi32, #tpu.memory_space<vmem>> -> memref<56xi32, #tpu.memory_space<vmem>>
      %dma_wait3A_367 = arith.constant 0 : i32
      %dma_wait3A_368 = arith.constant 0 : i32
      %dma_wait3A_369 = tpu.memref_slice %arg2[%dma_wait3A_367, %dma_wait3A_368] : memref<20000x128xf32, #tpu.memory_space<hbm>> -> memref<20000x128xf32, #tpu.memory_space<hbm>>
      tpu.wait_indirect_dma semaphore(%arg22 : memref<!tpu.dma_semaphore, #tpu.memory_space<semaphore_mem>>) src(%dma_wait3A_369 : memref<20000x128xf32, #tpu.memory_space<hbm>>) dst(%dma_wait3A_364 : memref<56x128xf32, #tpu.memory_space<vmem>>)
      %lt3A = arith.constant 13 : i32
      %lt3A_370 = arith.cmpi slt, %scan3A_51, %lt3A : i32
      %convert_element_type3A_371 = arith.extui %lt3A_370 : i1 to i32
      %cond3A_372 = arith.constant 0 : i32
      %cond3A_373 = arith.cmpi ne, %convert_element_type3A_371, %cond3A_372 : i32
      scf.if %cond3A_373 {
        %add3A_425 = arith.constant 3 : i32
        %add3A_426 = arith.addi %mul3A_260, %add3A_425 : i32
        %add3A_427 = arith.constant 0 : i32
        %add3A_428 = arith.addi %add3A_426, %add3A_427 : i32
        %mul3A_429 = arith.constant 120 : i32
        %mul3A_430 = arith.muli %add3A_428, %mul3A_429 : i32
        %add3A_431 = arith.addi %add3A, %mul3A_430 : i32
        %mul3A_432 = arith.constant 120 : i32
        %mul3A_433 = arith.muli %add3A_428, %mul3A_432 : i32
        %add3A_434 = arith.addi %mul3A_6, %mul3A_433 : i32
        %dma_start3A_435 = tpu.memref_slice %arg3[%add3A_431] : memref<322560xi32, #tpu.memory_space<hbm>> -> memref<120xi32, #tpu.memory_space<hbm>>
        %dma_start3A_436 = tpu.memref_slice %arg3[%add3A_431] : memref<322560xi32, #tpu.memory_space<hbm>> -> memref<120xi32, #tpu.memory_space<hbm>>
        tpu.enqueue_dma source(%dma_start3A_436 : memref<120xi32, #tpu.memory_space<hbm>>) target(%arg7 : memref<120xi32, #tpu.memory_space<vmem>>) target_semaphore(%arg19 : memref<!tpu.dma_semaphore, #tpu.memory_space<semaphore_mem>>)
        %dma_start3A_437 = tpu.memref_slice %arg4[%add3A_434] : memref<161280xi32, #tpu.memory_space<hbm>> -> memref<120xi32, #tpu.memory_space<hbm>>
        %dma_start3A_438 = tpu.memref_slice %arg4[%add3A_434] : memref<161280xi32, #tpu.memory_space<hbm>> -> memref<120xi32, #tpu.memory_space<hbm>>
        tpu.enqueue_dma source(%dma_start3A_438 : memref<120xi32, #tpu.memory_space<hbm>>) target(%arg10 : memref<120xi32, #tpu.memory_space<vmem>>) target_semaphore(%arg19 : memref<!tpu.dma_semaphore, #tpu.memory_space<semaphore_mem>>)
      } else {
      }
      %dma_start3A_374 = arith.constant 0 : i32
      %dma_start3A_375 = arith.constant 0 : i32
      %dma_start3A_376 = tpu.memref_slice %arg28[%dma_start3A_374, %dma_start3A_375] : memref<10016x128xf32, #tpu.memory_space<vmem_shared>> -> memref<10016x128xf32, #tpu.memory_space<vmem_shared>>
      tpu.enqueue_indirect_dma source(%arg16 : memref<120x128xf32, #tpu.memory_space<vmem>>) target(%dma_start3A_376 : memref<10016x128xf32, #tpu.memory_space<vmem_shared>>) offsets(%arg13 : memref<120xi32, #tpu.memory_space<vmem>>) semaphore(%arg25 : memref<!tpu.dma_semaphore, #tpu.memory_space<semaphore_mem>>) {add = true}
      %dma_wait3A_377 = arith.constant 0 : i32
      %dma_wait3A_378 = arith.constant 0 : i32
      %dma_wait3A_379 = tpu.memref_slice %arg17[%dma_wait3A_377, %dma_wait3A_378] : memref<120x128xf32, #tpu.memory_space<vmem>> -> memref<64x128xf32, #tpu.memory_space<vmem>>
      %dma_wait3A_380 = arith.constant 0 : i32
      %dma_wait3A_381 = tpu.memref_slice %arg8[%dma_wait3A_380] : memref<120xi32, #tpu.memory_space<vmem>> -> memref<64xi32, #tpu.memory_space<vmem>>
      %dma_wait3A_382 = arith.constant 0 : i32
      %dma_wait3A_383 = arith.constant 0 : i32
      %dma_wait3A_384 = tpu.memref_slice %arg2[%dma_wait3A_382, %dma_wait3A_383] : memref<20000x128xf32, #tpu.memory_space<hbm>> -> memref<20000x128xf32, #tpu.memory_space<hbm>>
      tpu.wait_indirect_dma semaphore(%arg23 : memref<!tpu.dma_semaphore, #tpu.memory_space<semaphore_mem>>) src(%dma_wait3A_384 : memref<20000x128xf32, #tpu.memory_space<hbm>>) dst(%dma_wait3A_379 : memref<64x128xf32, #tpu.memory_space<vmem>>)
      %dma_wait3A_385 = arith.constant 64 : i32
      %dma_wait3A_386 = arith.constant 0 : i32
      %dma_wait3A_387 = tpu.memref_slice %arg17[%dma_wait3A_385, %dma_wait3A_386] : memref<120x128xf32, #tpu.memory_space<vmem>> -> memref<56x128xf32, #tpu.memory_space<vmem>>
      %dma_wait3A_388 = arith.constant 64 : i32
      %dma_wait3A_389 = tpu.memref_slice %arg8[%dma_wait3A_388] : memref<120xi32, #tpu.memory_space<vmem>> -> memref<56xi32, #tpu.memory_space<vmem>>
      %dma_wait3A_390 = arith.constant 0 : i32
      %dma_wait3A_391 = arith.constant 0 : i32
      %dma_wait3A_392 = tpu.memref_slice %arg2[%dma_wait3A_390, %dma_wait3A_391] : memref<20000x128xf32, #tpu.memory_space<hbm>> -> memref<20000x128xf32, #tpu.memory_space<hbm>>
      tpu.wait_indirect_dma semaphore(%arg23 : memref<!tpu.dma_semaphore, #tpu.memory_space<semaphore_mem>>) src(%dma_wait3A_392 : memref<20000x128xf32, #tpu.memory_space<hbm>>) dst(%dma_wait3A_387 : memref<56x128xf32, #tpu.memory_space<vmem>>)
      %lt3A_393 = arith.constant 13 : i32
      %lt3A_394 = arith.cmpi slt, %scan3A_51, %lt3A_393 : i32
      %convert_element_type3A_395 = arith.extui %lt3A_394 : i1 to i32
      %cond3A_396 = arith.constant 0 : i32
      %cond3A_397 = arith.cmpi ne, %convert_element_type3A_395, %cond3A_396 : i32
      scf.if %cond3A_397 {
        %add3A_425 = arith.constant 3 : i32
        %add3A_426 = arith.addi %mul3A_260, %add3A_425 : i32
        %add3A_427 = arith.constant 1 : i32
        %add3A_428 = arith.addi %add3A_426, %add3A_427 : i32
        %mul3A_429 = arith.constant 120 : i32
        %mul3A_430 = arith.muli %add3A_428, %mul3A_429 : i32
        %add3A_431 = arith.addi %add3A, %mul3A_430 : i32
        %mul3A_432 = arith.constant 120 : i32
        %mul3A_433 = arith.muli %add3A_428, %mul3A_432 : i32
        %add3A_434 = arith.addi %mul3A_6, %mul3A_433 : i32
        %dma_start3A_435 = tpu.memref_slice %arg3[%add3A_431] : memref<322560xi32, #tpu.memory_space<hbm>> -> memref<120xi32, #tpu.memory_space<hbm>>
        %dma_start3A_436 = tpu.memref_slice %arg3[%add3A_431] : memref<322560xi32, #tpu.memory_space<hbm>> -> memref<120xi32, #tpu.memory_space<hbm>>
        tpu.enqueue_dma source(%dma_start3A_436 : memref<120xi32, #tpu.memory_space<hbm>>) target(%arg8 : memref<120xi32, #tpu.memory_space<vmem>>) target_semaphore(%arg20 : memref<!tpu.dma_semaphore, #tpu.memory_space<semaphore_mem>>)
        %dma_start3A_437 = tpu.memref_slice %arg4[%add3A_434] : memref<161280xi32, #tpu.memory_space<hbm>> -> memref<120xi32, #tpu.memory_space<hbm>>
        %dma_start3A_438 = tpu.memref_slice %arg4[%add3A_434] : memref<161280xi32, #tpu.memory_space<hbm>> -> memref<120xi32, #tpu.memory_space<hbm>>
        tpu.enqueue_dma source(%dma_start3A_438 : memref<120xi32, #tpu.memory_space<hbm>>) target(%arg11 : memref<120xi32, #tpu.memory_space<vmem>>) target_semaphore(%arg20 : memref<!tpu.dma_semaphore, #tpu.memory_space<semaphore_mem>>)
      } else {
      }
      %dma_start3A_398 = arith.constant 0 : i32
      %dma_start3A_399 = arith.constant 0 : i32
      %dma_start3A_400 = tpu.memref_slice %arg28[%dma_start3A_398, %dma_start3A_399] : memref<10016x128xf32, #tpu.memory_space<vmem_shared>> -> memref<10016x128xf32, #tpu.memory_space<vmem_shared>>
      tpu.enqueue_indirect_dma source(%arg17 : memref<120x128xf32, #tpu.memory_space<vmem>>) target(%dma_start3A_400 : memref<10016x128xf32, #tpu.memory_space<vmem_shared>>) offsets(%arg14 : memref<120xi32, #tpu.memory_space<vmem>>) semaphore(%arg26 : memref<!tpu.dma_semaphore, #tpu.memory_space<semaphore_mem>>) {add = true}
      %dma_wait3A_401 = arith.constant 0 : i32
      %dma_wait3A_402 = arith.constant 0 : i32
      %dma_wait3A_403 = tpu.memref_slice %arg18[%dma_wait3A_401, %dma_wait3A_402] : memref<120x128xf32, #tpu.memory_space<vmem>> -> memref<64x128xf32, #tpu.memory_space<vmem>>
      %dma_wait3A_404 = arith.constant 0 : i32
      %dma_wait3A_405 = tpu.memref_slice %arg9[%dma_wait3A_404] : memref<120xi32, #tpu.memory_space<vmem>> -> memref<64xi32, #tpu.memory_space<vmem>>
      %dma_wait3A_406 = arith.constant 0 : i32
      %dma_wait3A_407 = arith.constant 0 : i32
      %dma_wait3A_408 = tpu.memref_slice %arg2[%dma_wait3A_406, %dma_wait3A_407] : memref<20000x128xf32, #tpu.memory_space<hbm>> -> memref<20000x128xf32, #tpu.memory_space<hbm>>
      tpu.wait_indirect_dma semaphore(%arg24 : memref<!tpu.dma_semaphore, #tpu.memory_space<semaphore_mem>>) src(%dma_wait3A_408 : memref<20000x128xf32, #tpu.memory_space<hbm>>) dst(%dma_wait3A_403 : memref<64x128xf32, #tpu.memory_space<vmem>>)
      %dma_wait3A_409 = arith.constant 64 : i32
      %dma_wait3A_410 = arith.constant 0 : i32
      %dma_wait3A_411 = tpu.memref_slice %arg18[%dma_wait3A_409, %dma_wait3A_410] : memref<120x128xf32, #tpu.memory_space<vmem>> -> memref<56x128xf32, #tpu.memory_space<vmem>>
      %dma_wait3A_412 = arith.constant 64 : i32
      %dma_wait3A_413 = tpu.memref_slice %arg9[%dma_wait3A_412] : memref<120xi32, #tpu.memory_space<vmem>> -> memref<56xi32, #tpu.memory_space<vmem>>
      %dma_wait3A_414 = arith.constant 0 : i32
      %dma_wait3A_415 = arith.constant 0 : i32
      %dma_wait3A_416 = tpu.memref_slice %arg2[%dma_wait3A_414, %dma_wait3A_415] : memref<20000x128xf32, #tpu.memory_space<hbm>> -> memref<20000x128xf32, #tpu.memory_space<hbm>>
      tpu.wait_indirect_dma semaphore(%arg24 : memref<!tpu.dma_semaphore, #tpu.memory_space<semaphore_mem>>) src(%dma_wait3A_416 : memref<20000x128xf32, #tpu.memory_space<hbm>>) dst(%dma_wait3A_411 : memref<56x128xf32, #tpu.memory_space<vmem>>)
      %lt3A_417 = arith.constant 13 : i32
      %lt3A_418 = arith.cmpi slt, %scan3A_51, %lt3A_417 : i32
      %convert_element_type3A_419 = arith.extui %lt3A_418 : i1 to i32
      %cond3A_420 = arith.constant 0 : i32
      %cond3A_421 = arith.cmpi ne, %convert_element_type3A_419, %cond3A_420 : i32
      scf.if %cond3A_421 {
        %add3A_425 = arith.constant 3 : i32
        %add3A_426 = arith.addi %mul3A_260, %add3A_425 : i32
        %add3A_427 = arith.constant 2 : i32
        %add3A_428 = arith.addi %add3A_426, %add3A_427 : i32
        %mul3A_429 = arith.constant 120 : i32
        %mul3A_430 = arith.muli %add3A_428, %mul3A_429 : i32
        %add3A_431 = arith.addi %add3A, %mul3A_430 : i32
        %mul3A_432 = arith.constant 120 : i32
        %mul3A_433 = arith.muli %add3A_428, %mul3A_432 : i32
        %add3A_434 = arith.addi %mul3A_6, %mul3A_433 : i32
        %dma_start3A_435 = tpu.memref_slice %arg3[%add3A_431] : memref<322560xi32, #tpu.memory_space<hbm>> -> memref<120xi32, #tpu.memory_space<hbm>>
        %dma_start3A_436 = tpu.memref_slice %arg3[%add3A_431] : memref<322560xi32, #tpu.memory_space<hbm>> -> memref<120xi32, #tpu.memory_space<hbm>>
        tpu.enqueue_dma source(%dma_start3A_436 : memref<120xi32, #tpu.memory_space<hbm>>) target(%arg9 : memref<120xi32, #tpu.memory_space<vmem>>) target_semaphore(%arg21 : memref<!tpu.dma_semaphore, #tpu.memory_space<semaphore_mem>>)
        %dma_start3A_437 = tpu.memref_slice %arg4[%add3A_434] : memref<161280xi32, #tpu.memory_space<hbm>> -> memref<120xi32, #tpu.memory_space<hbm>>
        %dma_start3A_438 = tpu.memref_slice %arg4[%add3A_434] : memref<161280xi32, #tpu.memory_space<hbm>> -> memref<120xi32, #tpu.memory_space<hbm>>
        tpu.enqueue_dma source(%dma_start3A_438 : memref<120xi32, #tpu.memory_space<hbm>>) target(%arg12 : memref<120xi32, #tpu.memory_space<vmem>>) target_semaphore(%arg21 : memref<!tpu.dma_semaphore, #tpu.memory_space<semaphore_mem>>)
      } else {
      }
      %dma_start3A_422 = arith.constant 0 : i32
      %dma_start3A_423 = arith.constant 0 : i32
      %dma_start3A_424 = tpu.memref_slice %arg28[%dma_start3A_422, %dma_start3A_423] : memref<10016x128xf32, #tpu.memory_space<vmem_shared>> -> memref<10016x128xf32, #tpu.memory_space<vmem_shared>>
      tpu.enqueue_indirect_dma source(%arg18 : memref<120x128xf32, #tpu.memory_space<vmem>>) target(%dma_start3A_424 : memref<10016x128xf32, #tpu.memory_space<vmem_shared>>) offsets(%arg15 : memref<120xi32, #tpu.memory_space<vmem>>) semaphore(%arg27 : memref<!tpu.dma_semaphore, #tpu.memory_space<semaphore_mem>>) {add = true}
    }
    %scan3A_36 = arith.constant 14 : i32
    %dma_wait3A = arith.constant 0 : i32
    %dma_wait3A_37 = arith.constant 0 : i32
    %dma_wait3A_38 = tpu.memref_slice %arg28[%dma_wait3A, %dma_wait3A_37] : memref<10016x128xf32, #tpu.memory_space<vmem_shared>> -> memref<10016x128xf32, #tpu.memory_space<vmem_shared>>
    tpu.wait_indirect_dma semaphore(%arg25 : memref<!tpu.dma_semaphore, #tpu.memory_space<semaphore_mem>>) src(%arg16 : memref<120x128xf32, #tpu.memory_space<vmem>>) dst(%dma_wait3A_38 : memref<10016x128xf32, #tpu.memory_space<vmem_shared>>)
    %dma_wait3A_39 = arith.constant 0 : i32
    %dma_wait3A_40 = arith.constant 0 : i32
    %dma_wait3A_41 = tpu.memref_slice %arg28[%dma_wait3A_39, %dma_wait3A_40] : memref<10016x128xf32, #tpu.memory_space<vmem_shared>> -> memref<10016x128xf32, #tpu.memory_space<vmem_shared>>
    tpu.wait_indirect_dma semaphore(%arg26 : memref<!tpu.dma_semaphore, #tpu.memory_space<semaphore_mem>>) src(%arg17 : memref<120x128xf32, #tpu.memory_space<vmem>>) dst(%dma_wait3A_41 : memref<10016x128xf32, #tpu.memory_space<vmem_shared>>)
    %dma_wait3A_42 = arith.constant 0 : i32
    %dma_wait3A_43 = arith.constant 0 : i32
    %dma_wait3A_44 = tpu.memref_slice %arg28[%dma_wait3A_42, %dma_wait3A_43] : memref<10016x128xf32, #tpu.memory_space<vmem_shared>> -> memref<10016x128xf32, #tpu.memory_space<vmem_shared>>
    tpu.wait_indirect_dma semaphore(%arg27 : memref<!tpu.dma_semaphore, #tpu.memory_space<semaphore_mem>>) src(%arg18 : memref<120x128xf32, #tpu.memory_space<vmem>>) dst(%dma_wait3A_44 : memref<10016x128xf32, #tpu.memory_space<vmem_shared>>)
    %barrier3A_45 = arith.constant 0 : index
    tpu.barrier barrier_id(%barrier3A_45)
    "tpu.region"() ({
      %run_scoped3A = tpu.sem_alloc : memref<!tpu.dma_semaphore, #tpu.memory_space<semaphore_mem>>
      %dma_start3A_51 = arith.constant 0 : i32
      %dma_start3A_52 = tpu.memref_slice %arg6[%arg0, %mul3A_0, %dma_start3A_51] : memref<2x10000x128xf32, #tpu.memory_space<hbm>> -> memref<1x624x128xf32, #tpu.memory_space<hbm>>
      %dma_start3A_53 = tpu.memref_squeeze %dma_start3A_52 : memref<1x624x128xf32, #tpu.memory_space<hbm>> -> memref<624x128xf32, #tpu.memory_space<hbm>>
      %dma_start3A_54 = arith.constant 0 : i32
      %dma_start3A_55 = tpu.memref_slice %arg28[%mul3A_0, %dma_start3A_54] : memref<10016x128xf32, #tpu.memory_space<vmem_shared>> -> memref<624x128xf32, #tpu.memory_space<vmem_shared>>
      tpu.enqueue_dma source(%dma_start3A_55 : memref<624x128xf32, #tpu.memory_space<vmem_shared>>) target(%dma_start3A_53 : memref<624x128xf32, #tpu.memory_space<hbm>>) target_semaphore(%run_scoped3A : memref<!tpu.dma_semaphore, #tpu.memory_space<semaphore_mem>>)
      %dma_wait3A_56 = arith.constant 0 : i32
      %dma_wait3A_57 = tpu.memref_slice %arg6[%arg0, %mul3A_0, %dma_wait3A_56] : memref<2x10000x128xf32, #tpu.memory_space<hbm>> -> memref<1x624x128xf32, #tpu.memory_space<hbm>>
      %dma_wait3A_58 = tpu.memref_squeeze %dma_wait3A_57 : memref<1x624x128xf32, #tpu.memory_space<hbm>> -> memref<624x128xf32, #tpu.memory_space<hbm>>
      %dma_wait3A_59 = arith.constant 0 : i32
      %dma_wait3A_60 = tpu.memref_slice %arg28[%mul3A_0, %dma_wait3A_59] : memref<10016x128xf32, #tpu.memory_space<vmem_shared>> -> memref<624x128xf32, #tpu.memory_space<vmem_shared>>
      tpu.wait_dma2 semaphore(%run_scoped3A : memref<!tpu.dma_semaphore, #tpu.memory_space<semaphore_mem>>) src(%dma_wait3A_60 : memref<624x128xf32, #tpu.memory_space<vmem_shared>>) dst(%dma_wait3A_58 : memref<624x128xf32, #tpu.memory_space<hbm>>)
      tpu.yield
    }) : () -> ()
    %eq3A_46 = arith.constant 0 : i32
    %eq3A_47 = arith.cmpi eq, %arg1, %eq3A_46 : i32
    %convert_element_type3A_48 = arith.extui %eq3A_47 : i1 to i32
    %cond3A_49 = arith.constant 0 : i32
    %cond3A_50 = arith.cmpi ne, %convert_element_type3A_48, %cond3A_49 : i32
    scf.if %cond3A_50 {
      "tpu.region"() ({
        %run_scoped3A = tpu.sem_alloc : memref<!tpu.dma_semaphore, #tpu.memory_space<semaphore_mem>>
        %dma_start3A_51 = arith.constant 9984 : i32
        %dma_start3A_52 = arith.constant 0 : i32
        %dma_start3A_53 = tpu.memref_slice %arg6[%arg0, %dma_start3A_51, %dma_start3A_52] : memref<2x10000x128xf32, #tpu.memory_space<hbm>> -> memref<1x16x128xf32, #tpu.memory_space<hbm>>
        %dma_start3A_54 = tpu.memref_squeeze %dma_start3A_53 : memref<1x16x128xf32, #tpu.memory_space<hbm>> -> memref<16x128xf32, #tpu.memory_space<hbm>>
        %dma_start3A_55 = arith.constant 9984 : i32
        %dma_start3A_56 = arith.constant 0 : i32
        %dma_start3A_57 = tpu.memref_slice %arg28[%dma_start3A_55, %dma_start3A_56] : memref<10016x128xf32, #tpu.memory_space<vmem_shared>> -> memref<16x128xf32, #tpu.memory_space<vmem_shared>>
        tpu.enqueue_dma source(%dma_start3A_57 : memref<16x128xf32, #tpu.memory_space<vmem_shared>>) target(%dma_start3A_54 : memref<16x128xf32, #tpu.memory_space<hbm>>) target_semaphore(%run_scoped3A : memref<!tpu.dma_semaphore, #tpu.memory_space<semaphore_mem>>)
        %dma_wait3A_58 = arith.constant 9984 : i32
        %dma_wait3A_59 = arith.constant 0 : i32
        %dma_wait3A_60 = tpu.memref_slice %arg6[%arg0, %dma_wait3A_58, %dma_wait3A_59] : memref<2x10000x128xf32, #tpu.memory_space<hbm>> -> memref<1x16x128xf32, #tpu.memory_space<hbm>>
        %dma_wait3A_61 = tpu.memref_squeeze %dma_wait3A_60 : memref<1x16x128xf32, #tpu.memory_space<hbm>> -> memref<16x128xf32, #tpu.memory_space<hbm>>
        %dma_wait3A_62 = arith.constant 9984 : i32
        %dma_wait3A_63 = arith.constant 0 : i32
        %dma_wait3A_64 = tpu.memref_slice %arg28[%dma_wait3A_62, %dma_wait3A_63] : memref<10016x128xf32, #tpu.memory_space<vmem_shared>> -> memref<16x128xf32, #tpu.memory_space<vmem_shared>>
        tpu.wait_dma2 semaphore(%run_scoped3A : memref<!tpu.dma_semaphore, #tpu.memory_space<semaphore_mem>>) src(%dma_wait3A_64 : memref<16x128xf32, #tpu.memory_space<vmem_shared>>) dst(%dma_wait3A_61 : memref<16x128xf32, #tpu.memory_space<hbm>>)
        tpu.yield
      }) : () -> ()
    } else {
    }
    return
  }
}

#map = affine_map<(d0, d1) -> (0, 0)>
#map1 = affine_map<(d0, d1) -> (0)>
#map2 = affine_map<(d0, d1) -> (0, 0, 0)>
module attributes {stable_mosaic.version = 14 : i64} {
  func.func @_sc_aggregate(%arg0: i32, %arg1: i32, %arg2: memref<20000x128xf32, #tpu.memory_space<hbm>>, %arg3: memref<322560xi32, #tpu.memory_space<hbm>>, %arg4: memref<161280xi32, #tpu.memory_space<hbm>>, %arg5: memref<624x128xf32, #tpu.memory_space<hbm>>, %arg6: memref<2x10000x128xf32, #tpu.memory_space<hbm>>, %arg7: memref<120xi32, #tpu.memory_space<vmem>>, %arg8: memref<120xi32, #tpu.memory_space<vmem>>, %arg9: memref<120xi32, #tpu.memory_space<vmem>>, %arg10: memref<120xi32, #tpu.memory_space<vmem>>, %arg11: memref<120xi32, #tpu.memory_space<vmem>>, %arg12: memref<120xi32, #tpu.memory_space<vmem>>, %arg13: memref<120xi32, #tpu.memory_space<vmem>>, %arg14: memref<120xi32, #tpu.memory_space<vmem>>, %arg15: memref<120xi32, #tpu.memory_space<vmem>>, %arg16: memref<120x128xf32, #tpu.memory_space<vmem>>, %arg17: memref<120x128xf32, #tpu.memory_space<vmem>>, %arg18: memref<120x128xf32, #tpu.memory_space<vmem>>, %arg19: memref<!tpu.dma_semaphore, #tpu.memory_space<semaphore_mem>>, %arg20: memref<!tpu.dma_semaphore, #tpu.memory_space<semaphore_mem>>, %arg21: memref<!tpu.dma_semaphore, #tpu.memory_space<semaphore_mem>>, %arg22: memref<!tpu.dma_semaphore, #tpu.memory_space<semaphore_mem>>, %arg23: memref<!tpu.dma_semaphore, #tpu.memory_space<semaphore_mem>>, %arg24: memref<!tpu.dma_semaphore, #tpu.memory_space<semaphore_mem>>, %arg25: memref<!tpu.dma_semaphore, #tpu.memory_space<semaphore_mem>>, %arg26: memref<!tpu.dma_semaphore, #tpu.memory_space<semaphore_mem>>, %arg27: memref<!tpu.dma_semaphore, #tpu.memory_space<semaphore_mem>>, %arg28: memref<10016x128xf32, #tpu.memory_space<vmem_shared>>) attributes {dimension_semantics = [#tpu.dimension_semantics<core_parallel>, #tpu.dimension_semantics<subcore_parallel>], iteration_bounds = array<i64: 2, 16>, scalar_prefetch = 0 : i64, scratch_operands = 22 : i64, tpu.core_type = #tpu.core_type<sc_vector_subcore>, window_params = [{transform_indices = #map}, {transform_indices = #map1}, {transform_indices = #map1}, {transform_indices = #map}, {transform_indices = #map2}]} {
    %mul3A = arith.constant 624 : i32
    %mul3A_0 = arith.muli %arg1, %mul3A : i32
    %mul3A_1 = arith.constant 161280 : i32
    %mul3A_2 = arith.muli %arg0, %mul3A_1 : i32
    %mul3A_3 = arith.constant 10080 : i32
    %mul3A_4 = arith.muli %arg1, %mul3A_3 : i32
    %add3A = arith.addi %mul3A_2, %mul3A_4 : i32
    %mul3A_5 = arith.constant 10080 : i32
    %mul3A_6 = arith.muli %arg1, %mul3A_5 : i32
    "tpu.region"() ({
      %run_scoped3A = tpu.sem_alloc : memref<!tpu.dma_semaphore, #tpu.memory_space<semaphore_mem>>
      %dma_start3A_51 = arith.constant 0 : i32
      %dma_start3A_52 = tpu.memref_slice %arg28[%mul3A_0, %dma_start3A_51] : memref<10016x128xf32, #tpu.memory_space<vmem_shared>> -> memref<624x128xf32, #tpu.memory_space<vmem_shared>>
      tpu.enqueue_dma source(%arg5 : memref<624x128xf32, #tpu.memory_space<hbm>>) target(%dma_start3A_52 : memref<624x128xf32, #tpu.memory_space<vmem_shared>>) target_semaphore(%run_scoped3A : memref<!tpu.dma_semaphore, #tpu.memory_space<semaphore_mem>>)
      %dma_wait3A_53 = arith.constant 0 : i32
      %dma_wait3A_54 = tpu.memref_slice %arg28[%mul3A_0, %dma_wait3A_53] : memref<10016x128xf32, #tpu.memory_space<vmem_shared>> -> memref<624x128xf32, #tpu.memory_space<vmem_shared>>
      tpu.wait_dma2 semaphore(%run_scoped3A : memref<!tpu.dma_semaphore, #tpu.memory_space<semaphore_mem>>) src(%arg5 : memref<624x128xf32, #tpu.memory_space<hbm>>) dst(%dma_wait3A_54 : memref<624x128xf32, #tpu.memory_space<vmem_shared>>)
      tpu.yield
    }) : () -> ()
    %eq3A = arith.constant 0 : i32
    %eq3A_7 = arith.cmpi eq, %arg1, %eq3A : i32
    %convert_element_type3A = arith.extui %eq3A_7 : i1 to i32
    %cond3A = arith.constant 0 : i32
    %cond3A_8 = arith.cmpi ne, %convert_element_type3A, %cond3A : i32
    scf.if %cond3A_8 {
      "tpu.region"() ({
        %run_scoped3A = tpu.sem_alloc : memref<!tpu.dma_semaphore, #tpu.memory_space<semaphore_mem>>
        %dma_start3A_51 = arith.constant 9984 : i32
        %dma_start3A_52 = arith.constant 0 : i32
        %dma_start3A_53 = tpu.memref_slice %arg28[%dma_start3A_51, %dma_start3A_52] : memref<10016x128xf32, #tpu.memory_space<vmem_shared>> -> memref<16x128xf32, #tpu.memory_space<vmem_shared>>
        %dma_start3A_54 = arith.constant 0 : i32
        %dma_start3A_55 = arith.constant 0 : i32
        %dma_start3A_56 = tpu.memref_slice %arg5[%dma_start3A_54, %dma_start3A_55] : memref<624x128xf32, #tpu.memory_space<hbm>> -> memref<16x128xf32, #tpu.memory_space<hbm>>
        tpu.enqueue_dma source(%dma_start3A_56 : memref<16x128xf32, #tpu.memory_space<hbm>>) target(%dma_start3A_53 : memref<16x128xf32, #tpu.memory_space<vmem_shared>>) target_semaphore(%run_scoped3A : memref<!tpu.dma_semaphore, #tpu.memory_space<semaphore_mem>>)
        %dma_wait3A_57 = arith.constant 9984 : i32
        %dma_wait3A_58 = arith.constant 0 : i32
        %dma_wait3A_59 = tpu.memref_slice %arg28[%dma_wait3A_57, %dma_wait3A_58] : memref<10016x128xf32, #tpu.memory_space<vmem_shared>> -> memref<16x128xf32, #tpu.memory_space<vmem_shared>>
        %dma_wait3A_60 = arith.constant 0 : i32
        %dma_wait3A_61 = arith.constant 0 : i32
        %dma_wait3A_62 = tpu.memref_slice %arg5[%dma_wait3A_60, %dma_wait3A_61] : memref<624x128xf32, #tpu.memory_space<hbm>> -> memref<16x128xf32, #tpu.memory_space<hbm>>
        tpu.wait_dma2 semaphore(%run_scoped3A : memref<!tpu.dma_semaphore, #tpu.memory_space<semaphore_mem>>) src(%dma_wait3A_62 : memref<16x128xf32, #tpu.memory_space<hbm>>) dst(%dma_wait3A_59 : memref<16x128xf32, #tpu.memory_space<vmem_shared>>)
        tpu.yield
      }) : () -> ()
    } else {
    }
    %barrier3A = arith.constant 0 : index
    tpu.barrier barrier_id(%barrier3A)
    %add3A_9 = arith.constant 0 : i32
    %add3A_10 = arith.addi %add3A, %add3A_9 : i32
    %add3A_11 = arith.constant 0 : i32
    %add3A_12 = arith.addi %mul3A_6, %add3A_11 : i32
    %dma_start3A = tpu.memref_slice %arg3[%add3A_10] : memref<322560xi32, #tpu.memory_space<hbm>> -> memref<120xi32, #tpu.memory_space<hbm>>
    %dma_start3A_13 = tpu.memref_slice %arg3[%add3A_10] : memref<322560xi32, #tpu.memory_space<hbm>> -> memref<120xi32, #tpu.memory_space<hbm>>
    tpu.enqueue_dma source(%dma_start3A_13 : memref<120xi32, #tpu.memory_space<hbm>>) target(%arg7 : memref<120xi32, #tpu.memory_space<vmem>>) target_semaphore(%arg19 : memref<!tpu.dma_semaphore, #tpu.memory_space<semaphore_mem>>)
    %dma_start3A_14 = tpu.memref_slice %arg4[%add3A_12] : memref<161280xi32, #tpu.memory_space<hbm>> -> memref<120xi32, #tpu.memory_space<hbm>>
    %dma_start3A_15 = tpu.memref_slice %arg4[%add3A_12] : memref<161280xi32, #tpu.memory_space<hbm>> -> memref<120xi32, #tpu.memory_space<hbm>>
    tpu.enqueue_dma source(%dma_start3A_15 : memref<120xi32, #tpu.memory_space<hbm>>) target(%arg10 : memref<120xi32, #tpu.memory_space<vmem>>) target_semaphore(%arg19 : memref<!tpu.dma_semaphore, #tpu.memory_space<semaphore_mem>>)
    %add3A_16 = arith.constant 120 : i32
    %add3A_17 = arith.addi %add3A, %add3A_16 : i32
    %add3A_18 = arith.constant 120 : i32
    %add3A_19 = arith.addi %mul3A_6, %add3A_18 : i32
    %dma_start3A_20 = tpu.memref_slice %arg3[%add3A_17] : memref<322560xi32, #tpu.memory_space<hbm>> -> memref<120xi32, #tpu.memory_space<hbm>>
    %dma_start3A_21 = tpu.memref_slice %arg3[%add3A_17] : memref<322560xi32, #tpu.memory_space<hbm>> -> memref<120xi32, #tpu.memory_space<hbm>>
    tpu.enqueue_dma source(%dma_start3A_21 : memref<120xi32, #tpu.memory_space<hbm>>) target(%arg8 : memref<120xi32, #tpu.memory_space<vmem>>) target_semaphore(%arg20 : memref<!tpu.dma_semaphore, #tpu.memory_space<semaphore_mem>>)
    %dma_start3A_22 = tpu.memref_slice %arg4[%add3A_19] : memref<161280xi32, #tpu.memory_space<hbm>> -> memref<120xi32, #tpu.memory_space<hbm>>
    %dma_start3A_23 = tpu.memref_slice %arg4[%add3A_19] : memref<161280xi32, #tpu.memory_space<hbm>> -> memref<120xi32, #tpu.memory_space<hbm>>
    tpu.enqueue_dma source(%dma_start3A_23 : memref<120xi32, #tpu.memory_space<hbm>>) target(%arg11 : memref<120xi32, #tpu.memory_space<vmem>>) target_semaphore(%arg20 : memref<!tpu.dma_semaphore, #tpu.memory_space<semaphore_mem>>)
    %add3A_24 = arith.constant 240 : i32
    %add3A_25 = arith.addi %add3A, %add3A_24 : i32
    %add3A_26 = arith.constant 240 : i32
    %add3A_27 = arith.addi %mul3A_6, %add3A_26 : i32
    %dma_start3A_28 = tpu.memref_slice %arg3[%add3A_25] : memref<322560xi32, #tpu.memory_space<hbm>> -> memref<120xi32, #tpu.memory_space<hbm>>
    %dma_start3A_29 = tpu.memref_slice %arg3[%add3A_25] : memref<322560xi32, #tpu.memory_space<hbm>> -> memref<120xi32, #tpu.memory_space<hbm>>
    tpu.enqueue_dma source(%dma_start3A_29 : memref<120xi32, #tpu.memory_space<hbm>>) target(%arg9 : memref<120xi32, #tpu.memory_space<vmem>>) target_semaphore(%arg21 : memref<!tpu.dma_semaphore, #tpu.memory_space<semaphore_mem>>)
    %dma_start3A_30 = tpu.memref_slice %arg4[%add3A_27] : memref<161280xi32, #tpu.memory_space<hbm>> -> memref<120xi32, #tpu.memory_space<hbm>>
    %dma_start3A_31 = tpu.memref_slice %arg4[%add3A_27] : memref<161280xi32, #tpu.memory_space<hbm>> -> memref<120xi32, #tpu.memory_space<hbm>>
    tpu.enqueue_dma source(%dma_start3A_31 : memref<120xi32, #tpu.memory_space<hbm>>) target(%arg12 : memref<120xi32, #tpu.memory_space<vmem>>) target_semaphore(%arg21 : memref<!tpu.dma_semaphore, #tpu.memory_space<semaphore_mem>>)
    %scan3A = arith.constant 0 : i32
    %scan3A_32 = arith.constant 0 : i32
    %scan3A_33 = arith.constant 14 : i32
    %scan3A_34 = arith.addi %scan3A_32, %scan3A_33 : i32
    %scan3A_35 = arith.constant 1 : i32
    scf.for %scan3A_51 = %scan3A_32 to %scan3A_34 step %scan3A_35  : i32 {
      %mul3A_52 = arith.constant 2 : i32
      %mul3A_53 = arith.muli %mul3A_52, %scan3A_51 : i32
      %add3A_54 = arith.constant 0 : i32
      %add3A_55 = arith.addi %mul3A_53, %add3A_54 : i32
      %mul3A_56 = arith.constant 3 : i32
      %mul3A_57 = arith.muli %add3A_55, %mul3A_56 : i32
      %gt3A = arith.constant 0 : i32
      %gt3A_58 = arith.cmpi sgt, %scan3A_51, %gt3A : i32
      %convert_element_type3A_59 = arith.extui %gt3A_58 : i1 to i32
      %cond3A_60 = arith.constant 0 : i32
      %cond3A_61 = arith.cmpi ne, %convert_element_type3A_59, %cond3A_60 : i32
      scf.if %cond3A_61 {
        %dma_wait3A_425 = arith.constant 0 : i32
        %dma_wait3A_426 = arith.constant 0 : i32
        %dma_wait3A_427 = tpu.memref_slice %arg28[%dma_wait3A_425, %dma_wait3A_426] : memref<10016x128xf32, #tpu.memory_space<vmem_shared>> -> memref<10016x128xf32, #tpu.memory_space<vmem_shared>>
        tpu.wait_indirect_dma semaphore(%arg25 : memref<!tpu.dma_semaphore, #tpu.memory_space<semaphore_mem>>) src(%arg16 : memref<120x128xf32, #tpu.memory_space<vmem>>) dst(%dma_wait3A_427 : memref<10016x128xf32, #tpu.memory_space<vmem_shared>>)
      } else {
      }
      %add3A_62 = arith.constant 0 : i32
      %add3A_63 = arith.addi %mul3A_57, %add3A_62 : i32
      %mul3A_64 = arith.constant 120 : i32
      %mul3A_65 = arith.muli %add3A_63, %mul3A_64 : i32
      %add3A_66 = arith.addi %add3A, %mul3A_65 : i32
      %mul3A_67 = arith.constant 120 : i32
      %mul3A_68 = arith.muli %add3A_63, %mul3A_67 : i32
      %add3A_69 = arith.addi %mul3A_6, %mul3A_68 : i32
      %dma_wait3A_70 = tpu.memref_slice %arg3[%add3A_66] : memref<322560xi32, #tpu.memory_space<hbm>> -> memref<120xi32, #tpu.memory_space<hbm>>
      %dma_wait3A_71 = tpu.memref_slice %arg3[%add3A_66] : memref<322560xi32, #tpu.memory_space<hbm>> -> memref<120xi32, #tpu.memory_space<hbm>>
      tpu.wait_dma2 semaphore(%arg19 : memref<!tpu.dma_semaphore, #tpu.memory_space<semaphore_mem>>) src(%dma_wait3A_71 : memref<120xi32, #tpu.memory_space<hbm>>) dst(%arg7 : memref<120xi32, #tpu.memory_space<vmem>>)
      %dma_wait3A_72 = tpu.memref_slice %arg4[%add3A_69] : memref<161280xi32, #tpu.memory_space<hbm>> -> memref<120xi32, #tpu.memory_space<hbm>>
      %dma_wait3A_73 = tpu.memref_slice %arg4[%add3A_69] : memref<161280xi32, #tpu.memory_space<hbm>> -> memref<120xi32, #tpu.memory_space<hbm>>
      tpu.wait_dma2 semaphore(%arg19 : memref<!tpu.dma_semaphore, #tpu.memory_space<semaphore_mem>>) src(%dma_wait3A_73 : memref<120xi32, #tpu.memory_space<hbm>>) dst(%arg10 : memref<120xi32, #tpu.memory_space<vmem>>)
      %dma_start3A_74 = arith.constant 0 : i32
      %dma_start3A_75 = arith.constant 0 : i32
      %dma_start3A_76 = tpu.memref_slice %arg16[%dma_start3A_74, %dma_start3A_75] : memref<120x128xf32, #tpu.memory_space<vmem>> -> memref<64x128xf32, #tpu.memory_space<vmem>>
      %dma_start3A_77 = arith.constant 0 : i32
      %dma_start3A_78 = tpu.memref_slice %arg7[%dma_start3A_77] : memref<120xi32, #tpu.memory_space<vmem>> -> memref<64xi32, #tpu.memory_space<vmem>>
      %dma_start3A_79 = arith.constant 0 : i32
      %dma_start3A_80 = arith.constant 0 : i32
      %dma_start3A_81 = tpu.memref_slice %arg2[%dma_start3A_79, %dma_start3A_80] : memref<20000x128xf32, #tpu.memory_space<hbm>> -> memref<20000x128xf32, #tpu.memory_space<hbm>>
      tpu.enqueue_indirect_dma source(%dma_start3A_81 : memref<20000x128xf32, #tpu.memory_space<hbm>>) target(%dma_start3A_76 : memref<64x128xf32, #tpu.memory_space<vmem>>) offsets(%dma_start3A_78 : memref<64xi32, #tpu.memory_space<vmem>>) semaphore(%arg22 : memref<!tpu.dma_semaphore, #tpu.memory_space<semaphore_mem>>)
      %dma_start3A_82 = arith.constant 64 : i32
      %dma_start3A_83 = arith.constant 0 : i32
      %dma_start3A_84 = tpu.memref_slice %arg16[%dma_start3A_82, %dma_start3A_83] : memref<120x128xf32, #tpu.memory_space<vmem>> -> memref<56x128xf32, #tpu.memory_space<vmem>>
      %dma_start3A_85 = arith.constant 64 : i32
      %dma_start3A_86 = tpu.memref_slice %arg7[%dma_start3A_85] : memref<120xi32, #tpu.memory_space<vmem>> -> memref<56xi32, #tpu.memory_space<vmem>>
      %dma_start3A_87 = arith.constant 0 : i32
      %dma_start3A_88 = arith.constant 0 : i32
      %dma_start3A_89 = tpu.memref_slice %arg2[%dma_start3A_87, %dma_start3A_88] : memref<20000x128xf32, #tpu.memory_space<hbm>> -> memref<20000x128xf32, #tpu.memory_space<hbm>>
      tpu.enqueue_indirect_dma source(%dma_start3A_89 : memref<20000x128xf32, #tpu.memory_space<hbm>>) target(%dma_start3A_84 : memref<56x128xf32, #tpu.memory_space<vmem>>) offsets(%dma_start3A_86 : memref<56xi32, #tpu.memory_space<vmem>>) semaphore(%arg22 : memref<!tpu.dma_semaphore, #tpu.memory_space<semaphore_mem>>)
      %gt3A_90 = arith.constant 0 : i32
      %gt3A_91 = arith.cmpi sgt, %scan3A_51, %gt3A_90 : i32
      %convert_element_type3A_92 = arith.extui %gt3A_91 : i1 to i32
      %cond3A_93 = arith.constant 0 : i32
      %cond3A_94 = arith.cmpi ne, %convert_element_type3A_92, %cond3A_93 : i32
      scf.if %cond3A_94 {
        %dma_wait3A_425 = arith.constant 0 : i32
        %dma_wait3A_426 = arith.constant 0 : i32
        %dma_wait3A_427 = tpu.memref_slice %arg28[%dma_wait3A_425, %dma_wait3A_426] : memref<10016x128xf32, #tpu.memory_space<vmem_shared>> -> memref<10016x128xf32, #tpu.memory_space<vmem_shared>>
        tpu.wait_indirect_dma semaphore(%arg26 : memref<!tpu.dma_semaphore, #tpu.memory_space<semaphore_mem>>) src(%arg17 : memref<120x128xf32, #tpu.memory_space<vmem>>) dst(%dma_wait3A_427 : memref<10016x128xf32, #tpu.memory_space<vmem_shared>>)
      } else {
      }
      %add3A_95 = arith.constant 1 : i32
      %add3A_96 = arith.addi %mul3A_57, %add3A_95 : i32
      %mul3A_97 = arith.constant 120 : i32
      %mul3A_98 = arith.muli %add3A_96, %mul3A_97 : i32
      %add3A_99 = arith.addi %add3A, %mul3A_98 : i32
      %mul3A_100 = arith.constant 120 : i32
      %mul3A_101 = arith.muli %add3A_96, %mul3A_100 : i32
      %add3A_102 = arith.addi %mul3A_6, %mul3A_101 : i32
      %dma_wait3A_103 = tpu.memref_slice %arg3[%add3A_99] : memref<322560xi32, #tpu.memory_space<hbm>> -> memref<120xi32, #tpu.memory_space<hbm>>
      %dma_wait3A_104 = tpu.memref_slice %arg3[%add3A_99] : memref<322560xi32, #tpu.memory_space<hbm>> -> memref<120xi32, #tpu.memory_space<hbm>>
      tpu.wait_dma2 semaphore(%arg20 : memref<!tpu.dma_semaphore, #tpu.memory_space<semaphore_mem>>) src(%dma_wait3A_104 : memref<120xi32, #tpu.memory_space<hbm>>) dst(%arg8 : memref<120xi32, #tpu.memory_space<vmem>>)
      %dma_wait3A_105 = tpu.memref_slice %arg4[%add3A_102] : memref<161280xi32, #tpu.memory_space<hbm>> -> memref<120xi32, #tpu.memory_space<hbm>>
      %dma_wait3A_106 = tpu.memref_slice %arg4[%add3A_102] : memref<161280xi32, #tpu.memory_space<hbm>> -> memref<120xi32, #tpu.memory_space<hbm>>
      tpu.wait_dma2 semaphore(%arg20 : memref<!tpu.dma_semaphore, #tpu.memory_space<semaphore_mem>>) src(%dma_wait3A_106 : memref<120xi32, #tpu.memory_space<hbm>>) dst(%arg11 : memref<120xi32, #tpu.memory_space<vmem>>)
      %dma_start3A_107 = arith.constant 0 : i32
      %dma_start3A_108 = arith.constant 0 : i32
      %dma_start3A_109 = tpu.memref_slice %arg17[%dma_start3A_107, %dma_start3A_108] : memref<120x128xf32, #tpu.memory_space<vmem>> -> memref<64x128xf32, #tpu.memory_space<vmem>>
      %dma_start3A_110 = arith.constant 0 : i32
      %dma_start3A_111 = tpu.memref_slice %arg8[%dma_start3A_110] : memref<120xi32, #tpu.memory_space<vmem>> -> memref<64xi32, #tpu.memory_space<vmem>>
      %dma_start3A_112 = arith.constant 0 : i32
      %dma_start3A_113 = arith.constant 0 : i32
      %dma_start3A_114 = tpu.memref_slice %arg2[%dma_start3A_112, %dma_start3A_113] : memref<20000x128xf32, #tpu.memory_space<hbm>> -> memref<20000x128xf32, #tpu.memory_space<hbm>>
      tpu.enqueue_indirect_dma source(%dma_start3A_114 : memref<20000x128xf32, #tpu.memory_space<hbm>>) target(%dma_start3A_109 : memref<64x128xf32, #tpu.memory_space<vmem>>) offsets(%dma_start3A_111 : memref<64xi32, #tpu.memory_space<vmem>>) semaphore(%arg23 : memref<!tpu.dma_semaphore, #tpu.memory_space<semaphore_mem>>)
      %dma_start3A_115 = arith.constant 64 : i32
      %dma_start3A_116 = arith.constant 0 : i32
      %dma_start3A_117 = tpu.memref_slice %arg17[%dma_start3A_115, %dma_start3A_116] : memref<120x128xf32, #tpu.memory_space<vmem>> -> memref<56x128xf32, #tpu.memory_space<vmem>>
      %dma_start3A_118 = arith.constant 64 : i32
      %dma_start3A_119 = tpu.memref_slice %arg8[%dma_start3A_118] : memref<120xi32, #tpu.memory_space<vmem>> -> memref<56xi32, #tpu.memory_space<vmem>>
      %dma_start3A_120 = arith.constant 0 : i32
      %dma_start3A_121 = arith.constant 0 : i32
      %dma_start3A_122 = tpu.memref_slice %arg2[%dma_start3A_120, %dma_start3A_121] : memref<20000x128xf32, #tpu.memory_space<hbm>> -> memref<20000x128xf32, #tpu.memory_space<hbm>>
      tpu.enqueue_indirect_dma source(%dma_start3A_122 : memref<20000x128xf32, #tpu.memory_space<hbm>>) target(%dma_start3A_117 : memref<56x128xf32, #tpu.memory_space<vmem>>) offsets(%dma_start3A_119 : memref<56xi32, #tpu.memory_space<vmem>>) semaphore(%arg23 : memref<!tpu.dma_semaphore, #tpu.memory_space<semaphore_mem>>)
      %gt3A_123 = arith.constant 0 : i32
      %gt3A_124 = arith.cmpi sgt, %scan3A_51, %gt3A_123 : i32
      %convert_element_type3A_125 = arith.extui %gt3A_124 : i1 to i32
      %cond3A_126 = arith.constant 0 : i32
      %cond3A_127 = arith.cmpi ne, %convert_element_type3A_125, %cond3A_126 : i32
      scf.if %cond3A_127 {
        %dma_wait3A_425 = arith.constant 0 : i32
        %dma_wait3A_426 = arith.constant 0 : i32
        %dma_wait3A_427 = tpu.memref_slice %arg28[%dma_wait3A_425, %dma_wait3A_426] : memref<10016x128xf32, #tpu.memory_space<vmem_shared>> -> memref<10016x128xf32, #tpu.memory_space<vmem_shared>>
        tpu.wait_indirect_dma semaphore(%arg27 : memref<!tpu.dma_semaphore, #tpu.memory_space<semaphore_mem>>) src(%arg18 : memref<120x128xf32, #tpu.memory_space<vmem>>) dst(%dma_wait3A_427 : memref<10016x128xf32, #tpu.memory_space<vmem_shared>>)
      } else {
      }
      %add3A_128 = arith.constant 2 : i32
      %add3A_129 = arith.addi %mul3A_57, %add3A_128 : i32
      %mul3A_130 = arith.constant 120 : i32
      %mul3A_131 = arith.muli %add3A_129, %mul3A_130 : i32
      %add3A_132 = arith.addi %add3A, %mul3A_131 : i32
      %mul3A_133 = arith.constant 120 : i32
      %mul3A_134 = arith.muli %add3A_129, %mul3A_133 : i32
      %add3A_135 = arith.addi %mul3A_6, %mul3A_134 : i32
      %dma_wait3A_136 = tpu.memref_slice %arg3[%add3A_132] : memref<322560xi32, #tpu.memory_space<hbm>> -> memref<120xi32, #tpu.memory_space<hbm>>
      %dma_wait3A_137 = tpu.memref_slice %arg3[%add3A_132] : memref<322560xi32, #tpu.memory_space<hbm>> -> memref<120xi32, #tpu.memory_space<hbm>>
      tpu.wait_dma2 semaphore(%arg21 : memref<!tpu.dma_semaphore, #tpu.memory_space<semaphore_mem>>) src(%dma_wait3A_137 : memref<120xi32, #tpu.memory_space<hbm>>) dst(%arg9 : memref<120xi32, #tpu.memory_space<vmem>>)
      %dma_wait3A_138 = tpu.memref_slice %arg4[%add3A_135] : memref<161280xi32, #tpu.memory_space<hbm>> -> memref<120xi32, #tpu.memory_space<hbm>>
      %dma_wait3A_139 = tpu.memref_slice %arg4[%add3A_135] : memref<161280xi32, #tpu.memory_space<hbm>> -> memref<120xi32, #tpu.memory_space<hbm>>
      tpu.wait_dma2 semaphore(%arg21 : memref<!tpu.dma_semaphore, #tpu.memory_space<semaphore_mem>>) src(%dma_wait3A_139 : memref<120xi32, #tpu.memory_space<hbm>>) dst(%arg12 : memref<120xi32, #tpu.memory_space<vmem>>)
      %dma_start3A_140 = arith.constant 0 : i32
      %dma_start3A_141 = arith.constant 0 : i32
      %dma_start3A_142 = tpu.memref_slice %arg18[%dma_start3A_140, %dma_start3A_141] : memref<120x128xf32, #tpu.memory_space<vmem>> -> memref<64x128xf32, #tpu.memory_space<vmem>>
      %dma_start3A_143 = arith.constant 0 : i32
      %dma_start3A_144 = tpu.memref_slice %arg9[%dma_start3A_143] : memref<120xi32, #tpu.memory_space<vmem>> -> memref<64xi32, #tpu.memory_space<vmem>>
      %dma_start3A_145 = arith.constant 0 : i32
      %dma_start3A_146 = arith.constant 0 : i32
      %dma_start3A_147 = tpu.memref_slice %arg2[%dma_start3A_145, %dma_start3A_146] : memref<20000x128xf32, #tpu.memory_space<hbm>> -> memref<20000x128xf32, #tpu.memory_space<hbm>>
      tpu.enqueue_indirect_dma source(%dma_start3A_147 : memref<20000x128xf32, #tpu.memory_space<hbm>>) target(%dma_start3A_142 : memref<64x128xf32, #tpu.memory_space<vmem>>) offsets(%dma_start3A_144 : memref<64xi32, #tpu.memory_space<vmem>>) semaphore(%arg24 : memref<!tpu.dma_semaphore, #tpu.memory_space<semaphore_mem>>)
      %dma_start3A_148 = arith.constant 64 : i32
      %dma_start3A_149 = arith.constant 0 : i32
      %dma_start3A_150 = tpu.memref_slice %arg18[%dma_start3A_148, %dma_start3A_149] : memref<120x128xf32, #tpu.memory_space<vmem>> -> memref<56x128xf32, #tpu.memory_space<vmem>>
      %dma_start3A_151 = arith.constant 64 : i32
      %dma_start3A_152 = tpu.memref_slice %arg9[%dma_start3A_151] : memref<120xi32, #tpu.memory_space<vmem>> -> memref<56xi32, #tpu.memory_space<vmem>>
      %dma_start3A_153 = arith.constant 0 : i32
      %dma_start3A_154 = arith.constant 0 : i32
      %dma_start3A_155 = tpu.memref_slice %arg2[%dma_start3A_153, %dma_start3A_154] : memref<20000x128xf32, #tpu.memory_space<hbm>> -> memref<20000x128xf32, #tpu.memory_space<hbm>>
      tpu.enqueue_indirect_dma source(%dma_start3A_155 : memref<20000x128xf32, #tpu.memory_space<hbm>>) target(%dma_start3A_150 : memref<56x128xf32, #tpu.memory_space<vmem>>) offsets(%dma_start3A_152 : memref<56xi32, #tpu.memory_space<vmem>>) semaphore(%arg24 : memref<!tpu.dma_semaphore, #tpu.memory_space<semaphore_mem>>)
      %dma_wait3A_156 = arith.constant 0 : i32
      %dma_wait3A_157 = arith.constant 0 : i32
      %dma_wait3A_158 = tpu.memref_slice %arg16[%dma_wait3A_156, %dma_wait3A_157] : memref<120x128xf32, #tpu.memory_space<vmem>> -> memref<64x128xf32, #tpu.memory_space<vmem>>
      %dma_wait3A_159 = arith.constant 0 : i32
      %dma_wait3A_160 = tpu.memref_slice %arg7[%dma_wait3A_159] : memref<120xi32, #tpu.memory_space<vmem>> -> memref<64xi32, #tpu.memory_space<vmem>>
      %dma_wait3A_161 = arith.constant 0 : i32
      %dma_wait3A_162 = arith.constant 0 : i32
      %dma_wait3A_163 = tpu.memref_slice %arg2[%dma_wait3A_161, %dma_wait3A_162] : memref<20000x128xf32, #tpu.memory_space<hbm>> -> memref<20000x128xf32, #tpu.memory_space<hbm>>
      tpu.wait_indirect_dma semaphore(%arg22 : memref<!tpu.dma_semaphore, #tpu.memory_space<semaphore_mem>>) src(%dma_wait3A_163 : memref<20000x128xf32, #tpu.memory_space<hbm>>) dst(%dma_wait3A_158 : memref<64x128xf32, #tpu.memory_space<vmem>>)
      %dma_wait3A_164 = arith.constant 64 : i32
      %dma_wait3A_165 = arith.constant 0 : i32
      %dma_wait3A_166 = tpu.memref_slice %arg16[%dma_wait3A_164, %dma_wait3A_165] : memref<120x128xf32, #tpu.memory_space<vmem>> -> memref<56x128xf32, #tpu.memory_space<vmem>>
      %dma_wait3A_167 = arith.constant 64 : i32
      %dma_wait3A_168 = tpu.memref_slice %arg7[%dma_wait3A_167] : memref<120xi32, #tpu.memory_space<vmem>> -> memref<56xi32, #tpu.memory_space<vmem>>
      %dma_wait3A_169 = arith.constant 0 : i32
      %dma_wait3A_170 = arith.constant 0 : i32
      %dma_wait3A_171 = tpu.memref_slice %arg2[%dma_wait3A_169, %dma_wait3A_170] : memref<20000x128xf32, #tpu.memory_space<hbm>> -> memref<20000x128xf32, #tpu.memory_space<hbm>>
      tpu.wait_indirect_dma semaphore(%arg22 : memref<!tpu.dma_semaphore, #tpu.memory_space<semaphore_mem>>) src(%dma_wait3A_171 : memref<20000x128xf32, #tpu.memory_space<hbm>>) dst(%dma_wait3A_166 : memref<56x128xf32, #tpu.memory_space<vmem>>)
      %add3A_172 = arith.constant 3 : i32
      %add3A_173 = arith.addi %mul3A_57, %add3A_172 : i32
      %add3A_174 = arith.constant 0 : i32
      %add3A_175 = arith.addi %add3A_173, %add3A_174 : i32
      %mul3A_176 = arith.constant 120 : i32
      %mul3A_177 = arith.muli %add3A_175, %mul3A_176 : i32
      %add3A_178 = arith.addi %add3A, %mul3A_177 : i32
      %mul3A_179 = arith.constant 120 : i32
      %mul3A_180 = arith.muli %add3A_175, %mul3A_179 : i32
      %add3A_181 = arith.addi %mul3A_6, %mul3A_180 : i32
      %dma_start3A_182 = tpu.memref_slice %arg3[%add3A_178] : memref<322560xi32, #tpu.memory_space<hbm>> -> memref<120xi32, #tpu.memory_space<hbm>>
      %dma_start3A_183 = tpu.memref_slice %arg3[%add3A_178] : memref<322560xi32, #tpu.memory_space<hbm>> -> memref<120xi32, #tpu.memory_space<hbm>>
      tpu.enqueue_dma source(%dma_start3A_183 : memref<120xi32, #tpu.memory_space<hbm>>) target(%arg7 : memref<120xi32, #tpu.memory_space<vmem>>) target_semaphore(%arg19 : memref<!tpu.dma_semaphore, #tpu.memory_space<semaphore_mem>>)
      %dma_start3A_184 = tpu.memref_slice %arg4[%add3A_181] : memref<161280xi32, #tpu.memory_space<hbm>> -> memref<120xi32, #tpu.memory_space<hbm>>
      %dma_start3A_185 = tpu.memref_slice %arg4[%add3A_181] : memref<161280xi32, #tpu.memory_space<hbm>> -> memref<120xi32, #tpu.memory_space<hbm>>
      tpu.enqueue_dma source(%dma_start3A_185 : memref<120xi32, #tpu.memory_space<hbm>>) target(%arg13 : memref<120xi32, #tpu.memory_space<vmem>>) target_semaphore(%arg19 : memref<!tpu.dma_semaphore, #tpu.memory_space<semaphore_mem>>)
      %dma_start3A_186 = arith.constant 0 : i32
      %dma_start3A_187 = arith.constant 0 : i32
      %dma_start3A_188 = tpu.memref_slice %arg28[%dma_start3A_186, %dma_start3A_187] : memref<10016x128xf32, #tpu.memory_space<vmem_shared>> -> memref<10016x128xf32, #tpu.memory_space<vmem_shared>>
      tpu.enqueue_indirect_dma source(%arg16 : memref<120x128xf32, #tpu.memory_space<vmem>>) target(%dma_start3A_188 : memref<10016x128xf32, #tpu.memory_space<vmem_shared>>) offsets(%arg10 : memref<120xi32, #tpu.memory_space<vmem>>) semaphore(%arg25 : memref<!tpu.dma_semaphore, #tpu.memory_space<semaphore_mem>>) {add = true}
      %dma_wait3A_189 = arith.constant 0 : i32
      %dma_wait3A_190 = arith.constant 0 : i32
      %dma_wait3A_191 = tpu.memref_slice %arg17[%dma_wait3A_189, %dma_wait3A_190] : memref<120x128xf32, #tpu.memory_space<vmem>> -> memref<64x128xf32, #tpu.memory_space<vmem>>
      %dma_wait3A_192 = arith.constant 0 : i32
      %dma_wait3A_193 = tpu.memref_slice %arg8[%dma_wait3A_192] : memref<120xi32, #tpu.memory_space<vmem>> -> memref<64xi32, #tpu.memory_space<vmem>>
      %dma_wait3A_194 = arith.constant 0 : i32
      %dma_wait3A_195 = arith.constant 0 : i32
      %dma_wait3A_196 = tpu.memref_slice %arg2[%dma_wait3A_194, %dma_wait3A_195] : memref<20000x128xf32, #tpu.memory_space<hbm>> -> memref<20000x128xf32, #tpu.memory_space<hbm>>
      tpu.wait_indirect_dma semaphore(%arg23 : memref<!tpu.dma_semaphore, #tpu.memory_space<semaphore_mem>>) src(%dma_wait3A_196 : memref<20000x128xf32, #tpu.memory_space<hbm>>) dst(%dma_wait3A_191 : memref<64x128xf32, #tpu.memory_space<vmem>>)
      %dma_wait3A_197 = arith.constant 64 : i32
      %dma_wait3A_198 = arith.constant 0 : i32
      %dma_wait3A_199 = tpu.memref_slice %arg17[%dma_wait3A_197, %dma_wait3A_198] : memref<120x128xf32, #tpu.memory_space<vmem>> -> memref<56x128xf32, #tpu.memory_space<vmem>>
      %dma_wait3A_200 = arith.constant 64 : i32
      %dma_wait3A_201 = tpu.memref_slice %arg8[%dma_wait3A_200] : memref<120xi32, #tpu.memory_space<vmem>> -> memref<56xi32, #tpu.memory_space<vmem>>
      %dma_wait3A_202 = arith.constant 0 : i32
      %dma_wait3A_203 = arith.constant 0 : i32
      %dma_wait3A_204 = tpu.memref_slice %arg2[%dma_wait3A_202, %dma_wait3A_203] : memref<20000x128xf32, #tpu.memory_space<hbm>> -> memref<20000x128xf32, #tpu.memory_space<hbm>>
      tpu.wait_indirect_dma semaphore(%arg23 : memref<!tpu.dma_semaphore, #tpu.memory_space<semaphore_mem>>) src(%dma_wait3A_204 : memref<20000x128xf32, #tpu.memory_space<hbm>>) dst(%dma_wait3A_199 : memref<56x128xf32, #tpu.memory_space<vmem>>)
      %add3A_205 = arith.constant 3 : i32
      %add3A_206 = arith.addi %mul3A_57, %add3A_205 : i32
      %add3A_207 = arith.constant 1 : i32
      %add3A_208 = arith.addi %add3A_206, %add3A_207 : i32
      %mul3A_209 = arith.constant 120 : i32
      %mul3A_210 = arith.muli %add3A_208, %mul3A_209 : i32
      %add3A_211 = arith.addi %add3A, %mul3A_210 : i32
      %mul3A_212 = arith.constant 120 : i32
      %mul3A_213 = arith.muli %add3A_208, %mul3A_212 : i32
      %add3A_214 = arith.addi %mul3A_6, %mul3A_213 : i32
      %dma_start3A_215 = tpu.memref_slice %arg3[%add3A_211] : memref<322560xi32, #tpu.memory_space<hbm>> -> memref<120xi32, #tpu.memory_space<hbm>>
      %dma_start3A_216 = tpu.memref_slice %arg3[%add3A_211] : memref<322560xi32, #tpu.memory_space<hbm>> -> memref<120xi32, #tpu.memory_space<hbm>>
      tpu.enqueue_dma source(%dma_start3A_216 : memref<120xi32, #tpu.memory_space<hbm>>) target(%arg8 : memref<120xi32, #tpu.memory_space<vmem>>) target_semaphore(%arg20 : memref<!tpu.dma_semaphore, #tpu.memory_space<semaphore_mem>>)
      %dma_start3A_217 = tpu.memref_slice %arg4[%add3A_214] : memref<161280xi32, #tpu.memory_space<hbm>> -> memref<120xi32, #tpu.memory_space<hbm>>
      %dma_start3A_218 = tpu.memref_slice %arg4[%add3A_214] : memref<161280xi32, #tpu.memory_space<hbm>> -> memref<120xi32, #tpu.memory_space<hbm>>
      tpu.enqueue_dma source(%dma_start3A_218 : memref<120xi32, #tpu.memory_space<hbm>>) target(%arg14 : memref<120xi32, #tpu.memory_space<vmem>>) target_semaphore(%arg20 : memref<!tpu.dma_semaphore, #tpu.memory_space<semaphore_mem>>)
      %dma_start3A_219 = arith.constant 0 : i32
      %dma_start3A_220 = arith.constant 0 : i32
      %dma_start3A_221 = tpu.memref_slice %arg28[%dma_start3A_219, %dma_start3A_220] : memref<10016x128xf32, #tpu.memory_space<vmem_shared>> -> memref<10016x128xf32, #tpu.memory_space<vmem_shared>>
      tpu.enqueue_indirect_dma source(%arg17 : memref<120x128xf32, #tpu.memory_space<vmem>>) target(%dma_start3A_221 : memref<10016x128xf32, #tpu.memory_space<vmem_shared>>) offsets(%arg11 : memref<120xi32, #tpu.memory_space<vmem>>) semaphore(%arg26 : memref<!tpu.dma_semaphore, #tpu.memory_space<semaphore_mem>>) {add = true}
      %dma_wait3A_222 = arith.constant 0 : i32
      %dma_wait3A_223 = arith.constant 0 : i32
      %dma_wait3A_224 = tpu.memref_slice %arg18[%dma_wait3A_222, %dma_wait3A_223] : memref<120x128xf32, #tpu.memory_space<vmem>> -> memref<64x128xf32, #tpu.memory_space<vmem>>
      %dma_wait3A_225 = arith.constant 0 : i32
      %dma_wait3A_226 = tpu.memref_slice %arg9[%dma_wait3A_225] : memref<120xi32, #tpu.memory_space<vmem>> -> memref<64xi32, #tpu.memory_space<vmem>>
      %dma_wait3A_227 = arith.constant 0 : i32
      %dma_wait3A_228 = arith.constant 0 : i32
      %dma_wait3A_229 = tpu.memref_slice %arg2[%dma_wait3A_227, %dma_wait3A_228] : memref<20000x128xf32, #tpu.memory_space<hbm>> -> memref<20000x128xf32, #tpu.memory_space<hbm>>
      tpu.wait_indirect_dma semaphore(%arg24 : memref<!tpu.dma_semaphore, #tpu.memory_space<semaphore_mem>>) src(%dma_wait3A_229 : memref<20000x128xf32, #tpu.memory_space<hbm>>) dst(%dma_wait3A_224 : memref<64x128xf32, #tpu.memory_space<vmem>>)
      %dma_wait3A_230 = arith.constant 64 : i32
      %dma_wait3A_231 = arith.constant 0 : i32
      %dma_wait3A_232 = tpu.memref_slice %arg18[%dma_wait3A_230, %dma_wait3A_231] : memref<120x128xf32, #tpu.memory_space<vmem>> -> memref<56x128xf32, #tpu.memory_space<vmem>>
      %dma_wait3A_233 = arith.constant 64 : i32
      %dma_wait3A_234 = tpu.memref_slice %arg9[%dma_wait3A_233] : memref<120xi32, #tpu.memory_space<vmem>> -> memref<56xi32, #tpu.memory_space<vmem>>
      %dma_wait3A_235 = arith.constant 0 : i32
      %dma_wait3A_236 = arith.constant 0 : i32
      %dma_wait3A_237 = tpu.memref_slice %arg2[%dma_wait3A_235, %dma_wait3A_236] : memref<20000x128xf32, #tpu.memory_space<hbm>> -> memref<20000x128xf32, #tpu.memory_space<hbm>>
      tpu.wait_indirect_dma semaphore(%arg24 : memref<!tpu.dma_semaphore, #tpu.memory_space<semaphore_mem>>) src(%dma_wait3A_237 : memref<20000x128xf32, #tpu.memory_space<hbm>>) dst(%dma_wait3A_232 : memref<56x128xf32, #tpu.memory_space<vmem>>)
      %add3A_238 = arith.constant 3 : i32
      %add3A_239 = arith.addi %mul3A_57, %add3A_238 : i32
      %add3A_240 = arith.constant 2 : i32
      %add3A_241 = arith.addi %add3A_239, %add3A_240 : i32
      %mul3A_242 = arith.constant 120 : i32
      %mul3A_243 = arith.muli %add3A_241, %mul3A_242 : i32
      %add3A_244 = arith.addi %add3A, %mul3A_243 : i32
      %mul3A_245 = arith.constant 120 : i32
      %mul3A_246 = arith.muli %add3A_241, %mul3A_245 : i32
      %add3A_247 = arith.addi %mul3A_6, %mul3A_246 : i32
      %dma_start3A_248 = tpu.memref_slice %arg3[%add3A_244] : memref<322560xi32, #tpu.memory_space<hbm>> -> memref<120xi32, #tpu.memory_space<hbm>>
      %dma_start3A_249 = tpu.memref_slice %arg3[%add3A_244] : memref<322560xi32, #tpu.memory_space<hbm>> -> memref<120xi32, #tpu.memory_space<hbm>>
      tpu.enqueue_dma source(%dma_start3A_249 : memref<120xi32, #tpu.memory_space<hbm>>) target(%arg9 : memref<120xi32, #tpu.memory_space<vmem>>) target_semaphore(%arg21 : memref<!tpu.dma_semaphore, #tpu.memory_space<semaphore_mem>>)
      %dma_start3A_250 = tpu.memref_slice %arg4[%add3A_247] : memref<161280xi32, #tpu.memory_space<hbm>> -> memref<120xi32, #tpu.memory_space<hbm>>
      %dma_start3A_251 = tpu.memref_slice %arg4[%add3A_247] : memref<161280xi32, #tpu.memory_space<hbm>> -> memref<120xi32, #tpu.memory_space<hbm>>
      tpu.enqueue_dma source(%dma_start3A_251 : memref<120xi32, #tpu.memory_space<hbm>>) target(%arg15 : memref<120xi32, #tpu.memory_space<vmem>>) target_semaphore(%arg21 : memref<!tpu.dma_semaphore, #tpu.memory_space<semaphore_mem>>)
      %dma_start3A_252 = arith.constant 0 : i32
      %dma_start3A_253 = arith.constant 0 : i32
      %dma_start3A_254 = tpu.memref_slice %arg28[%dma_start3A_252, %dma_start3A_253] : memref<10016x128xf32, #tpu.memory_space<vmem_shared>> -> memref<10016x128xf32, #tpu.memory_space<vmem_shared>>
      tpu.enqueue_indirect_dma source(%arg18 : memref<120x128xf32, #tpu.memory_space<vmem>>) target(%dma_start3A_254 : memref<10016x128xf32, #tpu.memory_space<vmem_shared>>) offsets(%arg12 : memref<120xi32, #tpu.memory_space<vmem>>) semaphore(%arg27 : memref<!tpu.dma_semaphore, #tpu.memory_space<semaphore_mem>>) {add = true}
      %mul3A_255 = arith.constant 2 : i32
      %mul3A_256 = arith.muli %mul3A_255, %scan3A_51 : i32
      %add3A_257 = arith.constant 1 : i32
      %add3A_258 = arith.addi %mul3A_256, %add3A_257 : i32
      %mul3A_259 = arith.constant 3 : i32
      %mul3A_260 = arith.muli %add3A_258, %mul3A_259 : i32
      %dma_wait3A_261 = arith.constant 0 : i32
      %dma_wait3A_262 = arith.constant 0 : i32
      %dma_wait3A_263 = tpu.memref_slice %arg28[%dma_wait3A_261, %dma_wait3A_262] : memref<10016x128xf32, #tpu.memory_space<vmem_shared>> -> memref<10016x128xf32, #tpu.memory_space<vmem_shared>>
      tpu.wait_indirect_dma semaphore(%arg25 : memref<!tpu.dma_semaphore, #tpu.memory_space<semaphore_mem>>) src(%arg16 : memref<120x128xf32, #tpu.memory_space<vmem>>) dst(%dma_wait3A_263 : memref<10016x128xf32, #tpu.memory_space<vmem_shared>>)
      %add3A_264 = arith.constant 0 : i32
      %add3A_265 = arith.addi %mul3A_260, %add3A_264 : i32
      %mul3A_266 = arith.constant 120 : i32
      %mul3A_267 = arith.muli %add3A_265, %mul3A_266 : i32
      %add3A_268 = arith.addi %add3A, %mul3A_267 : i32
      %mul3A_269 = arith.constant 120 : i32
      %mul3A_270 = arith.muli %add3A_265, %mul3A_269 : i32
      %add3A_271 = arith.addi %mul3A_6, %mul3A_270 : i32
      %dma_wait3A_272 = tpu.memref_slice %arg3[%add3A_268] : memref<322560xi32, #tpu.memory_space<hbm>> -> memref<120xi32, #tpu.memory_space<hbm>>
      %dma_wait3A_273 = tpu.memref_slice %arg3[%add3A_268] : memref<322560xi32, #tpu.memory_space<hbm>> -> memref<120xi32, #tpu.memory_space<hbm>>
      tpu.wait_dma2 semaphore(%arg19 : memref<!tpu.dma_semaphore, #tpu.memory_space<semaphore_mem>>) src(%dma_wait3A_273 : memref<120xi32, #tpu.memory_space<hbm>>) dst(%arg7 : memref<120xi32, #tpu.memory_space<vmem>>)
      %dma_wait3A_274 = tpu.memref_slice %arg4[%add3A_271] : memref<161280xi32, #tpu.memory_space<hbm>> -> memref<120xi32, #tpu.memory_space<hbm>>
      %dma_wait3A_275 = tpu.memref_slice %arg4[%add3A_271] : memref<161280xi32, #tpu.memory_space<hbm>> -> memref<120xi32, #tpu.memory_space<hbm>>
      tpu.wait_dma2 semaphore(%arg19 : memref<!tpu.dma_semaphore, #tpu.memory_space<semaphore_mem>>) src(%dma_wait3A_275 : memref<120xi32, #tpu.memory_space<hbm>>) dst(%arg13 : memref<120xi32, #tpu.memory_space<vmem>>)
      %dma_start3A_276 = arith.constant 0 : i32
      %dma_start3A_277 = arith.constant 0 : i32
      %dma_start3A_278 = tpu.memref_slice %arg16[%dma_start3A_276, %dma_start3A_277] : memref<120x128xf32, #tpu.memory_space<vmem>> -> memref<64x128xf32, #tpu.memory_space<vmem>>
      %dma_start3A_279 = arith.constant 0 : i32
      %dma_start3A_280 = tpu.memref_slice %arg7[%dma_start3A_279] : memref<120xi32, #tpu.memory_space<vmem>> -> memref<64xi32, #tpu.memory_space<vmem>>
      %dma_start3A_281 = arith.constant 0 : i32
      %dma_start3A_282 = arith.constant 0 : i32
      %dma_start3A_283 = tpu.memref_slice %arg2[%dma_start3A_281, %dma_start3A_282] : memref<20000x128xf32, #tpu.memory_space<hbm>> -> memref<20000x128xf32, #tpu.memory_space<hbm>>
      tpu.enqueue_indirect_dma source(%dma_start3A_283 : memref<20000x128xf32, #tpu.memory_space<hbm>>) target(%dma_start3A_278 : memref<64x128xf32, #tpu.memory_space<vmem>>) offsets(%dma_start3A_280 : memref<64xi32, #tpu.memory_space<vmem>>) semaphore(%arg22 : memref<!tpu.dma_semaphore, #tpu.memory_space<semaphore_mem>>)
      %dma_start3A_284 = arith.constant 64 : i32
      %dma_start3A_285 = arith.constant 0 : i32
      %dma_start3A_286 = tpu.memref_slice %arg16[%dma_start3A_284, %dma_start3A_285] : memref<120x128xf32, #tpu.memory_space<vmem>> -> memref<56x128xf32, #tpu.memory_space<vmem>>
      %dma_start3A_287 = arith.constant 64 : i32
      %dma_start3A_288 = tpu.memref_slice %arg7[%dma_start3A_287] : memref<120xi32, #tpu.memory_space<vmem>> -> memref<56xi32, #tpu.memory_space<vmem>>
      %dma_start3A_289 = arith.constant 0 : i32
      %dma_start3A_290 = arith.constant 0 : i32
      %dma_start3A_291 = tpu.memref_slice %arg2[%dma_start3A_289, %dma_start3A_290] : memref<20000x128xf32, #tpu.memory_space<hbm>> -> memref<20000x128xf32, #tpu.memory_space<hbm>>
      tpu.enqueue_indirect_dma source(%dma_start3A_291 : memref<20000x128xf32, #tpu.memory_space<hbm>>) target(%dma_start3A_286 : memref<56x128xf32, #tpu.memory_space<vmem>>) offsets(%dma_start3A_288 : memref<56xi32, #tpu.memory_space<vmem>>) semaphore(%arg22 : memref<!tpu.dma_semaphore, #tpu.memory_space<semaphore_mem>>)
      %dma_wait3A_292 = arith.constant 0 : i32
      %dma_wait3A_293 = arith.constant 0 : i32
      %dma_wait3A_294 = tpu.memref_slice %arg28[%dma_wait3A_292, %dma_wait3A_293] : memref<10016x128xf32, #tpu.memory_space<vmem_shared>> -> memref<10016x128xf32, #tpu.memory_space<vmem_shared>>
      tpu.wait_indirect_dma semaphore(%arg26 : memref<!tpu.dma_semaphore, #tpu.memory_space<semaphore_mem>>) src(%arg17 : memref<120x128xf32, #tpu.memory_space<vmem>>) dst(%dma_wait3A_294 : memref<10016x128xf32, #tpu.memory_space<vmem_shared>>)
      %add3A_295 = arith.constant 1 : i32
      %add3A_296 = arith.addi %mul3A_260, %add3A_295 : i32
      %mul3A_297 = arith.constant 120 : i32
      %mul3A_298 = arith.muli %add3A_296, %mul3A_297 : i32
      %add3A_299 = arith.addi %add3A, %mul3A_298 : i32
      %mul3A_300 = arith.constant 120 : i32
      %mul3A_301 = arith.muli %add3A_296, %mul3A_300 : i32
      %add3A_302 = arith.addi %mul3A_6, %mul3A_301 : i32
      %dma_wait3A_303 = tpu.memref_slice %arg3[%add3A_299] : memref<322560xi32, #tpu.memory_space<hbm>> -> memref<120xi32, #tpu.memory_space<hbm>>
      %dma_wait3A_304 = tpu.memref_slice %arg3[%add3A_299] : memref<322560xi32, #tpu.memory_space<hbm>> -> memref<120xi32, #tpu.memory_space<hbm>>
      tpu.wait_dma2 semaphore(%arg20 : memref<!tpu.dma_semaphore, #tpu.memory_space<semaphore_mem>>) src(%dma_wait3A_304 : memref<120xi32, #tpu.memory_space<hbm>>) dst(%arg8 : memref<120xi32, #tpu.memory_space<vmem>>)
      %dma_wait3A_305 = tpu.memref_slice %arg4[%add3A_302] : memref<161280xi32, #tpu.memory_space<hbm>> -> memref<120xi32, #tpu.memory_space<hbm>>
      %dma_wait3A_306 = tpu.memref_slice %arg4[%add3A_302] : memref<161280xi32, #tpu.memory_space<hbm>> -> memref<120xi32, #tpu.memory_space<hbm>>
      tpu.wait_dma2 semaphore(%arg20 : memref<!tpu.dma_semaphore, #tpu.memory_space<semaphore_mem>>) src(%dma_wait3A_306 : memref<120xi32, #tpu.memory_space<hbm>>) dst(%arg14 : memref<120xi32, #tpu.memory_space<vmem>>)
      %dma_start3A_307 = arith.constant 0 : i32
      %dma_start3A_308 = arith.constant 0 : i32
      %dma_start3A_309 = tpu.memref_slice %arg17[%dma_start3A_307, %dma_start3A_308] : memref<120x128xf32, #tpu.memory_space<vmem>> -> memref<64x128xf32, #tpu.memory_space<vmem>>
      %dma_start3A_310 = arith.constant 0 : i32
      %dma_start3A_311 = tpu.memref_slice %arg8[%dma_start3A_310] : memref<120xi32, #tpu.memory_space<vmem>> -> memref<64xi32, #tpu.memory_space<vmem>>
      %dma_start3A_312 = arith.constant 0 : i32
      %dma_start3A_313 = arith.constant 0 : i32
      %dma_start3A_314 = tpu.memref_slice %arg2[%dma_start3A_312, %dma_start3A_313] : memref<20000x128xf32, #tpu.memory_space<hbm>> -> memref<20000x128xf32, #tpu.memory_space<hbm>>
      tpu.enqueue_indirect_dma source(%dma_start3A_314 : memref<20000x128xf32, #tpu.memory_space<hbm>>) target(%dma_start3A_309 : memref<64x128xf32, #tpu.memory_space<vmem>>) offsets(%dma_start3A_311 : memref<64xi32, #tpu.memory_space<vmem>>) semaphore(%arg23 : memref<!tpu.dma_semaphore, #tpu.memory_space<semaphore_mem>>)
      %dma_start3A_315 = arith.constant 64 : i32
      %dma_start3A_316 = arith.constant 0 : i32
      %dma_start3A_317 = tpu.memref_slice %arg17[%dma_start3A_315, %dma_start3A_316] : memref<120x128xf32, #tpu.memory_space<vmem>> -> memref<56x128xf32, #tpu.memory_space<vmem>>
      %dma_start3A_318 = arith.constant 64 : i32
      %dma_start3A_319 = tpu.memref_slice %arg8[%dma_start3A_318] : memref<120xi32, #tpu.memory_space<vmem>> -> memref<56xi32, #tpu.memory_space<vmem>>
      %dma_start3A_320 = arith.constant 0 : i32
      %dma_start3A_321 = arith.constant 0 : i32
      %dma_start3A_322 = tpu.memref_slice %arg2[%dma_start3A_320, %dma_start3A_321] : memref<20000x128xf32, #tpu.memory_space<hbm>> -> memref<20000x128xf32, #tpu.memory_space<hbm>>
      tpu.enqueue_indirect_dma source(%dma_start3A_322 : memref<20000x128xf32, #tpu.memory_space<hbm>>) target(%dma_start3A_317 : memref<56x128xf32, #tpu.memory_space<vmem>>) offsets(%dma_start3A_319 : memref<56xi32, #tpu.memory_space<vmem>>) semaphore(%arg23 : memref<!tpu.dma_semaphore, #tpu.memory_space<semaphore_mem>>)
      %dma_wait3A_323 = arith.constant 0 : i32
      %dma_wait3A_324 = arith.constant 0 : i32
      %dma_wait3A_325 = tpu.memref_slice %arg28[%dma_wait3A_323, %dma_wait3A_324] : memref<10016x128xf32, #tpu.memory_space<vmem_shared>> -> memref<10016x128xf32, #tpu.memory_space<vmem_shared>>
      tpu.wait_indirect_dma semaphore(%arg27 : memref<!tpu.dma_semaphore, #tpu.memory_space<semaphore_mem>>) src(%arg18 : memref<120x128xf32, #tpu.memory_space<vmem>>) dst(%dma_wait3A_325 : memref<10016x128xf32, #tpu.memory_space<vmem_shared>>)
      %add3A_326 = arith.constant 2 : i32
      %add3A_327 = arith.addi %mul3A_260, %add3A_326 : i32
      %mul3A_328 = arith.constant 120 : i32
      %mul3A_329 = arith.muli %add3A_327, %mul3A_328 : i32
      %add3A_330 = arith.addi %add3A, %mul3A_329 : i32
      %mul3A_331 = arith.constant 120 : i32
      %mul3A_332 = arith.muli %add3A_327, %mul3A_331 : i32
      %add3A_333 = arith.addi %mul3A_6, %mul3A_332 : i32
      %dma_wait3A_334 = tpu.memref_slice %arg3[%add3A_330] : memref<322560xi32, #tpu.memory_space<hbm>> -> memref<120xi32, #tpu.memory_space<hbm>>
      %dma_wait3A_335 = tpu.memref_slice %arg3[%add3A_330] : memref<322560xi32, #tpu.memory_space<hbm>> -> memref<120xi32, #tpu.memory_space<hbm>>
      tpu.wait_dma2 semaphore(%arg21 : memref<!tpu.dma_semaphore, #tpu.memory_space<semaphore_mem>>) src(%dma_wait3A_335 : memref<120xi32, #tpu.memory_space<hbm>>) dst(%arg9 : memref<120xi32, #tpu.memory_space<vmem>>)
      %dma_wait3A_336 = tpu.memref_slice %arg4[%add3A_333] : memref<161280xi32, #tpu.memory_space<hbm>> -> memref<120xi32, #tpu.memory_space<hbm>>
      %dma_wait3A_337 = tpu.memref_slice %arg4[%add3A_333] : memref<161280xi32, #tpu.memory_space<hbm>> -> memref<120xi32, #tpu.memory_space<hbm>>
      tpu.wait_dma2 semaphore(%arg21 : memref<!tpu.dma_semaphore, #tpu.memory_space<semaphore_mem>>) src(%dma_wait3A_337 : memref<120xi32, #tpu.memory_space<hbm>>) dst(%arg15 : memref<120xi32, #tpu.memory_space<vmem>>)
      %dma_start3A_338 = arith.constant 0 : i32
      %dma_start3A_339 = arith.constant 0 : i32
      %dma_start3A_340 = tpu.memref_slice %arg18[%dma_start3A_338, %dma_start3A_339] : memref<120x128xf32, #tpu.memory_space<vmem>> -> memref<64x128xf32, #tpu.memory_space<vmem>>
      %dma_start3A_341 = arith.constant 0 : i32
      %dma_start3A_342 = tpu.memref_slice %arg9[%dma_start3A_341] : memref<120xi32, #tpu.memory_space<vmem>> -> memref<64xi32, #tpu.memory_space<vmem>>
      %dma_start3A_343 = arith.constant 0 : i32
      %dma_start3A_344 = arith.constant 0 : i32
      %dma_start3A_345 = tpu.memref_slice %arg2[%dma_start3A_343, %dma_start3A_344] : memref<20000x128xf32, #tpu.memory_space<hbm>> -> memref<20000x128xf32, #tpu.memory_space<hbm>>
      tpu.enqueue_indirect_dma source(%dma_start3A_345 : memref<20000x128xf32, #tpu.memory_space<hbm>>) target(%dma_start3A_340 : memref<64x128xf32, #tpu.memory_space<vmem>>) offsets(%dma_start3A_342 : memref<64xi32, #tpu.memory_space<vmem>>) semaphore(%arg24 : memref<!tpu.dma_semaphore, #tpu.memory_space<semaphore_mem>>)
      %dma_start3A_346 = arith.constant 64 : i32
      %dma_start3A_347 = arith.constant 0 : i32
      %dma_start3A_348 = tpu.memref_slice %arg18[%dma_start3A_346, %dma_start3A_347] : memref<120x128xf32, #tpu.memory_space<vmem>> -> memref<56x128xf32, #tpu.memory_space<vmem>>
      %dma_start3A_349 = arith.constant 64 : i32
      %dma_start3A_350 = tpu.memref_slice %arg9[%dma_start3A_349] : memref<120xi32, #tpu.memory_space<vmem>> -> memref<56xi32, #tpu.memory_space<vmem>>
      %dma_start3A_351 = arith.constant 0 : i32
      %dma_start3A_352 = arith.constant 0 : i32
      %dma_start3A_353 = tpu.memref_slice %arg2[%dma_start3A_351, %dma_start3A_352] : memref<20000x128xf32, #tpu.memory_space<hbm>> -> memref<20000x128xf32, #tpu.memory_space<hbm>>
      tpu.enqueue_indirect_dma source(%dma_start3A_353 : memref<20000x128xf32, #tpu.memory_space<hbm>>) target(%dma_start3A_348 : memref<56x128xf32, #tpu.memory_space<vmem>>) offsets(%dma_start3A_350 : memref<56xi32, #tpu.memory_space<vmem>>) semaphore(%arg24 : memref<!tpu.dma_semaphore, #tpu.memory_space<semaphore_mem>>)
      %dma_wait3A_354 = arith.constant 0 : i32
      %dma_wait3A_355 = arith.constant 0 : i32
      %dma_wait3A_356 = tpu.memref_slice %arg16[%dma_wait3A_354, %dma_wait3A_355] : memref<120x128xf32, #tpu.memory_space<vmem>> -> memref<64x128xf32, #tpu.memory_space<vmem>>
      %dma_wait3A_357 = arith.constant 0 : i32
      %dma_wait3A_358 = tpu.memref_slice %arg7[%dma_wait3A_357] : memref<120xi32, #tpu.memory_space<vmem>> -> memref<64xi32, #tpu.memory_space<vmem>>
      %dma_wait3A_359 = arith.constant 0 : i32
      %dma_wait3A_360 = arith.constant 0 : i32
      %dma_wait3A_361 = tpu.memref_slice %arg2[%dma_wait3A_359, %dma_wait3A_360] : memref<20000x128xf32, #tpu.memory_space<hbm>> -> memref<20000x128xf32, #tpu.memory_space<hbm>>
      tpu.wait_indirect_dma semaphore(%arg22 : memref<!tpu.dma_semaphore, #tpu.memory_space<semaphore_mem>>) src(%dma_wait3A_361 : memref<20000x128xf32, #tpu.memory_space<hbm>>) dst(%dma_wait3A_356 : memref<64x128xf32, #tpu.memory_space<vmem>>)
      %dma_wait3A_362 = arith.constant 64 : i32
      %dma_wait3A_363 = arith.constant 0 : i32
      %dma_wait3A_364 = tpu.memref_slice %arg16[%dma_wait3A_362, %dma_wait3A_363] : memref<120x128xf32, #tpu.memory_space<vmem>> -> memref<56x128xf32, #tpu.memory_space<vmem>>
      %dma_wait3A_365 = arith.constant 64 : i32
      %dma_wait3A_366 = tpu.memref_slice %arg7[%dma_wait3A_365] : memref<120xi32, #tpu.memory_space<vmem>> -> memref<56xi32, #tpu.memory_space<vmem>>
      %dma_wait3A_367 = arith.constant 0 : i32
      %dma_wait3A_368 = arith.constant 0 : i32
      %dma_wait3A_369 = tpu.memref_slice %arg2[%dma_wait3A_367, %dma_wait3A_368] : memref<20000x128xf32, #tpu.memory_space<hbm>> -> memref<20000x128xf32, #tpu.memory_space<hbm>>
      tpu.wait_indirect_dma semaphore(%arg22 : memref<!tpu.dma_semaphore, #tpu.memory_space<semaphore_mem>>) src(%dma_wait3A_369 : memref<20000x128xf32, #tpu.memory_space<hbm>>) dst(%dma_wait3A_364 : memref<56x128xf32, #tpu.memory_space<vmem>>)
      %lt3A = arith.constant 13 : i32
      %lt3A_370 = arith.cmpi slt, %scan3A_51, %lt3A : i32
      %convert_element_type3A_371 = arith.extui %lt3A_370 : i1 to i32
      %cond3A_372 = arith.constant 0 : i32
      %cond3A_373 = arith.cmpi ne, %convert_element_type3A_371, %cond3A_372 : i32
      scf.if %cond3A_373 {
        %add3A_425 = arith.constant 3 : i32
        %add3A_426 = arith.addi %mul3A_260, %add3A_425 : i32
        %add3A_427 = arith.constant 0 : i32
        %add3A_428 = arith.addi %add3A_426, %add3A_427 : i32
        %mul3A_429 = arith.constant 120 : i32
        %mul3A_430 = arith.muli %add3A_428, %mul3A_429 : i32
        %add3A_431 = arith.addi %add3A, %mul3A_430 : i32
        %mul3A_432 = arith.constant 120 : i32
        %mul3A_433 = arith.muli %add3A_428, %mul3A_432 : i32
        %add3A_434 = arith.addi %mul3A_6, %mul3A_433 : i32
        %dma_start3A_435 = tpu.memref_slice %arg3[%add3A_431] : memref<322560xi32, #tpu.memory_space<hbm>> -> memref<120xi32, #tpu.memory_space<hbm>>
        %dma_start3A_436 = tpu.memref_slice %arg3[%add3A_431] : memref<322560xi32, #tpu.memory_space<hbm>> -> memref<120xi32, #tpu.memory_space<hbm>>
        tpu.enqueue_dma source(%dma_start3A_436 : memref<120xi32, #tpu.memory_space<hbm>>) target(%arg7 : memref<120xi32, #tpu.memory_space<vmem>>) target_semaphore(%arg19 : memref<!tpu.dma_semaphore, #tpu.memory_space<semaphore_mem>>)
        %dma_start3A_437 = tpu.memref_slice %arg4[%add3A_434] : memref<161280xi32, #tpu.memory_space<hbm>> -> memref<120xi32, #tpu.memory_space<hbm>>
        %dma_start3A_438 = tpu.memref_slice %arg4[%add3A_434] : memref<161280xi32, #tpu.memory_space<hbm>> -> memref<120xi32, #tpu.memory_space<hbm>>
        tpu.enqueue_dma source(%dma_start3A_438 : memref<120xi32, #tpu.memory_space<hbm>>) target(%arg10 : memref<120xi32, #tpu.memory_space<vmem>>) target_semaphore(%arg19 : memref<!tpu.dma_semaphore, #tpu.memory_space<semaphore_mem>>)
      } else {
      }
      %dma_start3A_374 = arith.constant 0 : i32
      %dma_start3A_375 = arith.constant 0 : i32
      %dma_start3A_376 = tpu.memref_slice %arg28[%dma_start3A_374, %dma_start3A_375] : memref<10016x128xf32, #tpu.memory_space<vmem_shared>> -> memref<10016x128xf32, #tpu.memory_space<vmem_shared>>
      tpu.enqueue_indirect_dma source(%arg16 : memref<120x128xf32, #tpu.memory_space<vmem>>) target(%dma_start3A_376 : memref<10016x128xf32, #tpu.memory_space<vmem_shared>>) offsets(%arg13 : memref<120xi32, #tpu.memory_space<vmem>>) semaphore(%arg25 : memref<!tpu.dma_semaphore, #tpu.memory_space<semaphore_mem>>) {add = true}
      %dma_wait3A_377 = arith.constant 0 : i32
      %dma_wait3A_378 = arith.constant 0 : i32
      %dma_wait3A_379 = tpu.memref_slice %arg17[%dma_wait3A_377, %dma_wait3A_378] : memref<120x128xf32, #tpu.memory_space<vmem>> -> memref<64x128xf32, #tpu.memory_space<vmem>>
      %dma_wait3A_380 = arith.constant 0 : i32
      %dma_wait3A_381 = tpu.memref_slice %arg8[%dma_wait3A_380] : memref<120xi32, #tpu.memory_space<vmem>> -> memref<64xi32, #tpu.memory_space<vmem>>
      %dma_wait3A_382 = arith.constant 0 : i32
      %dma_wait3A_383 = arith.constant 0 : i32
      %dma_wait3A_384 = tpu.memref_slice %arg2[%dma_wait3A_382, %dma_wait3A_383] : memref<20000x128xf32, #tpu.memory_space<hbm>> -> memref<20000x128xf32, #tpu.memory_space<hbm>>
      tpu.wait_indirect_dma semaphore(%arg23 : memref<!tpu.dma_semaphore, #tpu.memory_space<semaphore_mem>>) src(%dma_wait3A_384 : memref<20000x128xf32, #tpu.memory_space<hbm>>) dst(%dma_wait3A_379 : memref<64x128xf32, #tpu.memory_space<vmem>>)
      %dma_wait3A_385 = arith.constant 64 : i32
      %dma_wait3A_386 = arith.constant 0 : i32
      %dma_wait3A_387 = tpu.memref_slice %arg17[%dma_wait3A_385, %dma_wait3A_386] : memref<120x128xf32, #tpu.memory_space<vmem>> -> memref<56x128xf32, #tpu.memory_space<vmem>>
      %dma_wait3A_388 = arith.constant 64 : i32
      %dma_wait3A_389 = tpu.memref_slice %arg8[%dma_wait3A_388] : memref<120xi32, #tpu.memory_space<vmem>> -> memref<56xi32, #tpu.memory_space<vmem>>
      %dma_wait3A_390 = arith.constant 0 : i32
      %dma_wait3A_391 = arith.constant 0 : i32
      %dma_wait3A_392 = tpu.memref_slice %arg2[%dma_wait3A_390, %dma_wait3A_391] : memref<20000x128xf32, #tpu.memory_space<hbm>> -> memref<20000x128xf32, #tpu.memory_space<hbm>>
      tpu.wait_indirect_dma semaphore(%arg23 : memref<!tpu.dma_semaphore, #tpu.memory_space<semaphore_mem>>) src(%dma_wait3A_392 : memref<20000x128xf32, #tpu.memory_space<hbm>>) dst(%dma_wait3A_387 : memref<56x128xf32, #tpu.memory_space<vmem>>)
      %lt3A_393 = arith.constant 13 : i32
      %lt3A_394 = arith.cmpi slt, %scan3A_51, %lt3A_393 : i32
      %convert_element_type3A_395 = arith.extui %lt3A_394 : i1 to i32
      %cond3A_396 = arith.constant 0 : i32
      %cond3A_397 = arith.cmpi ne, %convert_element_type3A_395, %cond3A_396 : i32
      scf.if %cond3A_397 {
        %add3A_425 = arith.constant 3 : i32
        %add3A_426 = arith.addi %mul3A_260, %add3A_425 : i32
        %add3A_427 = arith.constant 1 : i32
        %add3A_428 = arith.addi %add3A_426, %add3A_427 : i32
        %mul3A_429 = arith.constant 120 : i32
        %mul3A_430 = arith.muli %add3A_428, %mul3A_429 : i32
        %add3A_431 = arith.addi %add3A, %mul3A_430 : i32
        %mul3A_432 = arith.constant 120 : i32
        %mul3A_433 = arith.muli %add3A_428, %mul3A_432 : i32
        %add3A_434 = arith.addi %mul3A_6, %mul3A_433 : i32
        %dma_start3A_435 = tpu.memref_slice %arg3[%add3A_431] : memref<322560xi32, #tpu.memory_space<hbm>> -> memref<120xi32, #tpu.memory_space<hbm>>
        %dma_start3A_436 = tpu.memref_slice %arg3[%add3A_431] : memref<322560xi32, #tpu.memory_space<hbm>> -> memref<120xi32, #tpu.memory_space<hbm>>
        tpu.enqueue_dma source(%dma_start3A_436 : memref<120xi32, #tpu.memory_space<hbm>>) target(%arg8 : memref<120xi32, #tpu.memory_space<vmem>>) target_semaphore(%arg20 : memref<!tpu.dma_semaphore, #tpu.memory_space<semaphore_mem>>)
        %dma_start3A_437 = tpu.memref_slice %arg4[%add3A_434] : memref<161280xi32, #tpu.memory_space<hbm>> -> memref<120xi32, #tpu.memory_space<hbm>>
        %dma_start3A_438 = tpu.memref_slice %arg4[%add3A_434] : memref<161280xi32, #tpu.memory_space<hbm>> -> memref<120xi32, #tpu.memory_space<hbm>>
        tpu.enqueue_dma source(%dma_start3A_438 : memref<120xi32, #tpu.memory_space<hbm>>) target(%arg11 : memref<120xi32, #tpu.memory_space<vmem>>) target_semaphore(%arg20 : memref<!tpu.dma_semaphore, #tpu.memory_space<semaphore_mem>>)
      } else {
      }
      %dma_start3A_398 = arith.constant 0 : i32
      %dma_start3A_399 = arith.constant 0 : i32
      %dma_start3A_400 = tpu.memref_slice %arg28[%dma_start3A_398, %dma_start3A_399] : memref<10016x128xf32, #tpu.memory_space<vmem_shared>> -> memref<10016x128xf32, #tpu.memory_space<vmem_shared>>
      tpu.enqueue_indirect_dma source(%arg17 : memref<120x128xf32, #tpu.memory_space<vmem>>) target(%dma_start3A_400 : memref<10016x128xf32, #tpu.memory_space<vmem_shared>>) offsets(%arg14 : memref<120xi32, #tpu.memory_space<vmem>>) semaphore(%arg26 : memref<!tpu.dma_semaphore, #tpu.memory_space<semaphore_mem>>) {add = true}
      %dma_wait3A_401 = arith.constant 0 : i32
      %dma_wait3A_402 = arith.constant 0 : i32
      %dma_wait3A_403 = tpu.memref_slice %arg18[%dma_wait3A_401, %dma_wait3A_402] : memref<120x128xf32, #tpu.memory_space<vmem>> -> memref<64x128xf32, #tpu.memory_space<vmem>>
      %dma_wait3A_404 = arith.constant 0 : i32
      %dma_wait3A_405 = tpu.memref_slice %arg9[%dma_wait3A_404] : memref<120xi32, #tpu.memory_space<vmem>> -> memref<64xi32, #tpu.memory_space<vmem>>
      %dma_wait3A_406 = arith.constant 0 : i32
      %dma_wait3A_407 = arith.constant 0 : i32
      %dma_wait3A_408 = tpu.memref_slice %arg2[%dma_wait3A_406, %dma_wait3A_407] : memref<20000x128xf32, #tpu.memory_space<hbm>> -> memref<20000x128xf32, #tpu.memory_space<hbm>>
      tpu.wait_indirect_dma semaphore(%arg24 : memref<!tpu.dma_semaphore, #tpu.memory_space<semaphore_mem>>) src(%dma_wait3A_408 : memref<20000x128xf32, #tpu.memory_space<hbm>>) dst(%dma_wait3A_403 : memref<64x128xf32, #tpu.memory_space<vmem>>)
      %dma_wait3A_409 = arith.constant 64 : i32
      %dma_wait3A_410 = arith.constant 0 : i32
      %dma_wait3A_411 = tpu.memref_slice %arg18[%dma_wait3A_409, %dma_wait3A_410] : memref<120x128xf32, #tpu.memory_space<vmem>> -> memref<56x128xf32, #tpu.memory_space<vmem>>
      %dma_wait3A_412 = arith.constant 64 : i32
      %dma_wait3A_413 = tpu.memref_slice %arg9[%dma_wait3A_412] : memref<120xi32, #tpu.memory_space<vmem>> -> memref<56xi32, #tpu.memory_space<vmem>>
      %dma_wait3A_414 = arith.constant 0 : i32
      %dma_wait3A_415 = arith.constant 0 : i32
      %dma_wait3A_416 = tpu.memref_slice %arg2[%dma_wait3A_414, %dma_wait3A_415] : memref<20000x128xf32, #tpu.memory_space<hbm>> -> memref<20000x128xf32, #tpu.memory_space<hbm>>
      tpu.wait_indirect_dma semaphore(%arg24 : memref<!tpu.dma_semaphore, #tpu.memory_space<semaphore_mem>>) src(%dma_wait3A_416 : memref<20000x128xf32, #tpu.memory_space<hbm>>) dst(%dma_wait3A_411 : memref<56x128xf32, #tpu.memory_space<vmem>>)
      %lt3A_417 = arith.constant 13 : i32
      %lt3A_418 = arith.cmpi slt, %scan3A_51, %lt3A_417 : i32
      %convert_element_type3A_419 = arith.extui %lt3A_418 : i1 to i32
      %cond3A_420 = arith.constant 0 : i32
      %cond3A_421 = arith.cmpi ne, %convert_element_type3A_419, %cond3A_420 : i32
      scf.if %cond3A_421 {
        %add3A_425 = arith.constant 3 : i32
        %add3A_426 = arith.addi %mul3A_260, %add3A_425 : i32
        %add3A_427 = arith.constant 2 : i32
        %add3A_428 = arith.addi %add3A_426, %add3A_427 : i32
        %mul3A_429 = arith.constant 120 : i32
        %mul3A_430 = arith.muli %add3A_428, %mul3A_429 : i32
        %add3A_431 = arith.addi %add3A, %mul3A_430 : i32
        %mul3A_432 = arith.constant 120 : i32
        %mul3A_433 = arith.muli %add3A_428, %mul3A_432 : i32
        %add3A_434 = arith.addi %mul3A_6, %mul3A_433 : i32
        %dma_start3A_435 = tpu.memref_slice %arg3[%add3A_431] : memref<322560xi32, #tpu.memory_space<hbm>> -> memref<120xi32, #tpu.memory_space<hbm>>
        %dma_start3A_436 = tpu.memref_slice %arg3[%add3A_431] : memref<322560xi32, #tpu.memory_space<hbm>> -> memref<120xi32, #tpu.memory_space<hbm>>
        tpu.enqueue_dma source(%dma_start3A_436 : memref<120xi32, #tpu.memory_space<hbm>>) target(%arg9 : memref<120xi32, #tpu.memory_space<vmem>>) target_semaphore(%arg21 : memref<!tpu.dma_semaphore, #tpu.memory_space<semaphore_mem>>)
        %dma_start3A_437 = tpu.memref_slice %arg4[%add3A_434] : memref<161280xi32, #tpu.memory_space<hbm>> -> memref<120xi32, #tpu.memory_space<hbm>>
        %dma_start3A_438 = tpu.memref_slice %arg4[%add3A_434] : memref<161280xi32, #tpu.memory_space<hbm>> -> memref<120xi32, #tpu.memory_space<hbm>>
        tpu.enqueue_dma source(%dma_start3A_438 : memref<120xi32, #tpu.memory_space<hbm>>) target(%arg12 : memref<120xi32, #tpu.memory_space<vmem>>) target_semaphore(%arg21 : memref<!tpu.dma_semaphore, #tpu.memory_space<semaphore_mem>>)
      } else {
      }
      %dma_start3A_422 = arith.constant 0 : i32
      %dma_start3A_423 = arith.constant 0 : i32
      %dma_start3A_424 = tpu.memref_slice %arg28[%dma_start3A_422, %dma_start3A_423] : memref<10016x128xf32, #tpu.memory_space<vmem_shared>> -> memref<10016x128xf32, #tpu.memory_space<vmem_shared>>
      tpu.enqueue_indirect_dma source(%arg18 : memref<120x128xf32, #tpu.memory_space<vmem>>) target(%dma_start3A_424 : memref<10016x128xf32, #tpu.memory_space<vmem_shared>>) offsets(%arg15 : memref<120xi32, #tpu.memory_space<vmem>>) semaphore(%arg27 : memref<!tpu.dma_semaphore, #tpu.memory_space<semaphore_mem>>) {add = true}
    }
    %scan3A_36 = arith.constant 14 : i32
    %dma_wait3A = arith.constant 0 : i32
    %dma_wait3A_37 = arith.constant 0 : i32
    %dma_wait3A_38 = tpu.memref_slice %arg28[%dma_wait3A, %dma_wait3A_37] : memref<10016x128xf32, #tpu.memory_space<vmem_shared>> -> memref<10016x128xf32, #tpu.memory_space<vmem_shared>>
    tpu.wait_indirect_dma semaphore(%arg25 : memref<!tpu.dma_semaphore, #tpu.memory_space<semaphore_mem>>) src(%arg16 : memref<120x128xf32, #tpu.memory_space<vmem>>) dst(%dma_wait3A_38 : memref<10016x128xf32, #tpu.memory_space<vmem_shared>>)
    %dma_wait3A_39 = arith.constant 0 : i32
    %dma_wait3A_40 = arith.constant 0 : i32
    %dma_wait3A_41 = tpu.memref_slice %arg28[%dma_wait3A_39, %dma_wait3A_40] : memref<10016x128xf32, #tpu.memory_space<vmem_shared>> -> memref<10016x128xf32, #tpu.memory_space<vmem_shared>>
    tpu.wait_indirect_dma semaphore(%arg26 : memref<!tpu.dma_semaphore, #tpu.memory_space<semaphore_mem>>) src(%arg17 : memref<120x128xf32, #tpu.memory_space<vmem>>) dst(%dma_wait3A_41 : memref<10016x128xf32, #tpu.memory_space<vmem_shared>>)
    %dma_wait3A_42 = arith.constant 0 : i32
    %dma_wait3A_43 = arith.constant 0 : i32
    %dma_wait3A_44 = tpu.memref_slice %arg28[%dma_wait3A_42, %dma_wait3A_43] : memref<10016x128xf32, #tpu.memory_space<vmem_shared>> -> memref<10016x128xf32, #tpu.memory_space<vmem_shared>>
    tpu.wait_indirect_dma semaphore(%arg27 : memref<!tpu.dma_semaphore, #tpu.memory_space<semaphore_mem>>) src(%arg18 : memref<120x128xf32, #tpu.memory_space<vmem>>) dst(%dma_wait3A_44 : memref<10016x128xf32, #tpu.memory_space<vmem_shared>>)
    %barrier3A_45 = arith.constant 0 : index
    tpu.barrier barrier_id(%barrier3A_45)
    "tpu.region"() ({
      %run_scoped3A = tpu.sem_alloc : memref<!tpu.dma_semaphore, #tpu.memory_space<semaphore_mem>>
      %dma_start3A_51 = arith.constant 0 : i32
      %dma_start3A_52 = tpu.memref_slice %arg6[%arg0, %mul3A_0, %dma_start3A_51] : memref<2x10000x128xf32, #tpu.memory_space<hbm>> -> memref<1x624x128xf32, #tpu.memory_space<hbm>>
      %dma_start3A_53 = tpu.memref_squeeze %dma_start3A_52 : memref<1x624x128xf32, #tpu.memory_space<hbm>> -> memref<624x128xf32, #tpu.memory_space<hbm>>
      %dma_start3A_54 = arith.constant 0 : i32
      %dma_start3A_55 = tpu.memref_slice %arg28[%mul3A_0, %dma_start3A_54] : memref<10016x128xf32, #tpu.memory_space<vmem_shared>> -> memref<624x128xf32, #tpu.memory_space<vmem_shared>>
      tpu.enqueue_dma source(%dma_start3A_55 : memref<624x128xf32, #tpu.memory_space<vmem_shared>>) target(%dma_start3A_53 : memref<624x128xf32, #tpu.memory_space<hbm>>) target_semaphore(%run_scoped3A : memref<!tpu.dma_semaphore, #tpu.memory_space<semaphore_mem>>)
      %dma_wait3A_56 = arith.constant 0 : i32
      %dma_wait3A_57 = tpu.memref_slice %arg6[%arg0, %mul3A_0, %dma_wait3A_56] : memref<2x10000x128xf32, #tpu.memory_space<hbm>> -> memref<1x624x128xf32, #tpu.memory_space<hbm>>
      %dma_wait3A_58 = tpu.memref_squeeze %dma_wait3A_57 : memref<1x624x128xf32, #tpu.memory_space<hbm>> -> memref<624x128xf32, #tpu.memory_space<hbm>>
      %dma_wait3A_59 = arith.constant 0 : i32
      %dma_wait3A_60 = tpu.memref_slice %arg28[%mul3A_0, %dma_wait3A_59] : memref<10016x128xf32, #tpu.memory_space<vmem_shared>> -> memref<624x128xf32, #tpu.memory_space<vmem_shared>>
      tpu.wait_dma2 semaphore(%run_scoped3A : memref<!tpu.dma_semaphore, #tpu.memory_space<semaphore_mem>>) src(%dma_wait3A_60 : memref<624x128xf32, #tpu.memory_space<vmem_shared>>) dst(%dma_wait3A_58 : memref<624x128xf32, #tpu.memory_space<hbm>>)
      tpu.yield
    }) : () -> ()
    %eq3A_46 = arith.constant 0 : i32
    %eq3A_47 = arith.cmpi eq, %arg1, %eq3A_46 : i32
    %convert_element_type3A_48 = arith.extui %eq3A_47 : i1 to i32
    %cond3A_49 = arith.constant 0 : i32
    %cond3A_50 = arith.cmpi ne, %convert_element_type3A_48, %cond3A_49 : i32
    scf.if %cond3A_50 {
      "tpu.region"() ({
        %run_scoped3A = tpu.sem_alloc : memref<!tpu.dma_semaphore, #tpu.memory_space<semaphore_mem>>
        %dma_start3A_51 = arith.constant 9984 : i32
        %dma_start3A_52 = arith.constant 0 : i32
        %dma_start3A_53 = tpu.memref_slice %arg6[%arg0, %dma_start3A_51, %dma_start3A_52] : memref<2x10000x128xf32, #tpu.memory_space<hbm>> -> memref<1x16x128xf32, #tpu.memory_space<hbm>>
        %dma_start3A_54 = tpu.memref_squeeze %dma_start3A_53 : memref<1x16x128xf32, #tpu.memory_space<hbm>> -> memref<16x128xf32, #tpu.memory_space<hbm>>
        %dma_start3A_55 = arith.constant 9984 : i32
        %dma_start3A_56 = arith.constant 0 : i32
        %dma_start3A_57 = tpu.memref_slice %arg28[%dma_start3A_55, %dma_start3A_56] : memref<10016x128xf32, #tpu.memory_space<vmem_shared>> -> memref<16x128xf32, #tpu.memory_space<vmem_shared>>
        tpu.enqueue_dma source(%dma_start3A_57 : memref<16x128xf32, #tpu.memory_space<vmem_shared>>) target(%dma_start3A_54 : memref<16x128xf32, #tpu.memory_space<hbm>>) target_semaphore(%run_scoped3A : memref<!tpu.dma_semaphore, #tpu.memory_space<semaphore_mem>>)
        %dma_wait3A_58 = arith.constant 9984 : i32
        %dma_wait3A_59 = arith.constant 0 : i32
        %dma_wait3A_60 = tpu.memref_slice %arg6[%arg0, %dma_wait3A_58, %dma_wait3A_59] : memref<2x10000x128xf32, #tpu.memory_space<hbm>> -> memref<1x16x128xf32, #tpu.memory_space<hbm>>
        %dma_wait3A_61 = tpu.memref_squeeze %dma_wait3A_60 : memref<1x16x128xf32, #tpu.memory_space<hbm>> -> memref<16x128xf32, #tpu.memory_space<hbm>>
        %dma_wait3A_62 = arith.constant 9984 : i32
        %dma_wait3A_63 = arith.constant 0 : i32
        %dma_wait3A_64 = tpu.memref_slice %arg28[%dma_wait3A_62, %dma_wait3A_63] : memref<10016x128xf32, #tpu.memory_space<vmem_shared>> -> memref<16x128xf32, #tpu.memory_space<vmem_shared>>
        tpu.wait_dma2 semaphore(%run_scoped3A : memref<!tpu.dma_semaphore, #tpu.memory_space<semaphore_mem>>) src(%dma_wait3A_64 : memref<16x128xf32, #tpu.memory_space<vmem_shared>>) dst(%dma_wait3A_61 : memref<16x128xf32, #tpu.memory_space<hbm>>)
        tpu.yield
      }) : () -> ()
    } else {
    }
    return
  }
}

module attributes {stable_mosaic.version = 14 : i64} {
  func.func @_head_body(%arg0: i32, %arg1: memref<1000x256xf32, #tpu.memory_space<vmem>>, %arg2: memref<1000x512xf32, #tpu.memory_space<vmem>>, %arg3: memref<512x256xf32, #tpu.memory_space<vmem>>, %arg4: memref<1x256xf32, #tpu.memory_space<vmem>>, %arg5: memref<256x256xf32, #tpu.memory_space<vmem>>, %arg6: memref<1000x256xf32, #tpu.memory_space<vmem>>, %arg7: memref<1000x256xf32, #tpu.memory_space<vmem>>) attributes {dimension_semantics = [#tpu.dimension_semantics<arbitrary>], iteration_bounds = array<i64: 10>, scalar_prefetch = 0 : i64, scratch_operands = 0 : i64, tpu.core_type = #tpu.core_type<tc>, window_params = [{transform_indices = @transform_0, window_bounds = array<i64: 1000, 256>}, {transform_indices = @transform_1, window_bounds = array<i64: 1000, 512>}, {pipeline_mode = #tpu.pipeline_mode<synchronous>, transform_indices = @transform_2, window_bounds = array<i64: 512, 256>}, {pipeline_mode = #tpu.pipeline_mode<synchronous>, transform_indices = @transform_3, window_bounds = array<i64: 1, 256>}, {pipeline_mode = #tpu.pipeline_mode<synchronous>, transform_indices = @transform_4, window_bounds = array<i64: 256, 256>}, {transform_indices = @transform_5, window_bounds = array<i64: 1000, 256>}, {transform_indices = @transform_6, window_bounds = array<i64: 1000, 256>}]} {
    %get3A = arith.constant 0 : index
    %get3A_0 = arith.constant 0 : index
    %get3A_1 = vector.load %arg2[%get3A, %get3A_0] : memref<1000x512xf32, #tpu.memory_space<vmem>>, vector<1000x512xf32>
    %get3A_2 = arith.constant 0 : index
    %get3A_3 = arith.constant 0 : index
    %get3A_4 = vector.load %arg3[%get3A_2, %get3A_3] : memref<512x256xf32, #tpu.memory_space<vmem>>, vector<512x256xf32>
    %dot_general3A = arith.constant dense<0.000000e+00> : vector<1000x256xf32>
    %dot_general3A_5 = tpu.matmul %get3A_1, %get3A_4, %dot_general3A {dimension_numbers = #tpu.dot_dimension_numbers<[1], [0], [0], [1], [0, 0, 1, 1], [], []>, transpose_lhs_hint = false} : vector<1000x512xf32>, vector<512x256xf32>, vector<1000x256xf32> -> vector<1000x256xf32>
    %get3A_6 = arith.constant 0 : index
    %get3A_7 = arith.constant 0 : index
    %get3A_8 = vector.load %arg4[%get3A_6, %get3A_7] : memref<1x256xf32, #tpu.memory_space<vmem>>, vector<1x256xf32>
    %add3A = vector.broadcast %get3A_8 : vector<1x256xf32> to vector<1000x256xf32>
    %add3A_9 = arith.addf %dot_general3A_5, %add3A : vector<1000x256xf32>
    %lt3A = arith.constant 2 : i32
    %lt3A_10 = arith.cmpi slt, %arg0, %lt3A : i32
    %get3A_11 = arith.constant 0 : index
    %get3A_12 = arith.constant 0 : index
    %get3A_13 = vector.load %arg1[%get3A_11, %get3A_12] : memref<1000x256xf32, #tpu.memory_space<vmem>>, vector<1000x256xf32>
    %select_n3A = arith.select %lt3A_10, %get3A_13, %add3A_9 : vector<1000x256xf32>
    %mul3A = arith.mulf %select_n3A, %select_n3A : vector<1000x256xf32>
    %reduce_sum3A = arith.constant dense<0.000000e+00> : vector<1000xf32>
    %reduce_sum3A_14 = vector.multi_reduction <add>, %mul3A, %reduce_sum3A [1] : vector<1000x256xf32> to vector<1000xf32>
    %broadcast_in_dim3A = vector.shape_cast %reduce_sum3A_14 : vector<1000xf32> to vector<1000x1xf32>
    %sqrt3A = math.sqrt %broadcast_in_dim3A : vector<1000x1xf32>
    %max3A = arith.constant 9.99999996E-13 : f32
    %max3A_15 = vector.broadcast %max3A : f32 to vector<1000x1xf32>
    %max3A_16 = arith.maximumf %sqrt3A, %max3A_15 : vector<1000x1xf32>
    %div3A = vector.broadcast %max3A_16 : vector<1000x1xf32> to vector<1000x256xf32>
    %div3A_17 = arith.divf %select_n3A, %div3A : vector<1000x256xf32>
    %swap3A = arith.constant 0 : index
    %swap3A_18 = arith.constant 0 : index
    %swap3A_19 = vector.load %arg6[%swap3A, %swap3A_18] : memref<1000x256xf32, #tpu.memory_space<vmem>>, vector<1000x256xf32>
    tpu.vector_store %arg6[%swap3A, %swap3A_18], %div3A_17 {strides = array<i32>} : memref<1000x256xf32, #tpu.memory_space<vmem>>, vector<1000x256xf32>,
    %get3A_20 = arith.constant 0 : index
    %get3A_21 = arith.constant 0 : index
    %get3A_22 = vector.load %arg5[%get3A_20, %get3A_21] : memref<256x256xf32, #tpu.memory_space<vmem>>, vector<256x256xf32>
    %dot_general3A_23 = arith.constant dense<0.000000e+00> : vector<1000x256xf32>
    %dot_general3A_24 = tpu.matmul %div3A_17, %get3A_22, %dot_general3A_23 {dimension_numbers = #tpu.dot_dimension_numbers<[1], [0], [0], [1], [0, 0, 1, 1], [], []>, transpose_lhs_hint = false} : vector<1000x256xf32>, vector<256x256xf32>, vector<1000x256xf32> -> vector<1000x256xf32>
    %swap3A_25 = arith.constant 0 : index
    %swap3A_26 = arith.constant 0 : index
    %swap3A_27 = vector.load %arg7[%swap3A_25, %swap3A_26] : memref<1000x256xf32, #tpu.memory_space<vmem>>, vector<1000x256xf32>
    tpu.vector_store %arg7[%swap3A_25, %swap3A_26], %dot_general3A_24 {strides = array<i32>} : memref<1000x256xf32, #tpu.memory_space<vmem>>, vector<1000x256xf32>,
    return
  }
  func.func @transform_0(%arg0: i32) -> (i32, i32) {
    %min3A = arith.constant 1 : i32
    %min3A_0 = arith.minsi %arg0, %min3A : i32
    %c0_i32 = arith.constant 0 : i32
    %c0_i32_1 = arith.constant 0 : i32
    return %min3A_0, %c0_i32 : i32, i32
  }
  func.func @transform_1(%arg0: i32) -> (i32, i32) {
    %sub3A = arith.constant 2 : i32
    %sub3A_0 = arith.subi %arg0, %sub3A : i32
    %max3A = arith.constant 0 : i32
    %max3A_1 = arith.maxsi %sub3A_0, %max3A : i32
    %c0_i32 = arith.constant 0 : i32
    %c0_i32_2 = arith.constant 0 : i32
    return %max3A_1, %c0_i32 : i32, i32
  }
  func.func @transform_2(%arg0: i32) -> (i32, i32) {
    %c0_i32 = arith.constant 0 : i32
    %c0_i32_0 = arith.constant 0 : i32
    %c0_i32_1 = arith.constant 0 : i32
    return %c0_i32, %c0_i32_0 : i32, i32
  }
  func.func @transform_3(%arg0: i32) -> (i32, i32) {
    %c0_i32 = arith.constant 0 : i32
    %c0_i32_0 = arith.constant 0 : i32
    %c0_i32_1 = arith.constant 0 : i32
    return %c0_i32, %c0_i32_0 : i32, i32
  }
  func.func @transform_4(%arg0: i32) -> (i32, i32) {
    %c0_i32 = arith.constant 0 : i32
    %c0_i32_0 = arith.constant 0 : i32
    %c0_i32_1 = arith.constant 0 : i32
    return %c0_i32, %c0_i32_0 : i32, i32
  }
  func.func @transform_5(%arg0: i32) -> (i32, i32) {
    %c0_i32 = arith.constant 0 : i32
    %c0_i32_0 = arith.constant 0 : i32
    return %arg0, %c0_i32 : i32, i32
  }
  func.func @transform_6(%arg0: i32) -> (i32, i32) {
    %c0_i32 = arith.constant 0 : i32
    %c0_i32_0 = arith.constant 0 : i32
    return %arg0, %c0_i32 : i32, i32
  }
}

module attributes {stable_mosaic.version = 14 : i64} {
  func.func @_layer_body(%arg0: i32, %arg1: memref<1x1000x128xf32, #tpu.memory_space<vmem>>, %arg2: memref<1x1000x128xf32, #tpu.memory_space<vmem>>, %arg3: memref<1000x256xf32, #tpu.memory_space<vmem>>, %arg4: memref<1000x256xf32, #tpu.memory_space<vmem>>, %arg5: memref<256x256xf32, #tpu.memory_space<vmem>>, %arg6: memref<1x256xf32, #tpu.memory_space<vmem>>, %arg7: memref<512x256xf32, #tpu.memory_space<vmem>>, %arg8: memref<1x256xf32, #tpu.memory_space<vmem>>, %arg9: memref<256x256xf32, #tpu.memory_space<vmem>>, %arg10: memref<1000x256xf32, #tpu.memory_space<vmem>>, %arg11: memref<1000x256xf32, #tpu.memory_space<vmem>>) attributes {dimension_semantics = [#tpu.dimension_semantics<arbitrary>], iteration_bounds = array<i64: 10>, scalar_prefetch = 0 : i64, scratch_operands = 0 : i64, tpu.core_type = #tpu.core_type<tc>, window_params = [{transform_indices = @transform_0, window_bounds = array<i64: 1, 1000, 128>}, {transform_indices = @transform_1, window_bounds = array<i64: 1, 1000, 128>}, {transform_indices = @transform_2, window_bounds = array<i64: 1000, 256>}, {transform_indices = @transform_3, window_bounds = array<i64: 1000, 256>}, {pipeline_mode = #tpu.pipeline_mode<synchronous>, transform_indices = @transform_4, window_bounds = array<i64: 256, 256>}, {pipeline_mode = #tpu.pipeline_mode<synchronous>, transform_indices = @transform_5, window_bounds = array<i64: 1, 256>}, {pipeline_mode = #tpu.pipeline_mode<synchronous>, transform_indices = @transform_6, window_bounds = array<i64: 512, 256>}, {pipeline_mode = #tpu.pipeline_mode<synchronous>, transform_indices = @transform_7, window_bounds = array<i64: 1, 256>}, {pipeline_mode = #tpu.pipeline_mode<synchronous>, transform_indices = @transform_8, window_bounds = array<i64: 256, 256>}, {transform_indices = @transform_9, window_bounds = array<i64: 1000, 256>}, {transform_indices = @transform_10, window_bounds = array<i64: 1000, 256>}]} {
    %get3A = arith.constant 0 : index
    %get3A_0 = arith.constant 0 : index
    %get3A_1 = arith.constant 0 : index
    %get3A_2 = vector.load %arg1[%get3A, %get3A_0, %get3A_1] : memref<1x1000x128xf32, #tpu.memory_space<vmem>>, vector<1x1000x128xf32>
    %get3A_3 = vector.shape_cast %get3A_2 : vector<1x1000x128xf32> to vector<1000x128xf32>
    %jit3A = arith.constant 0.00999999977 : f32
    %ge3A = arith.constant 0.000000e+00 : f32
    %ge3A_4 = vector.broadcast %ge3A : f32 to vector<1000x128xf32>
    %ge3A_5 = arith.cmpf oge, %get3A_3, %ge3A_4 : vector<1000x128xf32>
    %mul3A = vector.broadcast %jit3A : f32 to vector<1000x128xf32>
    %mul3A_6 = arith.mulf %mul3A, %get3A_3 : vector<1000x128xf32>
    %select_n3A = arith.select %ge3A_5, %get3A_3, %mul3A_6 : vector<1000x128xi1>, vector<1000x128xf32>
    %get3A_7 = arith.constant 0 : index
    %get3A_8 = arith.constant 0 : index
    %get3A_9 = arith.constant 0 : index
    %get3A_10 = vector.load %arg2[%get3A_7, %get3A_8, %get3A_9] : memref<1x1000x128xf32, #tpu.memory_space<vmem>>, vector<1x1000x128xf32>
    %get3A_11 = vector.shape_cast %get3A_10 : vector<1x1000x128xf32> to vector<1000x128xf32>
    %jit3A_12 = arith.constant 0.00999999977 : f32
    %ge3A_13 = arith.constant 0.000000e+00 : f32
    %ge3A_14 = vector.broadcast %ge3A_13 : f32 to vector<1000x128xf32>
    %ge3A_15 = arith.cmpf oge, %get3A_11, %ge3A_14 : vector<1000x128xf32>
    %mul3A_16 = vector.broadcast %jit3A_12 : f32 to vector<1000x128xf32>
    %mul3A_17 = arith.mulf %mul3A_16, %get3A_11 : vector<1000x128xf32>
    %select_n3A_18 = arith.select %ge3A_15, %get3A_11, %mul3A_17 : vector<1000x128xi1>, vector<1000x128xf32>
    %get3A_19 = arith.constant 0 : index
    %get3A_20 = arith.constant 0 : index
    %get3A_21 = vector.load %arg3[%get3A_19, %get3A_20] : memref<1000x256xf32, #tpu.memory_space<vmem>>, vector<1000x256xf32>
    %get3A_22 = arith.constant 0 : index
    %get3A_23 = arith.constant 0 : index
    %get3A_24 = vector.load %arg5[%get3A_22, %get3A_23] : memref<256x256xf32, #tpu.memory_space<vmem>>, vector<256x256xf32>
    %dot_general3A = arith.constant dense<0.000000e+00> : vector<1000x256xf32>
    %dot_general3A_25 = tpu.matmul %get3A_21, %get3A_24, %dot_general3A {dimension_numbers = #tpu.dot_dimension_numbers<[1], [0], [0], [1], [0, 0, 1, 1], [], []>, transpose_lhs_hint = false} : vector<1000x256xf32>, vector<256x256xf32>, vector<1000x256xf32> -> vector<1000x256xf32>
    %get3A_26 = arith.constant 0 : index
    %get3A_27 = arith.constant 0 : index
    %get3A_28 = vector.load %arg6[%get3A_26, %get3A_27] : memref<1x256xf32, #tpu.memory_space<vmem>>, vector<1x256xf32>
    %add3A = vector.broadcast %get3A_28 : vector<1x256xf32> to vector<1000x256xf32>
    %add3A_29 = arith.addf %dot_general3A_25, %add3A : vector<1000x256xf32>
    %jit3A_30 = arith.constant 0.00999999977 : f32
    %ge3A_31 = arith.constant 0.000000e+00 : f32
    %ge3A_32 = vector.broadcast %ge3A_31 : f32 to vector<1000x256xf32>
    %ge3A_33 = arith.cmpf oge, %add3A_29, %ge3A_32 : vector<1000x256xf32>
    %mul3A_34 = vector.broadcast %jit3A_30 : f32 to vector<1000x256xf32>
    %mul3A_35 = arith.mulf %mul3A_34, %add3A_29 : vector<1000x256xf32>
    %select_n3A_36 = arith.select %ge3A_33, %add3A_29, %mul3A_35 : vector<1000x256xi1>, vector<1000x256xf32>
    %get3A_37 = arith.constant 0 : index
    %get3A_38 = arith.constant 0 : index
    %get3A_39 = vector.load %arg4[%get3A_37, %get3A_38] : memref<1000x256xf32, #tpu.memory_space<vmem>>, vector<1000x256xf32>
    %add3A_40 = arith.addf %select_n3A_36, %get3A_39 : vector<1000x256xf32>
    %get3A_41 = arith.constant 0 : index
    %get3A_42 = arith.constant 0 : index
    %get3A_43 = vector.load %arg7[%get3A_41, %get3A_42] : memref<512x256xf32, #tpu.memory_space<vmem>>, vector<128x256xf32>
    %dot_general3A_44 = arith.constant dense<0.000000e+00> : vector<1000x256xf32>
    %dot_general3A_45 = tpu.matmul %select_n3A, %get3A_43, %dot_general3A_44 {dimension_numbers = #tpu.dot_dimension_numbers<[1], [0], [0], [1], [0, 0, 1, 1], [], []>, transpose_lhs_hint = false} : vector<1000x128xf32>, vector<128x256xf32>, vector<1000x256xf32> -> vector<1000x256xf32>
    %get3A_46 = arith.constant 128 : index
    %get3A_47 = arith.constant 0 : index
    %get3A_48 = vector.load %arg7[%get3A_46, %get3A_47] : memref<512x256xf32, #tpu.memory_space<vmem>>, vector<128x256xf32>
    %dot_general3A_49 = arith.constant dense<0.000000e+00> : vector<1000x256xf32>
    %dot_general3A_50 = tpu.matmul %select_n3A_18, %get3A_48, %dot_general3A_49 {dimension_numbers = #tpu.dot_dimension_numbers<[1], [0], [0], [1], [0, 0, 1, 1], [], []>, transpose_lhs_hint = false} : vector<1000x128xf32>, vector<128x256xf32>, vector<1000x256xf32> -> vector<1000x256xf32>
    %add3A_51 = arith.addf %dot_general3A_45, %dot_general3A_50 : vector<1000x256xf32>
    %get3A_52 = arith.constant 256 : index
    %get3A_53 = arith.constant 0 : index
    %get3A_54 = vector.load %arg7[%get3A_52, %get3A_53] : memref<512x256xf32, #tpu.memory_space<vmem>>, vector<256x256xf32>
    %dot_general3A_55 = arith.constant dense<0.000000e+00> : vector<1000x256xf32>
    %dot_general3A_56 = tpu.matmul %add3A_40, %get3A_54, %dot_general3A_55 {dimension_numbers = #tpu.dot_dimension_numbers<[1], [0], [0], [1], [0, 0, 1, 1], [], []>, transpose_lhs_hint = false} : vector<1000x256xf32>, vector<256x256xf32>, vector<1000x256xf32> -> vector<1000x256xf32>
    %add3A_57 = arith.addf %add3A_51, %dot_general3A_56 : vector<1000x256xf32>
    %get3A_58 = arith.constant 0 : index
    %get3A_59 = arith.constant 0 : index
    %get3A_60 = vector.load %arg8[%get3A_58, %get3A_59] : memref<1x256xf32, #tpu.memory_space<vmem>>, vector<1x256xf32>
    %add3A_61 = vector.broadcast %get3A_60 : vector<1x256xf32> to vector<1000x256xf32>
    %add3A_62 = arith.addf %add3A_57, %add3A_61 : vector<1000x256xf32>
    %jit3A_63 = arith.constant 0.00999999977 : f32
    %ge3A_64 = arith.constant 0.000000e+00 : f32
    %ge3A_65 = vector.broadcast %ge3A_64 : f32 to vector<1000x256xf32>
    %ge3A_66 = arith.cmpf oge, %add3A_62, %ge3A_65 : vector<1000x256xf32>
    %mul3A_67 = vector.broadcast %jit3A_63 : f32 to vector<1000x256xf32>
    %mul3A_68 = arith.mulf %mul3A_67, %add3A_62 : vector<1000x256xf32>
    %select_n3A_69 = arith.select %ge3A_66, %add3A_62, %mul3A_68 : vector<1000x256xi1>, vector<1000x256xf32>
    %swap3A = arith.constant 0 : index
    %swap3A_70 = arith.constant 0 : index
    %swap3A_71 = vector.load %arg10[%swap3A, %swap3A_70] : memref<1000x256xf32, #tpu.memory_space<vmem>>, vector<1000x256xf32>
    tpu.vector_store %arg10[%swap3A, %swap3A_70], %select_n3A_69 {strides = array<i32>} : memref<1000x256xf32, #tpu.memory_space<vmem>>, vector<1000x256xf32>,
    %get3A_72 = arith.constant 0 : index
    %get3A_73 = arith.constant 0 : index
    %get3A_74 = vector.load %arg9[%get3A_72, %get3A_73] : memref<256x256xf32, #tpu.memory_space<vmem>>, vector<256x256xf32>
    %dot_general3A_75 = arith.constant dense<0.000000e+00> : vector<1000x256xf32>
    %dot_general3A_76 = tpu.matmul %select_n3A_69, %get3A_74, %dot_general3A_75 {dimension_numbers = #tpu.dot_dimension_numbers<[1], [0], [0], [1], [0, 0, 1, 1], [], []>, transpose_lhs_hint = false} : vector<1000x256xf32>, vector<256x256xf32>, vector<1000x256xf32> -> vector<1000x256xf32>
    %swap3A_77 = arith.constant 0 : index
    %swap3A_78 = arith.constant 0 : index
    %swap3A_79 = vector.load %arg11[%swap3A_77, %swap3A_78] : memref<1000x256xf32, #tpu.memory_space<vmem>>, vector<1000x256xf32>
    tpu.vector_store %arg11[%swap3A_77, %swap3A_78], %dot_general3A_76 {strides = array<i32>} : memref<1000x256xf32, #tpu.memory_space<vmem>>, vector<1000x256xf32>,
    return
  }
  func.func @transform_0(%arg0: i32) -> (i32, i32, i32) {
    %c0_i32 = arith.constant 0 : i32
    %c0_i32_0 = arith.constant 0 : i32
    %c0_i32_1 = arith.constant 0 : i32
    return %c0_i32, %arg0, %c0_i32_0 : i32, i32, i32
  }
  func.func @transform_1(%arg0: i32) -> (i32, i32, i32) {
    %c1_i32 = arith.constant 1 : i32
    %c0_i32 = arith.constant 0 : i32
    %c0_i32_0 = arith.constant 0 : i32
    return %c1_i32, %arg0, %c0_i32 : i32, i32, i32
  }
  func.func @transform_2(%arg0: i32) -> (i32, i32) {
    %c0_i32 = arith.constant 0 : i32
    %c0_i32_0 = arith.constant 0 : i32
    return %arg0, %c0_i32 : i32, i32
  }
  func.func @transform_3(%arg0: i32) -> (i32, i32) {
    %c0_i32 = arith.constant 0 : i32
    %c0_i32_0 = arith.constant 0 : i32
    return %arg0, %c0_i32 : i32, i32
  }
  func.func @transform_4(%arg0: i32) -> (i32, i32) {
    %c0_i32 = arith.constant 0 : i32
    %c0_i32_0 = arith.constant 0 : i32
    %c0_i32_1 = arith.constant 0 : i32
    return %c0_i32, %c0_i32_0 : i32, i32
  }
  func.func @transform_5(%arg0: i32) -> (i32, i32) {
    %c0_i32 = arith.constant 0 : i32
    %c0_i32_0 = arith.constant 0 : i32
    %c0_i32_1 = arith.constant 0 : i32
    return %c0_i32, %c0_i32_0 : i32, i32
  }
  func.func @transform_6(%arg0: i32) -> (i32, i32) {
    %c0_i32 = arith.constant 0 : i32
    %c0_i32_0 = arith.constant 0 : i32
    %c0_i32_1 = arith.constant 0 : i32
    return %c0_i32, %c0_i32_0 : i32, i32
  }
  func.func @transform_7(%arg0: i32) -> (i32, i32) {
    %c0_i32 = arith.constant 0 : i32
    %c0_i32_0 = arith.constant 0 : i32
    %c0_i32_1 = arith.constant 0 : i32
    return %c0_i32, %c0_i32_0 : i32, i32
  }
  func.func @transform_8(%arg0: i32) -> (i32, i32) {
    %c0_i32 = arith.constant 0 : i32
    %c0_i32_0 = arith.constant 0 : i32
    %c0_i32_1 = arith.constant 0 : i32
    return %c0_i32, %c0_i32_0 : i32, i32
  }
  func.func @transform_9(%arg0: i32) -> (i32, i32) {
    %c0_i32 = arith.constant 0 : i32
    %c0_i32_0 = arith.constant 0 : i32
    return %arg0, %c0_i32 : i32, i32
  }
  func.func @transform_10(%arg0: i32) -> (i32, i32) {
    %c0_i32 = arith.constant 0 : i32
    %c0_i32_0 = arith.constant 0 : i32
    return %arg0, %c0_i32 : i32, i32
  }
}

module attributes {stable_mosaic.version = 14 : i64} {
  func.func @_lambda_(%arg0: i32, %arg1: memref<1x1000x128xf32, #tpu.memory_space<vmem>>, %arg2: memref<1x1000x128xf32, #tpu.memory_space<vmem>>, %arg3: memref<1000x256xf32, #tpu.memory_space<vmem>>, %arg4: memref<1000x256xf32, #tpu.memory_space<vmem>>, %arg5: memref<256x256xf32, #tpu.memory_space<vmem>>, %arg6: memref<1x256xf32, #tpu.memory_space<vmem>>, %arg7: memref<512x256xf32, #tpu.memory_space<vmem>>, %arg8: memref<1x256xf32, #tpu.memory_space<vmem>>, %arg9: memref<1000x256xf32, #tpu.memory_space<vmem>>) attributes {dimension_semantics = [#tpu.dimension_semantics<arbitrary>], iteration_bounds = array<i64: 10>, scalar_prefetch = 0 : i64, scratch_operands = 0 : i64, tpu.core_type = #tpu.core_type<tc>, window_params = [{transform_indices = @transform_0, window_bounds = array<i64: 1, 1000, 128>}, {transform_indices = @transform_1, window_bounds = array<i64: 1, 1000, 128>}, {transform_indices = @transform_2, window_bounds = array<i64: 1000, 256>}, {transform_indices = @transform_3, window_bounds = array<i64: 1000, 256>}, {pipeline_mode = #tpu.pipeline_mode<synchronous>, transform_indices = @transform_4, window_bounds = array<i64: 256, 256>}, {pipeline_mode = #tpu.pipeline_mode<synchronous>, transform_indices = @transform_5, window_bounds = array<i64: 1, 256>}, {pipeline_mode = #tpu.pipeline_mode<synchronous>, transform_indices = @transform_6, window_bounds = array<i64: 512, 256>}, {pipeline_mode = #tpu.pipeline_mode<synchronous>, transform_indices = @transform_7, window_bounds = array<i64: 1, 256>}, {transform_indices = @transform_8, window_bounds = array<i64: 1000, 256>}]} {
    %get3A = arith.constant 0 : index
    %get3A_0 = arith.constant 0 : index
    %get3A_1 = arith.constant 0 : index
    %get3A_2 = vector.load %arg1[%get3A, %get3A_0, %get3A_1] : memref<1x1000x128xf32, #tpu.memory_space<vmem>>, vector<1x1000x128xf32>
    %get3A_3 = vector.shape_cast %get3A_2 : vector<1x1000x128xf32> to vector<1000x128xf32>
    %jit3A = arith.constant 0.00999999977 : f32
    %ge3A = arith.constant 0.000000e+00 : f32
    %ge3A_4 = vector.broadcast %ge3A : f32 to vector<1000x128xf32>
    %ge3A_5 = arith.cmpf oge, %get3A_3, %ge3A_4 : vector<1000x128xf32>
    %mul3A = vector.broadcast %jit3A : f32 to vector<1000x128xf32>
    %mul3A_6 = arith.mulf %mul3A, %get3A_3 : vector<1000x128xf32>
    %select_n3A = arith.select %ge3A_5, %get3A_3, %mul3A_6 : vector<1000x128xi1>, vector<1000x128xf32>
    %get3A_7 = arith.constant 0 : index
    %get3A_8 = arith.constant 0 : index
    %get3A_9 = arith.constant 0 : index
    %get3A_10 = vector.load %arg2[%get3A_7, %get3A_8, %get3A_9] : memref<1x1000x128xf32, #tpu.memory_space<vmem>>, vector<1x1000x128xf32>
    %get3A_11 = vector.shape_cast %get3A_10 : vector<1x1000x128xf32> to vector<1000x128xf32>
    %jit3A_12 = arith.constant 0.00999999977 : f32
    %ge3A_13 = arith.constant 0.000000e+00 : f32
    %ge3A_14 = vector.broadcast %ge3A_13 : f32 to vector<1000x128xf32>
    %ge3A_15 = arith.cmpf oge, %get3A_11, %ge3A_14 : vector<1000x128xf32>
    %mul3A_16 = vector.broadcast %jit3A_12 : f32 to vector<1000x128xf32>
    %mul3A_17 = arith.mulf %mul3A_16, %get3A_11 : vector<1000x128xf32>
    %select_n3A_18 = arith.select %ge3A_15, %get3A_11, %mul3A_17 : vector<1000x128xi1>, vector<1000x128xf32>
    %get3A_19 = arith.constant 0 : index
    %get3A_20 = arith.constant 0 : index
    %get3A_21 = vector.load %arg3[%get3A_19, %get3A_20] : memref<1000x256xf32, #tpu.memory_space<vmem>>, vector<1000x256xf32>
    %get3A_22 = arith.constant 0 : index
    %get3A_23 = arith.constant 0 : index
    %get3A_24 = vector.load %arg5[%get3A_22, %get3A_23] : memref<256x256xf32, #tpu.memory_space<vmem>>, vector<256x256xf32>
    %dot_general3A = arith.constant dense<0.000000e+00> : vector<1000x256xf32>
    %dot_general3A_25 = tpu.matmul %get3A_21, %get3A_24, %dot_general3A {dimension_numbers = #tpu.dot_dimension_numbers<[1], [0], [0], [1], [0, 0, 1, 1], [], []>, transpose_lhs_hint = false} : vector<1000x256xf32>, vector<256x256xf32>, vector<1000x256xf32> -> vector<1000x256xf32>
    %get3A_26 = arith.constant 0 : index
    %get3A_27 = arith.constant 0 : index
    %get3A_28 = vector.load %arg6[%get3A_26, %get3A_27] : memref<1x256xf32, #tpu.memory_space<vmem>>, vector<1x256xf32>
    %add3A = vector.broadcast %get3A_28 : vector<1x256xf32> to vector<1000x256xf32>
    %add3A_29 = arith.addf %dot_general3A_25, %add3A : vector<1000x256xf32>
    %jit3A_30 = arith.constant 0.00999999977 : f32
    %ge3A_31 = arith.constant 0.000000e+00 : f32
    %ge3A_32 = vector.broadcast %ge3A_31 : f32 to vector<1000x256xf32>
    %ge3A_33 = arith.cmpf oge, %add3A_29, %ge3A_32 : vector<1000x256xf32>
    %mul3A_34 = vector.broadcast %jit3A_30 : f32 to vector<1000x256xf32>
    %mul3A_35 = arith.mulf %mul3A_34, %add3A_29 : vector<1000x256xf32>
    %select_n3A_36 = arith.select %ge3A_33, %add3A_29, %mul3A_35 : vector<1000x256xi1>, vector<1000x256xf32>
    %get3A_37 = arith.constant 0 : index
    %get3A_38 = arith.constant 0 : index
    %get3A_39 = vector.load %arg4[%get3A_37, %get3A_38] : memref<1000x256xf32, #tpu.memory_space<vmem>>, vector<1000x256xf32>
    %add3A_40 = arith.addf %select_n3A_36, %get3A_39 : vector<1000x256xf32>
    %get3A_41 = arith.constant 0 : index
    %get3A_42 = arith.constant 0 : index
    %get3A_43 = vector.load %arg7[%get3A_41, %get3A_42] : memref<512x256xf32, #tpu.memory_space<vmem>>, vector<128x256xf32>
    %dot_general3A_44 = arith.constant dense<0.000000e+00> : vector<1000x256xf32>
    %dot_general3A_45 = tpu.matmul %select_n3A, %get3A_43, %dot_general3A_44 {dimension_numbers = #tpu.dot_dimension_numbers<[1], [0], [0], [1], [0, 0, 1, 1], [], []>, transpose_lhs_hint = false} : vector<1000x128xf32>, vector<128x256xf32>, vector<1000x256xf32> -> vector<1000x256xf32>
    %get3A_46 = arith.constant 128 : index
    %get3A_47 = arith.constant 0 : index
    %get3A_48 = vector.load %arg7[%get3A_46, %get3A_47] : memref<512x256xf32, #tpu.memory_space<vmem>>, vector<128x256xf32>
    %dot_general3A_49 = arith.constant dense<0.000000e+00> : vector<1000x256xf32>
    %dot_general3A_50 = tpu.matmul %select_n3A_18, %get3A_48, %dot_general3A_49 {dimension_numbers = #tpu.dot_dimension_numbers<[1], [0], [0], [1], [0, 0, 1, 1], [], []>, transpose_lhs_hint = false} : vector<1000x128xf32>, vector<128x256xf32>, vector<1000x256xf32> -> vector<1000x256xf32>
    %add3A_51 = arith.addf %dot_general3A_45, %dot_general3A_50 : vector<1000x256xf32>
    %get3A_52 = arith.constant 256 : index
    %get3A_53 = arith.constant 0 : index
    %get3A_54 = vector.load %arg7[%get3A_52, %get3A_53] : memref<512x256xf32, #tpu.memory_space<vmem>>, vector<256x256xf32>
    %dot_general3A_55 = arith.constant dense<0.000000e+00> : vector<1000x256xf32>
    %dot_general3A_56 = tpu.matmul %add3A_40, %get3A_54, %dot_general3A_55 {dimension_numbers = #tpu.dot_dimension_numbers<[1], [0], [0], [1], [0, 0, 1, 1], [], []>, transpose_lhs_hint = false} : vector<1000x256xf32>, vector<256x256xf32>, vector<1000x256xf32> -> vector<1000x256xf32>
    %add3A_57 = arith.addf %add3A_51, %dot_general3A_56 : vector<1000x256xf32>
    %get3A_58 = arith.constant 0 : index
    %get3A_59 = arith.constant 0 : index
    %get3A_60 = vector.load %arg8[%get3A_58, %get3A_59] : memref<1x256xf32, #tpu.memory_space<vmem>>, vector<1x256xf32>
    %add3A_61 = vector.broadcast %get3A_60 : vector<1x256xf32> to vector<1000x256xf32>
    %add3A_62 = arith.addf %add3A_57, %add3A_61 : vector<1000x256xf32>
    %jit3A_63 = arith.constant 0.00999999977 : f32
    %ge3A_64 = arith.constant 0.000000e+00 : f32
    %ge3A_65 = vector.broadcast %ge3A_64 : f32 to vector<1000x256xf32>
    %ge3A_66 = arith.cmpf oge, %add3A_62, %ge3A_65 : vector<1000x256xf32>
    %mul3A_67 = vector.broadcast %jit3A_63 : f32 to vector<1000x256xf32>
    %mul3A_68 = arith.mulf %mul3A_67, %add3A_62 : vector<1000x256xf32>
    %select_n3A_69 = arith.select %ge3A_66, %add3A_62, %mul3A_68 : vector<1000x256xi1>, vector<1000x256xf32>
    %swap3A = arith.constant 0 : index
    %swap3A_70 = arith.constant 0 : index
    %swap3A_71 = vector.load %arg9[%swap3A, %swap3A_70] : memref<1000x256xf32, #tpu.memory_space<vmem>>, vector<1000x256xf32>
    tpu.vector_store %arg9[%swap3A, %swap3A_70], %select_n3A_69 {strides = array<i32>} : memref<1000x256xf32, #tpu.memory_space<vmem>>, vector<1000x256xf32>,
    return
  }
  func.func @transform_0(%arg0: i32) -> (i32, i32, i32) {
    %c0_i32 = arith.constant 0 : i32
    %c0_i32_0 = arith.constant 0 : i32
    %c0_i32_1 = arith.constant 0 : i32
    return %c0_i32, %arg0, %c0_i32_0 : i32, i32, i32
  }
  func.func @transform_1(%arg0: i32) -> (i32, i32, i32) {
    %c1_i32 = arith.constant 1 : i32
    %c0_i32 = arith.constant 0 : i32
    %c0_i32_0 = arith.constant 0 : i32
    return %c1_i32, %arg0, %c0_i32 : i32, i32, i32
  }
  func.func @transform_2(%arg0: i32) -> (i32, i32) {
    %c0_i32 = arith.constant 0 : i32
    %c0_i32_0 = arith.constant 0 : i32
    return %arg0, %c0_i32 : i32, i32
  }
  func.func @transform_3(%arg0: i32) -> (i32, i32) {
    %c0_i32 = arith.constant 0 : i32
    %c0_i32_0 = arith.constant 0 : i32
    return %arg0, %c0_i32 : i32, i32
  }
  func.func @transform_4(%arg0: i32) -> (i32, i32) {
    %c0_i32 = arith.constant 0 : i32
    %c0_i32_0 = arith.constant 0 : i32
    %c0_i32_1 = arith.constant 0 : i32
    return %c0_i32, %c0_i32_0 : i32, i32
  }
  func.func @transform_5(%arg0: i32) -> (i32, i32) {
    %c0_i32 = arith.constant 0 : i32
    %c0_i32_0 = arith.constant 0 : i32
    %c0_i32_1 = arith.constant 0 : i32
    return %c0_i32, %c0_i32_0 : i32, i32
  }
  func.func @transform_6(%arg0: i32) -> (i32, i32) {
    %c0_i32 = arith.constant 0 : i32
    %c0_i32_0 = arith.constant 0 : i32
    %c0_i32_1 = arith.constant 0 : i32
    return %c0_i32, %c0_i32_0 : i32, i32
  }
  func.func @transform_7(%arg0: i32) -> (i32, i32) {
    %c0_i32 = arith.constant 0 : i32
    %c0_i32_0 = arith.constant 0 : i32
    %c0_i32_1 = arith.constant 0 : i32
    return %c0_i32, %c0_i32_0 : i32, i32
  }
  func.func @transform_8(%arg0: i32) -> (i32, i32) {
    %c0_i32 = arith.constant 0 : i32
    %c0_i32_0 = arith.constant 0 : i32
    return %arg0, %c0_i32 : i32, i32
  }
}

</mosaic_0001>

<sc_bundles>
// kernel: kernel.12.cloned.1.call-start
scs
__scs_entry_jumppad:
0x0: {  	(pc) =	sbr.rel $0x88, $3  }
0x1: {  	(tag) =	ssettag $0x0;
	lr =	simm.s32 $0x1  }
0x2: {  	[smem:$0x3F8C] =	sst lr;
	_ =	strace $0xD0000000  }
0x3: {  	_ = 	snop  }
0x4: {  	_ = 	snop  }
0x5: {  	_ = 	snop  }
0x6: {  	_ = 	snop  }
0x7: {  	_ = 	snop  }
__scs_overlays_trampoline_lowered:
0x8: {  	[smem:$0x3F9B] =	sst s0  }
0x9: {  	[smem:$0x3F9C] =	sst s1  }
0xa: {  	[smem:$0x3F9D] =	sst s2  }
0xb: {  	[smem:$0x3F9E] =	sst s3  }
0xc: {  	[smem:$0x3F9F] =	sst s4  }
0xd: {  	[smem:$0x3FA0] =	sst s5  }
0xe: {  	[smem:$0x3FA1] =	sst s6  }
0xf: {  	[smem:$0x3FA2] =	sst s7  }
0x10: {  	[smem:$0x3FA3] =	sst s8  }
0x11: {  	[smem:$0x3FA4] =	sst s9;
	s0 =	simm.s32 @!p0 $0x0  }
0x12: {  	s1 =	sld [smem:$0x3F8A];
	s0 =	simm.s32 @p0 $0x1  }
0x13: {  	[smem:$0x3FA5] =	sst s0;
	s0 =	simm.s32 @!p1 $0x0  }
0x14: {  	s2 =	sld [smem:$0x3F89];
	s0 =	simm.s32 @p1 $0x1  }
0x15: {  	[smem:$0x3FA6] =	sst s0;
	s0 =	simm.s32 @!p2 $0x0  }
0x16: {  	s3 =	sld [smem:$0x3FDB];
	s0 =	simm.s32 @p2 $0x1  }
0x17: {  	s4 =	simm.s32 $0x1BF5;
	[smem:$0x3FA8] =	sst s0  }
0x18: {  	s0 =	sld [smem:$0x3F8B];
	_ =	swait.ge [sflag:s4], $0x0  }
0x19: {  	s7 =	sld [smem:$0x3F8C]  }
0x1a: {  	s8 =	sadd.s32 $0xFFFFE003, lr  }
0x1b: {  	s9 =	sadd.s32 $0xFFFFFEF7, lr;
	s5 =	simm.s32 $0xFFFFFFFF;
	p2 =	slt.u32 s8, $0xFFFFF086  }
0x1c: {  	p1 =	slt.u32 s9, $0xF7A;
	s5 =	simm.s32 @!p2 $0x0  }
0x1d: {  	s5 =	simm.s32 @p1 $0x1;
	p0 =	seq.s32 s7, s2  }
0x1e: {  	s7 =	smul.u32 @!p0 $0xF7A, s2;
	p2 =	seq.s32 @!p0 s5, $0x0  }
0x1f: {  	s9 =	smul.u32 $0xF7A, s1;
	s8 =	simm.s32 @!p0 $0x1BF5;
	p2 =	por !p2, p0  }
0x20: {  	[sflag:s8] =	ssyncset.s32 @!p0 $0xFFFFF086;
	s6 =	sadd.s32 @!p0 s3, s7;
	s7 =	simm.s32 @!p0 $0x108  }
0x21: {  	s3 =	sadd.s32 s3, s9;
	s6 =	sadd.s32 @!p0 $0x88, s6;
	s7 =	simm.s32 @p2 $0x1082  }
0x22: {  	[simem:s7], [sflag:s8] =	dma.local @!p0 [hbm:s6], $0xF7A  }
0x23: {  	s9 =	sor.u32 $0xD0000000, s2;
	s6 =	simm.s32 $0x108;
	_ =	swait.ge @!p0 [sflag:s8], $0x0  }
0x24: {  	s3 =	sadd.s32 $0x88, s3;
	s6 =	simm.s32 @!p1 $0x1082;
	[sflag:s4] =	ssyncset.s32 $0xFFFFF086  }
0x25: {  	[simem:s6], [sflag:s4] =	dma.local [hbm:s3], $0xF7A  }
0x26: {  	[smem:$0x3F8C] =	sst s1;
	(tag) =	ssettag s2;
	_ =	strace s9  }
0x27: {  	s1 =	sld [smem:$0x3F9C]  }
0x28: {  	s2 =	sld [smem:$0x3F9D]  }
0x29: {  	s4 =	sld [smem:$0x3F9F]  }
0x2a: {  	p0 =	seq.s32 s5, $0x0;
	s5 =	sld [smem:$0x3FA0]  }
0x2b: {  	s6 =	sld [smem:$0x3FA1]  }
0x2c: {  	s7 =	sld [smem:$0x3FA2]  }
0x2d: {  	s3 =	simm.s32 $0x108;
	s8 =	sld [smem:$0x3FA3]  }
0x2e: {  	s3 =	simm.s32 @!p0 $0x1082;
	s9 =	sld [smem:$0x3FA4]  }
0x2f: {  	lr =	sadd.s32 s0, s3;
	s0 =	sld [smem:$0x3F9B]  }
0x30: {  	s3 =	sld [smem:$0x3F9E]  }
0x31: {  	[smem:$0x3FA7] =	sst s10  }
0x32: {  	s10 =	sld [smem:$0x3FA5];
	_ =	sdelay $0x3  }
0x33: {  	p0 =	seq.s32 s10, $0x1;
	s10 =	sld [smem:$0x3FA7];
	_ =	sdelay $0x3  }
0x34: {  	[smem:$0x3FA7] =	sst s10  }
0x35: {  	s10 =	sld [smem:$0x3FA6];
	_ =	sdelay $0x3  }
0x36: {  	p1 =	seq.s32 s10, $0x1;
	s10 =	sld [smem:$0x3FA7];
	_ =	sdelay $0x3  }
0x37: {  	[smem:$0x3FA7] =	sst s10  }
0x38: {  	s10 =	sld [smem:$0x3FA8]  }
0x39: {  	_ = 	snop;
	(pc) =	sbr.ind lr, $3  }
0x3a: {  	_ = 	snop  }
0x3b: {  	_ = 	snop  }
0x3c: {  	p2 =	seq.s32 s10, $0x1;
	s10 =	sld [smem:$0x3FA7]  }
0x3d: {  	_ =	shalt  }
0x3e: {  	_ =	shalt  }
0x3f: {  	_ =	shalt  }
0x40: {  	_ =	shalt  }
0x41: {  	_ =	shalt  }
0x42: {  	_ =	shalt  }
0x43: {  	_ =	shalt  }
0x44: {  	_ =	shalt  }
0x45: {  	_ =	shalt  }
0x46: {  	_ =	shalt  }
0x47: {  	_ =	shalt  }
0x48: {  	_ =	shalt  }
0x49: {  	_ =	shalt  }
0x4a: {  	_ =	shalt  }
0x4b: {  	_ =	shalt  }
0x4c: {  	_ =	shalt  }
0x4d: {  	_ =	shalt  }
0x4e: {  	_ =	shalt  }
0x4f: {  	_ =	shalt  }
0x50: {  	_ =	shalt  }
0x51: {  	_ =	shalt  }
0x52: {  	_ =	shalt  }
0x53: {  	_ =	shalt  }
0x54: {  	_ =	shalt  }
0x55: {  	_ =	shalt  }
0x56: {  	_ =	shalt  }
0x57: {  	_ =	shalt  }
0x58: {  	_ =	shalt  }
0x59: {  	_ =	shalt  }
0x5a: {  	_ =	shalt  }
0x5b: {  	_ =	shalt  }
0x5c: {  	_ =	shalt  }
0x5d: {  	_ =	shalt  }
0x5e: {  	_ =	shalt  }
0x5f: {  	_ =	shalt  }
0x60: {  	_ =	shalt  }
0x61: {  	_ =	shalt  }
0x62: {  	_ =	shalt  }
0x63: {  	_ =	shalt  }
0x64: {  	_ =	shalt  }
0x65: {  	_ =	shalt  }
0x66: {  	_ =	shalt  }
0x67: {  	_ =	shalt  }
0x68: {  	_ =	shalt  }
0x69: {  	_ =	shalt  }
0x6a: {  	_ =	shalt  }
0x6b: {  	_ =	shalt  }
0x6c: {  	_ =	shalt  }
0x6d: {  	_ =	shalt  }
0x6e: {  	_ =	shalt  }
0x6f: {  	_ =	shalt  }
0x70: {  	_ =	shalt  }
0x71: {  	_ =	shalt  }
0x72: {  	_ =	shalt  }
0x73: {  	_ =	shalt  }
0x74: {  	_ =	shalt  }
0x75: {  	_ =	shalt  }
0x76: {  	_ =	shalt  }
0x77: {  	_ =	shalt  }
0x78: {  	_ =	shalt  }
0x79: {  	_ =	shalt  }
0x7a: {  	_ =	shalt  }
0x7b: {  	_ =	shalt  }
0x7c: {  	_ =	shalt  }
0x7d: {  	_ =	shalt  }
0x7e: {  	_ =	shalt  }
0x7f: {  	_ =	shalt  }
0x80: {  	_ =	shalt  }
0x81: {  	_ =	shalt  }
0x82: {  	_ =	shalt  }
0x83: {  	_ =	shalt  }
0x84: {  	_ =	shalt  }
0x85: {  	_ =	shalt  }
0x86: {  	_ =	shalt  }
0x87: {  	_ =	shalt  }
.Lfunc_end0:
.L_simem_size_0:
called_computation.1_lowered:
.L_overlay_start_0:
0x88: {  	s2 =	sld [smem:$0x3FD9]  }
0x89: {  	s3 =	sld [smem:$0x3FFE];
	_ =	sdelay $0x1  }
0x8a: {  	s1 =	srdreg.scid  }
0x8b: {  	s0 =	sand.u32 $0x1, s1  }
0x8c: {  	s17 =	sshll.u32 s0, $0xA;
	s2 =	sadd.s32 s3, s2  }
0x8d: {  	s2 =	sadd.s32 s2, s17  }
0x8e: {  	[smem:$0x3FB3] =	sst s2  }
0x8f: {  	_ = 	snop  }
0x90: {  	s2 =	sld [smem:$0x3FD0];
	(tm) =	ssettm $0x1  }
0x91: {  	s18 =	sld [smem:$0x3FFB];
	_ =	sdelay $0x3  }
0x92: {  	_ =	strace s18  }
0x93: {  	s3 =	sld [smem:$0x3FFC];
	_ =	sdelay $0x3  }
0x94: {  	_ =	strace s3  }
0x95: {  	s3 =	sld [smem:$0x3FFD];
	_ =	sdelay $0x3  }
0x96: {  	_ =	strace s3  }
0x97: {  	_ =	strace $0x8FFFFFFF  }
0x98: {  	s19 =	sld [smem:$0x3FDB];
	_ =	sdelay $0x1  }
0x99: {  	s4 =	simm.s32 $_scs_section_size  }
0x9a: {  	s5 =	simm.s32 $_size__tile_overlayer_lowered;
	s6 =	simm.s32 $_tile_overlayer_lowered  }
0x9b: {  	s22 =	simm.s32 $0x1BFF;
	s21 =	sshll.u32 s6, $0x1;
	s3 =	sadd.s32 s4, s19  }
0x9c: {  	s7 =	simm.s32 $0x0;
	s20 =	sshll.u32 s5, $0x1;
	s5 =	sadd.s32 s21, s3  }
0x9d: {  	[timem:s7], [sflag:s22] =	dma.local [hbm:s5], s20  }
0x9e: {  	_ =	swait.ge [sflag:s22], s20  }
0x9f: {  	s4 =	ssub.s32 $0x0, s20;
	[sflag:s22] =	ssyncset.done $0x0  }
0xa0: {  	[sflag:s22] =	ssyncadd.s32 s4;
	_ =	sdelay $0x1  }
0xa1: {  	s23 =	simm.s32 $0x1B8B  }
0xa2: {  	_ =	swait.ge [sflag:s23], $0x1  }
0xa3: {  	[sflag:s23] =	ssyncset.done $0x0  }
0xa4: {  	s25 =	simm.s32 $0x1B8E;
	s24 =	sld [smem:$0x3FFE];
	[sflag:s23] =	ssyncadd.s32 $0xFFFFFFFF  }
0xa5: {  	s26 =	simm.s32 $execute0_lowered;
	[smem:$0x3FD2] =	sst s25  }
0xa6: {  	s5 =	sshll.u32 s26, $0x1;
	_ =	strace $0x80000049;
	[dreg:$0x1] =	wrdreg $0xFFFFFFFF  }
0xa7: {  	s28 =	simm.s32 $_size_execute0_lowered;
	s3 =	sadd.s32 s3, s5;
	[dreg:$0x0] =	wrdreg $0x0  }
0xa8: {  	s5 =	sshll.u32 s28, $0x1;
	[dreg:$0x2] =	wrdreg s3  }
0xa9: {  	[dreg:$0x3] =	wrdreg s5  }
0xaa: {  	[dreg:$0x4] =	wrdreg $0xC0  }
0xab: {  	_ =	task [dreg:s7], $0x5FFFF  }
0xac: {  	[dreg:$0x1] =	wrdreg $0xFFFFFFFF  }
0xad: {  	[dreg:$0x0] =	wrdreg $0x60  }
0xae: {  	[dreg:$0x2] =	wrdreg s2  }
0xaf: {  	[dreg:$0x3] =	wrdreg s24  }
0xb0: {  	[dreg:$0x4] =	wrdreg $0xB8800  }
0xb1: {  	[dreg:$0x5] =	wrdreg $0x9  }
0xb2: {  	_ =	task.clear_ibuf [dreg:s7], $0x6FFFF;
	_ =	strace $0x90000049  }
0xb3: {  	s29 =	simm.s32 $0x9;
	_ =	strace $0x8000004B  }
0xb4: {  	_ =	swait.ge [sflag:s29], $0x1  }
0xb5: {  	[sflag:s29] =	ssyncadd.s32 $0xFFFFFFFF  }
0xb6: {  	_ =	strace $0x9000004B  }
0xb7: {  	_ =	sfence  }
0xb8: {  	s30 =	sld [smem:$0x0];
	_ =	sdelay $0x2  }
0xb9: {  	s31 =	sshll.u32 s1, $0xD;
	s1 =	sshrl.u32 s1, $0x2  }
0xba: {  	s3 =	sand.u32 $0x4000, s31;
	s1 =	sadd.s32 s1, s30  }
0xbb: {  	s0 =	sor.u32 s3, s0;
	s1 =	sshll.u32 s1, $0x11  }
0xbc: {  	s0 =	sor.u32 s1, s0  }
0xbd: {  	s0 =	sadd.s32 $0x8F2B, s0  }
0xbe: {  	[sflag:s0] =	ssyncadd.remote.s32 $0x1  }
0xbf: {  	_ =	sfence.sel $0xFFFF  }
0xc0: {  	[dreg:$0x0] =	wrdreg $0xFFFFFFFF;
	(pc) =	sbr.abs _section_cstart, $3  }
0xc1: {  	[dreg:$0x1] =	wrdreg $0xFFFFFFFF  }
0xc2: {  	_ =	task.clear_ibuf [dreg:s7], $0x2FFFF;
	_ =	strace $0x9FFFFFFF  }
0xc3: {  	(tm) =	ssettm $0x7FFFFFFF  }
tec
execute0_lowered:
.L_overlay_start_1:
0x0: {  	(tag) =	ssettag $0x1  }
0x1: {  	s1 =	rddreg [dreg:$0x0]  }
0x2: {  	s0 =	rddreg [dreg:$0x1]  }
0x3: {  	s2 =	rddreg [dreg:$0x2];
	s3 =	simm.s32 $0x0  }
0x4: {  	s4 =	srdreg.scid;
	s5 =	stileid.u32;
	s30 =	simm.s32 $0x100  }
0x5: {  	s29 =	simm.s32 $0x380;
	s28 =	simm.s32 $0x400;
	[smem:$0x7FF] =	sst s3  }
0x6: {  	s4 =	sand.u32 $0x1, s4;
	s13 =	sadd.s32 $0xA4A00, s0;
	s9 =	smul.u32 $0x4E000, s5  }
0x7: {  	s7 =	sadd.s32 $0x9FA00, s0;
	s10 =	sadd.s32 $0xAE800, s0;
	s11 =	smul.u32 $0x2760, s5  }
0x8: {  	s0 =	sadd.s32 $0x51800, s0;
	s21 =	sshll.u32 s5, $0x6;
	s12 =	smul.u32 $0x13800, s5  }
0x9: {  	s22 =	sadd.s32 $0x138000, s2;
	s19 =	smul.u32 $0x4EC, s5;
	p0 =	sne.s32 s5, $0x0  }
0xa: {  	s5 =	simm.s32 $0x0;
	_ =	strace $0x8000004A;
	[dreg:$0x5] =	wrdreg s10  }
0xb: {  	s6 =	smul.u32 $0x27600, s4;
	s8 =	ssub.s32 $0x2, s4;
	[dreg:$0x8] =	wrdreg s22  }
0xc: {  	s15 =	sor.u32 $0x1C0A, s21;
	s4 =	smul.u32 $0x138800, s4;
	[dreg:$0x4] =	wrdreg s13  }
0xd: {  	s20 =	sshrl.u32 s8, $0x1;
	s9 =	sshrl.u32 s9, $0x2;
	s24 =	sshrl.u32 s11, $0x3  }
0xe: {  	s25 =	sadd.s32 $0x78, s11;
	s19 =	sadd.s32 s19, s7;
	[dreg:$0x7] =	wrdreg s15  }
0xf: {  	s8 =	ssub.s32 s8, s20;
	s6 =	sadd.s32 s11, s6;
	s9 =	sadd.s32 s9, s2  }
0x10: {  	s16 =	sadd.s32 s7, s24;
	s10 =	sshrl.u32 s25, $0x3;
	s12 =	sadd.s32 s12, s4  }
0x11: {  	s4 =	sshrl.u32 s4, $0x3;
	[dreg:$0x6] =	wrdreg s9;
	s23 =	sshrl.u32 s6, $0x3  }
0x12: {  	s26 =	sadd.s32 $0x78, s6;
	s11 =	sadd.s32 s7, s10;
	[dreg:$0xa] =	wrdreg s16  }
0x13: {  	s17 =	sadd.s32 $0x1E, s16;
	s18 =	sadd.s32 $0x348, s6;
	s8 =	smax.u32 s8, $0x1  }
0x14: {  	s20 =	sadd.s32 $0x3C0, s6;
	s22 =	sadd.s32 $0x2D0, s6;
	[dreg:$0xc] =	wrdreg s11  }
0x15: {  	s24 =	sadd.s32 $0x1E0, s6;
	s7 =	simm.s32 $0x80;
	[dreg:$0xe] =	wrdreg s17  }
0x16: {  	s16 =	simm.s32 $0x4;
	s14 =	sadd.s32 s13, s23;
	[dreg:$0x11] =	wrdreg s8  }
0x17: {  	s31 =	sshrl.u32 s26, $0x3;
	s21 =	sshrl.u32 s20, $0x3;
	[dreg:$0x13] =	wrdreg s22  }
0x18: {  	s23 =	sadd.s32 $0x258, s6;
	s6 =	sadd.s32 $0x168, s6;
	s25 =	sshrl.u32 s24, $0x3  }
0x19: {  	s8 =	simm.s32 $0x4080;
	s11 =	simm.s32 $0x38;
	s20 =	simm.s32 $0x78  }
0x1a: {  	s17 =	simm.s32 $0x80;
	s9 =	sadd.s32 s13, s31;
	[dreg:$0x9] =	wrdreg s14  }
0x1b: {  	s14 =	sadd.s32 $0x1E, s14;
	s26 =	sshrl.u32 s6, $0x3;
	[dreg:$0xb] =	wrdreg s9  }
0x1c: {  	s6 =	simm.s32 $0x40;
	[dreg:$0xd] =	wrdreg s14;
	s9 =	sshrl.u32 s12, $0x3  }
0x1d: {  	s31 =	sadd.s32 s26, s13;
	s9 =	sadd.s32 s0, s9;
	s0 =	sadd.s32 s0, s4  }
0x1e: {  	s12 =	simm.s32 $0xA;
	[dreg:$0x17] =	wrdreg s31;
	s0 =	sadd.s32 $0x27000, s0  }
0x1f: {  	s14 =	simm.s32 $0x7C80;
	[dreg:$0x10] =	wrdreg s0;
	s0 =	sshrl.u32 s18, $0x3  }
0x20: {  	s26 =	simm.s32 $0x6;
	[dreg:$0xf] =	wrdreg s9;
	s0 =	sadd.s32 s0, s13  }
.Ltmp0:
0x21: {  	[dreg:$0x12] =	wrdreg s0;
	s0 =	sadd.s32 s21, s13;
	(pc) =	sbr.rel .LBB2_1-.Ltmp0, $4  }
0x22: {  	s4 =	simm.s32 $0x1;
	[dreg:$0x14] =	wrdreg s0;
	s0 =	sshrl.u32 s23, $0x3  }
0x23: {  	s18 =	simm.s32 $0x9;
	s21 =	simm.s32 $0x8;
	s0 =	sadd.s32 s0, s13  }
0x24: {  	[dreg:$0x15] =	wrdreg s0;
	s0 =	sadd.s32 s25, s13;
	s13 =	simm.s32 $0x3  }
0x25: {  	s25 =	simm.s32 $0x5;
	[dreg:$0x16] =	wrdreg s0;
	s0 =	simm.s32 $0x2  }
.LBB2_4:
0x26: {  	s5 =	simm.s32 $0x400;
	s23 =	simm.s32 $0x7  }
0x27: {  	[spmem:s2] =	stream.indirect.scatter.add.f32 [tilespmem:s14], [sflag:$0x9], $0x80, s5, s20, $0xb8;
	[tilespmem:$0x1F180] =	vst v63  }
0x28: {  	_ =	swait.ge [sflag:s23], $0x3C00  }
0x29: {  	[sflag:s23] =	ssyncset.done $0x0  }
0x2a: {  	[sflag:s23] =	ssyncadd.s32 $0xFFFFC400  }
0x2b: {  	_ =	swait.ge [sflag:s21], $0x3C00  }
0x2c: {  	[sflag:s21] =	ssyncset.done $0x0  }
0x2d: {  	[sflag:s21] =	ssyncadd.s32 $0xFFFFC400  }
0x2e: {  	_ =	swait.ge [sflag:s18], $0x3C00  }
0x2f: {  	[sflag:s18] =	ssyncset.done $0x0  }
0x30: {  	[sflag:s18] =	ssyncadd.s32 $0xFFFFC400  }
0x31: {  	[bflag:$0x0] =	sbarrier.arrive $0xFFFF  }
0x32: {  	s15 =	rddreg [dreg:$0x7]  }
0x33: {  	s9 =	rddreg [dreg:$0xf]  }
0x34: {  	s12 =	simm.s32 $0xA;
	s24 =	rddreg [dreg:$0x19]  }
0x35: {  	[hbm:s9], [sflag:s15] =	dma.local [spmem:s24], $0x2700  }
0x36: {  	_ =	swait.ge [sflag:s12], $0x2700  }
0x37: {  	[sflag:s12] =	ssyncset.done $0x0;
	s9 =	rddreg [dreg:$0x10]  }
0x38: {  	s5 =	rddreg [dreg:$0x1a];
	[sflag:s12] =	ssyncadd.s32 $0xFFFFD900  }
0x39: {  	[hbm:s9], [sflag:s15] =	dma.local @!p0 [spmem:s5], $0x100  }
0x3a: {  	s9 =	simm.s32 @!p0 $0xA  }
0x3b: {  	_ =	swait.ge @!p0 [sflag:s9], $0x100  }
0x3c: {  	s31 =	rddreg [dreg:$0x18]  }
0x3d: {  	s10 =	rddreg [dreg:$0x11];
	s5 =	sadd.s32 $0x1, s31  }
0x3e: {  	p1 =	sne.s32 s5, s10  }
.Ltmp1:
0x3f: {  	_ = 	snop;
	(pc) =	sbr.rel @!p1 .LBB2_5-.Ltmp1, $3  }
0x40: {  	_ =	sdelay $0x1  }
0x41: {  	[sflag:s9] =	ssyncset.done @!p0 $0x0  }
0x42: {  	[sflag:s9] =	ssyncadd.s32 @!p0 $0xFFFFFF00  }
.LBB2_1:
0x43: {  	[dreg:$0x18] =	wrdreg s5  }
0x44: {  	s9 =	rddreg [dreg:$0x6]  }
0x45: {  	s31 =	sshrl.u32 s9, $0x3;
	s9 =	rddreg [dreg:$0x5]  }
0x46: {  	[dreg:$0x19] =	wrdreg s31  }
0x47: {  	[spmem:s31], [sflag:s15] =	dma.local [hbm:s9], $0x2700  }
0x48: {  	_ =	swait.ge [sflag:s12], $0x2700  }
0x49: {  	s10 =	rddreg [dreg:$0x8]  }
0x4a: {  	[sflag:s12] =	ssyncset.done $0x0;
	s5 =	sshrl.u32 @!p0 s10, $0x3  }
0x4b: {  	s22 =	simm.s32 @!p0 $0xA;
	[sflag:s12] =	ssyncadd.s32 $0xFFFFD900;
	[dreg:$0x1a] =	wrdreg s5  }
0x4c: {  	[spmem:s5], [sflag:s15] =	dma.local @!p0 [hbm:s9], $0x100  }
0x4d: {  	_ =	swait.ge @!p0 [sflag:s22], $0x100  }
0x4e: {  	[sflag:s22] =	ssyncset.done @!p0 $0x0  }
0x4f: {  	[sflag:s22] =	ssyncadd.s32 @!p0 $0xFFFFFF00  }
0x50: {  	[bflag:$0x0] =	sbarrier.arrive $0xFFFF  }
0x51: {  	s5 =	rddreg [dreg:$0x9]  }
0x52: {  	s10 =	rddreg [dreg:$0xa]  }
0x53: {  	[tilespmem:s3], [sflag:$0x1] =	stream.linear.gather [hbm4b:s5+s3], $0x78, $0x38;
	[tilespmem:$0x1F180] =	vst v63  }
0x54: {  	s12 =	simm.s32 $0x180;
	s15 =	rddreg [dreg:$0xb]  }
0x55: {  	[tilespmem:s12], [sflag:$0x1] =	stream.linear.gather [hbm4b:s10+s3], $0x78, $0x38;
	[tilespmem:$0x1F180] =	vst v63  }
0x56: {  	s22 =	rddreg [dreg:$0xc]  }
0x57: {  	[tilespmem:s7], [sflag:$0x2] =	stream.linear.gather [hbm4b:s15+s3], $0x78, $0x38;
	[tilespmem:$0x1F180] =	vst v63  }
0x58: {  	s23 =	simm.s32 $0x200;
	s24 =	rddreg [dreg:$0xd]  }
0x59: {  	[tilespmem:s23], [sflag:$0x2] =	stream.linear.gather [hbm4b:s22+s3], $0x78, $0x38;
	[tilespmem:$0x1F180] =	vst v63  }
0x5a: {  	s31 =	rddreg [dreg:$0xe]  }
0x5b: {  	[tilespmem:s30], [sflag:$0x3] =	stream.linear.gather [hbm4b:s24+s3], $0x78, $0x38;
	[tilespmem:$0x1F180] =	vst v63  }
0x5c: {  	s10 =	simm.s32 $0x280;
	s22 =	rddreg [dreg:$0x13];
	s23 =	simm.s32 $0x0  }
0x5d: {  	[tilespmem:s10], [sflag:$0x3] =	stream.linear.gather [hbm4b:s31+s3], $0x78, $0x38;
	[tilespmem:$0x1F180] =	vst v63  }
.LBB2_2:
0x5e: {  	p1 =	seq.s32 s23, $0x0  }
0x5f: {  	s24 =	simm.s32 @p1 $0x1  }
0x60: {  	_ =	swait.ge @p1 [sflag:s24], $0x78  }
0x61: {  	[sflag:s24] =	ssyncset.done @p1 $0x0  }
0x62: {  	[sflag:s24] =	ssyncadd.s32 @p1 $0xFFFFFF88  }
0x63: {  	_ =	swait.ge @p1 [sflag:s24], $0x78  }
0x64: {  	s31 =	simm.s32 @p1 $0x0;
	[sflag:s24] =	ssyncset.done @p1 $0x0  }
0x65: {  	s9 =	simm.s32 @p1 $0x480;
	[sflag:s24] =	ssyncadd.s32 @p1 $0xFFFFFF88;
	s24 =	simm.s32 @p1 $0x40  }
0x66: {  	[tilespmem:s9], [sflag:$0x4] =	stream.indirect.gather @p1 [hbm4b:s1+s24], $0x80, s31, s24, $0xb8;
	[tilespmem:$0x1F180] =	vst v63  }
0x67: {  	s9 =	simm.s32 @p1 $0x38;
	s31 =	simm.s32 @p1 $0x2480  }
0x68: {  	[tilespmem:s31], [sflag:$0x4] =	stream.indirect.gather @p1 [hbm4b:s1+s9], $0x80, s24, s9, $0xb8;
	[tilespmem:$0x1F180] =	vst v63  }
0x69: {  	s9 =	simm.s32 @!p1 $0x7  }
0x6a: {  	_ =	swait.ge @!p1 [sflag:s9], $0x3C00  }
0x6b: {  	[sflag:s9] =	ssyncset.done @!p1 $0x0  }
0x6c: {  	[sflag:s9] =	ssyncadd.s32 @!p1 $0xFFFFC400;
	s9 =	simm.s32 @!p1 $0x1  }
0x6d: {  	_ =	swait.ge @!p1 [sflag:s9], $0x78  }
0x6e: {  	[sflag:s9] =	ssyncset.done @!p1 $0x0  }
0x6f: {  	[sflag:s9] =	ssyncadd.s32 @!p1 $0xFFFFFF88  }
0x70: {  	_ =	swait.ge @!p1 [sflag:s9], $0x78  }
0x71: {  	s24 =	simm.s32 @!p1 $0x0;
	[sflag:s9] =	ssyncset.done @!p1 $0x0  }
0x72: {  	s31 =	simm.s32 @!p1 $0x480;
	[sflag:s9] =	ssyncadd.s32 @!p1 $0xFFFFFF88;
	s9 =	simm.s32 @!p1 $0x40  }
0x73: {  	[tilespmem:s31], [sflag:$0x4] =	stream.indirect.gather @!p1 [hbm4b:s1+s9], $0x80, s24, s9, $0xb8;
	[tilespmem:$0x1F180] =	vst v63  }
0x74: {  	s24 =	simm.s32 @!p1 $0x38;
	s31 =	simm.s32 @!p1 $0x2480  }
0x75: {  	[tilespmem:s31], [sflag:$0x4] =	stream.indirect.gather @!p1 [hbm4b:s1+s24], $0x80, s9, s24, $0xb8;
	[tilespmem:$0x1F180] =	vst v63  }
0x76: {  	s9 =	simm.s32 @!p1 $0x8  }
0x77: {  	_ =	swait.ge @!p1 [sflag:s9], $0x3C00  }
0x78: {  	[sflag:s9] =	ssyncset.done @!p1 $0x0  }
0x79: {  	[sflag:s9] =	ssyncadd.s32 @!p1 $0xFFFFC400  }
0x7a: {  	_ =	swait.ge [sflag:s0], $0x78  }
0x7b: {  	[sflag:s0] =	ssyncset.done $0x0  }
0x7c: {  	[sflag:s0] =	ssyncadd.s32 $0xFFFFFF88  }
0x7d: {  	_ =	swait.ge [sflag:s0], $0x78  }
0x7e: {  	[sflag:s0] =	ssyncset.done $0x0  }
0x7f: {  	[sflag:s0] =	ssyncadd.s32 $0xFFFFFF88  }
0x80: {  	[tilespmem:s8], [sflag:$0x5] =	stream.indirect.gather [hbm4b:s1+s6], $0x80, s17, s6, $0xb8;
	[tilespmem:$0x1F180] =	vst v63  }
0x81: {  	s5 =	simm.s32 $0xC0;
	s12 =	simm.s32 $0x6080;
	s9 =	simm.s32 @!p1 $0x9  }
0x82: {  	[tilespmem:s12], [sflag:$0x5] =	stream.indirect.gather [hbm4b:s1+s11], $0x80, s5, s11, $0xb8;
	[tilespmem:$0x1F180] =	vst v63  }
0x83: {  	_ =	swait.ge @!p1 [sflag:s9], $0x3C00  }
0x84: {  	[sflag:s9] =	ssyncset.done @!p1 $0x0  }
0x85: {  	[sflag:s9] =	ssyncadd.s32 @!p1 $0xFFFFC400  }
0x86: {  	_ =	swait.ge [sflag:s13], $0x78  }
0x87: {  	[sflag:s13] =	ssyncset.done $0x0  }
0x88: {  	[sflag:s13] =	ssyncadd.s32 $0xFFFFFF88  }
0x89: {  	_ =	swait.ge [sflag:s13], $0x78  }
0x8a: {  	[sflag:s13] =	ssyncset.done $0x0  }
0x8b: {  	[sflag:s13] =	ssyncadd.s32 $0xFFFFFF88  }
0x8c: {  	[tilespmem:s14], [sflag:$0x6] =	stream.indirect.gather [hbm4b:s1+s6], $0x80, s30, s6, $0xb8;
	[tilespmem:$0x1F180] =	vst v63  }
0x8d: {  	s15 =	simm.s32 $0x140;
	s31 =	simm.s32 $0x9C80  }
0x8e: {  	[tilespmem:s31], [sflag:$0x6] =	stream.indirect.gather [hbm4b:s1+s11], $0x80, s15, s11, $0xb8;
	[tilespmem:$0x1F180] =	vst v63  }
0x8f: {  	_ =	swait.ge [sflag:s16], $0x2000  }
0x90: {  	[sflag:s16] =	ssyncset.done $0x0  }
0x91: {  	[sflag:s16] =	ssyncadd.s32 $0xFFFFE000  }
0x92: {  	_ =	swait.ge [sflag:s16], $0x1C00  }
0x93: {  	[sflag:s16] =	ssyncset.done $0x0;
	s7 =	rddreg [dreg:$0x17]  }
0x94: {  	s24 =	sadd.s32 s23, s19;
	[sflag:s16] =	ssyncadd.s32 $0xFFFFE400;
	s9 =	sadd.s32 s23, s7  }
0x95: {  	[tilespmem:s3], [sflag:$0x1] =	stream.linear.gather [hbm4b:s9+s3], $0x78, $0x38;
	[tilespmem:$0x1F180] =	vst v63  }
0x96: {  	s7 =	simm.s32 $0x300;
	s9 =	sadd.s32 $0x2D, s24  }
0x97: {  	[tilespmem:s7], [sflag:$0x1] =	stream.linear.gather [hbm4b:s9+s3], $0x78, $0x38;
	[tilespmem:$0x1F180] =	vst v63  }
0x98: {  	s9 =	simm.s32 $0x180;
	s7 =	simm.s32 $0x480  }
0x99: {  	[spmem:s2] =	stream.indirect.scatter.add.f32 [tilespmem:s7], [sflag:$0x7], $0x80, s9, s20, $0xb8;
	[tilespmem:$0x1F180] =	vst v63  }
0x9a: {  	_ =	swait.ge [sflag:s25], $0x2000  }
0x9b: {  	[sflag:s25] =	ssyncset.done $0x0  }
0x9c: {  	[sflag:s25] =	ssyncadd.s32 $0xFFFFE000  }
0x9d: {  	_ =	swait.ge [sflag:s25], $0x1C00  }
0x9e: {  	[sflag:s25] =	ssyncset.done $0x0;
	s9 =	rddreg [dreg:$0x16]  }
0x9f: {  	[sflag:s25] =	ssyncadd.s32 $0xFFFFE400;
	s9 =	sadd.s32 s23, s9  }
0xa0: {  	[tilespmem:s17], [sflag:$0x2] =	stream.linear.gather [hbm4b:s9+s3], $0x78, $0x38;
	[tilespmem:$0x1F180] =	vst v63  }
0xa1: {  	s9 =	sadd.s32 $0x3C, s24  }
0xa2: {  	[tilespmem:s29], [sflag:$0x2] =	stream.linear.gather [hbm4b:s9+s3], $0x78, $0x38;
	[tilespmem:$0x1F180] =	vst v63  }
0xa3: {  	s9 =	simm.s32 $0x200  }
0xa4: {  	[spmem:s2] =	stream.indirect.scatter.add.f32 [tilespmem:s8], [sflag:$0x8], $0x80, s9, s20, $0xb8;
	[tilespmem:$0x1F180] =	vst v63  }
0xa5: {  	_ =	swait.ge [sflag:s26], $0x2000  }
0xa6: {  	[sflag:s26] =	ssyncset.done $0x0  }
0xa7: {  	[sflag:s26] =	ssyncadd.s32 $0xFFFFE000  }
0xa8: {  	_ =	swait.ge [sflag:s26], $0x1C00  }
0xa9: {  	[sflag:s26] =	ssyncset.done $0x0;
	s9 =	rddreg [dreg:$0x15]  }
0xaa: {  	[sflag:s26] =	ssyncadd.s32 $0xFFFFE400;
	s9 =	sadd.s32 s23, s9  }
0xab: {  	[tilespmem:s30], [sflag:$0x3] =	stream.linear.gather [hbm4b:s9+s3], $0x78, $0x38;
	[tilespmem:$0x1F180] =	vst v63  }
0xac: {  	s9 =	sadd.s32 $0x4B, s24  }
0xad: {  	[tilespmem:s28], [sflag:$0x3] =	stream.linear.gather [hbm4b:s9+s3], $0x78, $0x38;
	[tilespmem:$0x1F180] =	vst v63  }
0xae: {  	_ = 	snop  }
0xaf: {  	[spmem:s2] =	stream.indirect.scatter.add.f32 [tilespmem:s14], [sflag:$0x9], $0x80, s10, s20, $0xb8;
	[tilespmem:$0x1F180] =	vst v63  }
0xb0: {  	s10 =	simm.s32 $0x7  }
0xb1: {  	_ =	swait.ge [sflag:s10], $0x3C00  }
0xb2: {  	[sflag:s10] =	ssyncset.done $0x0  }
0xb3: {  	[sflag:s10] =	ssyncadd.s32 $0xFFFFC400  }
0xb4: {  	_ =	swait.ge [sflag:s4], $0x78  }
0xb5: {  	[sflag:s4] =	ssyncset.done $0x0  }
0xb6: {  	[sflag:s4] =	ssyncadd.s32 $0xFFFFFF88  }
0xb7: {  	_ =	swait.ge [sflag:s4], $0x78  }
0xb8: {  	[sflag:s4] =	ssyncset.done $0x0  }
0xb9: {  	[sflag:s4] =	ssyncadd.s32 $0xFFFFFF88  }
0xba: {  	[tilespmem:s7], [sflag:$0x4] =	stream.indirect.gather [hbm4b:s1+s6], $0x80, s3, s6, $0xb8;
	[tilespmem:$0x1F180] =	vst v63  }
0xbb: {  	s10 =	simm.s32 $0x2480  }
0xbc: {  	[tilespmem:s10], [sflag:$0x4] =	stream.indirect.gather [hbm4b:s1+s11], $0x80, s6, s11, $0xb8;
	[tilespmem:$0x1F180] =	vst v63  }
0xbd: {  	_ =	swait.ge [sflag:s21], $0x3C00  }
0xbe: {  	[sflag:s21] =	ssyncset.done $0x0  }
0xbf: {  	[sflag:s21] =	ssyncadd.s32 $0xFFFFC400  }
0xc0: {  	_ =	swait.ge [sflag:s0], $0x78  }
0xc1: {  	[sflag:s0] =	ssyncset.done $0x0  }
0xc2: {  	[sflag:s0] =	ssyncadd.s32 $0xFFFFFF88  }
0xc3: {  	_ =	swait.ge [sflag:s0], $0x78  }
0xc4: {  	[sflag:s0] =	ssyncset.done $0x0  }
0xc5: {  	[sflag:s0] =	ssyncadd.s32 $0xFFFFFF88  }
0xc6: {  	[tilespmem:s8], [sflag:$0x5] =	stream.indirect.gather [hbm4b:s1+s6], $0x80, s17, s6, $0xb8;
	[tilespmem:$0x1F180] =	vst v63  }
0xc7: {  	_ = 	snop  }
0xc8: {  	[tilespmem:s12], [sflag:$0x5] =	stream.indirect.gather [hbm4b:s1+s11], $0x80, s5, s11, $0xb8;
	[tilespmem:$0x1F180] =	vst v63  }
0xc9: {  	_ =	swait.ge [sflag:s18], $0x3C00  }
0xca: {  	[sflag:s18] =	ssyncset.done $0x0  }
0xcb: {  	[sflag:s18] =	ssyncadd.s32 $0xFFFFC400  }
0xcc: {  	_ =	swait.ge [sflag:s13], $0x78  }
0xcd: {  	[sflag:s13] =	ssyncset.done $0x0  }
0xce: {  	[sflag:s13] =	ssyncadd.s32 $0xFFFFFF88  }
0xcf: {  	_ =	swait.ge [sflag:s13], $0x78  }
0xd0: {  	[sflag:s13] =	ssyncset.done $0x0  }
0xd1: {  	[sflag:s13] =	ssyncadd.s32 $0xFFFFFF88  }
0xd2: {  	[tilespmem:s14], [sflag:$0x6] =	stream.indirect.gather [hbm4b:s1+s6], $0x80, s30, s6, $0xb8;
	[tilespmem:$0x1F180] =	vst v63  }
0xd3: {  	_ = 	snop  }
0xd4: {  	[tilespmem:s31], [sflag:$0x6] =	stream.indirect.gather [hbm4b:s1+s11], $0x80, s15, s11, $0xb8;
	[tilespmem:$0x1F180] =	vst v63  }
0xd5: {  	_ =	swait.ge [sflag:s16], $0x2000  }
0xd6: {  	[sflag:s16] =	ssyncset.done $0x0  }
0xd7: {  	[sflag:s16] =	ssyncadd.s32 $0xFFFFE000  }
0xd8: {  	p1 =	seq.s32 s23, $0x492;
	_ =	swait.ge [sflag:s16], $0x1C00  }
0xd9: {  	s9 =	simm.s32 @p1 $0x78;
	[sflag:s16] =	ssyncset.done $0x0  }
0xda: {  	s12 =	simm.s32 @p1 $0x480;
	s31 =	simm.s32 @p1 $0x300;
	[sflag:s16] =	ssyncadd.s32 $0xFFFFE400  }
0xdb: {  	[spmem:s2] =	stream.indirect.scatter.add.f32 @p1 [tilespmem:s12], [sflag:$0x7], $0x80, s31, s9, $0xb8;
	[tilespmem:$0x1F180] =	vst v63  }
0xdc: {  	s9 =	simm.s32 @p1 $0x5  }
0xdd: {  	_ =	swait.ge @p1 [sflag:s9], $0x2000  }
0xde: {  	[sflag:s9] =	ssyncset.done @p1 $0x0  }
0xdf: {  	[sflag:s9] =	ssyncadd.s32 @p1 $0xFFFFE000  }
0xe0: {  	_ =	swait.ge @p1 [sflag:s9], $0x1C00  }
0xe1: {  	[sflag:s9] =	ssyncset.done @p1 $0x0  }
0xe2: {  	s12 =	sshrl.u32 @!p1 s22, $0x3;
	[sflag:s9] =	ssyncadd.s32 @p1 $0xFFFFE400;
	s9 =	rddreg [dreg:$0x4]  }
0xe3: {  	s9 =	sadd.s32 @!p1 s9, s12;
	s12 =	simm.s32 @!p1 $0x0  }
0xe4: {  	[tilespmem:s12], [sflag:$0x1] =	stream.linear.gather @!p1 [hbm4b:s9+s12], $0x78, $0x38;
	[tilespmem:$0x1F180] =	vst v63  }
0xe5: {  	s9 =	sadd.s32 @!p1 s23, s19  }
0xe6: {  	s10 =	simm.s32 @!p1 $0x180;
	s31 =	sadd.s32 @!p1 $0x5A, s9  }
0xe7: {  	[tilespmem:s10], [sflag:$0x1] =	stream.linear.gather @!p1 [hbm4b:s31+s12], $0x78, $0x38;
	[tilespmem:$0x1F180] =	vst v63  }
0xe8: {  	s15 =	simm.s32 @!p1 $0x480;
	s10 =	simm.s32 @!p1 $0x78;
	s31 =	simm.s32 @!p1 $0x300  }
0xe9: {  	[spmem:s2] =	stream.indirect.scatter.add.f32 @!p1 [tilespmem:s15], [sflag:$0x7], $0x80, s31, s10, $0xb8;
	[tilespmem:$0x1F180] =	vst v63  }
0xea: {  	s10 =	simm.s32 @!p1 $0x5  }
0xeb: {  	_ =	swait.ge @!p1 [sflag:s10], $0x2000  }
0xec: {  	[sflag:s10] =	ssyncset.done @!p1 $0x0  }
0xed: {  	[sflag:s10] =	ssyncadd.s32 @!p1 $0xFFFFE000  }
0xee: {  	_ =	swait.ge @!p1 [sflag:s10], $0x1C00  }
0xef: {  	[sflag:s10] =	ssyncset.done @!p1 $0x0  }
0xf0: {  	[sflag:s10] =	ssyncadd.s32 @!p1 $0xFFFFE400;
	s10 =	rddreg [dreg:$0x12]  }
0xf1: {  	s15 =	simm.s32 @!p1 $0x80;
	s10 =	sadd.s32 @!p1 s23, s10  }
0xf2: {  	[tilespmem:s15], [sflag:$0x2] =	stream.linear.gather @!p1 [hbm4b:s10+s12], $0x78, $0x38;
	[tilespmem:$0x1F180] =	vst v63  }
0xf3: {  	s9 =	sadd.s32 @!p1 $0x69, s9;
	s10 =	simm.s32 @!p1 $0x200  }
0xf4: {  	[tilespmem:s10], [sflag:$0x2] =	stream.linear.gather @!p1 [hbm4b:s9+s12], $0x78, $0x38;
	[tilespmem:$0x1F180] =	vst v63  }
0xf5: {  	_ = 	snop  }
0xf6: {  	[spmem:s2] =	stream.indirect.scatter.add.f32 [tilespmem:s8], [sflag:$0x8], $0x80, s29, s20, $0xb8;
	[tilespmem:$0x1F180] =	vst v63  }
0xf7: {  	_ =	swait.ge [sflag:s26], $0x2000  }
.Ltmp2:
0xf8: {  	[sflag:s26] =	ssyncset.done $0x0;
	(pc) =	sbr.rel @p1 .LBB2_4-.Ltmp2, $4  }
0xf9: {  	[sflag:s26] =	ssyncadd.s32 $0xFFFFE000  }
0xfa: {  	_ =	swait.ge [sflag:s26], $0x1C00  }
0xfb: {  	[sflag:s26] =	ssyncset.done $0x0  }
0xfc: {  	s7 =	simm.s32 $0x80;
	s5 =	simm.s32 $0x280;
	[sflag:s26] =	ssyncadd.s32 $0xFFFFE400  }
0xfd: {  	s9 =	rddreg [dreg:$0x14]  }
0xfe: {  	s9 =	sadd.s32 s23, s9  }
0xff: {  	[tilespmem:s30], [sflag:$0x3] =	stream.linear.gather [hbm4b:s9+s3], $0x78, $0x38;
	[tilespmem:$0x1F180] =	vst v63  }
.Ltmp3:
0x100: {  	_ = 	snop;
	(pc) =	sbr.rel .LBB2_2-.Ltmp3, $4  }
0x101: {  	s24 =	sadd.s32 $0x78, s24;
	s31 =	simm.s32 $0x400  }
0x102: {  	[tilespmem:s5], [sflag:$0x3] =	stream.linear.gather [hbm4b:s24+s3], $0x78, $0x38;
	[tilespmem:$0x1F180] =	vst v63  }
0x103: {  	s22 =	sadd.s32 $0x2D0, s22;
	s10 =	simm.s32 $0x280;
	s23 =	sadd.s32 $0x5A, s23  }
0x104: {  	[spmem:s2] =	stream.indirect.scatter.add.f32 [tilespmem:s14], [sflag:$0x9], $0x80, s31, s20, $0xb8;
	[tilespmem:$0x1F180] =	vst v63  }
.LBB2_5:
0x105: {  	_ =	sfence.sel $0x180000  }
0x106: {  	[bflag:$0x0] =	sbarrier.arrive $0xFFFF  }
0x107: {  	_ =	strace $0x9000004A  }
0x108: {  	[bflag:$0x2] =	sbarrier.arrive $0xFFFF  }
0x109: {  	s0 =	rddreg [dreg:$0x3]  }
0x10a: {  	s0 =	sadd.s32 @!p0 $0x100000, s0  }
0x10b: {  	[sflag:s0] =	ssyncadd.tile.s32 @!p0 $0x1;
	_ =	shalt  }
.Lfunc_end2:
_tile_overlayer_lowered:
.L_overlay_start_2:
0x10c: {  	(tag) =	ssettag $0x2  }
0x10d: {  	s0 =	rddreg [dreg:$0x0];
	s2 =	stileid.u32  }
0x10e: {  	s1 =	rddreg [dreg:$0x1];
	p0 =	sne.s32 s2, $0x0  }
0x10f: {  	s3 =	rddreg [dreg:$0x2];
	[bflag:$0x3] =	sbarrier.arrive $0xFFFF;
	s2 =	simm.s32 @!p0 $0x1C0A  }
0x110: {  	[timem:s3], [sflag:s2] =	dma.local @!p0 [hbm:s0], s1  }
0x111: {  	s0 =	simm.s32 @!p0 $0xA  }
0x112: {  	_ =	swait.ge @!p0 [sflag:s0], s1  }
0x113: {  	s1 =	ssub.s32 @!p0 $0x0, s1;
	[sflag:s0] =	ssyncset.done @!p0 $0x0  }
0x114: {  	[sflag:s0] =	ssyncadd.s32 @!p0 s1  }
0x115: {  	[bflag:$0x3] =	sbarrier.arrive $0xFFFF  }
0x116: {  	_ =	shalt  }

// kernel: kernel.15.cloned.1.call-start
scs
__scs_entry_jumppad:
0x0: {  	(pc) =	sbr.rel $0x88, $3  }
0x1: {  	(tag) =	ssettag $0x0;
	lr =	simm.s32 $0x1  }
0x2: {  	[smem:$0x3F8C] =	sst lr;
	_ =	strace $0xD0000000  }
0x3: {  	_ = 	snop  }
0x4: {  	_ = 	snop  }
0x5: {  	_ = 	snop  }
0x6: {  	_ = 	snop  }
0x7: {  	_ = 	snop  }
__scs_overlays_trampoline_lowered:
0x8: {  	[smem:$0x3F9B] =	sst s0  }
0x9: {  	[smem:$0x3F9C] =	sst s1  }
0xa: {  	[smem:$0x3F9D] =	sst s2  }
0xb: {  	[smem:$0x3F9E] =	sst s3  }
0xc: {  	[smem:$0x3F9F] =	sst s4  }
0xd: {  	[smem:$0x3FA0] =	sst s5  }
0xe: {  	[smem:$0x3FA1] =	sst s6  }
0xf: {  	[smem:$0x3FA2] =	sst s7  }
0x10: {  	[smem:$0x3FA3] =	sst s8  }
0x11: {  	[smem:$0x3FA4] =	sst s9;
	s0 =	simm.s32 @!p0 $0x0  }
0x12: {  	s1 =	sld [smem:$0x3F8A];
	s0 =	simm.s32 @p0 $0x1  }
0x13: {  	[smem:$0x3FA5] =	sst s0;
	s0 =	simm.s32 @!p1 $0x0  }
0x14: {  	s2 =	sld [smem:$0x3F89];
	s0 =	simm.s32 @p1 $0x1  }
0x15: {  	[smem:$0x3FA6] =	sst s0;
	s0 =	simm.s32 @!p2 $0x0  }
0x16: {  	s3 =	sld [smem:$0x3FDB];
	s0 =	simm.s32 @p2 $0x1  }
0x17: {  	s4 =	simm.s32 $0x1BF5;
	[smem:$0x3FA8] =	sst s0  }
0x18: {  	s0 =	sld [smem:$0x3F8B];
	_ =	swait.ge [sflag:s4], $0x0  }
0x19: {  	s7 =	sld [smem:$0x3F8C]  }
0x1a: {  	s8 =	sadd.s32 $0xFFFFE003, lr  }
0x1b: {  	s9 =	sadd.s32 $0xFFFFFEF7, lr;
	s5 =	simm.s32 $0xFFFFFFFF;
	p2 =	slt.u32 s8, $0xFFFFF086  }
0x1c: {  	p1 =	slt.u32 s9, $0xF7A;
	s5 =	simm.s32 @!p2 $0x0  }
0x1d: {  	s5 =	simm.s32 @p1 $0x1;
	p0 =	seq.s32 s7, s2  }
0x1e: {  	s7 =	smul.u32 @!p0 $0xF7A, s2;
	p2 =	seq.s32 @!p0 s5, $0x0  }
0x1f: {  	s9 =	smul.u32 $0xF7A, s1;
	s8 =	simm.s32 @!p0 $0x1BF5;
	p2 =	por !p2, p0  }
0x20: {  	[sflag:s8] =	ssyncset.s32 @!p0 $0xFFFFF086;
	s6 =	sadd.s32 @!p0 s3, s7;
	s7 =	simm.s32 @!p0 $0x108  }
0x21: {  	s3 =	sadd.s32 s3, s9;
	s6 =	sadd.s32 @!p0 $0x88, s6;
	s7 =	simm.s32 @p2 $0x1082  }
0x22: {  	[simem:s7], [sflag:s8] =	dma.local @!p0 [hbm:s6], $0xF7A  }
0x23: {  	s9 =	sor.u32 $0xD0000000, s2;
	s6 =	simm.s32 $0x108;
	_ =	swait.ge @!p0 [sflag:s8], $0x0  }
0x24: {  	s3 =	sadd.s32 $0x88, s3;
	s6 =	simm.s32 @!p1 $0x1082;
	[sflag:s4] =	ssyncset.s32 $0xFFFFF086  }
0x25: {  	[simem:s6], [sflag:s4] =	dma.local [hbm:s3], $0xF7A  }
0x26: {  	[smem:$0x3F8C] =	sst s1;
	(tag) =	ssettag s2;
	_ =	strace s9  }
0x27: {  	s1 =	sld [smem:$0x3F9C]  }
0x28: {  	s2 =	sld [smem:$0x3F9D]  }
0x29: {  	s4 =	sld [smem:$0x3F9F]  }
0x2a: {  	p0 =	seq.s32 s5, $0x0;
	s5 =	sld [smem:$0x3FA0]  }
0x2b: {  	s6 =	sld [smem:$0x3FA1]  }
0x2c: {  	s7 =	sld [smem:$0x3FA2]  }
0x2d: {  	s3 =	simm.s32 $0x108;
	s8 =	sld [smem:$0x3FA3]  }
0x2e: {  	s3 =	simm.s32 @!p0 $0x1082;
	s9 =	sld [smem:$0x3FA4]  }
0x2f: {  	lr =	sadd.s32 s0, s3;
	s0 =	sld [smem:$0x3F9B]  }
0x30: {  	s3 =	sld [smem:$0x3F9E]  }
0x31: {  	[smem:$0x3FA7] =	sst s10  }
0x32: {  	s10 =	sld [smem:$0x3FA5];
	_ =	sdelay $0x3  }
0x33: {  	p0 =	seq.s32 s10, $0x1;
	s10 =	sld [smem:$0x3FA7];
	_ =	sdelay $0x3  }
0x34: {  	[smem:$0x3FA7] =	sst s10  }
0x35: {  	s10 =	sld [smem:$0x3FA6];
	_ =	sdelay $0x3  }
0x36: {  	p1 =	seq.s32 s10, $0x1;
	s10 =	sld [smem:$0x3FA7];
	_ =	sdelay $0x3  }
0x37: {  	[smem:$0x3FA7] =	sst s10  }
0x38: {  	s10 =	sld [smem:$0x3FA8]  }
0x39: {  	_ = 	snop;
	(pc) =	sbr.ind lr, $3  }
0x3a: {  	_ = 	snop  }
0x3b: {  	_ = 	snop  }
0x3c: {  	p2 =	seq.s32 s10, $0x1;
	s10 =	sld [smem:$0x3FA7]  }
0x3d: {  	_ =	shalt  }
0x3e: {  	_ =	shalt  }
0x3f: {  	_ =	shalt  }
0x40: {  	_ =	shalt  }
0x41: {  	_ =	shalt  }
0x42: {  	_ =	shalt  }
0x43: {  	_ =	shalt  }
0x44: {  	_ =	shalt  }
0x45: {  	_ =	shalt  }
0x46: {  	_ =	shalt  }
0x47: {  	_ =	shalt  }
0x48: {  	_ =	shalt  }
0x49: {  	_ =	shalt  }
0x4a: {  	_ =	shalt  }
0x4b: {  	_ =	shalt  }
0x4c: {  	_ =	shalt  }
0x4d: {  	_ =	shalt  }
0x4e: {  	_ =	shalt  }
0x4f: {  	_ =	shalt  }
0x50: {  	_ =	shalt  }
0x51: {  	_ =	shalt  }
0x52: {  	_ =	shalt  }
0x53: {  	_ =	shalt  }
0x54: {  	_ =	shalt  }
0x55: {  	_ =	shalt  }
0x56: {  	_ =	shalt  }
0x57: {  	_ =	shalt  }
0x58: {  	_ =	shalt  }
0x59: {  	_ =	shalt  }
0x5a: {  	_ =	shalt  }
0x5b: {  	_ =	shalt  }
0x5c: {  	_ =	shalt  }
0x5d: {  	_ =	shalt  }
0x5e: {  	_ =	shalt  }
0x5f: {  	_ =	shalt  }
0x60: {  	_ =	shalt  }
0x61: {  	_ =	shalt  }
0x62: {  	_ =	shalt  }
0x63: {  	_ =	shalt  }
0x64: {  	_ =	shalt  }
0x65: {  	_ =	shalt  }
0x66: {  	_ =	shalt  }
0x67: {  	_ =	shalt  }
0x68: {  	_ =	shalt  }
0x69: {  	_ =	shalt  }
0x6a: {  	_ =	shalt  }
0x6b: {  	_ =	shalt  }
0x6c: {  	_ =	shalt  }
0x6d: {  	_ =	shalt  }
0x6e: {  	_ =	shalt  }
0x6f: {  	_ =	shalt  }
0x70: {  	_ =	shalt  }
0x71: {  	_ =	shalt  }
0x72: {  	_ =	shalt  }
0x73: {  	_ =	shalt  }
0x74: {  	_ =	shalt  }
0x75: {  	_ =	shalt  }
0x76: {  	_ =	shalt  }
0x77: {  	_ =	shalt  }
0x78: {  	_ =	shalt  }
0x79: {  	_ =	shalt  }
0x7a: {  	_ =	shalt  }
0x7b: {  	_ =	shalt  }
0x7c: {  	_ =	shalt  }
0x7d: {  	_ =	shalt  }
0x7e: {  	_ =	shalt  }
0x7f: {  	_ =	shalt  }
0x80: {  	_ =	shalt  }
0x81: {  	_ =	shalt  }
0x82: {  	_ =	shalt  }
0x83: {  	_ =	shalt  }
0x84: {  	_ =	shalt  }
0x85: {  	_ =	shalt  }
0x86: {  	_ =	shalt  }
0x87: {  	_ =	shalt  }
.Lfunc_end0:
.L_simem_size_0:
called_computation.2_lowered:
.L_overlay_start_0:
0x88: {  	s2 =	sld [smem:$0x3FD9]  }
0x89: {  	s3 =	sld [smem:$0x3FFE];
	_ =	sdelay $0x1  }
0x8a: {  	s1 =	srdreg.scid  }
0x8b: {  	s0 =	sand.u32 $0x1, s1  }
0x8c: {  	s17 =	sshll.u32 s0, $0xA;
	s2 =	sadd.s32 s3, s2  }
0x8d: {  	s2 =	sadd.s32 s2, s17  }
0x8e: {  	[smem:$0x3FB3] =	sst s2  }
0x8f: {  	_ = 	snop  }
0x90: {  	s2 =	sld [smem:$0x3FD0];
	(tm) =	ssettm $0x1  }
0x91: {  	s18 =	sld [smem:$0x3FFB];
	_ =	sdelay $0x3  }
0x92: {  	_ =	strace s18  }
0x93: {  	s3 =	sld [smem:$0x3FFC];
	_ =	sdelay $0x3  }
0x94: {  	_ =	strace s3  }
0x95: {  	s3 =	sld [smem:$0x3FFD];
	_ =	sdelay $0x3  }
0x96: {  	_ =	strace s3  }
0x97: {  	_ =	strace $0x8FFFFFFF  }
0x98: {  	s19 =	sld [smem:$0x3FDB];
	_ =	sdelay $0x1  }
0x99: {  	s4 =	simm.s32 $_scs_section_size  }
0x9a: {  	s5 =	simm.s32 $_size__tile_overlayer_lowered;
	s6 =	simm.s32 $_tile_overlayer_lowered  }
0x9b: {  	s22 =	simm.s32 $0x1BFF;
	s21 =	sshll.u32 s6, $0x1;
	s3 =	sadd.s32 s4, s19  }
0x9c: {  	s7 =	simm.s32 $0x0;
	s20 =	sshll.u32 s5, $0x1;
	s5 =	sadd.s32 s21, s3  }
0x9d: {  	[timem:s7], [sflag:s22] =	dma.local [hbm:s5], s20  }
0x9e: {  	_ =	swait.ge [sflag:s22], s20  }
0x9f: {  	s4 =	ssub.s32 $0x0, s20;
	[sflag:s22] =	ssyncset.done $0x0  }
0xa0: {  	[sflag:s22] =	ssyncadd.s32 s4;
	_ =	sdelay $0x1  }
0xa1: {  	s23 =	simm.s32 $0x1B8B  }
0xa2: {  	_ =	swait.ge [sflag:s23], $0x1  }
0xa3: {  	[sflag:s23] =	ssyncset.done $0x0  }
0xa4: {  	s25 =	simm.s32 $0x1B8E;
	s24 =	sld [smem:$0x3FFE];
	[sflag:s23] =	ssyncadd.s32 $0xFFFFFFFF  }
0xa5: {  	s26 =	simm.s32 $execute0_lowered;
	[smem:$0x3FD2] =	sst s25  }
0xa6: {  	s5 =	sshll.u32 s26, $0x1;
	_ =	strace $0x8000004C;
	[dreg:$0x1] =	wrdreg $0xFFFFFFFF  }
0xa7: {  	s28 =	simm.s32 $_size_execute0_lowered;
	s3 =	sadd.s32 s3, s5;
	[dreg:$0x0] =	wrdreg $0x0  }
0xa8: {  	s5 =	sshll.u32 s28, $0x1;
	[dreg:$0x2] =	wrdreg s3  }
0xa9: {  	[dreg:$0x3] =	wrdreg s5  }
0xaa: {  	[dreg:$0x4] =	wrdreg $0xC0  }
0xab: {  	_ =	task [dreg:s7], $0x5FFFF  }
0xac: {  	[dreg:$0x1] =	wrdreg $0xFFFFFFFF  }
0xad: {  	[dreg:$0x0] =	wrdreg $0x60  }
0xae: {  	[dreg:$0x2] =	wrdreg s2  }
0xaf: {  	[dreg:$0x3] =	wrdreg s24  }
0xb0: {  	[dreg:$0x4] =	wrdreg $0xB8800  }
0xb1: {  	[dreg:$0x5] =	wrdreg $0x9  }
0xb2: {  	_ =	task.clear_ibuf [dreg:s7], $0x6FFFF;
	_ =	strace $0x9000004C  }
0xb3: {  	s29 =	simm.s32 $0x9;
	_ =	strace $0x8000004E  }
0xb4: {  	_ =	swait.ge [sflag:s29], $0x1  }
0xb5: {  	[sflag:s29] =	ssyncadd.s32 $0xFFFFFFFF  }
0xb6: {  	_ =	strace $0x9000004E  }
0xb7: {  	_ =	sfence  }
0xb8: {  	s30 =	sld [smem:$0x0];
	_ =	sdelay $0x2  }
0xb9: {  	s31 =	sshll.u32 s1, $0xD;
	s1 =	sshrl.u32 s1, $0x2  }
0xba: {  	s3 =	sand.u32 $0x4000, s31;
	s1 =	sadd.s32 s1, s30  }
0xbb: {  	s0 =	sor.u32 s3, s0;
	s1 =	sshll.u32 s1, $0x11  }
0xbc: {  	s0 =	sor.u32 s1, s0  }
0xbd: {  	s0 =	sadd.s32 $0x8F2B, s0  }
0xbe: {  	[sflag:s0] =	ssyncadd.remote.s32 $0x1  }
0xbf: {  	_ =	sfence.sel $0xFFFF  }
0xc0: {  	[dreg:$0x0] =	wrdreg $0xFFFFFFFF;
	(pc) =	sbr.abs _section_cstart, $3  }
0xc1: {  	[dreg:$0x1] =	wrdreg $0xFFFFFFFF  }
0xc2: {  	_ =	task.clear_ibuf [dreg:s7], $0x2FFFF;
	_ =	strace $0x9FFFFFFF  }
0xc3: {  	(tm) =	ssettm $0x7FFFFFFF  }
tec
execute0_lowered:
.L_overlay_start_1:
0x0: {  	(tag) =	ssettag $0x1  }
0x1: {  	s1 =	rddreg [dreg:$0x0]  }
0x2: {  	s0 =	rddreg [dreg:$0x1]  }
0x3: {  	s2 =	rddreg [dreg:$0x2];
	s3 =	simm.s32 $0x0  }
0x4: {  	s4 =	srdreg.scid;
	s5 =	stileid.u32;
	s30 =	simm.s32 $0x100  }
0x5: {  	s29 =	simm.s32 $0x380;
	s28 =	simm.s32 $0x400;
	[smem:$0x7FF] =	sst s3  }
0x6: {  	s4 =	sand.u32 $0x1, s4;
	s13 =	sadd.s32 $0xA4A00, s0;
	s9 =	smul.u32 $0x4E000, s5  }
0x7: {  	s7 =	sadd.s32 $0x9FA00, s0;
	s10 =	sadd.s32 $0xAE800, s0;
	s11 =	smul.u32 $0x2760, s5  }
0x8: {  	s0 =	sadd.s32 $0x3600, s0;
	s21 =	sshll.u32 s5, $0x6;
	s12 =	smul.u32 $0x13800, s5  }
0x9: {  	s22 =	sadd.s32 $0x138000, s2;
	s19 =	smul.u32 $0x4EC, s5;
	p0 =	sne.s32 s5, $0x0  }
0xa: {  	s5 =	simm.s32 $0x0;
	_ =	strace $0x8000004D;
	[dreg:$0x5] =	wrdreg s10  }
0xb: {  	s6 =	smul.u32 $0x27600, s4;
	s8 =	ssub.s32 $0x2, s4;
	[dreg:$0x8] =	wrdreg s22  }
0xc: {  	s15 =	sor.u32 $0x1C0A, s21;
	s4 =	smul.u32 $0x138800, s4;
	[dreg:$0x4] =	wrdreg s13  }
0xd: {  	s20 =	sshrl.u32 s8, $0x1;
	s9 =	sshrl.u32 s9, $0x2;
	s24 =	sshrl.u32 s11, $0x3  }
0xe: {  	s25 =	sadd.s32 $0x78, s11;
	s19 =	sadd.s32 s19, s7;
	[dreg:$0x7] =	wrdreg s15  }
0xf: {  	s8 =	ssub.s32 s8, s20;
	s6 =	sadd.s32 s11, s6;
	s9 =	sadd.s32 s9, s2  }
0x10: {  	s16 =	sadd.s32 s7, s24;
	s10 =	sshrl.u32 s25, $0x3;
	s12 =	sadd.s32 s12, s4  }
0x11: {  	s4 =	sshrl.u32 s4, $0x3;
	[dreg:$0x6] =	wrdreg s9;
	s23 =	sshrl.u32 s6, $0x3  }
0x12: {  	s26 =	sadd.s32 $0x78, s6;
	s11 =	sadd.s32 s7, s10;
	[dreg:$0xa] =	wrdreg s16  }
0x13: {  	s17 =	sadd.s32 $0x1E, s16;
	s18 =	sadd.s32 $0x348, s6;
	s8 =	smax.u32 s8, $0x1  }
0x14: {  	s20 =	sadd.s32 $0x3C0, s6;
	s22 =	sadd.s32 $0x2D0, s6;
	[dreg:$0xc] =	wrdreg s11  }
0x15: {  	s24 =	sadd.s32 $0x1E0, s6;
	s7 =	simm.s32 $0x80;
	[dreg:$0xe] =	wrdreg s17  }
0x16: {  	s16 =	simm.s32 $0x4;
	s14 =	sadd.s32 s13, s23;
	[dreg:$0x11] =	wrdreg s8  }
0x17: {  	s31 =	sshrl.u32 s26, $0x3;
	s21 =	sshrl.u32 s20, $0x3;
	[dreg:$0x13] =	wrdreg s22  }
0x18: {  	s23 =	sadd.s32 $0x258, s6;
	s6 =	sadd.s32 $0x168, s6;
	s25 =	sshrl.u32 s24, $0x3  }
0x19: {  	s8 =	simm.s32 $0x4080;
	s11 =	simm.s32 $0x38;
	s20 =	simm.s32 $0x78  }
0x1a: {  	s17 =	simm.s32 $0x80;
	s9 =	sadd.s32 s13, s31;
	[dreg:$0x9] =	wrdreg s14  }
0x1b: {  	s14 =	sadd.s32 $0x1E, s14;
	s26 =	sshrl.u32 s6, $0x3;
	[dreg:$0xb] =	wrdreg s9  }
0x1c: {  	s6 =	simm.s32 $0x40;
	[dreg:$0xd] =	wrdreg s14;
	s9 =	sshrl.u32 s12, $0x3  }
0x1d: {  	s31 =	sadd.s32 s26, s13;
	s9 =	sadd.s32 s0, s9;
	s0 =	sadd.s32 s0, s4  }
0x1e: {  	s12 =	simm.s32 $0xA;
	[dreg:$0x17] =	wrdreg s31;
	s0 =	sadd.s32 $0x27000, s0  }
0x1f: {  	s14 =	simm.s32 $0x7C80;
	[dreg:$0x10] =	wrdreg s0;
	s0 =	sshrl.u32 s18, $0x3  }
0x20: {  	s26 =	simm.s32 $0x6;
	[dreg:$0xf] =	wrdreg s9;
	s0 =	sadd.s32 s0, s13  }
.Ltmp0:
0x21: {  	[dreg:$0x12] =	wrdreg s0;
	s0 =	sadd.s32 s21, s13;
	(pc) =	sbr.rel .LBB2_1-.Ltmp0, $4  }
0x22: {  	s4 =	simm.s32 $0x1;
	[dreg:$0x14] =	wrdreg s0;
	s0 =	sshrl.u32 s23, $0x3  }
0x23: {  	s18 =	simm.s32 $0x9;
	s21 =	simm.s32 $0x8;
	s0 =	sadd.s32 s0, s13  }
0x24: {  	[dreg:$0x15] =	wrdreg s0;
	s0 =	sadd.s32 s25, s13;
	s13 =	simm.s32 $0x3  }
0x25: {  	s25 =	simm.s32 $0x5;
	[dreg:$0x16] =	wrdreg s0;
	s0 =	simm.s32 $0x2  }
.LBB2_4:
0x26: {  	s5 =	simm.s32 $0x400;
	s23 =	simm.s32 $0x7  }
0x27: {  	[spmem:s2] =	stream.indirect.scatter.add.f32 [tilespmem:s14], [sflag:$0x9], $0x80, s5, s20, $0xb8;
	[tilespmem:$0x1F180] =	vst v63  }
0x28: {  	_ =	swait.ge [sflag:s23], $0x3C00  }
0x29: {  	[sflag:s23] =	ssyncset.done $0x0  }
0x2a: {  	[sflag:s23] =	ssyncadd.s32 $0xFFFFC400  }
0x2b: {  	_ =	swait.ge [sflag:s21], $0x3C00  }
0x2c: {  	[sflag:s21] =	ssyncset.done $0x0  }
0x2d: {  	[sflag:s21] =	ssyncadd.s32 $0xFFFFC400  }
0x2e: {  	_ =	swait.ge [sflag:s18], $0x3C00  }
0x2f: {  	[sflag:s18] =	ssyncset.done $0x0  }
0x30: {  	[sflag:s18] =	ssyncadd.s32 $0xFFFFC400  }
0x31: {  	[bflag:$0x0] =	sbarrier.arrive $0xFFFF  }
0x32: {  	s15 =	rddreg [dreg:$0x7]  }
0x33: {  	s9 =	rddreg [dreg:$0xf]  }
0x34: {  	s12 =	simm.s32 $0xA;
	s24 =	rddreg [dreg:$0x19]  }
0x35: {  	[hbm:s9], [sflag:s15] =	dma.local [spmem:s24], $0x2700  }
0x36: {  	_ =	swait.ge [sflag:s12], $0x2700  }
0x37: {  	[sflag:s12] =	ssyncset.done $0x0;
	s9 =	rddreg [dreg:$0x10]  }
0x38: {  	s5 =	rddreg [dreg:$0x1a];
	[sflag:s12] =	ssyncadd.s32 $0xFFFFD900  }
0x39: {  	[hbm:s9], [sflag:s15] =	dma.local @!p0 [spmem:s5], $0x100  }
0x3a: {  	s9 =	simm.s32 @!p0 $0xA  }
0x3b: {  	_ =	swait.ge @!p0 [sflag:s9], $0x100  }
0x3c: {  	s31 =	rddreg [dreg:$0x18]  }
0x3d: {  	s10 =	rddreg [dreg:$0x11];
	s5 =	sadd.s32 $0x1, s31  }
0x3e: {  	p1 =	sne.s32 s5, s10  }
.Ltmp1:
0x3f: {  	_ = 	snop;
	(pc) =	sbr.rel @!p1 .LBB2_5-.Ltmp1, $3  }
0x40: {  	_ =	sdelay $0x1  }
0x41: {  	[sflag:s9] =	ssyncset.done @!p0 $0x0  }
0x42: {  	[sflag:s9] =	ssyncadd.s32 @!p0 $0xFFFFFF00  }
.LBB2_1:
0x43: {  	[dreg:$0x18] =	wrdreg s5  }
0x44: {  	s9 =	rddreg [dreg:$0x6]  }
0x45: {  	s31 =	sshrl.u32 s9, $0x3;
	s9 =	rddreg [dreg:$0x5]  }
0x46: {  	[dreg:$0x19] =	wrdreg s31  }
0x47: {  	[spmem:s31], [sflag:s15] =	dma.local [hbm:s9], $0x2700  }
0x48: {  	_ =	swait.ge [sflag:s12], $0x2700  }
0x49: {  	s10 =	rddreg [dreg:$0x8]  }
0x4a: {  	[sflag:s12] =	ssyncset.done $0x0;
	s5 =	sshrl.u32 @!p0 s10, $0x3  }
0x4b: {  	s22 =	simm.s32 @!p0 $0xA;
	[sflag:s12] =	ssyncadd.s32 $0xFFFFD900;
	[dreg:$0x1a] =	wrdreg s5  }
0x4c: {  	[spmem:s5], [sflag:s15] =	dma.local @!p0 [hbm:s9], $0x100  }
0x4d: {  	_ =	swait.ge @!p0 [sflag:s22], $0x100  }
0x4e: {  	[sflag:s22] =	ssyncset.done @!p0 $0x0  }
0x4f: {  	[sflag:s22] =	ssyncadd.s32 @!p0 $0xFFFFFF00  }
0x50: {  	[bflag:$0x0] =	sbarrier.arrive $0xFFFF  }
0x51: {  	s5 =	rddreg [dreg:$0x9]  }
0x52: {  	s10 =	rddreg [dreg:$0xa]  }
0x53: {  	[tilespmem:s3], [sflag:$0x1] =	stream.linear.gather [hbm4b:s5+s3], $0x78, $0x38;
	[tilespmem:$0x1F180] =	vst v63  }
0x54: {  	s12 =	simm.s32 $0x180;
	s15 =	rddreg [dreg:$0xb]  }
0x55: {  	[tilespmem:s12], [sflag:$0x1] =	stream.linear.gather [hbm4b:s10+s3], $0x78, $0x38;
	[tilespmem:$0x1F180] =	vst v63  }
0x56: {  	s22 =	rddreg [dreg:$0xc]  }
0x57: {  	[tilespmem:s7], [sflag:$0x2] =	stream.linear.gather [hbm4b:s15+s3], $0x78, $0x38;
	[tilespmem:$0x1F180] =	vst v63  }
0x58: {  	s23 =	simm.s32 $0x200;
	s24 =	rddreg [dreg:$0xd]  }
0x59: {  	[tilespmem:s23], [sflag:$0x2] =	stream.linear.gather [hbm4b:s22+s3], $0x78, $0x38;
	[tilespmem:$0x1F180] =	vst v63  }
0x5a: {  	s31 =	rddreg [dreg:$0xe]  }
0x5b: {  	[tilespmem:s30], [sflag:$0x3] =	stream.linear.gather [hbm4b:s24+s3], $0x78, $0x38;
	[tilespmem:$0x1F180] =	vst v63  }
0x5c: {  	s10 =	simm.s32 $0x280;
	s22 =	rddreg [dreg:$0x13];
	s23 =	simm.s32 $0x0  }
0x5d: {  	[tilespmem:s10], [sflag:$0x3] =	stream.linear.gather [hbm4b:s31+s3], $0x78, $0x38;
	[tilespmem:$0x1F180] =	vst v63  }
.LBB2_2:
0x5e: {  	p1 =	seq.s32 s23, $0x0  }
0x5f: {  	s24 =	simm.s32 @p1 $0x1  }
0x60: {  	_ =	swait.ge @p1 [sflag:s24], $0x78  }
0x61: {  	[sflag:s24] =	ssyncset.done @p1 $0x0  }
0x62: {  	[sflag:s24] =	ssyncadd.s32 @p1 $0xFFFFFF88  }
0x63: {  	_ =	swait.ge @p1 [sflag:s24], $0x78  }
0x64: {  	s31 =	simm.s32 @p1 $0x0;
	[sflag:s24] =	ssyncset.done @p1 $0x0  }
0x65: {  	s9 =	simm.s32 @p1 $0x480;
	[sflag:s24] =	ssyncadd.s32 @p1 $0xFFFFFF88;
	s24 =	simm.s32 @p1 $0x40  }
0x66: {  	[tilespmem:s9], [sflag:$0x4] =	stream.indirect.gather @p1 [hbm4b:s1+s24], $0x80, s31, s24, $0xb8;
	[tilespmem:$0x1F180] =	vst v63  }
0x67: {  	s9 =	simm.s32 @p1 $0x38;
	s31 =	simm.s32 @p1 $0x2480  }
0x68: {  	[tilespmem:s31], [sflag:$0x4] =	stream.indirect.gather @p1 [hbm4b:s1+s9], $0x80, s24, s9, $0xb8;
	[tilespmem:$0x1F180] =	vst v63  }
0x69: {  	s9 =	simm.s32 @!p1 $0x7  }
0x6a: {  	_ =	swait.ge @!p1 [sflag:s9], $0x3C00  }
0x6b: {  	[sflag:s9] =	ssyncset.done @!p1 $0x0  }
0x6c: {  	[sflag:s9] =	ssyncadd.s32 @!p1 $0xFFFFC400;
	s9 =	simm.s32 @!p1 $0x1  }
0x6d: {  	_ =	swait.ge @!p1 [sflag:s9], $0x78  }
0x6e: {  	[sflag:s9] =	ssyncset.done @!p1 $0x0  }
0x6f: {  	[sflag:s9] =	ssyncadd.s32 @!p1 $0xFFFFFF88  }
0x70: {  	_ =	swait.ge @!p1 [sflag:s9], $0x78  }
0x71: {  	s24 =	simm.s32 @!p1 $0x0;
	[sflag:s9] =	ssyncset.done @!p1 $0x0  }
0x72: {  	s31 =	simm.s32 @!p1 $0x480;
	[sflag:s9] =	ssyncadd.s32 @!p1 $0xFFFFFF88;
	s9 =	simm.s32 @!p1 $0x40  }
0x73: {  	[tilespmem:s31], [sflag:$0x4] =	stream.indirect.gather @!p1 [hbm4b:s1+s9], $0x80, s24, s9, $0xb8;
	[tilespmem:$0x1F180] =	vst v63  }
0x74: {  	s24 =	simm.s32 @!p1 $0x38;
	s31 =	simm.s32 @!p1 $0x2480  }
0x75: {  	[tilespmem:s31], [sflag:$0x4] =	stream.indirect.gather @!p1 [hbm4b:s1+s24], $0x80, s9, s24, $0xb8;
	[tilespmem:$0x1F180] =	vst v63  }
0x76: {  	s9 =	simm.s32 @!p1 $0x8  }
0x77: {  	_ =	swait.ge @!p1 [sflag:s9], $0x3C00  }
0x78: {  	[sflag:s9] =	ssyncset.done @!p1 $0x0  }
0x79: {  	[sflag:s9] =	ssyncadd.s32 @!p1 $0xFFFFC400  }
0x7a: {  	_ =	swait.ge [sflag:s0], $0x78  }
0x7b: {  	[sflag:s0] =	ssyncset.done $0x0  }
0x7c: {  	[sflag:s0] =	ssyncadd.s32 $0xFFFFFF88  }
0x7d: {  	_ =	swait.ge [sflag:s0], $0x78  }
0x7e: {  	[sflag:s0] =	ssyncset.done $0x0  }
0x7f: {  	[sflag:s0] =	ssyncadd.s32 $0xFFFFFF88  }
0x80: {  	[tilespmem:s8], [sflag:$0x5] =	stream.indirect.gather [hbm4b:s1+s6], $0x80, s17, s6, $0xb8;
	[tilespmem:$0x1F180] =	vst v63  }
0x81: {  	s5 =	simm.s32 $0xC0;
	s12 =	simm.s32 $0x6080;
	s9 =	simm.s32 @!p1 $0x9  }
0x82: {  	[tilespmem:s12], [sflag:$0x5] =	stream.indirect.gather [hbm4b:s1+s11], $0x80, s5, s11, $0xb8;
	[tilespmem:$0x1F180] =	vst v63  }
0x83: {  	_ =	swait.ge @!p1 [sflag:s9], $0x3C00  }
0x84: {  	[sflag:s9] =	ssyncset.done @!p1 $0x0  }
0x85: {  	[sflag:s9] =	ssyncadd.s32 @!p1 $0xFFFFC400  }
0x86: {  	_ =	swait.ge [sflag:s13], $0x78  }
0x87: {  	[sflag:s13] =	ssyncset.done $0x0  }
0x88: {  	[sflag:s13] =	ssyncadd.s32 $0xFFFFFF88  }
0x89: {  	_ =	swait.ge [sflag:s13], $0x78  }
0x8a: {  	[sflag:s13] =	ssyncset.done $0x0  }
0x8b: {  	[sflag:s13] =	ssyncadd.s32 $0xFFFFFF88  }
0x8c: {  	[tilespmem:s14], [sflag:$0x6] =	stream.indirect.gather [hbm4b:s1+s6], $0x80, s30, s6, $0xb8;
	[tilespmem:$0x1F180] =	vst v63  }
0x8d: {  	s15 =	simm.s32 $0x140;
	s31 =	simm.s32 $0x9C80  }
0x8e: {  	[tilespmem:s31], [sflag:$0x6] =	stream.indirect.gather [hbm4b:s1+s11], $0x80, s15, s11, $0xb8;
	[tilespmem:$0x1F180] =	vst v63  }
0x8f: {  	_ =	swait.ge [sflag:s16], $0x2000  }
0x90: {  	[sflag:s16] =	ssyncset.done $0x0  }
0x91: {  	[sflag:s16] =	ssyncadd.s32 $0xFFFFE000  }
0x92: {  	_ =	swait.ge [sflag:s16], $0x1C00  }
0x93: {  	[sflag:s16] =	ssyncset.done $0x0;
	s7 =	rddreg [dreg:$0x17]  }
0x94: {  	s24 =	sadd.s32 s23, s19;
	[sflag:s16] =	ssyncadd.s32 $0xFFFFE400;
	s9 =	sadd.s32 s23, s7  }
0x95: {  	[tilespmem:s3], [sflag:$0x1] =	stream.linear.gather [hbm4b:s9+s3], $0x78, $0x38;
	[tilespmem:$0x1F180] =	vst v63  }
0x96: {  	s7 =	simm.s32 $0x300;
	s9 =	sadd.s32 $0x2D, s24  }
0x97: {  	[tilespmem:s7], [sflag:$0x1] =	stream.linear.gather [hbm4b:s9+s3], $0x78, $0x38;
	[tilespmem:$0x1F180] =	vst v63  }
0x98: {  	s9 =	simm.s32 $0x180;
	s7 =	simm.s32 $0x480  }
0x99: {  	[spmem:s2] =	stream.indirect.scatter.add.f32 [tilespmem:s7], [sflag:$0x7], $0x80, s9, s20, $0xb8;
	[tilespmem:$0x1F180] =	vst v63  }
0x9a: {  	_ =	swait.ge [sflag:s25], $0x2000  }
0x9b: {  	[sflag:s25] =	ssyncset.done $0x0  }
0x9c: {  	[sflag:s25] =	ssyncadd.s32 $0xFFFFE000  }
0x9d: {  	_ =	swait.ge [sflag:s25], $0x1C00  }
0x9e: {  	[sflag:s25] =	ssyncset.done $0x0;
	s9 =	rddreg [dreg:$0x16]  }
0x9f: {  	[sflag:s25] =	ssyncadd.s32 $0xFFFFE400;
	s9 =	sadd.s32 s23, s9  }
0xa0: {  	[tilespmem:s17], [sflag:$0x2] =	stream.linear.gather [hbm4b:s9+s3], $0x78, $0x38;
	[tilespmem:$0x1F180] =	vst v63  }
0xa1: {  	s9 =	sadd.s32 $0x3C, s24  }
0xa2: {  	[tilespmem:s29], [sflag:$0x2] =	stream.linear.gather [hbm4b:s9+s3], $0x78, $0x38;
	[tilespmem:$0x1F180] =	vst v63  }
0xa3: {  	s9 =	simm.s32 $0x200  }
0xa4: {  	[spmem:s2] =	stream.indirect.scatter.add.f32 [tilespmem:s8], [sflag:$0x8], $0x80, s9, s20, $0xb8;
	[tilespmem:$0x1F180] =	vst v63  }
0xa5: {  	_ =	swait.ge [sflag:s26], $0x2000  }
0xa6: {  	[sflag:s26] =	ssyncset.done $0x0  }
0xa7: {  	[sflag:s26] =	ssyncadd.s32 $0xFFFFE000  }
0xa8: {  	_ =	swait.ge [sflag:s26], $0x1C00  }
0xa9: {  	[sflag:s26] =	ssyncset.done $0x0;
	s9 =	rddreg [dreg:$0x15]  }
0xaa: {  	[sflag:s26] =	ssyncadd.s32 $0xFFFFE400;
	s9 =	sadd.s32 s23, s9  }
0xab: {  	[tilespmem:s30], [sflag:$0x3] =	stream.linear.gather [hbm4b:s9+s3], $0x78, $0x38;
	[tilespmem:$0x1F180] =	vst v63  }
0xac: {  	s9 =	sadd.s32 $0x4B, s24  }
0xad: {  	[tilespmem:s28], [sflag:$0x3] =	stream.linear.gather [hbm4b:s9+s3], $0x78, $0x38;
	[tilespmem:$0x1F180] =	vst v63  }
0xae: {  	_ = 	snop  }
0xaf: {  	[spmem:s2] =	stream.indirect.scatter.add.f32 [tilespmem:s14], [sflag:$0x9], $0x80, s10, s20, $0xb8;
	[tilespmem:$0x1F180] =	vst v63  }
0xb0: {  	s10 =	simm.s32 $0x7  }
0xb1: {  	_ =	swait.ge [sflag:s10], $0x3C00  }
0xb2: {  	[sflag:s10] =	ssyncset.done $0x0  }
0xb3: {  	[sflag:s10] =	ssyncadd.s32 $0xFFFFC400  }
0xb4: {  	_ =	swait.ge [sflag:s4], $0x78  }
0xb5: {  	[sflag:s4] =	ssyncset.done $0x0  }
0xb6: {  	[sflag:s4] =	ssyncadd.s32 $0xFFFFFF88  }
0xb7: {  	_ =	swait.ge [sflag:s4], $0x78  }
0xb8: {  	[sflag:s4] =	ssyncset.done $0x0  }
0xb9: {  	[sflag:s4] =	ssyncadd.s32 $0xFFFFFF88  }
0xba: {  	[tilespmem:s7], [sflag:$0x4] =	stream.indirect.gather [hbm4b:s1+s6], $0x80, s3, s6, $0xb8;
	[tilespmem:$0x1F180] =	vst v63  }
0xbb: {  	s10 =	simm.s32 $0x2480  }
0xbc: {  	[tilespmem:s10], [sflag:$0x4] =	stream.indirect.gather [hbm4b:s1+s11], $0x80, s6, s11, $0xb8;
	[tilespmem:$0x1F180] =	vst v63  }
0xbd: {  	_ =	swait.ge [sflag:s21], $0x3C00  }
0xbe: {  	[sflag:s21] =	ssyncset.done $0x0  }
0xbf: {  	[sflag:s21] =	ssyncadd.s32 $0xFFFFC400  }
0xc0: {  	_ =	swait.ge [sflag:s0], $0x78  }
0xc1: {  	[sflag:s0] =	ssyncset.done $0x0  }
0xc2: {  	[sflag:s0] =	ssyncadd.s32 $0xFFFFFF88  }
0xc3: {  	_ =	swait.ge [sflag:s0], $0x78  }
0xc4: {  	[sflag:s0] =	ssyncset.done $0x0  }
0xc5: {  	[sflag:s0] =	ssyncadd.s32 $0xFFFFFF88  }
0xc6: {  	[tilespmem:s8], [sflag:$0x5] =	stream.indirect.gather [hbm4b:s1+s6], $0x80, s17, s6, $0xb8;
	[tilespmem:$0x1F180] =	vst v63  }
0xc7: {  	_ = 	snop  }
0xc8: {  	[tilespmem:s12], [sflag:$0x5] =	stream.indirect.gather [hbm4b:s1+s11], $0x80, s5, s11, $0xb8;
	[tilespmem:$0x1F180] =	vst v63  }
0xc9: {  	_ =	swait.ge [sflag:s18], $0x3C00  }
0xca: {  	[sflag:s18] =	ssyncset.done $0x0  }
0xcb: {  	[sflag:s18] =	ssyncadd.s32 $0xFFFFC400  }
0xcc: {  	_ =	swait.ge [sflag:s13], $0x78  }
0xcd: {  	[sflag:s13] =	ssyncset.done $0x0  }
0xce: {  	[sflag:s13] =	ssyncadd.s32 $0xFFFFFF88  }
0xcf: {  	_ =	swait.ge [sflag:s13], $0x78  }
0xd0: {  	[sflag:s13] =	ssyncset.done $0x0  }
0xd1: {  	[sflag:s13] =	ssyncadd.s32 $0xFFFFFF88  }
0xd2: {  	[tilespmem:s14], [sflag:$0x6] =	stream.indirect.gather [hbm4b:s1+s6], $0x80, s30, s6, $0xb8;
	[tilespmem:$0x1F180] =	vst v63  }
0xd3: {  	_ = 	snop  }
0xd4: {  	[tilespmem:s31], [sflag:$0x6] =	stream.indirect.gather [hbm4b:s1+s11], $0x80, s15, s11, $0xb8;
	[tilespmem:$0x1F180] =	vst v63  }
0xd5: {  	_ =	swait.ge [sflag:s16], $0x2000  }
0xd6: {  	[sflag:s16] =	ssyncset.done $0x0  }
0xd7: {  	[sflag:s16] =	ssyncadd.s32 $0xFFFFE000  }
0xd8: {  	p1 =	seq.s32 s23, $0x492;
	_ =	swait.ge [sflag:s16], $0x1C00  }
0xd9: {  	s9 =	simm.s32 @p1 $0x78;
	[sflag:s16] =	ssyncset.done $0x0  }
0xda: {  	s12 =	simm.s32 @p1 $0x480;
	s31 =	simm.s32 @p1 $0x300;
	[sflag:s16] =	ssyncadd.s32 $0xFFFFE400  }
0xdb: {  	[spmem:s2] =	stream.indirect.scatter.add.f32 @p1 [tilespmem:s12], [sflag:$0x7], $0x80, s31, s9, $0xb8;
	[tilespmem:$0x1F180] =	vst v63  }
0xdc: {  	s9 =	simm.s32 @p1 $0x5  }
0xdd: {  	_ =	swait.ge @p1 [sflag:s9], $0x2000  }
0xde: {  	[sflag:s9] =	ssyncset.done @p1 $0x0  }
0xdf: {  	[sflag:s9] =	ssyncadd.s32 @p1 $0xFFFFE000  }
0xe0: {  	_ =	swait.ge @p1 [sflag:s9], $0x1C00  }
0xe1: {  	[sflag:s9] =	ssyncset.done @p1 $0x0  }
0xe2: {  	s12 =	sshrl.u32 @!p1 s22, $0x3;
	[sflag:s9] =	ssyncadd.s32 @p1 $0xFFFFE400;
	s9 =	rddreg [dreg:$0x4]  }
0xe3: {  	s9 =	sadd.s32 @!p1 s9, s12;
	s12 =	simm.s32 @!p1 $0x0  }
0xe4: {  	[tilespmem:s12], [sflag:$0x1] =	stream.linear.gather @!p1 [hbm4b:s9+s12], $0x78, $0x38;
	[tilespmem:$0x1F180] =	vst v63  }
0xe5: {  	s9 =	sadd.s32 @!p1 s23, s19  }
0xe6: {  	s10 =	simm.s32 @!p1 $0x180;
	s31 =	sadd.s32 @!p1 $0x5A, s9  }
0xe7: {  	[tilespmem:s10], [sflag:$0x1] =	stream.linear.gather @!p1 [hbm4b:s31+s12], $0x78, $0x38;
	[tilespmem:$0x1F180] =	vst v63  }
0xe8: {  	s15 =	simm.s32 @!p1 $0x480;
	s10 =	simm.s32 @!p1 $0x78;
	s31 =	simm.s32 @!p1 $0x300  }
0xe9: {  	[spmem:s2] =	stream.indirect.scatter.add.f32 @!p1 [tilespmem:s15], [sflag:$0x7], $0x80, s31, s10, $0xb8;
	[tilespmem:$0x1F180] =	vst v63  }
0xea: {  	s10 =	simm.s32 @!p1 $0x5  }
0xeb: {  	_ =	swait.ge @!p1 [sflag:s10], $0x2000  }
0xec: {  	[sflag:s10] =	ssyncset.done @!p1 $0x0  }
0xed: {  	[sflag:s10] =	ssyncadd.s32 @!p1 $0xFFFFE000  }
0xee: {  	_ =	swait.ge @!p1 [sflag:s10], $0x1C00  }
0xef: {  	[sflag:s10] =	ssyncset.done @!p1 $0x0  }
0xf0: {  	[sflag:s10] =	ssyncadd.s32 @!p1 $0xFFFFE400;
	s10 =	rddreg [dreg:$0x12]  }
0xf1: {  	s15 =	simm.s32 @!p1 $0x80;
	s10 =	sadd.s32 @!p1 s23, s10  }
0xf2: {  	[tilespmem:s15], [sflag:$0x2] =	stream.linear.gather @!p1 [hbm4b:s10+s12], $0x78, $0x38;
	[tilespmem:$0x1F180] =	vst v63  }
0xf3: {  	s9 =	sadd.s32 @!p1 $0x69, s9;
	s10 =	simm.s32 @!p1 $0x200  }
0xf4: {  	[tilespmem:s10], [sflag:$0x2] =	stream.linear.gather @!p1 [hbm4b:s9+s12], $0x78, $0x38;
	[tilespmem:$0x1F180] =	vst v63  }
0xf5: {  	_ = 	snop  }
0xf6: {  	[spmem:s2] =	stream.indirect.scatter.add.f32 [tilespmem:s8], [sflag:$0x8], $0x80, s29, s20, $0xb8;
	[tilespmem:$0x1F180] =	vst v63  }
0xf7: {  	_ =	swait.ge [sflag:s26], $0x2000  }
.Ltmp2:
0xf8: {  	[sflag:s26] =	ssyncset.done $0x0;
	(pc) =	sbr.rel @p1 .LBB2_4-.Ltmp2, $4  }
0xf9: {  	[sflag:s26] =	ssyncadd.s32 $0xFFFFE000  }
0xfa: {  	_ =	swait.ge [sflag:s26], $0x1C00  }
0xfb: {  	[sflag:s26] =	ssyncset.done $0x0  }
0xfc: {  	s7 =	simm.s32 $0x80;
	s5 =	simm.s32 $0x280;
	[sflag:s26] =	ssyncadd.s32 $0xFFFFE400  }
0xfd: {  	s9 =	rddreg [dreg:$0x14]  }
0xfe: {  	s9 =	sadd.s32 s23, s9  }
0xff: {  	[tilespmem:s30], [sflag:$0x3] =	stream.linear.gather [hbm4b:s9+s3], $0x78, $0x38;
	[tilespmem:$0x1F180] =	vst v63  }
.Ltmp3:
0x100: {  	_ = 	snop;
	(pc) =	sbr.rel .LBB2_2-.Ltmp3, $4  }
0x101: {  	s24 =	sadd.s32 $0x78, s24;
	s31 =	simm.s32 $0x400  }
0x102: {  	[tilespmem:s5], [sflag:$0x3] =	stream.linear.gather [hbm4b:s24+s3], $0x78, $0x38;
	[tilespmem:$0x1F180] =	vst v63  }
0x103: {  	s22 =	sadd.s32 $0x2D0, s22;
	s10 =	simm.s32 $0x280;
	s23 =	sadd.s32 $0x5A, s23  }
0x104: {  	[spmem:s2] =	stream.indirect.scatter.add.f32 [tilespmem:s14], [sflag:$0x9], $0x80, s31, s20, $0xb8;
	[tilespmem:$0x1F180] =	vst v63  }
.LBB2_5:
0x105: {  	_ =	sfence.sel $0x180000  }
0x106: {  	[bflag:$0x0] =	sbarrier.arrive $0xFFFF  }
0x107: {  	_ =	strace $0x9000004D  }
0x108: {  	[bflag:$0x2] =	sbarrier.arrive $0xFFFF  }
0x109: {  	s0 =	rddreg [dreg:$0x3]  }
0x10a: {  	s0 =	sadd.s32 @!p0 $0x100000, s0  }
0x10b: {  	[sflag:s0] =	ssyncadd.tile.s32 @!p0 $0x1;
	_ =	shalt  }
.Lfunc_end2:
_tile_overlayer_lowered:
.L_overlay_start_2:
0x10c: {  	(tag) =	ssettag $0x2  }
0x10d: {  	s0 =	rddreg [dreg:$0x0];
	s2 =	stileid.u32  }
0x10e: {  	s1 =	rddreg [dreg:$0x1];
	p0 =	sne.s32 s2, $0x0  }
0x10f: {  	s3 =	rddreg [dreg:$0x2];
	[bflag:$0x3] =	sbarrier.arrive $0xFFFF;
	s2 =	simm.s32 @!p0 $0x1C0A  }
0x110: {  	[timem:s3], [sflag:s2] =	dma.local @!p0 [hbm:s0], s1  }
0x111: {  	s0 =	simm.s32 @!p0 $0xA  }
0x112: {  	_ =	swait.ge @!p0 [sflag:s0], s1  }
0x113: {  	s1 =	ssub.s32 @!p0 $0x0, s1;
	[sflag:s0] =	ssyncset.done @!p0 $0x0  }
0x114: {  	[sflag:s0] =	ssyncadd.s32 @!p0 s1  }
0x115: {  	[bflag:$0x3] =	sbarrier.arrive $0xFFFF  }
0x116: {  	_ =	shalt  }

// kernel: kernel.9.cloned.1.call-start
scs
__scs_entry_jumppad:
0x0: {  	(pc) =	sbr.rel $0x88, $3  }
0x1: {  	(tag) =	ssettag $0x0;
	lr =	simm.s32 $0x1  }
0x2: {  	[smem:$0x3F8C] =	sst lr;
	_ =	strace $0xD0000000  }
0x3: {  	_ = 	snop  }
0x4: {  	_ = 	snop  }
0x5: {  	_ = 	snop  }
0x6: {  	_ = 	snop  }
0x7: {  	_ = 	snop  }
__scs_overlays_trampoline_lowered:
0x8: {  	[smem:$0x3F9B] =	sst s0  }
0x9: {  	[smem:$0x3F9C] =	sst s1  }
0xa: {  	[smem:$0x3F9D] =	sst s2  }
0xb: {  	[smem:$0x3F9E] =	sst s3  }
0xc: {  	[smem:$0x3F9F] =	sst s4  }
0xd: {  	[smem:$0x3FA0] =	sst s5  }
0xe: {  	[smem:$0x3FA1] =	sst s6  }
0xf: {  	[smem:$0x3FA2] =	sst s7  }
0x10: {  	[smem:$0x3FA3] =	sst s8  }
0x11: {  	[smem:$0x3FA4] =	sst s9;
	s0 =	simm.s32 @!p0 $0x0  }
0x12: {  	s1 =	sld [smem:$0x3F8A];
	s0 =	simm.s32 @p0 $0x1  }
0x13: {  	[smem:$0x3FA5] =	sst s0;
	s0 =	simm.s32 @!p1 $0x0  }
0x14: {  	s2 =	sld [smem:$0x3F89];
	s0 =	simm.s32 @p1 $0x1  }
0x15: {  	[smem:$0x3FA6] =	sst s0;
	s0 =	simm.s32 @!p2 $0x0  }
0x16: {  	s3 =	sld [smem:$0x3FDB];
	s0 =	simm.s32 @p2 $0x1  }
0x17: {  	s4 =	simm.s32 $0x1BF5;
	[smem:$0x3FA8] =	sst s0  }
0x18: {  	s0 =	sld [smem:$0x3F8B];
	_ =	swait.ge [sflag:s4], $0x0  }
0x19: {  	s7 =	sld [smem:$0x3F8C]  }
0x1a: {  	s8 =	sadd.s32 $0xFFFFE003, lr  }
0x1b: {  	s9 =	sadd.s32 $0xFFFFFEF7, lr;
	s5 =	simm.s32 $0xFFFFFFFF;
	p2 =	slt.u32 s8, $0xFFFFF086  }
0x1c: {  	p1 =	slt.u32 s9, $0xF7A;
	s5 =	simm.s32 @!p2 $0x0  }
0x1d: {  	s5 =	simm.s32 @p1 $0x1;
	p0 =	seq.s32 s7, s2  }
0x1e: {  	s7 =	smul.u32 @!p0 $0xF7A, s2;
	p2 =	seq.s32 @!p0 s5, $0x0  }
0x1f: {  	s9 =	smul.u32 $0xF7A, s1;
	s8 =	simm.s32 @!p0 $0x1BF5;
	p2 =	por !p2, p0  }
0x20: {  	[sflag:s8] =	ssyncset.s32 @!p0 $0xFFFFF086;
	s6 =	sadd.s32 @!p0 s3, s7;
	s7 =	simm.s32 @!p0 $0x108  }
0x21: {  	s3 =	sadd.s32 s3, s9;
	s6 =	sadd.s32 @!p0 $0x88, s6;
	s7 =	simm.s32 @p2 $0x1082  }
0x22: {  	[simem:s7], [sflag:s8] =	dma.local @!p0 [hbm:s6], $0xF7A  }
0x23: {  	s9 =	sor.u32 $0xD0000000, s2;
	s6 =	simm.s32 $0x108;
	_ =	swait.ge @!p0 [sflag:s8], $0x0  }
0x24: {  	s3 =	sadd.s32 $0x88, s3;
	s6 =	simm.s32 @!p1 $0x1082;
	[sflag:s4] =	ssyncset.s32 $0xFFFFF086  }
0x25: {  	[simem:s6], [sflag:s4] =	dma.local [hbm:s3], $0xF7A  }
0x26: {  	[smem:$0x3F8C] =	sst s1;
	(tag) =	ssettag s2;
	_ =	strace s9  }
0x27: {  	s1 =	sld [smem:$0x3F9C]  }
0x28: {  	s2 =	sld [smem:$0x3F9D]  }
0x29: {  	s4 =	sld [smem:$0x3F9F]  }
0x2a: {  	p0 =	seq.s32 s5, $0x0;
	s5 =	sld [smem:$0x3FA0]  }
0x2b: {  	s6 =	sld [smem:$0x3FA1]  }
0x2c: {  	s7 =	sld [smem:$0x3FA2]  }
0x2d: {  	s3 =	simm.s32 $0x108;
	s8 =	sld [smem:$0x3FA3]  }
0x2e: {  	s3 =	simm.s32 @!p0 $0x1082;
	s9 =	sld [smem:$0x3FA4]  }
0x2f: {  	lr =	sadd.s32 s0, s3;
	s0 =	sld [smem:$0x3F9B]  }
0x30: {  	s3 =	sld [smem:$0x3F9E]  }
0x31: {  	[smem:$0x3FA7] =	sst s10  }
0x32: {  	s10 =	sld [smem:$0x3FA5];
	_ =	sdelay $0x3  }
0x33: {  	p0 =	seq.s32 s10, $0x1;
	s10 =	sld [smem:$0x3FA7];
	_ =	sdelay $0x3  }
0x34: {  	[smem:$0x3FA7] =	sst s10  }
0x35: {  	s10 =	sld [smem:$0x3FA6];
	_ =	sdelay $0x3  }
0x36: {  	p1 =	seq.s32 s10, $0x1;
	s10 =	sld [smem:$0x3FA7];
	_ =	sdelay $0x3  }
0x37: {  	[smem:$0x3FA7] =	sst s10  }
0x38: {  	s10 =	sld [smem:$0x3FA8]  }
0x39: {  	_ = 	snop;
	(pc) =	sbr.ind lr, $3  }
0x3a: {  	_ = 	snop  }
0x3b: {  	_ = 	snop  }
0x3c: {  	p2 =	seq.s32 s10, $0x1;
	s10 =	sld [smem:$0x3FA7]  }
0x3d: {  	_ =	shalt  }
0x3e: {  	_ =	shalt  }
0x3f: {  	_ =	shalt  }
0x40: {  	_ =	shalt  }
0x41: {  	_ =	shalt  }
0x42: {  	_ =	shalt  }
0x43: {  	_ =	shalt  }
0x44: {  	_ =	shalt  }
0x45: {  	_ =	shalt  }
0x46: {  	_ =	shalt  }
0x47: {  	_ =	shalt  }
0x48: {  	_ =	shalt  }
0x49: {  	_ =	shalt  }
0x4a: {  	_ =	shalt  }
0x4b: {  	_ =	shalt  }
0x4c: {  	_ =	shalt  }
0x4d: {  	_ =	shalt  }
0x4e: {  	_ =	shalt  }
0x4f: {  	_ =	shalt  }
0x50: {  	_ =	shalt  }
0x51: {  	_ =	shalt  }
0x52: {  	_ =	shalt  }
0x53: {  	_ =	shalt  }
0x54: {  	_ =	shalt  }
0x55: {  	_ =	shalt  }
0x56: {  	_ =	shalt  }
0x57: {  	_ =	shalt  }
0x58: {  	_ =	shalt  }
0x59: {  	_ =	shalt  }
0x5a: {  	_ =	shalt  }
0x5b: {  	_ =	shalt  }
0x5c: {  	_ =	shalt  }
0x5d: {  	_ =	shalt  }
0x5e: {  	_ =	shalt  }
0x5f: {  	_ =	shalt  }
0x60: {  	_ =	shalt  }
0x61: {  	_ =	shalt  }
0x62: {  	_ =	shalt  }
0x63: {  	_ =	shalt  }
0x64: {  	_ =	shalt  }
0x65: {  	_ =	shalt  }
0x66: {  	_ =	shalt  }
0x67: {  	_ =	shalt  }
0x68: {  	_ =	shalt  }
0x69: {  	_ =	shalt  }
0x6a: {  	_ =	shalt  }
0x6b: {  	_ =	shalt  }
0x6c: {  	_ =	shalt  }
0x6d: {  	_ =	shalt  }
0x6e: {  	_ =	shalt  }
0x6f: {  	_ =	shalt  }
0x70: {  	_ =	shalt  }
0x71: {  	_ =	shalt  }
0x72: {  	_ =	shalt  }
0x73: {  	_ =	shalt  }
0x74: {  	_ =	shalt  }
0x75: {  	_ =	shalt  }
0x76: {  	_ =	shalt  }
0x77: {  	_ =	shalt  }
0x78: {  	_ =	shalt  }
0x79: {  	_ =	shalt  }
0x7a: {  	_ =	shalt  }
0x7b: {  	_ =	shalt  }
0x7c: {  	_ =	shalt  }
0x7d: {  	_ =	shalt  }
0x7e: {  	_ =	shalt  }
0x7f: {  	_ =	shalt  }
0x80: {  	_ =	shalt  }
0x81: {  	_ =	shalt  }
0x82: {  	_ =	shalt  }
0x83: {  	_ =	shalt  }
0x84: {  	_ =	shalt  }
0x85: {  	_ =	shalt  }
0x86: {  	_ =	shalt  }
0x87: {  	_ =	shalt  }
.Lfunc_end0:
.L_simem_size_0:
called_computation_lowered:
.L_overlay_start_0:
0x88: {  	s2 =	sld [smem:$0x3FD9]  }
0x89: {  	s3 =	sld [smem:$0x3FFE];
	_ =	sdelay $0x1  }
0x8a: {  	s1 =	srdreg.scid  }
0x8b: {  	s0 =	sand.u32 $0x1, s1  }
0x8c: {  	s17 =	sshll.u32 s0, $0xA;
	s2 =	sadd.s32 s3, s2  }
0x8d: {  	s2 =	sadd.s32 s2, s17  }
0x8e: {  	[smem:$0x3FB3] =	sst s2  }
0x8f: {  	_ = 	snop  }
0x90: {  	s2 =	sld [smem:$0x3FD0];
	(tm) =	ssettm $0x1  }
0x91: {  	s18 =	sld [smem:$0x3FFB];
	_ =	sdelay $0x3  }
0x92: {  	_ =	strace s18  }
0x93: {  	s3 =	sld [smem:$0x3FFC];
	_ =	sdelay $0x3  }
0x94: {  	_ =	strace s3  }
0x95: {  	s3 =	sld [smem:$0x3FFD];
	_ =	sdelay $0x3  }
0x96: {  	_ =	strace s3  }
0x97: {  	_ =	strace $0x8FFFFFFF  }
0x98: {  	s19 =	sld [smem:$0x3FDB];
	_ =	sdelay $0x1  }
0x99: {  	s4 =	simm.s32 $_scs_section_size  }
0x9a: {  	s5 =	simm.s32 $_size__tile_overlayer_lowered;
	s6 =	simm.s32 $_tile_overlayer_lowered  }
0x9b: {  	s22 =	simm.s32 $0x1BFF;
	s21 =	sshll.u32 s6, $0x1;
	s3 =	sadd.s32 s4, s19  }
0x9c: {  	s7 =	simm.s32 $0x0;
	s20 =	sshll.u32 s5, $0x1;
	s5 =	sadd.s32 s21, s3  }
0x9d: {  	[timem:s7], [sflag:s22] =	dma.local [hbm:s5], s20  }
0x9e: {  	_ =	swait.ge [sflag:s22], s20  }
0x9f: {  	s4 =	ssub.s32 $0x0, s20;
	[sflag:s22] =	ssyncset.done $0x0  }
0xa0: {  	[sflag:s22] =	ssyncadd.s32 s4;
	_ =	sdelay $0x1  }
0xa1: {  	s23 =	simm.s32 $0x1B8B  }
0xa2: {  	_ =	swait.ge [sflag:s23], $0x1  }
0xa3: {  	[sflag:s23] =	ssyncset.done $0x0  }
0xa4: {  	s25 =	simm.s32 $0x1B8E;
	s24 =	sld [smem:$0x3FFE];
	[sflag:s23] =	ssyncadd.s32 $0xFFFFFFFF  }
0xa5: {  	s26 =	simm.s32 $execute0_lowered;
	[smem:$0x3FD2] =	sst s25  }
0xa6: {  	s5 =	sshll.u32 s26, $0x1;
	_ =	strace $0x80000046;
	[dreg:$0x1] =	wrdreg $0xFFFFFFFF  }
0xa7: {  	s28 =	simm.s32 $_size_execute0_lowered;
	s3 =	sadd.s32 s3, s5;
	[dreg:$0x0] =	wrdreg $0x0  }
0xa8: {  	s5 =	sshll.u32 s28, $0x1;
	[dreg:$0x2] =	wrdreg s3  }
0xa9: {  	[dreg:$0x3] =	wrdreg s5  }
0xaa: {  	[dreg:$0x4] =	wrdreg $0xC0  }
0xab: {  	_ =	task [dreg:s7], $0x5FFFF  }
0xac: {  	[dreg:$0x1] =	wrdreg $0xFFFFFFFF  }
0xad: {  	[dreg:$0x0] =	wrdreg $0x60  }
0xae: {  	[dreg:$0x2] =	wrdreg s24  }
0xaf: {  	[dreg:$0x3] =	wrdreg s2  }
0xb0: {  	[dreg:$0x4] =	wrdreg $0xB8800  }
0xb1: {  	[dreg:$0x5] =	wrdreg $0x9  }
0xb2: {  	_ =	task.clear_ibuf [dreg:s7], $0x6FFFF;
	_ =	strace $0x90000046  }
0xb3: {  	s29 =	simm.s32 $0x9;
	_ =	strace $0x80000048  }
0xb4: {  	_ =	swait.ge [sflag:s29], $0x1  }
0xb5: {  	[sflag:s29] =	ssyncadd.s32 $0xFFFFFFFF  }
0xb6: {  	_ =	strace $0x90000048  }
0xb7: {  	_ =	sfence  }
0xb8: {  	s30 =	sld [smem:$0x0];
	_ =	sdelay $0x2  }
0xb9: {  	s31 =	sshll.u32 s1, $0xD;
	s1 =	sshrl.u32 s1, $0x2  }
0xba: {  	s3 =	sand.u32 $0x4000, s31;
	s1 =	sadd.s32 s1, s30  }
0xbb: {  	s0 =	sor.u32 s3, s0;
	s1 =	sshll.u32 s1, $0x11  }
0xbc: {  	s0 =	sor.u32 s1, s0  }
0xbd: {  	s0 =	sadd.s32 $0x8F2B, s0  }
0xbe: {  	[sflag:s0] =	ssyncadd.remote.s32 $0x1  }
0xbf: {  	_ =	sfence.sel $0xFFFF  }
0xc0: {  	[dreg:$0x0] =	wrdreg $0xFFFFFFFF;
	(pc) =	sbr.abs _section_cstart, $3  }
0xc1: {  	[dreg:$0x1] =	wrdreg $0xFFFFFFFF  }
0xc2: {  	_ =	task.clear_ibuf [dreg:s7], $0x2FFFF;
	_ =	strace $0x9FFFFFFF  }
0xc3: {  	(tm) =	ssettm $0x7FFFFFFF  }
tec
execute0_lowered:
.L_overlay_start_1:
0x0: {  	(tag) =	ssettag $0x1  }
0x1: {  	s0 =	rddreg [dreg:$0x0]  }
0x2: {  	s4 =	rddreg [dreg:$0x1]  }
0x3: {  	s1 =	rddreg [dreg:$0x2];
	s2 =	simm.s32 $0x0  }
0x4: {  	s3 =	srdreg.scid;
	s6 =	stileid.u32;
	s30 =	simm.s32 $0x100  }
0x5: {  	s29 =	simm.s32 $0x380;
	s28 =	simm.s32 $0x400;
	[smem:$0x7FF] =	sst s2  }
0x6: {  	s5 =	sand.u32 $0x1, s3;
	s3 =	sadd.s32 $0x51800, s0;
	s9 =	smul.u32 $0x4E000, s6  }
0x7: {  	s13 =	sadd.s32 $0xA4A00, s0;
	s10 =	sadd.s32 $0x9FA00, s0;
	s12 =	smul.u32 $0x2760, s6  }
0x8: {  	s0 =	sadd.s32 $0xAE800, s0;
	s18 =	sshll.u32 s6, $0x6;
	s19 =	sadd.s32 $0x138000, s1  }
0x9: {  	s24 =	smul.u32 $0x13800, s6;
	p0 =	sne.s32 s6, $0x0;
	_ =	strace $0x80000047  }
0xa: {  	s7 =	smul.u32 $0x27600, s5;
	s8 =	ssub.s32 $0x2, s5;
	[dreg:$0x5] =	wrdreg s0  }
0xb: {  	s15 =	sor.u32 $0x1C0A, s18;
	[dreg:$0x8] =	wrdreg s19;
	s5 =	smul.u32 $0x138800, s5  }
0xc: {  	[dreg:$0x4] =	wrdreg s13;
	s11 =	sshrl.u32 s8, $0x1;
	s17 =	sshrl.u32 s9, $0x2  }
0xd: {  	s21 =	sshrl.u32 s12, $0x3;
	s22 =	sadd.s32 $0x78, s12;
	[dreg:$0x7] =	wrdreg s15  }
0xe: {  	s0 =	ssub.s32 s8, s11;
	s7 =	sadd.s32 s12, s7;
	s8 =	sadd.s32 s17, s1  }
0xf: {  	s16 =	sadd.s32 s10, s21;
	s9 =	sshrl.u32 s22, $0x3;
	s31 =	sadd.s32 s24, s5  }
0x10: {  	s5 =	sshrl.u32 s5, $0x3;
	[dreg:$0x6] =	wrdreg s8;
	s20 =	sshrl.u32 s7, $0x3  }
0x11: {  	s23 =	sadd.s32 $0x78, s7;
	s26 =	sadd.s32 s10, s9;
	[dreg:$0xa] =	wrdreg s16  }
0x12: {  	s12 =	sadd.s32 $0x1E, s16;
	s16 =	smul.u32 $0x4EC, s6;
	s0 =	smax.u32 s0, $0x1  }
0x13: {  	s18 =	sadd.s32 $0x3C0, s7;
	s21 =	sadd.s32 $0x2D0, s7;
	[dreg:$0xc] =	wrdreg s26  }
0x14: {  	s22 =	sadd.s32 $0x258, s7;
	s24 =	sadd.s32 $0x168, s7;
	[dreg:$0xe] =	wrdreg s12  }
0x15: {  	s6 =	simm.s32 $0x40;
	s14 =	sadd.s32 s13, s20;
	[dreg:$0x11] =	wrdreg s0  }
0x16: {  	s25 =	sshrl.u32 s23, $0x3;
	s20 =	sshrl.u32 s18, $0x3;
	[dreg:$0x13] =	wrdreg s21  }
0x17: {  	s23 =	sadd.s32 $0x1E0, s7;
	s26 =	sshrl.u32 s24, $0x3;
	s12 =	simm.s32 $0xA  }
0x18: {  	s21 =	simm.s32 $0x8;
	s18 =	simm.s32 $0x9;
	s8 =	sadd.s32 s13, s25  }
0x19: {  	[dreg:$0x9] =	wrdreg s14;
	s11 =	sadd.s32 $0x1E, s14;
	s14 =	sadd.s32 $0x348, s7  }
0x1a: {  	s19 =	sadd.s32 s16, s10;
	s25 =	sshrl.u32 s23, $0x3;
	[dreg:$0xb] =	wrdreg s8  }
0x1b: {  	s7 =	simm.s32 $0x80;
	s16 =	simm.s32 $0x4;
	[dreg:$0xd] =	wrdreg s11  }
0x1c: {  	s8 =	sshrl.u32 s31, $0x3;
	s17 =	sshrl.u32 s14, $0x3;
	s31 =	sadd.s32 s26, s13  }
0x1d: {  	s11 =	simm.s32 $0x38;
	s14 =	simm.s32 $0x7C80;
	s26 =	simm.s32 $0x6  }
0x1e: {  	s8 =	sadd.s32 s4, s8;
	s4 =	sadd.s32 s4, s5;
	[dreg:$0x17] =	wrdreg s31  }
0x1f: {  	s0 =	sadd.s32 s17, s13;
	s5 =	simm.s32 $0x0;
	[dreg:$0xf] =	wrdreg s8  }
0x20: {  	s17 =	simm.s32 $0x80;
	s4 =	sadd.s32 $0x27000, s4;
	[dreg:$0x12] =	wrdreg s0  }
.Ltmp0:
0x21: {  	s0 =	sadd.s32 s20, s13;
	s8 =	simm.s32 $0x4080;
	(pc) =	sbr.rel .LBB2_1-.Ltmp0, $4  }
0x22: {  	s20 =	simm.s32 $0x78;
	[dreg:$0x14] =	wrdreg s0;
	s0 =	sshrl.u32 s22, $0x3  }
0x23: {  	[dreg:$0x10] =	wrdreg s4;
	s4 =	simm.s32 $0x1;
	s0 =	sadd.s32 s0, s13  }
0x24: {  	[dreg:$0x15] =	wrdreg s0;
	s0 =	sadd.s32 s25, s13;
	s13 =	simm.s32 $0x3  }
0x25: {  	s25 =	simm.s32 $0x5;
	[dreg:$0x16] =	wrdreg s0;
	s0 =	simm.s32 $0x2  }
.LBB2_4:
0x26: {  	s5 =	simm.s32 $0x400;
	s23 =	simm.s32 $0x7  }
0x27: {  	[spmem:s1] =	stream.indirect.scatter.add.f32 [tilespmem:s14], [sflag:$0x9], $0x80, s5, s20, $0xb8;
	[tilespmem:$0x1F180] =	vst v63  }
0x28: {  	_ =	swait.ge [sflag:s23], $0x3C00  }
0x29: {  	[sflag:s23] =	ssyncset.done $0x0  }
0x2a: {  	[sflag:s23] =	ssyncadd.s32 $0xFFFFC400  }
0x2b: {  	_ =	swait.ge [sflag:s21], $0x3C00  }
0x2c: {  	[sflag:s21] =	ssyncset.done $0x0  }
0x2d: {  	[sflag:s21] =	ssyncadd.s32 $0xFFFFC400  }
0x2e: {  	_ =	swait.ge [sflag:s18], $0x3C00  }
0x2f: {  	[sflag:s18] =	ssyncset.done $0x0  }
0x30: {  	[sflag:s18] =	ssyncadd.s32 $0xFFFFC400  }
0x31: {  	[bflag:$0x0] =	sbarrier.arrive $0xFFFF  }
0x32: {  	s15 =	rddreg [dreg:$0x7]  }
0x33: {  	s9 =	rddreg [dreg:$0xf]  }
0x34: {  	s12 =	simm.s32 $0xA;
	s24 =	rddreg [dreg:$0x19]  }
0x35: {  	[hbm:s9], [sflag:s15] =	dma.local [spmem:s24], $0x2700  }
0x36: {  	_ =	swait.ge [sflag:s12], $0x2700  }
0x37: {  	[sflag:s12] =	ssyncset.done $0x0;
	s9 =	rddreg [dreg:$0x10]  }
0x38: {  	s5 =	rddreg [dreg:$0x1a];
	[sflag:s12] =	ssyncadd.s32 $0xFFFFD900  }
0x39: {  	[hbm:s9], [sflag:s15] =	dma.local @!p0 [spmem:s5], $0x100  }
0x3a: {  	s9 =	simm.s32 @!p0 $0xA  }
0x3b: {  	_ =	swait.ge @!p0 [sflag:s9], $0x100  }
0x3c: {  	s31 =	rddreg [dreg:$0x18]  }
0x3d: {  	s10 =	rddreg [dreg:$0x11];
	s5 =	sadd.s32 $0x1, s31  }
0x3e: {  	p1 =	sne.s32 s5, s10  }
.Ltmp1:
0x3f: {  	_ = 	snop;
	(pc) =	sbr.rel @!p1 .LBB2_5-.Ltmp1, $3  }
0x40: {  	_ =	sdelay $0x1  }
0x41: {  	[sflag:s9] =	ssyncset.done @!p0 $0x0  }
0x42: {  	[sflag:s9] =	ssyncadd.s32 @!p0 $0xFFFFFF00  }
.LBB2_1:
0x43: {  	[dreg:$0x18] =	wrdreg s5  }
0x44: {  	s9 =	rddreg [dreg:$0x6]  }
0x45: {  	s31 =	sshrl.u32 s9, $0x3;
	s9 =	rddreg [dreg:$0x5]  }
0x46: {  	[dreg:$0x19] =	wrdreg s31  }
0x47: {  	[spmem:s31], [sflag:s15] =	dma.local [hbm:s9], $0x2700  }
0x48: {  	_ =	swait.ge [sflag:s12], $0x2700  }
0x49: {  	s10 =	rddreg [dreg:$0x8]  }
0x4a: {  	[sflag:s12] =	ssyncset.done $0x0;
	s5 =	sshrl.u32 @!p0 s10, $0x3  }
0x4b: {  	s22 =	simm.s32 @!p0 $0xA;
	[sflag:s12] =	ssyncadd.s32 $0xFFFFD900;
	[dreg:$0x1a] =	wrdreg s5  }
0x4c: {  	[spmem:s5], [sflag:s15] =	dma.local @!p0 [hbm:s9], $0x100  }
0x4d: {  	_ =	swait.ge @!p0 [sflag:s22], $0x100  }
0x4e: {  	[sflag:s22] =	ssyncset.done @!p0 $0x0  }
0x4f: {  	[sflag:s22] =	ssyncadd.s32 @!p0 $0xFFFFFF00  }
0x50: {  	[bflag:$0x0] =	sbarrier.arrive $0xFFFF  }
0x51: {  	s5 =	rddreg [dreg:$0x9]  }
0x52: {  	s10 =	rddreg [dreg:$0xa]  }
0x53: {  	[tilespmem:s2], [sflag:$0x1] =	stream.linear.gather [hbm4b:s5+s2], $0x78, $0x38;
	[tilespmem:$0x1F180] =	vst v63  }
0x54: {  	s12 =	simm.s32 $0x180;
	s15 =	rddreg [dreg:$0xb]  }
0x55: {  	[tilespmem:s12], [sflag:$0x1] =	stream.linear.gather [hbm4b:s10+s2], $0x78, $0x38;
	[tilespmem:$0x1F180] =	vst v63  }
0x56: {  	s22 =	rddreg [dreg:$0xc]  }
0x57: {  	[tilespmem:s7], [sflag:$0x2] =	stream.linear.gather [hbm4b:s15+s2], $0x78, $0x38;
	[tilespmem:$0x1F180] =	vst v63  }
0x58: {  	s23 =	simm.s32 $0x200;
	s24 =	rddreg [dreg:$0xd]  }
0x59: {  	[tilespmem:s23], [sflag:$0x2] =	stream.linear.gather [hbm4b:s22+s2], $0x78, $0x38;
	[tilespmem:$0x1F180] =	vst v63  }
0x5a: {  	s31 =	rddreg [dreg:$0xe]  }
0x5b: {  	[tilespmem:s30], [sflag:$0x3] =	stream.linear.gather [hbm4b:s24+s2], $0x78, $0x38;
	[tilespmem:$0x1F180] =	vst v63  }
0x5c: {  	s10 =	simm.s32 $0x280;
	s22 =	rddreg [dreg:$0x13];
	s23 =	simm.s32 $0x0  }
0x5d: {  	[tilespmem:s10], [sflag:$0x3] =	stream.linear.gather [hbm4b:s31+s2], $0x78, $0x38;
	[tilespmem:$0x1F180] =	vst v63  }
.LBB2_2:
0x5e: {  	p1 =	seq.s32 s23, $0x0  }
0x5f: {  	s24 =	simm.s32 @p1 $0x1  }
0x60: {  	_ =	swait.ge @p1 [sflag:s24], $0x78  }
0x61: {  	[sflag:s24] =	ssyncset.done @p1 $0x0  }
0x62: {  	[sflag:s24] =	ssyncadd.s32 @p1 $0xFFFFFF88  }
0x63: {  	_ =	swait.ge @p1 [sflag:s24], $0x78  }
0x64: {  	s31 =	simm.s32 @p1 $0x0;
	[sflag:s24] =	ssyncset.done @p1 $0x0  }
0x65: {  	s9 =	simm.s32 @p1 $0x480;
	[sflag:s24] =	ssyncadd.s32 @p1 $0xFFFFFF88;
	s24 =	simm.s32 @p1 $0x40  }
0x66: {  	[tilespmem:s9], [sflag:$0x4] =	stream.indirect.gather @p1 [hbm4b:s3+s24], $0x80, s31, s24, $0xb8;
	[tilespmem:$0x1F180] =	vst v63  }
0x67: {  	s9 =	simm.s32 @p1 $0x38;
	s31 =	simm.s32 @p1 $0x2480  }
0x68: {  	[tilespmem:s31], [sflag:$0x4] =	stream.indirect.gather @p1 [hbm4b:s3+s9], $0x80, s24, s9, $0xb8;
	[tilespmem:$0x1F180] =	vst v63  }
0x69: {  	s9 =	simm.s32 @!p1 $0x7  }
0x6a: {  	_ =	swait.ge @!p1 [sflag:s9], $0x3C00  }
0x6b: {  	[sflag:s9] =	ssyncset.done @!p1 $0x0  }
0x6c: {  	[sflag:s9] =	ssyncadd.s32 @!p1 $0xFFFFC400;
	s9 =	simm.s32 @!p1 $0x1  }
0x6d: {  	_ =	swait.ge @!p1 [sflag:s9], $0x78  }
0x6e: {  	[sflag:s9] =	ssyncset.done @!p1 $0x0  }
0x6f: {  	[sflag:s9] =	ssyncadd.s32 @!p1 $0xFFFFFF88  }
0x70: {  	_ =	swait.ge @!p1 [sflag:s9], $0x78  }
0x71: {  	s24 =	simm.s32 @!p1 $0x0;
	[sflag:s9] =	ssyncset.done @!p1 $0x0  }
0x72: {  	s31 =	simm.s32 @!p1 $0x480;
	[sflag:s9] =	ssyncadd.s32 @!p1 $0xFFFFFF88;
	s9 =	simm.s32 @!p1 $0x40  }
0x73: {  	[tilespmem:s31], [sflag:$0x4] =	stream.indirect.gather @!p1 [hbm4b:s3+s9], $0x80, s24, s9, $0xb8;
	[tilespmem:$0x1F180] =	vst v63  }
0x74: {  	s24 =	simm.s32 @!p1 $0x38;
	s31 =	simm.s32 @!p1 $0x2480  }
0x75: {  	[tilespmem:s31], [sflag:$0x4] =	stream.indirect.gather @!p1 [hbm4b:s3+s24], $0x80, s9, s24, $0xb8;
	[tilespmem:$0x1F180] =	vst v63  }
0x76: {  	s9 =	simm.s32 @!p1 $0x8  }
0x77: {  	_ =	swait.ge @!p1 [sflag:s9], $0x3C00  }
0x78: {  	[sflag:s9] =	ssyncset.done @!p1 $0x0  }
0x79: {  	[sflag:s9] =	ssyncadd.s32 @!p1 $0xFFFFC400  }
0x7a: {  	_ =	swait.ge [sflag:s0], $0x78  }
0x7b: {  	[sflag:s0] =	ssyncset.done $0x0  }
0x7c: {  	[sflag:s0] =	ssyncadd.s32 $0xFFFFFF88  }
0x7d: {  	_ =	swait.ge [sflag:s0], $0x78  }
0x7e: {  	[sflag:s0] =	ssyncset.done $0x0  }
0x7f: {  	[sflag:s0] =	ssyncadd.s32 $0xFFFFFF88  }
0x80: {  	[tilespmem:s8], [sflag:$0x5] =	stream.indirect.gather [hbm4b:s3+s6], $0x80, s17, s6, $0xb8;
	[tilespmem:$0x1F180] =	vst v63  }
0x81: {  	s5 =	simm.s32 $0xC0;
	s12 =	simm.s32 $0x6080;
	s9 =	simm.s32 @!p1 $0x9  }
0x82: {  	[tilespmem:s12], [sflag:$0x5] =	stream.indirect.gather [hbm4b:s3+s11], $0x80, s5, s11, $0xb8;
	[tilespmem:$0x1F180] =	vst v63  }
0x83: {  	_ =	swait.ge @!p1 [sflag:s9], $0x3C00  }
0x84: {  	[sflag:s9] =	ssyncset.done @!p1 $0x0  }
0x85: {  	[sflag:s9] =	ssyncadd.s32 @!p1 $0xFFFFC400  }
0x86: {  	_ =	swait.ge [sflag:s13], $0x78  }
0x87: {  	[sflag:s13] =	ssyncset.done $0x0  }
0x88: {  	[sflag:s13] =	ssyncadd.s32 $0xFFFFFF88  }
0x89: {  	_ =	swait.ge [sflag:s13], $0x78  }
0x8a: {  	[sflag:s13] =	ssyncset.done $0x0  }
0x8b: {  	[sflag:s13] =	ssyncadd.s32 $0xFFFFFF88  }
0x8c: {  	[tilespmem:s14], [sflag:$0x6] =	stream.indirect.gather [hbm4b:s3+s6], $0x80, s30, s6, $0xb8;
	[tilespmem:$0x1F180] =	vst v63  }
0x8d: {  	s15 =	simm.s32 $0x140;
	s31 =	simm.s32 $0x9C80  }
0x8e: {  	[tilespmem:s31], [sflag:$0x6] =	stream.indirect.gather [hbm4b:s3+s11], $0x80, s15, s11, $0xb8;
	[tilespmem:$0x1F180] =	vst v63  }
0x8f: {  	_ =	swait.ge [sflag:s16], $0x2000  }
0x90: {  	[sflag:s16] =	ssyncset.done $0x0  }
0x91: {  	[sflag:s16] =	ssyncadd.s32 $0xFFFFE000  }
0x92: {  	_ =	swait.ge [sflag:s16], $0x1C00  }
0x93: {  	[sflag:s16] =	ssyncset.done $0x0;
	s7 =	rddreg [dreg:$0x17]  }
0x94: {  	s24 =	sadd.s32 s23, s19;
	[sflag:s16] =	ssyncadd.s32 $0xFFFFE400;
	s9 =	sadd.s32 s23, s7  }
0x95: {  	[tilespmem:s2], [sflag:$0x1] =	stream.linear.gather [hbm4b:s9+s2], $0x78, $0x38;
	[tilespmem:$0x1F180] =	vst v63  }
0x96: {  	s7 =	simm.s32 $0x300;
	s9 =	sadd.s32 $0x2D, s24  }
0x97: {  	[tilespmem:s7], [sflag:$0x1] =	stream.linear.gather [hbm4b:s9+s2], $0x78, $0x38;
	[tilespmem:$0x1F180] =	vst v63  }
0x98: {  	s9 =	simm.s32 $0x180;
	s7 =	simm.s32 $0x480  }
0x99: {  	[spmem:s1] =	stream.indirect.scatter.add.f32 [tilespmem:s7], [sflag:$0x7], $0x80, s9, s20, $0xb8;
	[tilespmem:$0x1F180] =	vst v63  }
0x9a: {  	_ =	swait.ge [sflag:s25], $0x2000  }
0x9b: {  	[sflag:s25] =	ssyncset.done $0x0  }
0x9c: {  	[sflag:s25] =	ssyncadd.s32 $0xFFFFE000  }
0x9d: {  	_ =	swait.ge [sflag:s25], $0x1C00  }
0x9e: {  	[sflag:s25] =	ssyncset.done $0x0;
	s9 =	rddreg [dreg:$0x16]  }
0x9f: {  	[sflag:s25] =	ssyncadd.s32 $0xFFFFE400;
	s9 =	sadd.s32 s23, s9  }
0xa0: {  	[tilespmem:s17], [sflag:$0x2] =	stream.linear.gather [hbm4b:s9+s2], $0x78, $0x38;
	[tilespmem:$0x1F180] =	vst v63  }
0xa1: {  	s9 =	sadd.s32 $0x3C, s24  }
0xa2: {  	[tilespmem:s29], [sflag:$0x2] =	stream.linear.gather [hbm4b:s9+s2], $0x78, $0x38;
	[tilespmem:$0x1F180] =	vst v63  }
0xa3: {  	s9 =	simm.s32 $0x200  }
0xa4: {  	[spmem:s1] =	stream.indirect.scatter.add.f32 [tilespmem:s8], [sflag:$0x8], $0x80, s9, s20, $0xb8;
	[tilespmem:$0x1F180] =	vst v63  }
0xa5: {  	_ =	swait.ge [sflag:s26], $0x2000  }
0xa6: {  	[sflag:s26] =	ssyncset.done $0x0  }
0xa7: {  	[sflag:s26] =	ssyncadd.s32 $0xFFFFE000  }
0xa8: {  	_ =	swait.ge [sflag:s26], $0x1C00  }
0xa9: {  	[sflag:s26] =	ssyncset.done $0x0;
	s9 =	rddreg [dreg:$0x15]  }
0xaa: {  	[sflag:s26] =	ssyncadd.s32 $0xFFFFE400;
	s9 =	sadd.s32 s23, s9  }
0xab: {  	[tilespmem:s30], [sflag:$0x3] =	stream.linear.gather [hbm4b:s9+s2], $0x78, $0x38;
	[tilespmem:$0x1F180] =	vst v63  }
0xac: {  	s9 =	sadd.s32 $0x4B, s24  }
0xad: {  	[tilespmem:s28], [sflag:$0x3] =	stream.linear.gather [hbm4b:s9+s2], $0x78, $0x38;
	[tilespmem:$0x1F180] =	vst v63  }
0xae: {  	_ = 	snop  }
0xaf: {  	[spmem:s1] =	stream.indirect.scatter.add.f32 [tilespmem:s14], [sflag:$0x9], $0x80, s10, s20, $0xb8;
	[tilespmem:$0x1F180] =	vst v63  }
0xb0: {  	s10 =	simm.s32 $0x7  }
0xb1: {  	_ =	swait.ge [sflag:s10], $0x3C00  }
0xb2: {  	[sflag:s10] =	ssyncset.done $0x0  }
0xb3: {  	[sflag:s10] =	ssyncadd.s32 $0xFFFFC400  }
0xb4: {  	_ =	swait.ge [sflag:s4], $0x78  }
0xb5: {  	[sflag:s4] =	ssyncset.done $0x0  }
0xb6: {  	[sflag:s4] =	ssyncadd.s32 $0xFFFFFF88  }
0xb7: {  	_ =	swait.ge [sflag:s4], $0x78  }
0xb8: {  	[sflag:s4] =	ssyncset.done $0x0  }
0xb9: {  	[sflag:s4] =	ssyncadd.s32 $0xFFFFFF88  }
0xba: {  	[tilespmem:s7], [sflag:$0x4] =	stream.indirect.gather [hbm4b:s3+s6], $0x80, s2, s6, $0xb8;
	[tilespmem:$0x1F180] =	vst v63  }
0xbb: {  	s10 =	simm.s32 $0x2480  }
0xbc: {  	[tilespmem:s10], [sflag:$0x4] =	stream.indirect.gather [hbm4b:s3+s11], $0x80, s6, s11, $0xb8;
	[tilespmem:$0x1F180] =	vst v63  }
0xbd: {  	_ =	swait.ge [sflag:s21], $0x3C00  }
0xbe: {  	[sflag:s21] =	ssyncset.done $0x0  }
0xbf: {  	[sflag:s21] =	ssyncadd.s32 $0xFFFFC400  }
0xc0: {  	_ =	swait.ge [sflag:s0], $0x78  }
0xc1: {  	[sflag:s0] =	ssyncset.done $0x0  }
0xc2: {  	[sflag:s0] =	ssyncadd.s32 $0xFFFFFF88  }
0xc3: {  	_ =	swait.ge [sflag:s0], $0x78  }
0xc4: {  	[sflag:s0] =	ssyncset.done $0x0  }
0xc5: {  	[sflag:s0] =	ssyncadd.s32 $0xFFFFFF88  }
0xc6: {  	[tilespmem:s8], [sflag:$0x5] =	stream.indirect.gather [hbm4b:s3+s6], $0x80, s17, s6, $0xb8;
	[tilespmem:$0x1F180] =	vst v63  }
0xc7: {  	_ = 	snop  }
0xc8: {  	[tilespmem:s12], [sflag:$0x5] =	stream.indirect.gather [hbm4b:s3+s11], $0x80, s5, s11, $0xb8;
	[tilespmem:$0x1F180] =	vst v63  }
0xc9: {  	_ =	swait.ge [sflag:s18], $0x3C00  }
0xca: {  	[sflag:s18] =	ssyncset.done $0x0  }
0xcb: {  	[sflag:s18] =	ssyncadd.s32 $0xFFFFC400  }
0xcc: {  	_ =	swait.ge [sflag:s13], $0x78  }
0xcd: {  	[sflag:s13] =	ssyncset.done $0x0  }
0xce: {  	[sflag:s13] =	ssyncadd.s32 $0xFFFFFF88  }
0xcf: {  	_ =	swait.ge [sflag:s13], $0x78  }
0xd0: {  	[sflag:s13] =	ssyncset.done $0x0  }
0xd1: {  	[sflag:s13] =	ssyncadd.s32 $0xFFFFFF88  }
0xd2: {  	[tilespmem:s14], [sflag:$0x6] =	stream.indirect.gather [hbm4b:s3+s6], $0x80, s30, s6, $0xb8;
	[tilespmem:$0x1F180] =	vst v63  }
0xd3: {  	_ = 	snop  }
0xd4: {  	[tilespmem:s31], [sflag:$0x6] =	stream.indirect.gather [hbm4b:s3+s11], $0x80, s15, s11, $0xb8;
	[tilespmem:$0x1F180] =	vst v63  }
0xd5: {  	_ =	swait.ge [sflag:s16], $0x2000  }
0xd6: {  	[sflag:s16] =	ssyncset.done $0x0  }
0xd7: {  	[sflag:s16] =	ssyncadd.s32 $0xFFFFE000  }
0xd8: {  	p1 =	seq.s32 s23, $0x492;
	_ =	swait.ge [sflag:s16], $0x1C00  }
0xd9: {  	s9 =	simm.s32 @p1 $0x78;
	[sflag:s16] =	ssyncset.done $0x0  }
0xda: {  	s12 =	simm.s32 @p1 $0x480;
	s31 =	simm.s32 @p1 $0x300;
	[sflag:s16] =	ssyncadd.s32 $0xFFFFE400  }
0xdb: {  	[spmem:s1] =	stream.indirect.scatter.add.f32 @p1 [tilespmem:s12], [sflag:$0x7], $0x80, s31, s9, $0xb8;
	[tilespmem:$0x1F180] =	vst v63  }
0xdc: {  	s9 =	simm.s32 @p1 $0x5  }
0xdd: {  	_ =	swait.ge @p1 [sflag:s9], $0x2000  }
0xde: {  	[sflag:s9] =	ssyncset.done @p1 $0x0  }
0xdf: {  	[sflag:s9] =	ssyncadd.s32 @p1 $0xFFFFE000  }
0xe0: {  	_ =	swait.ge @p1 [sflag:s9], $0x1C00  }
0xe1: {  	[sflag:s9] =	ssyncset.done @p1 $0x0  }
0xe2: {  	s12 =	sshrl.u32 @!p1 s22, $0x3;
	[sflag:s9] =	ssyncadd.s32 @p1 $0xFFFFE400;
	s9 =	rddreg [dreg:$0x4]  }
0xe3: {  	s9 =	sadd.s32 @!p1 s9, s12;
	s12 =	simm.s32 @!p1 $0x0  }
0xe4: {  	[tilespmem:s12], [sflag:$0x1] =	stream.linear.gather @!p1 [hbm4b:s9+s12], $0x78, $0x38;
	[tilespmem:$0x1F180] =	vst v63  }
0xe5: {  	s9 =	sadd.s32 @!p1 s23, s19  }
0xe6: {  	s10 =	simm.s32 @!p1 $0x180;
	s31 =	sadd.s32 @!p1 $0x5A, s9  }
0xe7: {  	[tilespmem:s10], [sflag:$0x1] =	stream.linear.gather @!p1 [hbm4b:s31+s12], $0x78, $0x38;
	[tilespmem:$0x1F180] =	vst v63  }
0xe8: {  	s15 =	simm.s32 @!p1 $0x480;
	s10 =	simm.s32 @!p1 $0x78;
	s31 =	simm.s32 @!p1 $0x300  }
0xe9: {  	[spmem:s1] =	stream.indirect.scatter.add.f32 @!p1 [tilespmem:s15], [sflag:$0x7], $0x80, s31, s10, $0xb8;
	[tilespmem:$0x1F180] =	vst v63  }
0xea: {  	s10 =	simm.s32 @!p1 $0x5  }
0xeb: {  	_ =	swait.ge @!p1 [sflag:s10], $0x2000  }
0xec: {  	[sflag:s10] =	ssyncset.done @!p1 $0x0  }
0xed: {  	[sflag:s10] =	ssyncadd.s32 @!p1 $0xFFFFE000  }
0xee: {  	_ =	swait.ge @!p1 [sflag:s10], $0x1C00  }
0xef: {  	[sflag:s10] =	ssyncset.done @!p1 $0x0  }
0xf0: {  	[sflag:s10] =	ssyncadd.s32 @!p1 $0xFFFFE400;
	s10 =	rddreg [dreg:$0x12]  }
0xf1: {  	s15 =	simm.s32 @!p1 $0x80;
	s10 =	sadd.s32 @!p1 s23, s10  }
0xf2: {  	[tilespmem:s15], [sflag:$0x2] =	stream.linear.gather @!p1 [hbm4b:s10+s12], $0x78, $0x38;
	[tilespmem:$0x1F180] =	vst v63  }
0xf3: {  	s9 =	sadd.s32 @!p1 $0x69, s9;
	s10 =	simm.s32 @!p1 $0x200  }
0xf4: {  	[tilespmem:s10], [sflag:$0x2] =	stream.linear.gather @!p1 [hbm4b:s9+s12], $0x78, $0x38;
	[tilespmem:$0x1F180] =	vst v63  }
0xf5: {  	_ = 	snop  }
0xf6: {  	[spmem:s1] =	stream.indirect.scatter.add.f32 [tilespmem:s8], [sflag:$0x8], $0x80, s29, s20, $0xb8;
	[tilespmem:$0x1F180] =	vst v63  }
0xf7: {  	_ =	swait.ge [sflag:s26], $0x2000  }
.Ltmp2:
0xf8: {  	[sflag:s26] =	ssyncset.done $0x0;
	(pc) =	sbr.rel @p1 .LBB2_4-.Ltmp2, $4  }
0xf9: {  	[sflag:s26] =	ssyncadd.s32 $0xFFFFE000  }
0xfa: {  	_ =	swait.ge [sflag:s26], $0x1C00  }
0xfb: {  	[sflag:s26] =	ssyncset.done $0x0  }
0xfc: {  	s7 =	simm.s32 $0x80;
	s5 =	simm.s32 $0x280;
	[sflag:s26] =	ssyncadd.s32 $0xFFFFE400  }
0xfd: {  	s9 =	rddreg [dreg:$0x14]  }
0xfe: {  	s9 =	sadd.s32 s23, s9  }
0xff: {  	[tilespmem:s30], [sflag:$0x3] =	stream.linear.gather [hbm4b:s9+s2], $0x78, $0x38;
	[tilespmem:$0x1F180] =	vst v63  }
.Ltmp3:
0x100: {  	_ = 	snop;
	(pc) =	sbr.rel .LBB2_2-.Ltmp3, $4  }
0x101: {  	s24 =	sadd.s32 $0x78, s24;
	s31 =	simm.s32 $0x400  }
0x102: {  	[tilespmem:s5], [sflag:$0x3] =	stream.linear.gather [hbm4b:s24+s2], $0x78, $0x38;
	[tilespmem:$0x1F180] =	vst v63  }
0x103: {  	s22 =	sadd.s32 $0x2D0, s22;
	s10 =	simm.s32 $0x280;
	s23 =	sadd.s32 $0x5A, s23  }
0x104: {  	[spmem:s1] =	stream.indirect.scatter.add.f32 [tilespmem:s14], [sflag:$0x9], $0x80, s31, s20, $0xb8;
	[tilespmem:$0x1F180] =	vst v63  }
.LBB2_5:
0x105: {  	_ =	sfence.sel $0x180000  }
0x106: {  	[bflag:$0x0] =	sbarrier.arrive $0xFFFF  }
0x107: {  	_ =	strace $0x90000047  }
0x108: {  	[bflag:$0x2] =	sbarrier.arrive $0xFFFF  }
0x109: {  	s0 =	rddreg [dreg:$0x3]  }
0x10a: {  	s0 =	sadd.s32 @!p0 $0x100000, s0  }
0x10b: {  	[sflag:s0] =	ssyncadd.tile.s32 @!p0 $0x1;
	_ =	shalt  }
.Lfunc_end2:
_tile_overlayer_lowered:
.L_overlay_start_2:
0x10c: {  	(tag) =	ssettag $0x2  }
0x10d: {  	s0 =	rddreg [dreg:$0x0];
	s2 =	stileid.u32  }
0x10e: {  	s1 =	rddreg [dreg:$0x1];
	p0 =	sne.s32 s2, $0x0  }
0x10f: {  	s3 =	rddreg [dreg:$0x2];
	[bflag:$0x3] =	sbarrier.arrive $0xFFFF;
	s2 =	simm.s32 @!p0 $0x1C0A  }
0x110: {  	[timem:s3], [sflag:s2] =	dma.local @!p0 [hbm:s0], s1  }
0x111: {  	s0 =	simm.s32 @!p0 $0xA  }
0x112: {  	_ =	swait.ge @!p0 [sflag:s0], s1  }
0x113: {  	s1 =	ssub.s32 @!p0 $0x0, s1;
	[sflag:s0] =	ssyncset.done @!p0 $0x0  }
0x114: {  	[sflag:s0] =	ssyncadd.s32 @!p0 s1  }
0x115: {  	[bflag:$0x3] =	sbarrier.arrive $0xFFFF  }
0x116: {  	_ =	shalt  }

</sc_bundles>
